<compile_context>
chip_gen: v7x
topology: tpu7x:2x2x1
jax: 0.10.2.dev20260603
libtpu: 0.0.44.dev20260713+nightly
codegen_flags: <defaults>
</compile_context>

<pallas_src>
import functools

import jax
import jax.numpy as jnp
from jax import lax
from jax.experimental import pallas as pl
from jax.experimental.pallas import tpu as pltpu
from jax.experimental.pallas import tpu_sc as plsc

N = 10000
E = 320000
D = 128
H2 = 256
LH = 256
G4 = 4 * LH

T_CHUNK = 1000

SC_NC = 2
SC_NS = 16
SC_NW = SC_NC * SC_NS
EPT = E // SC_NW
ROWS_K = 80


def _sc_mesh():
    return plsc.VectorSubcoreMesh(core_axis_name="c", subcore_axis_name="s")


def _edge_scores_sc(s, d, e, src, dst):

    @functools.partial(
        pl.kernel,
        mesh=_sc_mesh(),
        compiler_params=pltpu.CompilerParams(needs_layout_passes=False),
        out_type=jax.ShapeDtypeStruct((E,), jnp.float32),
        scratch_types=[
            pltpu.VMEM((N,), jnp.float32),
            pltpu.VMEM((N,), jnp.float32),
            pltpu.VMEM((EPT,), jnp.float32),
            pltpu.VMEM((EPT,), jnp.int32),
            pltpu.VMEM((EPT,), jnp.int32),
            pltpu.VMEM((EPT,), jnp.float32),
        ],
    )
    def k(s_hbm, d_hbm, e_hbm, src_hbm, dst_hbm, ex_hbm,
          s_v, d_v, e_v, src_v, dst_v, ex_v):
        wid = lax.axis_index("s") * SC_NC + lax.axis_index("c")
        base = wid * EPT
        pltpu.sync_copy(s_hbm, s_v)
        pltpu.sync_copy(d_hbm, d_v)
        pltpu.sync_copy(e_hbm.at[pl.ds(base, EPT)], e_v)
        pltpu.sync_copy(src_hbm.at[pl.ds(base, EPT)], src_v)
        pltpu.sync_copy(dst_hbm.at[pl.ds(base, EPT)], dst_v)

        def chunk(t, _):
            o = t * 16
            sv = src_v[pl.ds(o, 16)]
            dv = dst_v[pl.ds(o, 16)]
            ev = e_v[pl.ds(o, 16)]
            a = (plsc.load_gather(s_v, [sv]) + plsc.load_gather(d_v, [dv])) + ev
            a = jnp.where(a >= 0, a, 0.2 * a)
            ex_v[pl.ds(o, 16)] = jnp.exp(a)
            return 0

        lax.fori_loop(0, EPT // 16, chunk, 0)
        pltpu.sync_copy(ex_v, ex_hbm.at[pl.ds(base, EPT)])

    return k(s, d, e, src, dst)


def _scaled_rows_sc(h, src, dst, ex, den):

    @functools.partial(
        pl.kernel,
        mesh=_sc_mesh(),
        compiler_params=pltpu.CompilerParams(needs_layout_passes=False),
        out_type=jax.ShapeDtypeStruct((E, H2), jnp.float32),
        scratch_types=[
            pltpu.VMEM((N,), jnp.float32),
            pltpu.VMEM((EPT,), jnp.int32),
            pltpu.VMEM((EPT,), jnp.int32),
            pltpu.VMEM((EPT,), jnp.float32),
            pltpu.VMEM((ROWS_K, H2), jnp.float32),
            pltpu.VMEM((ROWS_K, H2), jnp.float32),
            pltpu.SemaphoreType.DMA,
            pltpu.SemaphoreType.DMA,
            pltpu.SemaphoreType.DMA,
            pltpu.SemaphoreType.DMA,
        ],
    )
    def k(h_hbm, src_hbm, dst_hbm, ex_hbm, den_hbm, out_hbm,
          den_v, src_v, dst_v, coef_v, rows_a, rows_b, gsem_a, gsem_b,
          osem_a, osem_b):
        wid = lax.axis_index("s") * SC_NC + lax.axis_index("c")
        base = wid * EPT
        pltpu.sync_copy(den_hbm, den_v)
        pltpu.sync_copy(src_hbm.at[pl.ds(base, EPT)], src_v)
        pltpu.sync_copy(dst_hbm.at[pl.ds(base, EPT)], dst_v)
        pltpu.sync_copy(ex_hbm.at[pl.ds(base, EPT)], coef_v)

        def cchunk(t, _):
            o = t * 16
            dv = dst_v[pl.ds(o, 16)]
            coef_v[pl.ds(o, 16)] = coef_v[pl.ds(o, 16)] / (
                plsc.load_gather(den_v, [dv]) + 1e-16)
            return 0

        lax.fori_loop(0, EPT // 16, cchunk, 0)

        nb = EPT // ROWS_K
        iot = lax.iota(jnp.int32, 16)

        def gather_into(bidx, rbuf, gsem):
            idxs = src_v.at[pl.ds(bidx * ROWS_K, ROWS_K)]
            pltpu.async_copy(h_hbm.at[idxs], rbuf, gsem)

        def drain_gather(rbuf, gsem):
            pltpu.make_async_copy(
                h_hbm.at[src_v.at[pl.ds(0, ROWS_K)]], rbuf, gsem).wait()

        def writeout(bidx, rbuf, osem):
            pltpu.async_copy(
                rbuf, out_hbm.at[pl.ds(base + bidx * ROWS_K, ROWS_K)], osem)

        def drain_writeout(rbuf, osem):
            pltpu.make_async_copy(
                rbuf, out_hbm.at[pl.ds(base, ROWS_K)], osem).wait()

        def scale(rbuf, bidx):
            rbase = bidx * ROWS_K

            def one_row(kk, _):
                cb = plsc.load_gather(
                    coef_v, [jnp.full((16,), rbase, jnp.int32) + kk])
                ridx = jnp.full((16,), kk, jnp.int32)
                for j in range(H2 // 16):
                    cidx = iot + (16 * j)
                    v = plsc.load_gather(rbuf, [ridx, cidx]) * cb
                    plsc.store_scatter(rbuf, [ridx, cidx], v)
                return 0

            lax.fori_loop(0, ROWS_K, one_row, 0)

        def batch(b, _):
            even = (b % 2) == 0

            @pl.when(jnp.logical_and(b + 1 < nb, even))
            def _():
                @pl.when(b >= 1)
                def _():
                    drain_writeout(rows_b, osem_b)
                gather_into(b + 1, rows_b, gsem_b)

            @pl.when(jnp.logical_and(b + 1 < nb, jnp.logical_not(even)))
            def _():
                @pl.when(b >= 1)
                def _():
                    drain_writeout(rows_a, osem_a)
                gather_into(b + 1, rows_a, gsem_a)

            @pl.when(even)
            def _():
                drain_gather(rows_a, gsem_a)
                scale(rows_a, b)
                writeout(b, rows_a, osem_a)

            @pl.when(jnp.logical_not(even))
            def _():
                drain_gather(rows_b, gsem_b)
                scale(rows_b, b)
                writeout(b, rows_b, osem_b)

            return 0

        gather_into(0, rows_a, gsem_a)
        lax.fori_loop(0, nb, batch, 0)
        drain_writeout(rows_b, osem_b)
        drain_writeout(rows_a, osem_a)

    return k(h, src, dst, ex, den)


def _lstm_body(x_ref, wih_ref, whh_ref, bias_ref, out_ref, h_scr, c_scr, pre_scr):
    pi = pl.program_id(0)
    nsteps = pl.num_programs(0)

    @pl.when(pi == 0)
    def _init():
        h_scr[...] = jnp.zeros((1, LH), jnp.float32)
        c_scr[...] = jnp.zeros((1, LH), jnp.float32)

    pre_scr[...] = jnp.dot(
        x_ref[...], wih_ref[...], preferred_element_type=jnp.float32
    )
    bias = bias_ref[...]

    def step(t, carry):
        h, c = carry
        g = pre_scr[pl.ds(t, 1), :]
        g = (g + jnp.dot(h, whh_ref[...], preferred_element_type=jnp.float32)) + bias
        i = jax.nn.sigmoid(g[:, 0:LH])
        f = jax.nn.sigmoid(g[:, LH:2 * LH])
        gg = jnp.tanh(g[:, 2 * LH:3 * LH])
        o = jax.nn.sigmoid(g[:, 3 * LH:4 * LH])
        c = f * c + i * gg
        h = o * jnp.tanh(c)
        return (h, c)

    h, c = jax.lax.fori_loop(0, T_CHUNK, step, (h_scr[...], c_scr[...]),
                             unroll=25)
    h_scr[...] = h
    c_scr[...] = c

    @pl.when(pi == nsteps - 1)
    def _fin():
        out_ref[...] = c


def _lstm_cell_final(h2, w_ih_t, w_hh_t, bias):
    grid = N // T_CHUNK
    return pl.pallas_call(
        _lstm_body,
        grid=(grid,),
        in_specs=[
            pl.BlockSpec((T_CHUNK, H2), lambda i: (i, 0)),
            pl.BlockSpec((H2, G4), lambda i: (0, 0)),
            pl.BlockSpec((LH, G4), lambda i: (0, 0)),
            pl.BlockSpec((1, G4), lambda i: (0, 0)),
        ],
        out_specs=pl.BlockSpec((1, LH), lambda i: (0, 0)),
        out_shape=jax.ShapeDtypeStruct((1, LH), jnp.float32),
        scratch_shapes=[
            pltpu.VMEM((1, LH), jnp.float32),
            pltpu.VMEM((1, LH), jnp.float32),
            pltpu.VMEM((T_CHUNK, G4), jnp.float32),
        ],
    )(h2, w_ih_t, w_hh_t, bias)


def kernel(x, edge_index, edge_attr, W1, a_s1, a_d1, We1, ae1, b1,
           W2, a_s2, a_d2, We2, ae2, b2, W_ih, W_hh, b_ih, b_hh, W_fc, b_fc):
    src = edge_index[0]
    dst = edge_index[1]

    h = x @ W2
    s = (h * a_s2).sum(-1)
    d = (h * a_d2).sum(-1)
    ef = edge_attr @ We2
    e = (ef * ae2).sum(-1)

    ex = _edge_scores_sc(s, d, e, src, dst)
    den = jax.ops.segment_sum(ex, dst, num_segments=N)
    hs = _scaled_rows_sc(h, src, dst, ex, den)
    agg = jax.ops.segment_sum(hs, dst, num_segments=N)
    h2 = agg + b2

    bias = (b_ih + b_hh).reshape(1, G4)
    c = _lstm_cell_final(h2, W_ih.T, W_hh.T, bias)

    out = jnp.maximum(c[0], 0.0) @ W_fc[0] + b_fc[0]
    return out.reshape(-1)

# --- scband reference (transcript-rebuilt; emitter-appended) ---
"""Pipeline reference for scband-surrogate-model-18562848653973 (READ-ONLY COPY).

The authoritative reference and input builder live on the scoring server;
editing this copy changes nothing except your own understanding.
"""

import jax, jax.numpy as jnp
import numpy as np

N = 10000
E = 320000
D = 128
DE = 4
H1 = 128
H2 = 256
LH = 256


def _glorot(key, shape):
    fan = shape[0] + shape[-1] if len(shape) > 1 else 2 * shape[0]
    lim = float(np.sqrt(6.0 / fan))
    return jax.random.uniform(key, shape, jnp.float32, -lim, lim)


def setup_inputs(seed: int = 0):
    key = jax.random.key(seed)
    ks = jax.random.split(key, 24)
    x = jax.random.normal(ks[0], (N, D), jnp.float32)
    edge_index = jax.random.randint(ks[1], (2, E), 0, N, jnp.int32)
    edge_attr = jax.random.normal(ks[2], (E, DE), jnp.float32)
    W1 = _glorot(ks[3], (D, H1)); a_s1 = _glorot(ks[4], (H1,)); a_d1 = _glorot(ks[5], (H1,))
    We1 = _glorot(ks[6], (DE, H1)); ae1 = _glorot(ks[7], (H1,)); b1 = jnp.zeros((H1,), jnp.float32)
    W2 = _glorot(ks[8], (D, H2)); a_s2 = _glorot(ks[9], (H2,)); a_d2 = _glorot(ks[10], (H2,))
    We2 = _glorot(ks[11], (DE, H2)); ae2 = _glorot(ks[12], (H2,)); b2 = jnp.zeros((H2,), jnp.float32)
    lim = 1.0 / np.sqrt(LH)
    W_ih = jax.random.uniform(ks[13], (4 * LH, H2), jnp.float32, -lim, lim)
    W_hh = jax.random.uniform(ks[14], (4 * LH, LH), jnp.float32, -lim, lim)
    b_ih = jax.random.uniform(ks[15], (4 * LH,), jnp.float32, -lim, lim)
    b_hh = jax.random.uniform(ks[16], (4 * LH,), jnp.float32, -lim, lim)
    W_fc = jax.random.uniform(ks[17], (1, LH), jnp.float32, -lim, lim)
    b_fc = jax.random.uniform(ks[18], (1,), jnp.float32, -lim, lim)
    return {"x": x, "edge_index": edge_index, "edge_attr": edge_attr,
            "W1": W1, "a_s1": a_s1, "a_d1": a_d1, "We1": We1, "ae1": ae1, "b1": b1,
            "W2": W2, "a_s2": a_s2, "a_d2": a_d2, "We2": We2, "ae2": ae2, "b2": b2,
            "W_ih": W_ih, "W_hh": W_hh, "b_ih": b_ih, "b_hh": b_hh,
            "W_fc": W_fc, "b_fc": b_fc}


def _gat(x, ei, ea, W, a_s, a_d, We, ae, b):
    src = ei[0]
    dst = ei[1]
    h = x @ W
    ef = ea @ We
    alpha = (h * a_s).sum(-1)[src] + (h * a_d).sum(-1)[dst] + (ef * ae).sum(-1)
    alpha = jax.nn.leaky_relu(alpha, 0.2)
    amax = jax.ops.segment_max(alpha, dst, num_segments=N)
    amax = jnp.where(jnp.isfinite(amax), amax, 0.0)
    ex = jnp.exp(alpha - amax[dst])
    denom = jax.ops.segment_sum(ex, dst, num_segments=N)
    coef = ex / (denom[dst] + 1e-16)
    out = jax.ops.segment_sum(coef[:, None] * h[src], dst, num_segments=N)
    return out + b


def _lstm_cn(xs, W_ih, W_hh, b_ih, b_hh):
    def step(carry, xt):
        h, c = carry
        g = W_ih @ xt + W_hh @ h + b_ih + b_hh
        i, f, gg, o = jnp.split(g, 4)
        i = jax.nn.sigmoid(i)
        f = jax.nn.sigmoid(f)
        gg = jnp.tanh(gg)
        o = jax.nn.sigmoid(o)
        c = f * c + i * gg
        h = o * jnp.tanh(c)
        return (h, c), None
    init = (jnp.zeros((LH,), jnp.float32), jnp.zeros((LH,), jnp.float32))
    (h, c), _ = jax.lax.scan(step, init, xs)
    return c


def reference(x, edge_index, edge_attr, W1, a_s1, a_d1, We1, ae1, b1,
              W2, a_s2, a_d2, We2, ae2, b2, W_ih, W_hh, b_ih, b_hh, W_fc, b_fc):
    # gc1 output is computed then overwritten in the original forward (kept faithful)
    h1 = jax.nn.relu(_gat(x, edge_index, edge_attr, W1, a_s1, a_d1, We1, ae1, b1))
    h2 = _gat(x, edge_index, edge_attr, W2, a_s2, a_d2, We2, ae2, b2)
    # squeeze(1) is a no-op since dim1 == 256
    c_n = _lstm_cn(h2, W_ih, W_hh, b_ih, b_hh)
    out = W_fc @ jax.nn.relu(c_n) + b_fc
    return out.reshape(-1)

if __name__ == "__main__":
    import jax
    _d = setup_inputs()
    print(jax.jit(kernel)(*tuple(_d.values())))

</pallas_src>

<mosaic_0001>
#map = affine_map<(d0, d1) -> (0)>
module attributes {stable_mosaic.version = 14 : i64} {
  func.func @k(%arg0: i32, %arg1: i32, %arg2: memref<10000xf32, #tpu.memory_space<hbm>>, %arg3: memref<10000xf32, #tpu.memory_space<hbm>>, %arg4: memref<320000xf32, #tpu.memory_space<hbm>>, %arg5: memref<320000xi32, #tpu.memory_space<hbm>>, %arg6: memref<320000xi32, #tpu.memory_space<hbm>>, %arg7: memref<320000xf32, #tpu.memory_space<hbm>>, %arg8: memref<10000xf32, #tpu.memory_space<vmem>>, %arg9: memref<10000xf32, #tpu.memory_space<vmem>>, %arg10: memref<10000xf32, #tpu.memory_space<vmem>>, %arg11: memref<10000xi32, #tpu.memory_space<vmem>>, %arg12: memref<10000xi32, #tpu.memory_space<vmem>>, %arg13: memref<10000xf32, #tpu.memory_space<vmem>>) attributes {dimension_semantics = [#tpu.dimension_semantics<core_parallel>, #tpu.dimension_semantics<subcore_parallel>], iteration_bounds = array<i64: 2, 16>, scalar_prefetch = 0 : i64, scratch_operands = 6 : i64, tpu.core_type = #tpu.core_type<sc_vector_subcore>, window_params = [{transform_indices = #map}, {transform_indices = #map}, {transform_indices = #map}, {transform_indices = #map}, {transform_indices = #map}, {transform_indices = #map}]} {
    %mul3A = arith.constant 2 : i32
    %mul3A_0 = arith.muli %arg1, %mul3A : i32
    %add3A = arith.addi %mul3A_0, %arg0 : i32
    %mul3A_1 = arith.constant 10000 : i32
    %mul3A_2 = arith.muli %add3A, %mul3A_1 : i32
    "tpu.region"() ({
      %run_scoped3A = tpu.sem_alloc : memref<!tpu.dma_semaphore, #tpu.memory_space<semaphore_mem>>
      tpu.enqueue_dma source(%arg2 : memref<10000xf32, #tpu.memory_space<hbm>>) target(%arg8 : memref<10000xf32, #tpu.memory_space<vmem>>) target_semaphore(%run_scoped3A : memref<!tpu.dma_semaphore, #tpu.memory_space<semaphore_mem>>)
      tpu.wait_dma2 semaphore(%run_scoped3A : memref<!tpu.dma_semaphore, #tpu.memory_space<semaphore_mem>>) src(%arg2 : memref<10000xf32, #tpu.memory_space<hbm>>) dst(%arg8 : memref<10000xf32, #tpu.memory_space<vmem>>)
      tpu.yield
    }) : () -> ()
    "tpu.region"() ({
      %run_scoped3A = tpu.sem_alloc : memref<!tpu.dma_semaphore, #tpu.memory_space<semaphore_mem>>
      tpu.enqueue_dma source(%arg3 : memref<10000xf32, #tpu.memory_space<hbm>>) target(%arg9 : memref<10000xf32, #tpu.memory_space<vmem>>) target_semaphore(%run_scoped3A : memref<!tpu.dma_semaphore, #tpu.memory_space<semaphore_mem>>)
      tpu.wait_dma2 semaphore(%run_scoped3A : memref<!tpu.dma_semaphore, #tpu.memory_space<semaphore_mem>>) src(%arg3 : memref<10000xf32, #tpu.memory_space<hbm>>) dst(%arg9 : memref<10000xf32, #tpu.memory_space<vmem>>)
      tpu.yield
    }) : () -> ()
    "tpu.region"() ({
      %run_scoped3A = tpu.sem_alloc : memref<!tpu.dma_semaphore, #tpu.memory_space<semaphore_mem>>
      %dma_start3A = tpu.memref_slice %arg4[%mul3A_2] : memref<320000xf32, #tpu.memory_space<hbm>> -> memref<10000xf32, #tpu.memory_space<hbm>>
      %dma_start3A_9 = tpu.memref_slice %arg4[%mul3A_2] : memref<320000xf32, #tpu.memory_space<hbm>> -> memref<10000xf32, #tpu.memory_space<hbm>>
      tpu.enqueue_dma source(%dma_start3A_9 : memref<10000xf32, #tpu.memory_space<hbm>>) target(%arg10 : memref<10000xf32, #tpu.memory_space<vmem>>) target_semaphore(%run_scoped3A : memref<!tpu.dma_semaphore, #tpu.memory_space<semaphore_mem>>)
      %dma_wait3A = tpu.memref_slice %arg4[%mul3A_2] : memref<320000xf32, #tpu.memory_space<hbm>> -> memref<10000xf32, #tpu.memory_space<hbm>>
      %dma_wait3A_10 = tpu.memref_slice %arg4[%mul3A_2] : memref<320000xf32, #tpu.memory_space<hbm>> -> memref<10000xf32, #tpu.memory_space<hbm>>
      tpu.wait_dma2 semaphore(%run_scoped3A : memref<!tpu.dma_semaphore, #tpu.memory_space<semaphore_mem>>) src(%dma_wait3A_10 : memref<10000xf32, #tpu.memory_space<hbm>>) dst(%arg10 : memref<10000xf32, #tpu.memory_space<vmem>>)
      tpu.yield
    }) : () -> ()
    "tpu.region"() ({
      %run_scoped3A = tpu.sem_alloc : memref<!tpu.dma_semaphore, #tpu.memory_space<semaphore_mem>>
      %dma_start3A = tpu.memref_slice %arg5[%mul3A_2] : memref<320000xi32, #tpu.memory_space<hbm>> -> memref<10000xi32, #tpu.memory_space<hbm>>
      %dma_start3A_9 = tpu.memref_slice %arg5[%mul3A_2] : memref<320000xi32, #tpu.memory_space<hbm>> -> memref<10000xi32, #tpu.memory_space<hbm>>
      tpu.enqueue_dma source(%dma_start3A_9 : memref<10000xi32, #tpu.memory_space<hbm>>) target(%arg11 : memref<10000xi32, #tpu.memory_space<vmem>>) target_semaphore(%run_scoped3A : memref<!tpu.dma_semaphore, #tpu.memory_space<semaphore_mem>>)
      %dma_wait3A = tpu.memref_slice %arg5[%mul3A_2] : memref<320000xi32, #tpu.memory_space<hbm>> -> memref<10000xi32, #tpu.memory_space<hbm>>
      %dma_wait3A_10 = tpu.memref_slice %arg5[%mul3A_2] : memref<320000xi32, #tpu.memory_space<hbm>> -> memref<10000xi32, #tpu.memory_space<hbm>>
      tpu.wait_dma2 semaphore(%run_scoped3A : memref<!tpu.dma_semaphore, #tpu.memory_space<semaphore_mem>>) src(%dma_wait3A_10 : memref<10000xi32, #tpu.memory_space<hbm>>) dst(%arg11 : memref<10000xi32, #tpu.memory_space<vmem>>)
      tpu.yield
    }) : () -> ()
    "tpu.region"() ({
      %run_scoped3A = tpu.sem_alloc : memref<!tpu.dma_semaphore, #tpu.memory_space<semaphore_mem>>
      %dma_start3A = tpu.memref_slice %arg6[%mul3A_2] : memref<320000xi32, #tpu.memory_space<hbm>> -> memref<10000xi32, #tpu.memory_space<hbm>>
      %dma_start3A_9 = tpu.memref_slice %arg6[%mul3A_2] : memref<320000xi32, #tpu.memory_space<hbm>> -> memref<10000xi32, #tpu.memory_space<hbm>>
      tpu.enqueue_dma source(%dma_start3A_9 : memref<10000xi32, #tpu.memory_space<hbm>>) target(%arg12 : memref<10000xi32, #tpu.memory_space<vmem>>) target_semaphore(%run_scoped3A : memref<!tpu.dma_semaphore, #tpu.memory_space<semaphore_mem>>)
      %dma_wait3A = tpu.memref_slice %arg6[%mul3A_2] : memref<320000xi32, #tpu.memory_space<hbm>> -> memref<10000xi32, #tpu.memory_space<hbm>>
      %dma_wait3A_10 = tpu.memref_slice %arg6[%mul3A_2] : memref<320000xi32, #tpu.memory_space<hbm>> -> memref<10000xi32, #tpu.memory_space<hbm>>
      tpu.wait_dma2 semaphore(%run_scoped3A : memref<!tpu.dma_semaphore, #tpu.memory_space<semaphore_mem>>) src(%dma_wait3A_10 : memref<10000xi32, #tpu.memory_space<hbm>>) dst(%arg12 : memref<10000xi32, #tpu.memory_space<vmem>>)
      tpu.yield
    }) : () -> ()
    %scan3A = arith.constant 0 : i32
    %scan3A_3 = arith.constant 0 : i32
    %scan3A_4 = arith.constant 625 : i32
    %scan3A_5 = arith.addi %scan3A_3, %scan3A_4 : i32
    %scan3A_6 = arith.constant 1 : i32
    %scan3A_7 = scf.for %scan3A_9 = %scan3A_3 to %scan3A_5 step %scan3A_6 iter_args(%scan3A_10 = %scan3A) -> (i32)  : i32 {
      %mul3A_11 = arith.constant 16 : i32
      %mul3A_12 = arith.muli %scan3A_9, %mul3A_11 : i32
      %get3A = arith.index_cast %mul3A_12 : i32 to index
      %get3A_13 = tpu.vector_load %arg11[%get3A] {strides = array<i32>} : memref<10000xi32, #tpu.memory_space<vmem>>, vector<16xi32>,
      %get3A_14 = arith.index_cast %mul3A_12 : i32 to index
      %get3A_15 = tpu.vector_load %arg12[%get3A_14] {strides = array<i32>} : memref<10000xi32, #tpu.memory_space<vmem>>, vector<16xi32>,
      %get3A_16 = arith.index_cast %mul3A_12 : i32 to index
      %get3A_17 = tpu.vector_load %arg10[%get3A_16] {strides = array<i32>} : memref<10000xf32, #tpu.memory_space<vmem>>, vector<16xf32>,
      %gather3A = tpu.vector_load_idx %arg8[%get3A_13] : memref<10000xf32, #tpu.memory_space<vmem>>[vector<16xi32>], vector<16xf32>,
      %gather3A_18 = tpu.vector_load_idx %arg9[%get3A_15] : memref<10000xf32, #tpu.memory_space<vmem>>[vector<16xi32>], vector<16xf32>,
      %add3A_19 = arith.addf %gather3A, %gather3A_18 : vector<16xf32>
      %add3A_20 = arith.addf %add3A_19, %get3A_17 : vector<16xf32>
      %ge3A = arith.constant 0.000000e+00 : f32
      %ge3A_21 = vector.broadcast %ge3A : f32 to vector<16xf32>
      %ge3A_22 = arith.cmpf oge, %add3A_20, %ge3A_21 : vector<16xf32>
      %mul3A_23 = arith.constant 2.000000e-01 : f32
      %mul3A_24 = vector.broadcast %mul3A_23 : f32 to vector<16xf32>
      %mul3A_25 = arith.mulf %mul3A_24, %add3A_20 : vector<16xf32>
      %select_n3A = arith.select %ge3A_22, %add3A_20, %mul3A_25 : vector<16xi1>, vector<16xf32>
      %exp3A = math.exp %select_n3A : vector<16xf32>
      %swap3A = arith.index_cast %mul3A_12 : i32 to index
      %swap3A_26 = tpu.vector_load %arg13[%swap3A] {strides = array<i32>} : memref<10000xf32, #tpu.memory_space<vmem>>, vector<16xf32>,
      tpu.vector_store %arg13[%swap3A], %exp3A {strides = array<i32>} : memref<10000xf32, #tpu.memory_space<vmem>>, vector<16xf32>,
      %scan3A_27 = arith.constant 0 : i32
      scf.yield %scan3A_27 : i32
    }
    %scan3A_8 = arith.constant 625 : i32
    "tpu.region"() ({
      %run_scoped3A = tpu.sem_alloc : memref<!tpu.dma_semaphore, #tpu.memory_space<semaphore_mem>>
      %dma_start3A = tpu.memref_slice %arg7[%mul3A_2] : memref<320000xf32, #tpu.memory_space<hbm>> -> memref<10000xf32, #tpu.memory_space<hbm>>
      %dma_start3A_9 = tpu.memref_slice %arg7[%mul3A_2] : memref<320000xf32, #tpu.memory_space<hbm>> -> memref<10000xf32, #tpu.memory_space<hbm>>
      tpu.enqueue_dma source(%arg13 : memref<10000xf32, #tpu.memory_space<vmem>>) target(%dma_start3A_9 : memref<10000xf32, #tpu.memory_space<hbm>>) target_semaphore(%run_scoped3A : memref<!tpu.dma_semaphore, #tpu.memory_space<semaphore_mem>>)
      %dma_wait3A = tpu.memref_slice %arg7[%mul3A_2] : memref<320000xf32, #tpu.memory_space<hbm>> -> memref<10000xf32, #tpu.memory_space<hbm>>
      %dma_wait3A_10 = tpu.memref_slice %arg7[%mul3A_2] : memref<320000xf32, #tpu.memory_space<hbm>> -> memref<10000xf32, #tpu.memory_space<hbm>>
      tpu.wait_dma2 semaphore(%run_scoped3A : memref<!tpu.dma_semaphore, #tpu.memory_space<semaphore_mem>>) src(%arg13 : memref<10000xf32, #tpu.memory_space<vmem>>) dst(%dma_wait3A_10 : memref<10000xf32, #tpu.memory_space<hbm>>)
      tpu.yield
    }) : () -> ()
    return
  }
}

#map = affine_map<(d0, d1) -> (0, 0)>
#map1 = affine_map<(d0, d1) -> (0)>
module attributes {stable_mosaic.version = 14 : i64} {
  func.func @k(%arg0: i32, %arg1: i32, %arg2: memref<10000x256xf32, #tpu.memory_space<hbm>>, %arg3: memref<320000xi32, #tpu.memory_space<hbm>>, %arg4: memref<320000xi32, #tpu.memory_space<hbm>>, %arg5: memref<320000xf32, #tpu.memory_space<hbm>>, %arg6: memref<10000xf32, #tpu.memory_space<hbm>>, %arg7: memref<320000x256xf32, #tpu.memory_space<hbm>>, %arg8: memref<10000xf32, #tpu.memory_space<vmem>>, %arg9: memref<10000xi32, #tpu.memory_space<vmem>>, %arg10: memref<10000xi32, #tpu.memory_space<vmem>>, %arg11: memref<10000xf32, #tpu.memory_space<vmem>>, %arg12: memref<80x256xf32, #tpu.memory_space<vmem>>, %arg13: memref<80x256xf32, #tpu.memory_space<vmem>>, %arg14: memref<!tpu.dma_semaphore, #tpu.memory_space<semaphore_mem>>, %arg15: memref<!tpu.dma_semaphore, #tpu.memory_space<semaphore_mem>>, %arg16: memref<!tpu.dma_semaphore, #tpu.memory_space<semaphore_mem>>, %arg17: memref<!tpu.dma_semaphore, #tpu.memory_space<semaphore_mem>>) attributes {dimension_semantics = [#tpu.dimension_semantics<core_parallel>, #tpu.dimension_semantics<subcore_parallel>], iteration_bounds = array<i64: 2, 16>, scalar_prefetch = 0 : i64, scratch_operands = 10 : i64, tpu.core_type = #tpu.core_type<sc_vector_subcore>, window_params = [{transform_indices = #map}, {transform_indices = #map1}, {transform_indices = #map1}, {transform_indices = #map1}, {transform_indices = #map1}, {transform_indices = #map}]} {
    %mul3A = arith.constant 2 : i32
    %mul3A_0 = arith.muli %arg1, %mul3A : i32
    %add3A = arith.addi %mul3A_0, %arg0 : i32
    %mul3A_1 = arith.constant 10000 : i32
    %mul3A_2 = arith.muli %add3A, %mul3A_1 : i32
    "tpu.region"() ({
      %run_scoped3A = tpu.sem_alloc : memref<!tpu.dma_semaphore, #tpu.memory_space<semaphore_mem>>
      tpu.enqueue_dma source(%arg6 : memref<10000xf32, #tpu.memory_space<hbm>>) target(%arg8 : memref<10000xf32, #tpu.memory_space<vmem>>) target_semaphore(%run_scoped3A : memref<!tpu.dma_semaphore, #tpu.memory_space<semaphore_mem>>)
      tpu.wait_dma2 semaphore(%run_scoped3A : memref<!tpu.dma_semaphore, #tpu.memory_space<semaphore_mem>>) src(%arg6 : memref<10000xf32, #tpu.memory_space<hbm>>) dst(%arg8 : memref<10000xf32, #tpu.memory_space<vmem>>)
      tpu.yield
    }) : () -> ()
    "tpu.region"() ({
      %run_scoped3A = tpu.sem_alloc : memref<!tpu.dma_semaphore, #tpu.memory_space<semaphore_mem>>
      %dma_start3A_27 = tpu.memref_slice %arg3[%mul3A_2] : memref<320000xi32, #tpu.memory_space<hbm>> -> memref<10000xi32, #tpu.memory_space<hbm>>
      %dma_start3A_28 = tpu.memref_slice %arg3[%mul3A_2] : memref<320000xi32, #tpu.memory_space<hbm>> -> memref<10000xi32, #tpu.memory_space<hbm>>
      tpu.enqueue_dma source(%dma_start3A_28 : memref<10000xi32, #tpu.memory_space<hbm>>) target(%arg9 : memref<10000xi32, #tpu.memory_space<vmem>>) target_semaphore(%run_scoped3A : memref<!tpu.dma_semaphore, #tpu.memory_space<semaphore_mem>>)
      %dma_wait3A_29 = tpu.memref_slice %arg3[%mul3A_2] : memref<320000xi32, #tpu.memory_space<hbm>> -> memref<10000xi32, #tpu.memory_space<hbm>>
      %dma_wait3A_30 = tpu.memref_slice %arg3[%mul3A_2] : memref<320000xi32, #tpu.memory_space<hbm>> -> memref<10000xi32, #tpu.memory_space<hbm>>
      tpu.wait_dma2 semaphore(%run_scoped3A : memref<!tpu.dma_semaphore, #tpu.memory_space<semaphore_mem>>) src(%dma_wait3A_30 : memref<10000xi32, #tpu.memory_space<hbm>>) dst(%arg9 : memref<10000xi32, #tpu.memory_space<vmem>>)
      tpu.yield
    }) : () -> ()
    "tpu.region"() ({
      %run_scoped3A = tpu.sem_alloc : memref<!tpu.dma_semaphore, #tpu.memory_space<semaphore_mem>>
      %dma_start3A_27 = tpu.memref_slice %arg4[%mul3A_2] : memref<320000xi32, #tpu.memory_space<hbm>> -> memref<10000xi32, #tpu.memory_space<hbm>>
      %dma_start3A_28 = tpu.memref_slice %arg4[%mul3A_2] : memref<320000xi32, #tpu.memory_space<hbm>> -> memref<10000xi32, #tpu.memory_space<hbm>>
      tpu.enqueue_dma source(%dma_start3A_28 : memref<10000xi32, #tpu.memory_space<hbm>>) target(%arg10 : memref<10000xi32, #tpu.memory_space<vmem>>) target_semaphore(%run_scoped3A : memref<!tpu.dma_semaphore, #tpu.memory_space<semaphore_mem>>)
      %dma_wait3A_29 = tpu.memref_slice %arg4[%mul3A_2] : memref<320000xi32, #tpu.memory_space<hbm>> -> memref<10000xi32, #tpu.memory_space<hbm>>
      %dma_wait3A_30 = tpu.memref_slice %arg4[%mul3A_2] : memref<320000xi32, #tpu.memory_space<hbm>> -> memref<10000xi32, #tpu.memory_space<hbm>>
      tpu.wait_dma2 semaphore(%run_scoped3A : memref<!tpu.dma_semaphore, #tpu.memory_space<semaphore_mem>>) src(%dma_wait3A_30 : memref<10000xi32, #tpu.memory_space<hbm>>) dst(%arg10 : memref<10000xi32, #tpu.memory_space<vmem>>)
      tpu.yield
    }) : () -> ()
    "tpu.region"() ({
      %run_scoped3A = tpu.sem_alloc : memref<!tpu.dma_semaphore, #tpu.memory_space<semaphore_mem>>
      %dma_start3A_27 = tpu.memref_slice %arg5[%mul3A_2] : memref<320000xf32, #tpu.memory_space<hbm>> -> memref<10000xf32, #tpu.memory_space<hbm>>
      %dma_start3A_28 = tpu.memref_slice %arg5[%mul3A_2] : memref<320000xf32, #tpu.memory_space<hbm>> -> memref<10000xf32, #tpu.memory_space<hbm>>
      tpu.enqueue_dma source(%dma_start3A_28 : memref<10000xf32, #tpu.memory_space<hbm>>) target(%arg11 : memref<10000xf32, #tpu.memory_space<vmem>>) target_semaphore(%run_scoped3A : memref<!tpu.dma_semaphore, #tpu.memory_space<semaphore_mem>>)
      %dma_wait3A_29 = tpu.memref_slice %arg5[%mul3A_2] : memref<320000xf32, #tpu.memory_space<hbm>> -> memref<10000xf32, #tpu.memory_space<hbm>>
      %dma_wait3A_30 = tpu.memref_slice %arg5[%mul3A_2] : memref<320000xf32, #tpu.memory_space<hbm>> -> memref<10000xf32, #tpu.memory_space<hbm>>
      tpu.wait_dma2 semaphore(%run_scoped3A : memref<!tpu.dma_semaphore, #tpu.memory_space<semaphore_mem>>) src(%dma_wait3A_30 : memref<10000xf32, #tpu.memory_space<hbm>>) dst(%arg11 : memref<10000xf32, #tpu.memory_space<vmem>>)
      tpu.yield
    }) : () -> ()
    %scan3A = arith.constant 0 : i32
    %scan3A_3 = arith.constant 0 : i32
    %scan3A_4 = arith.constant 625 : i32
    %scan3A_5 = arith.addi %scan3A_3, %scan3A_4 : i32
    %scan3A_6 = arith.constant 1 : i32
    %scan3A_7 = scf.for %scan3A_27 = %scan3A_3 to %scan3A_5 step %scan3A_6 iter_args(%scan3A_28 = %scan3A) -> (i32)  : i32 {
      %mul3A_29 = arith.constant 16 : i32
      %mul3A_30 = arith.muli %scan3A_27, %mul3A_29 : i32
      %get3A = arith.index_cast %mul3A_30 : i32 to index
      %get3A_31 = tpu.vector_load %arg10[%get3A] {strides = array<i32>} : memref<10000xi32, #tpu.memory_space<vmem>>, vector<16xi32>,
      %get3A_32 = arith.index_cast %mul3A_30 : i32 to index
      %get3A_33 = tpu.vector_load %arg11[%get3A_32] {strides = array<i32>} : memref<10000xf32, #tpu.memory_space<vmem>>, vector<16xf32>,
      %gather3A = tpu.vector_load_idx %arg8[%get3A_31] : memref<10000xf32, #tpu.memory_space<vmem>>[vector<16xi32>], vector<16xf32>,
      %add3A_34 = arith.constant 1.000000e-16 : f32
      %add3A_35 = vector.broadcast %add3A_34 : f32 to vector<16xf32>
      %add3A_36 = arith.addf %gather3A, %add3A_35 : vector<16xf32>
      %div3A = arith.divf %get3A_33, %add3A_36 : vector<16xf32>
      %swap3A = arith.index_cast %mul3A_30 : i32 to index
      %swap3A_37 = tpu.vector_load %arg11[%swap3A] {strides = array<i32>} : memref<10000xf32, #tpu.memory_space<vmem>>, vector<16xf32>,
      tpu.vector_store %arg11[%swap3A], %div3A {strides = array<i32>} : memref<10000xf32, #tpu.memory_space<vmem>>, vector<16xf32>,
      %scan3A_38 = arith.constant 0 : i32
      scf.yield %scan3A_38 : i32
    }
    %scan3A_8 = arith.constant 625 : i32
    %iota3A = tpu.iota {dimensions = array<i32: 0>} : vector<16xi32>
    %dma_start3A = arith.constant 0 : i32
    %dma_start3A_9 = tpu.memref_slice %arg9[%dma_start3A] : memref<10000xi32, #tpu.memory_space<vmem>> -> memref<80xi32, #tpu.memory_space<vmem>>
    %dma_start3A_10 = arith.constant 0 : i32
    %dma_start3A_11 = arith.constant 0 : i32
    %dma_start3A_12 = tpu.memref_slice %arg2[%dma_start3A_10, %dma_start3A_11] : memref<10000x256xf32, #tpu.memory_space<hbm>> -> memref<10000x256xf32, #tpu.memory_space<hbm>>
    tpu.enqueue_indirect_dma source(%dma_start3A_12 : memref<10000x256xf32, #tpu.memory_space<hbm>>) target(%arg12 : memref<80x256xf32, #tpu.memory_space<vmem>>) offsets(%dma_start3A_9 : memref<80xi32, #tpu.memory_space<vmem>>) semaphore(%arg14 : memref<!tpu.dma_semaphore, #tpu.memory_space<semaphore_mem>>)
    %scan3A_13 = arith.constant 0 : i32
    %scan3A_14 = arith.constant 0 : i32
    %scan3A_15 = arith.constant 125 : i32
    %scan3A_16 = arith.addi %scan3A_14, %scan3A_15 : i32
    %scan3A_17 = arith.constant 1 : i32
    %scan3A_18 = scf.for %scan3A_27 = %scan3A_14 to %scan3A_16 step %scan3A_17 iter_args(%scan3A_28 = %scan3A_13) -> (i32)  : i32 {
      %jit3A = arith.constant 2 : i32
      %eq3A = arith.constant 0 : i32
      %eq3A_29 = arith.cmpi eq, %jit3A, %eq3A : i32
      %jit3A_30 = arith.constant 1 : i32
      %select_n3A = arith.select %eq3A_29, %jit3A_30, %jit3A : i32
      %rem3A = arith.remsi %scan3A_27, %select_n3A : i32
      %ne3A = arith.constant 0 : i32
      %ne3A_31 = arith.cmpi ne, %rem3A, %ne3A : i32
      %lt3A = arith.constant 0 : i32
      %lt3A_32 = arith.cmpi slt, %rem3A, %lt3A : i32
      %lt3A_33 = arith.constant 0 : i32
      %lt3A_34 = arith.cmpi slt, %select_n3A, %lt3A_33 : i32
      %ne3A_35 = arith.xori %lt3A_32, %lt3A_34 : i1
      %and3A = arith.andi %ne3A_35, %ne3A_31 : i1
      %add3A_36 = arith.addi %rem3A, %select_n3A : i32
      %select_n3A_37 = arith.select %and3A, %add3A_36, %rem3A : i32
      %eq3A_38 = arith.constant 0 : i32
      %eq3A_39 = arith.cmpi eq, %select_n3A_37, %eq3A_38 : i32
      %add3A_40 = arith.constant 1 : i32
      %add3A_41 = arith.addi %scan3A_27, %add3A_40 : i32
      %lt3A_42 = arith.constant 125 : i32
      %lt3A_43 = arith.cmpi slt, %add3A_41, %lt3A_42 : i32
      %and3A_44 = arith.andi %lt3A_43, %eq3A_39 : i1
      %convert_element_type3A = arith.extui %and3A_44 : i1 to i32
      %cond3A = arith.constant 0 : i32
      %cond3A_45 = arith.cmpi ne, %convert_element_type3A, %cond3A : i32
      scf.if %cond3A_45 {
        %ge3A = arith.constant 1 : i32
        %ge3A_64 = arith.cmpi sge, %scan3A_27, %ge3A : i32
        %convert_element_type3A_65 = arith.extui %ge3A_64 : i1 to i32
        %cond3A_66 = arith.constant 0 : i32
        %cond3A_67 = arith.cmpi ne, %convert_element_type3A_65, %cond3A_66 : i32
        scf.if %cond3A_67 {
          %dma_wait3A_76 = arith.constant 0 : i32
          %dma_wait3A_77 = tpu.memref_slice %arg7[%mul3A_2, %dma_wait3A_76] : memref<320000x256xf32, #tpu.memory_space<hbm>> -> memref<80x256xf32, #tpu.memory_space<hbm>>
          %dma_wait3A_78 = arith.constant 0 : i32
          %dma_wait3A_79 = tpu.memref_slice %arg7[%mul3A_2, %dma_wait3A_78] : memref<320000x256xf32, #tpu.memory_space<hbm>> -> memref<80x256xf32, #tpu.memory_space<hbm>>
          tpu.wait_dma2 semaphore(%arg17 : memref<!tpu.dma_semaphore, #tpu.memory_space<semaphore_mem>>) src(%arg13 : memref<80x256xf32, #tpu.memory_space<vmem>>) dst(%dma_wait3A_79 : memref<80x256xf32, #tpu.memory_space<hbm>>)
        } else {
        }
        %add3A_68 = arith.constant 1 : i32
        %add3A_69 = arith.addi %scan3A_27, %add3A_68 : i32
        %mul3A_70 = arith.constant 80 : i32
        %mul3A_71 = arith.muli %add3A_69, %mul3A_70 : i32
        %dma_start3A_72 = tpu.memref_slice %arg9[%mul3A_71] : memref<10000xi32, #tpu.memory_space<vmem>> -> memref<80xi32, #tpu.memory_space<vmem>>
        %dma_start3A_73 = arith.constant 0 : i32
        %dma_start3A_74 = arith.constant 0 : i32
        %dma_start3A_75 = tpu.memref_slice %arg2[%dma_start3A_73, %dma_start3A_74] : memref<10000x256xf32, #tpu.memory_space<hbm>> -> memref<10000x256xf32, #tpu.memory_space<hbm>>
        tpu.enqueue_indirect_dma source(%dma_start3A_75 : memref<10000x256xf32, #tpu.memory_space<hbm>>) target(%arg13 : memref<80x256xf32, #tpu.memory_space<vmem>>) offsets(%dma_start3A_72 : memref<80xi32, #tpu.memory_space<vmem>>) semaphore(%arg15 : memref<!tpu.dma_semaphore, #tpu.memory_space<semaphore_mem>>)
      } else {
      }
      %add3A_46 = arith.constant 1 : i32
      %add3A_47 = arith.addi %scan3A_27, %add3A_46 : i32
      %lt3A_48 = arith.constant 125 : i32
      %lt3A_49 = arith.cmpi slt, %add3A_47, %lt3A_48 : i32
      %not3A = arith.constant true
      %not3A_50 = arith.xori %eq3A_39, %not3A : i1
      %and3A_51 = arith.andi %lt3A_49, %not3A_50 : i1
      %convert_element_type3A_52 = arith.extui %and3A_51 : i1 to i32
      %cond3A_53 = arith.constant 0 : i32
      %cond3A_54 = arith.cmpi ne, %convert_element_type3A_52, %cond3A_53 : i32
      scf.if %cond3A_54 {
        %ge3A = arith.constant 1 : i32
        %ge3A_64 = arith.cmpi sge, %scan3A_27, %ge3A : i32
        %convert_element_type3A_65 = arith.extui %ge3A_64 : i1 to i32
        %cond3A_66 = arith.constant 0 : i32
        %cond3A_67 = arith.cmpi ne, %convert_element_type3A_65, %cond3A_66 : i32
        scf.if %cond3A_67 {
          %dma_wait3A_76 = arith.constant 0 : i32
          %dma_wait3A_77 = tpu.memref_slice %arg7[%mul3A_2, %dma_wait3A_76] : memref<320000x256xf32, #tpu.memory_space<hbm>> -> memref<80x256xf32, #tpu.memory_space<hbm>>
          %dma_wait3A_78 = arith.constant 0 : i32
          %dma_wait3A_79 = tpu.memref_slice %arg7[%mul3A_2, %dma_wait3A_78] : memref<320000x256xf32, #tpu.memory_space<hbm>> -> memref<80x256xf32, #tpu.memory_space<hbm>>
          tpu.wait_dma2 semaphore(%arg16 : memref<!tpu.dma_semaphore, #tpu.memory_space<semaphore_mem>>) src(%arg12 : memref<80x256xf32, #tpu.memory_space<vmem>>) dst(%dma_wait3A_79 : memref<80x256xf32, #tpu.memory_space<hbm>>)
        } else {
        }
        %add3A_68 = arith.constant 1 : i32
        %add3A_69 = arith.addi %scan3A_27, %add3A_68 : i32
        %mul3A_70 = arith.constant 80 : i32
        %mul3A_71 = arith.muli %add3A_69, %mul3A_70 : i32
        %dma_start3A_72 = tpu.memref_slice %arg9[%mul3A_71] : memref<10000xi32, #tpu.memory_space<vmem>> -> memref<80xi32, #tpu.memory_space<vmem>>
        %dma_start3A_73 = arith.constant 0 : i32
        %dma_start3A_74 = arith.constant 0 : i32
        %dma_start3A_75 = tpu.memref_slice %arg2[%dma_start3A_73, %dma_start3A_74] : memref<10000x256xf32, #tpu.memory_space<hbm>> -> memref<10000x256xf32, #tpu.memory_space<hbm>>
        tpu.enqueue_indirect_dma source(%dma_start3A_75 : memref<10000x256xf32, #tpu.memory_space<hbm>>) target(%arg12 : memref<80x256xf32, #tpu.memory_space<vmem>>) offsets(%dma_start3A_72 : memref<80xi32, #tpu.memory_space<vmem>>) semaphore(%arg14 : memref<!tpu.dma_semaphore, #tpu.memory_space<semaphore_mem>>)
      } else {
      }
      %convert_element_type3A_55 = arith.extui %eq3A_39 : i1 to i32
      %cond3A_56 = arith.constant 0 : i32
      %cond3A_57 = arith.cmpi ne, %convert_element_type3A_55, %cond3A_56 : i32
      scf.if %cond3A_57 {
        %dma_wait3A_64 = arith.constant 0 : i32
        %dma_wait3A_65 = tpu.memref_slice %arg9[%dma_wait3A_64] : memref<10000xi32, #tpu.memory_space<vmem>> -> memref<80xi32, #tpu.memory_space<vmem>>
        %dma_wait3A_66 = arith.constant 0 : i32
        %dma_wait3A_67 = arith.constant 0 : i32
        %dma_wait3A_68 = tpu.memref_slice %arg2[%dma_wait3A_66, %dma_wait3A_67] : memref<10000x256xf32, #tpu.memory_space<hbm>> -> memref<10000x256xf32, #tpu.memory_space<hbm>>
        tpu.wait_indirect_dma semaphore(%arg14 : memref<!tpu.dma_semaphore, #tpu.memory_space<semaphore_mem>>) src(%dma_wait3A_68 : memref<10000x256xf32, #tpu.memory_space<hbm>>) dst(%arg12 : memref<80x256xf32, #tpu.memory_space<vmem>>)
        %mul3A_69 = arith.constant 80 : i32
        %mul3A_70 = arith.muli %scan3A_27, %mul3A_69 : i32
        %scan3A_71 = arith.constant 0 : i32
        %scan3A_72 = arith.constant 0 : i32
        %scan3A_73 = arith.constant 80 : i32
        %scan3A_74 = arith.addi %scan3A_72, %scan3A_73 : i32
        %scan3A_75 = arith.constant 1 : i32
        %scan3A_76 = scf.for %scan3A_85 = %scan3A_72 to %scan3A_74 step %scan3A_75 iter_args(%scan3A_86 = %scan3A_71) -> (i32)  : i32 {
          %broadcast_in_dim3A = vector.broadcast %mul3A_70 : i32 to vector<16xi32>
          %add3A_87 = vector.broadcast %scan3A_85 : i32 to vector<16xi32>
          %add3A_88 = arith.addi %broadcast_in_dim3A, %add3A_87 : vector<16xi32>
          %gather3A = tpu.vector_load_idx %arg11[%add3A_88] : memref<10000xf32, #tpu.memory_space<vmem>>[vector<16xi32>], vector<16xf32>,
          %broadcast_in_dim3A_89 = vector.broadcast %scan3A_85 : i32 to vector<16xi32>
          %add3A_90 = arith.constant 0 : i32
          %add3A_91 = vector.broadcast %add3A_90 : i32 to vector<16xi32>
          %add3A_92 = arith.addi %iota3A, %add3A_91 : vector<16xi32>
          %gather3A_93 = tpu.vector_load_idx %arg12[%broadcast_in_dim3A_89, %add3A_92] : memref<80x256xf32, #tpu.memory_space<vmem>>[vector<16xi32>, vector<16xi32>], vector<16xf32>,
          %mul3A_94 = arith.mulf %gather3A_93, %gather3A : vector<16xf32>
          tpu.vector_store_idx %arg12[%broadcast_in_dim3A_89, %add3A_92], %mul3A_94 : memref<80x256xf32, #tpu.memory_space<vmem>>[vector<16xi32>, vector<16xi32>], vector<16xf32>,
          %add3A_95 = arith.constant 16 : i32
          %add3A_96 = vector.broadcast %add3A_95 : i32 to vector<16xi32>
          %add3A_97 = arith.addi %iota3A, %add3A_96 : vector<16xi32>
          %gather3A_98 = tpu.vector_load_idx %arg12[%broadcast_in_dim3A_89, %add3A_97] : memref<80x256xf32, #tpu.memory_space<vmem>>[vector<16xi32>, vector<16xi32>], vector<16xf32>,
          %mul3A_99 = arith.mulf %gather3A_98, %gather3A : vector<16xf32>
          tpu.vector_store_idx %arg12[%broadcast_in_dim3A_89, %add3A_97], %mul3A_99 : memref<80x256xf32, #tpu.memory_space<vmem>>[vector<16xi32>, vector<16xi32>], vector<16xf32>,
          %add3A_100 = arith.constant 32 : i32
          %add3A_101 = vector.broadcast %add3A_100 : i32 to vector<16xi32>
          %add3A_102 = arith.addi %iota3A, %add3A_101 : vector<16xi32>
          %gather3A_103 = tpu.vector_load_idx %arg12[%broadcast_in_dim3A_89, %add3A_102] : memref<80x256xf32, #tpu.memory_space<vmem>>[vector<16xi32>, vector<16xi32>], vector<16xf32>,
          %mul3A_104 = arith.mulf %gather3A_103, %gather3A : vector<16xf32>
          tpu.vector_store_idx %arg12[%broadcast_in_dim3A_89, %add3A_102], %mul3A_104 : memref<80x256xf32, #tpu.memory_space<vmem>>[vector<16xi32>, vector<16xi32>], vector<16xf32>,
          %add3A_105 = arith.constant 48 : i32
          %add3A_106 = vector.broadcast %add3A_105 : i32 to vector<16xi32>
          %add3A_107 = arith.addi %iota3A, %add3A_106 : vector<16xi32>
          %gather3A_108 = tpu.vector_load_idx %arg12[%broadcast_in_dim3A_89, %add3A_107] : memref<80x256xf32, #tpu.memory_space<vmem>>[vector<16xi32>, vector<16xi32>], vector<16xf32>,
          %mul3A_109 = arith.mulf %gather3A_108, %gather3A : vector<16xf32>
          tpu.vector_store_idx %arg12[%broadcast_in_dim3A_89, %add3A_107], %mul3A_109 : memref<80x256xf32, #tpu.memory_space<vmem>>[vector<16xi32>, vector<16xi32>], vector<16xf32>,
          %add3A_110 = arith.constant 64 : i32
          %add3A_111 = vector.broadcast %add3A_110 : i32 to vector<16xi32>
          %add3A_112 = arith.addi %iota3A, %add3A_111 : vector<16xi32>
          %gather3A_113 = tpu.vector_load_idx %arg12[%broadcast_in_dim3A_89, %add3A_112] : memref<80x256xf32, #tpu.memory_space<vmem>>[vector<16xi32>, vector<16xi32>], vector<16xf32>,
          %mul3A_114 = arith.mulf %gather3A_113, %gather3A : vector<16xf32>
          tpu.vector_store_idx %arg12[%broadcast_in_dim3A_89, %add3A_112], %mul3A_114 : memref<80x256xf32, #tpu.memory_space<vmem>>[vector<16xi32>, vector<16xi32>], vector<16xf32>,
          %add3A_115 = arith.constant 80 : i32
          %add3A_116 = vector.broadcast %add3A_115 : i32 to vector<16xi32>
          %add3A_117 = arith.addi %iota3A, %add3A_116 : vector<16xi32>
          %gather3A_118 = tpu.vector_load_idx %arg12[%broadcast_in_dim3A_89, %add3A_117] : memref<80x256xf32, #tpu.memory_space<vmem>>[vector<16xi32>, vector<16xi32>], vector<16xf32>,
          %mul3A_119 = arith.mulf %gather3A_118, %gather3A : vector<16xf32>
          tpu.vector_store_idx %arg12[%broadcast_in_dim3A_89, %add3A_117], %mul3A_119 : memref<80x256xf32, #tpu.memory_space<vmem>>[vector<16xi32>, vector<16xi32>], vector<16xf32>,
          %add3A_120 = arith.constant 96 : i32
          %add3A_121 = vector.broadcast %add3A_120 : i32 to vector<16xi32>
          %add3A_122 = arith.addi %iota3A, %add3A_121 : vector<16xi32>
          %gather3A_123 = tpu.vector_load_idx %arg12[%broadcast_in_dim3A_89, %add3A_122] : memref<80x256xf32, #tpu.memory_space<vmem>>[vector<16xi32>, vector<16xi32>], vector<16xf32>,
          %mul3A_124 = arith.mulf %gather3A_123, %gather3A : vector<16xf32>
          tpu.vector_store_idx %arg12[%broadcast_in_dim3A_89, %add3A_122], %mul3A_124 : memref<80x256xf32, #tpu.memory_space<vmem>>[vector<16xi32>, vector<16xi32>], vector<16xf32>,
          %add3A_125 = arith.constant 112 : i32
          %add3A_126 = vector.broadcast %add3A_125 : i32 to vector<16xi32>
          %add3A_127 = arith.addi %iota3A, %add3A_126 : vector<16xi32>
          %gather3A_128 = tpu.vector_load_idx %arg12[%broadcast_in_dim3A_89, %add3A_127] : memref<80x256xf32, #tpu.memory_space<vmem>>[vector<16xi32>, vector<16xi32>], vector<16xf32>,
          %mul3A_129 = arith.mulf %gather3A_128, %gather3A : vector<16xf32>
          tpu.vector_store_idx %arg12[%broadcast_in_dim3A_89, %add3A_127], %mul3A_129 : memref<80x256xf32, #tpu.memory_space<vmem>>[vector<16xi32>, vector<16xi32>], vector<16xf32>,
          %add3A_130 = arith.constant 128 : i32
          %add3A_131 = vector.broadcast %add3A_130 : i32 to vector<16xi32>
          %add3A_132 = arith.addi %iota3A, %add3A_131 : vector<16xi32>
          %gather3A_133 = tpu.vector_load_idx %arg12[%broadcast_in_dim3A_89, %add3A_132] : memref<80x256xf32, #tpu.memory_space<vmem>>[vector<16xi32>, vector<16xi32>], vector<16xf32>,
          %mul3A_134 = arith.mulf %gather3A_133, %gather3A : vector<16xf32>
          tpu.vector_store_idx %arg12[%broadcast_in_dim3A_89, %add3A_132], %mul3A_134 : memref<80x256xf32, #tpu.memory_space<vmem>>[vector<16xi32>, vector<16xi32>], vector<16xf32>,
          %add3A_135 = arith.constant 144 : i32
          %add3A_136 = vector.broadcast %add3A_135 : i32 to vector<16xi32>
          %add3A_137 = arith.addi %iota3A, %add3A_136 : vector<16xi32>
          %gather3A_138 = tpu.vector_load_idx %arg12[%broadcast_in_dim3A_89, %add3A_137] : memref<80x256xf32, #tpu.memory_space<vmem>>[vector<16xi32>, vector<16xi32>], vector<16xf32>,
          %mul3A_139 = arith.mulf %gather3A_138, %gather3A : vector<16xf32>
          tpu.vector_store_idx %arg12[%broadcast_in_dim3A_89, %add3A_137], %mul3A_139 : memref<80x256xf32, #tpu.memory_space<vmem>>[vector<16xi32>, vector<16xi32>], vector<16xf32>,
          %add3A_140 = arith.constant 160 : i32
          %add3A_141 = vector.broadcast %add3A_140 : i32 to vector<16xi32>
          %add3A_142 = arith.addi %iota3A, %add3A_141 : vector<16xi32>
          %gather3A_143 = tpu.vector_load_idx %arg12[%broadcast_in_dim3A_89, %add3A_142] : memref<80x256xf32, #tpu.memory_space<vmem>>[vector<16xi32>, vector<16xi32>], vector<16xf32>,
          %mul3A_144 = arith.mulf %gather3A_143, %gather3A : vector<16xf32>
          tpu.vector_store_idx %arg12[%broadcast_in_dim3A_89, %add3A_142], %mul3A_144 : memref<80x256xf32, #tpu.memory_space<vmem>>[vector<16xi32>, vector<16xi32>], vector<16xf32>,
          %add3A_145 = arith.constant 176 : i32
          %add3A_146 = vector.broadcast %add3A_145 : i32 to vector<16xi32>
          %add3A_147 = arith.addi %iota3A, %add3A_146 : vector<16xi32>
          %gather3A_148 = tpu.vector_load_idx %arg12[%broadcast_in_dim3A_89, %add3A_147] : memref<80x256xf32, #tpu.memory_space<vmem>>[vector<16xi32>, vector<16xi32>], vector<16xf32>,
          %mul3A_149 = arith.mulf %gather3A_148, %gather3A : vector<16xf32>
          tpu.vector_store_idx %arg12[%broadcast_in_dim3A_89, %add3A_147], %mul3A_149 : memref<80x256xf32, #tpu.memory_space<vmem>>[vector<16xi32>, vector<16xi32>], vector<16xf32>,
          %add3A_150 = arith.constant 192 : i32
          %add3A_151 = vector.broadcast %add3A_150 : i32 to vector<16xi32>
          %add3A_152 = arith.addi %iota3A, %add3A_151 : vector<16xi32>
          %gather3A_153 = tpu.vector_load_idx %arg12[%broadcast_in_dim3A_89, %add3A_152] : memref<80x256xf32, #tpu.memory_space<vmem>>[vector<16xi32>, vector<16xi32>], vector<16xf32>,
          %mul3A_154 = arith.mulf %gather3A_153, %gather3A : vector<16xf32>
          tpu.vector_store_idx %arg12[%broadcast_in_dim3A_89, %add3A_152], %mul3A_154 : memref<80x256xf32, #tpu.memory_space<vmem>>[vector<16xi32>, vector<16xi32>], vector<16xf32>,
          %add3A_155 = arith.constant 208 : i32
          %add3A_156 = vector.broadcast %add3A_155 : i32 to vector<16xi32>
          %add3A_157 = arith.addi %iota3A, %add3A_156 : vector<16xi32>
          %gather3A_158 = tpu.vector_load_idx %arg12[%broadcast_in_dim3A_89, %add3A_157] : memref<80x256xf32, #tpu.memory_space<vmem>>[vector<16xi32>, vector<16xi32>], vector<16xf32>,
          %mul3A_159 = arith.mulf %gather3A_158, %gather3A : vector<16xf32>
          tpu.vector_store_idx %arg12[%broadcast_in_dim3A_89, %add3A_157], %mul3A_159 : memref<80x256xf32, #tpu.memory_space<vmem>>[vector<16xi32>, vector<16xi32>], vector<16xf32>,
          %add3A_160 = arith.constant 224 : i32
          %add3A_161 = vector.broadcast %add3A_160 : i32 to vector<16xi32>
          %add3A_162 = arith.addi %iota3A, %add3A_161 : vector<16xi32>
          %gather3A_163 = tpu.vector_load_idx %arg12[%broadcast_in_dim3A_89, %add3A_162] : memref<80x256xf32, #tpu.memory_space<vmem>>[vector<16xi32>, vector<16xi32>], vector<16xf32>,
          %mul3A_164 = arith.mulf %gather3A_163, %gather3A : vector<16xf32>
          tpu.vector_store_idx %arg12[%broadcast_in_dim3A_89, %add3A_162], %mul3A_164 : memref<80x256xf32, #tpu.memory_space<vmem>>[vector<16xi32>, vector<16xi32>], vector<16xf32>,
          %add3A_165 = arith.constant 240 : i32
          %add3A_166 = vector.broadcast %add3A_165 : i32 to vector<16xi32>
          %add3A_167 = arith.addi %iota3A, %add3A_166 : vector<16xi32>
          %gather3A_168 = tpu.vector_load_idx %arg12[%broadcast_in_dim3A_89, %add3A_167] : memref<80x256xf32, #tpu.memory_space<vmem>>[vector<16xi32>, vector<16xi32>], vector<16xf32>,
          %mul3A_169 = arith.mulf %gather3A_168, %gather3A : vector<16xf32>
          tpu.vector_store_idx %arg12[%broadcast_in_dim3A_89, %add3A_167], %mul3A_169 : memref<80x256xf32, #tpu.memory_space<vmem>>[vector<16xi32>, vector<16xi32>], vector<16xf32>,
          %scan3A_170 = arith.constant 0 : i32
          scf.yield %scan3A_170 : i32
        }
        %scan3A_77 = arith.constant 80 : i32
        %mul3A_78 = arith.constant 80 : i32
        %mul3A_79 = arith.muli %scan3A_27, %mul3A_78 : i32
        %add3A_80 = arith.addi %mul3A_2, %mul3A_79 : i32
        %dma_start3A_81 = arith.constant 0 : i32
        %dma_start3A_82 = tpu.memref_slice %arg7[%add3A_80, %dma_start3A_81] : memref<320000x256xf32, #tpu.memory_space<hbm>> -> memref<80x256xf32, #tpu.memory_space<hbm>>
        %dma_start3A_83 = arith.constant 0 : i32
        %dma_start3A_84 = tpu.memref_slice %arg7[%add3A_80, %dma_start3A_83] : memref<320000x256xf32, #tpu.memory_space<hbm>> -> memref<80x256xf32, #tpu.memory_space<hbm>>
        tpu.enqueue_dma source(%arg12 : memref<80x256xf32, #tpu.memory_space<vmem>>) target(%dma_start3A_84 : memref<80x256xf32, #tpu.memory_space<hbm>>) target_semaphore(%arg16 : memref<!tpu.dma_semaphore, #tpu.memory_space<semaphore_mem>>)
      } else {
      }
      %not3A_58 = arith.constant true
      %not3A_59 = arith.xori %eq3A_39, %not3A_58 : i1
      %convert_element_type3A_60 = arith.extui %not3A_59 : i1 to i32
      %cond3A_61 = arith.constant 0 : i32
      %cond3A_62 = arith.cmpi ne, %convert_element_type3A_60, %cond3A_61 : i32
      scf.if %cond3A_62 {
        %dma_wait3A_64 = arith.constant 0 : i32
        %dma_wait3A_65 = tpu.memref_slice %arg9[%dma_wait3A_64] : memref<10000xi32, #tpu.memory_space<vmem>> -> memref<80xi32, #tpu.memory_space<vmem>>
        %dma_wait3A_66 = arith.constant 0 : i32
        %dma_wait3A_67 = arith.constant 0 : i32
        %dma_wait3A_68 = tpu.memref_slice %arg2[%dma_wait3A_66, %dma_wait3A_67] : memref<10000x256xf32, #tpu.memory_space<hbm>> -> memref<10000x256xf32, #tpu.memory_space<hbm>>
        tpu.wait_indirect_dma semaphore(%arg15 : memref<!tpu.dma_semaphore, #tpu.memory_space<semaphore_mem>>) src(%dma_wait3A_68 : memref<10000x256xf32, #tpu.memory_space<hbm>>) dst(%arg13 : memref<80x256xf32, #tpu.memory_space<vmem>>)
        %mul3A_69 = arith.constant 80 : i32
        %mul3A_70 = arith.muli %scan3A_27, %mul3A_69 : i32
        %scan3A_71 = arith.constant 0 : i32
        %scan3A_72 = arith.constant 0 : i32
        %scan3A_73 = arith.constant 80 : i32
        %scan3A_74 = arith.addi %scan3A_72, %scan3A_73 : i32
        %scan3A_75 = arith.constant 1 : i32
        %scan3A_76 = scf.for %scan3A_85 = %scan3A_72 to %scan3A_74 step %scan3A_75 iter_args(%scan3A_86 = %scan3A_71) -> (i32)  : i32 {
          %broadcast_in_dim3A = vector.broadcast %mul3A_70 : i32 to vector<16xi32>
          %add3A_87 = vector.broadcast %scan3A_85 : i32 to vector<16xi32>
          %add3A_88 = arith.addi %broadcast_in_dim3A, %add3A_87 : vector<16xi32>
          %gather3A = tpu.vector_load_idx %arg11[%add3A_88] : memref<10000xf32, #tpu.memory_space<vmem>>[vector<16xi32>], vector<16xf32>,
          %broadcast_in_dim3A_89 = vector.broadcast %scan3A_85 : i32 to vector<16xi32>
          %add3A_90 = arith.constant 0 : i32
          %add3A_91 = vector.broadcast %add3A_90 : i32 to vector<16xi32>
          %add3A_92 = arith.addi %iota3A, %add3A_91 : vector<16xi32>
          %gather3A_93 = tpu.vector_load_idx %arg13[%broadcast_in_dim3A_89, %add3A_92] : memref<80x256xf32, #tpu.memory_space<vmem>>[vector<16xi32>, vector<16xi32>], vector<16xf32>,
          %mul3A_94 = arith.mulf %gather3A_93, %gather3A : vector<16xf32>
          tpu.vector_store_idx %arg13[%broadcast_in_dim3A_89, %add3A_92], %mul3A_94 : memref<80x256xf32, #tpu.memory_space<vmem>>[vector<16xi32>, vector<16xi32>], vector<16xf32>,
          %add3A_95 = arith.constant 16 : i32
          %add3A_96 = vector.broadcast %add3A_95 : i32 to vector<16xi32>
          %add3A_97 = arith.addi %iota3A, %add3A_96 : vector<16xi32>
          %gather3A_98 = tpu.vector_load_idx %arg13[%broadcast_in_dim3A_89, %add3A_97] : memref<80x256xf32, #tpu.memory_space<vmem>>[vector<16xi32>, vector<16xi32>], vector<16xf32>,
          %mul3A_99 = arith.mulf %gather3A_98, %gather3A : vector<16xf32>
          tpu.vector_store_idx %arg13[%broadcast_in_dim3A_89, %add3A_97], %mul3A_99 : memref<80x256xf32, #tpu.memory_space<vmem>>[vector<16xi32>, vector<16xi32>], vector<16xf32>,
          %add3A_100 = arith.constant 32 : i32
          %add3A_101 = vector.broadcast %add3A_100 : i32 to vector<16xi32>
          %add3A_102 = arith.addi %iota3A, %add3A_101 : vector<16xi32>
          %gather3A_103 = tpu.vector_load_idx %arg13[%broadcast_in_dim3A_89, %add3A_102] : memref<80x256xf32, #tpu.memory_space<vmem>>[vector<16xi32>, vector<16xi32>], vector<16xf32>,
          %mul3A_104 = arith.mulf %gather3A_103, %gather3A : vector<16xf32>
          tpu.vector_store_idx %arg13[%broadcast_in_dim3A_89, %add3A_102], %mul3A_104 : memref<80x256xf32, #tpu.memory_space<vmem>>[vector<16xi32>, vector<16xi32>], vector<16xf32>,
          %add3A_105 = arith.constant 48 : i32
          %add3A_106 = vector.broadcast %add3A_105 : i32 to vector<16xi32>
          %add3A_107 = arith.addi %iota3A, %add3A_106 : vector<16xi32>
          %gather3A_108 = tpu.vector_load_idx %arg13[%broadcast_in_dim3A_89, %add3A_107] : memref<80x256xf32, #tpu.memory_space<vmem>>[vector<16xi32>, vector<16xi32>], vector<16xf32>,
          %mul3A_109 = arith.mulf %gather3A_108, %gather3A : vector<16xf32>
          tpu.vector_store_idx %arg13[%broadcast_in_dim3A_89, %add3A_107], %mul3A_109 : memref<80x256xf32, #tpu.memory_space<vmem>>[vector<16xi32>, vector<16xi32>], vector<16xf32>,
          %add3A_110 = arith.constant 64 : i32
          %add3A_111 = vector.broadcast %add3A_110 : i32 to vector<16xi32>
          %add3A_112 = arith.addi %iota3A, %add3A_111 : vector<16xi32>
          %gather3A_113 = tpu.vector_load_idx %arg13[%broadcast_in_dim3A_89, %add3A_112] : memref<80x256xf32, #tpu.memory_space<vmem>>[vector<16xi32>, vector<16xi32>], vector<16xf32>,
          %mul3A_114 = arith.mulf %gather3A_113, %gather3A : vector<16xf32>
          tpu.vector_store_idx %arg13[%broadcast_in_dim3A_89, %add3A_112], %mul3A_114 : memref<80x256xf32, #tpu.memory_space<vmem>>[vector<16xi32>, vector<16xi32>], vector<16xf32>,
          %add3A_115 = arith.constant 80 : i32
          %add3A_116 = vector.broadcast %add3A_115 : i32 to vector<16xi32>
          %add3A_117 = arith.addi %iota3A, %add3A_116 : vector<16xi32>
          %gather3A_118 = tpu.vector_load_idx %arg13[%broadcast_in_dim3A_89, %add3A_117] : memref<80x256xf32, #tpu.memory_space<vmem>>[vector<16xi32>, vector<16xi32>], vector<16xf32>,
          %mul3A_119 = arith.mulf %gather3A_118, %gather3A : vector<16xf32>
          tpu.vector_store_idx %arg13[%broadcast_in_dim3A_89, %add3A_117], %mul3A_119 : memref<80x256xf32, #tpu.memory_space<vmem>>[vector<16xi32>, vector<16xi32>], vector<16xf32>,
          %add3A_120 = arith.constant 96 : i32
          %add3A_121 = vector.broadcast %add3A_120 : i32 to vector<16xi32>
          %add3A_122 = arith.addi %iota3A, %add3A_121 : vector<16xi32>
          %gather3A_123 = tpu.vector_load_idx %arg13[%broadcast_in_dim3A_89, %add3A_122] : memref<80x256xf32, #tpu.memory_space<vmem>>[vector<16xi32>, vector<16xi32>], vector<16xf32>,
          %mul3A_124 = arith.mulf %gather3A_123, %gather3A : vector<16xf32>
          tpu.vector_store_idx %arg13[%broadcast_in_dim3A_89, %add3A_122], %mul3A_124 : memref<80x256xf32, #tpu.memory_space<vmem>>[vector<16xi32>, vector<16xi32>], vector<16xf32>,
          %add3A_125 = arith.constant 112 : i32
          %add3A_126 = vector.broadcast %add3A_125 : i32 to vector<16xi32>
          %add3A_127 = arith.addi %iota3A, %add3A_126 : vector<16xi32>
          %gather3A_128 = tpu.vector_load_idx %arg13[%broadcast_in_dim3A_89, %add3A_127] : memref<80x256xf32, #tpu.memory_space<vmem>>[vector<16xi32>, vector<16xi32>], vector<16xf32>,
          %mul3A_129 = arith.mulf %gather3A_128, %gather3A : vector<16xf32>
          tpu.vector_store_idx %arg13[%broadcast_in_dim3A_89, %add3A_127], %mul3A_129 : memref<80x256xf32, #tpu.memory_space<vmem>>[vector<16xi32>, vector<16xi32>], vector<16xf32>,
          %add3A_130 = arith.constant 128 : i32
          %add3A_131 = vector.broadcast %add3A_130 : i32 to vector<16xi32>
          %add3A_132 = arith.addi %iota3A, %add3A_131 : vector<16xi32>
          %gather3A_133 = tpu.vector_load_idx %arg13[%broadcast_in_dim3A_89, %add3A_132] : memref<80x256xf32, #tpu.memory_space<vmem>>[vector<16xi32>, vector<16xi32>], vector<16xf32>,
          %mul3A_134 = arith.mulf %gather3A_133, %gather3A : vector<16xf32>
          tpu.vector_store_idx %arg13[%broadcast_in_dim3A_89, %add3A_132], %mul3A_134 : memref<80x256xf32, #tpu.memory_space<vmem>>[vector<16xi32>, vector<16xi32>], vector<16xf32>,
          %add3A_135 = arith.constant 144 : i32
          %add3A_136 = vector.broadcast %add3A_135 : i32 to vector<16xi32>
          %add3A_137 = arith.addi %iota3A, %add3A_136 : vector<16xi32>
          %gather3A_138 = tpu.vector_load_idx %arg13[%broadcast_in_dim3A_89, %add3A_137] : memref<80x256xf32, #tpu.memory_space<vmem>>[vector<16xi32>, vector<16xi32>], vector<16xf32>,
          %mul3A_139 = arith.mulf %gather3A_138, %gather3A : vector<16xf32>
          tpu.vector_store_idx %arg13[%broadcast_in_dim3A_89, %add3A_137], %mul3A_139 : memref<80x256xf32, #tpu.memory_space<vmem>>[vector<16xi32>, vector<16xi32>], vector<16xf32>,
          %add3A_140 = arith.constant 160 : i32
          %add3A_141 = vector.broadcast %add3A_140 : i32 to vector<16xi32>
          %add3A_142 = arith.addi %iota3A, %add3A_141 : vector<16xi32>
          %gather3A_143 = tpu.vector_load_idx %arg13[%broadcast_in_dim3A_89, %add3A_142] : memref<80x256xf32, #tpu.memory_space<vmem>>[vector<16xi32>, vector<16xi32>], vector<16xf32>,
          %mul3A_144 = arith.mulf %gather3A_143, %gather3A : vector<16xf32>
          tpu.vector_store_idx %arg13[%broadcast_in_dim3A_89, %add3A_142], %mul3A_144 : memref<80x256xf32, #tpu.memory_space<vmem>>[vector<16xi32>, vector<16xi32>], vector<16xf32>,
          %add3A_145 = arith.constant 176 : i32
          %add3A_146 = vector.broadcast %add3A_145 : i32 to vector<16xi32>
          %add3A_147 = arith.addi %iota3A, %add3A_146 : vector<16xi32>
          %gather3A_148 = tpu.vector_load_idx %arg13[%broadcast_in_dim3A_89, %add3A_147] : memref<80x256xf32, #tpu.memory_space<vmem>>[vector<16xi32>, vector<16xi32>], vector<16xf32>,
          %mul3A_149 = arith.mulf %gather3A_148, %gather3A : vector<16xf32>
          tpu.vector_store_idx %arg13[%broadcast_in_dim3A_89, %add3A_147], %mul3A_149 : memref<80x256xf32, #tpu.memory_space<vmem>>[vector<16xi32>, vector<16xi32>], vector<16xf32>,
          %add3A_150 = arith.constant 192 : i32
          %add3A_151 = vector.broadcast %add3A_150 : i32 to vector<16xi32>
          %add3A_152 = arith.addi %iota3A, %add3A_151 : vector<16xi32>
          %gather3A_153 = tpu.vector_load_idx %arg13[%broadcast_in_dim3A_89, %add3A_152] : memref<80x256xf32, #tpu.memory_space<vmem>>[vector<16xi32>, vector<16xi32>], vector<16xf32>,
          %mul3A_154 = arith.mulf %gather3A_153, %gather3A : vector<16xf32>
          tpu.vector_store_idx %arg13[%broadcast_in_dim3A_89, %add3A_152], %mul3A_154 : memref<80x256xf32, #tpu.memory_space<vmem>>[vector<16xi32>, vector<16xi32>], vector<16xf32>,
          %add3A_155 = arith.constant 208 : i32
          %add3A_156 = vector.broadcast %add3A_155 : i32 to vector<16xi32>
          %add3A_157 = arith.addi %iota3A, %add3A_156 : vector<16xi32>
          %gather3A_158 = tpu.vector_load_idx %arg13[%broadcast_in_dim3A_89, %add3A_157] : memref<80x256xf32, #tpu.memory_space<vmem>>[vector<16xi32>, vector<16xi32>], vector<16xf32>,
          %mul3A_159 = arith.mulf %gather3A_158, %gather3A : vector<16xf32>
          tpu.vector_store_idx %arg13[%broadcast_in_dim3A_89, %add3A_157], %mul3A_159 : memref<80x256xf32, #tpu.memory_space<vmem>>[vector<16xi32>, vector<16xi32>], vector<16xf32>,
          %add3A_160 = arith.constant 224 : i32
          %add3A_161 = vector.broadcast %add3A_160 : i32 to vector<16xi32>
          %add3A_162 = arith.addi %iota3A, %add3A_161 : vector<16xi32>
          %gather3A_163 = tpu.vector_load_idx %arg13[%broadcast_in_dim3A_89, %add3A_162] : memref<80x256xf32, #tpu.memory_space<vmem>>[vector<16xi32>, vector<16xi32>], vector<16xf32>,
          %mul3A_164 = arith.mulf %gather3A_163, %gather3A : vector<16xf32>
          tpu.vector_store_idx %arg13[%broadcast_in_dim3A_89, %add3A_162], %mul3A_164 : memref<80x256xf32, #tpu.memory_space<vmem>>[vector<16xi32>, vector<16xi32>], vector<16xf32>,
          %add3A_165 = arith.constant 240 : i32
          %add3A_166 = vector.broadcast %add3A_165 : i32 to vector<16xi32>
          %add3A_167 = arith.addi %iota3A, %add3A_166 : vector<16xi32>
          %gather3A_168 = tpu.vector_load_idx %arg13[%broadcast_in_dim3A_89, %add3A_167] : memref<80x256xf32, #tpu.memory_space<vmem>>[vector<16xi32>, vector<16xi32>], vector<16xf32>,
          %mul3A_169 = arith.mulf %gather3A_168, %gather3A : vector<16xf32>
          tpu.vector_store_idx %arg13[%broadcast_in_dim3A_89, %add3A_167], %mul3A_169 : memref<80x256xf32, #tpu.memory_space<vmem>>[vector<16xi32>, vector<16xi32>], vector<16xf32>,
          %scan3A_170 = arith.constant 0 : i32
          scf.yield %scan3A_170 : i32
        }
        %scan3A_77 = arith.constant 80 : i32
        %mul3A_78 = arith.constant 80 : i32
        %mul3A_79 = arith.muli %scan3A_27, %mul3A_78 : i32
        %add3A_80 = arith.addi %mul3A_2, %mul3A_79 : i32
        %dma_start3A_81 = arith.constant 0 : i32
        %dma_start3A_82 = tpu.memref_slice %arg7[%add3A_80, %dma_start3A_81] : memref<320000x256xf32, #tpu.memory_space<hbm>> -> memref<80x256xf32, #tpu.memory_space<hbm>>
        %dma_start3A_83 = arith.constant 0 : i32
        %dma_start3A_84 = tpu.memref_slice %arg7[%add3A_80, %dma_start3A_83] : memref<320000x256xf32, #tpu.memory_space<hbm>> -> memref<80x256xf32, #tpu.memory_space<hbm>>
        tpu.enqueue_dma source(%arg13 : memref<80x256xf32, #tpu.memory_space<vmem>>) target(%dma_start3A_84 : memref<80x256xf32, #tpu.memory_space<hbm>>) target_semaphore(%arg17 : memref<!tpu.dma_semaphore, #tpu.memory_space<semaphore_mem>>)
      } else {
      }
      %scan3A_63 = arith.constant 0 : i32
      scf.yield %scan3A_63 : i32
    }
    %scan3A_19 = arith.constant 125 : i32
    %dma_wait3A = arith.constant 0 : i32
    %dma_wait3A_20 = tpu.memref_slice %arg7[%mul3A_2, %dma_wait3A] : memref<320000x256xf32, #tpu.memory_space<hbm>> -> memref<80x256xf32, #tpu.memory_space<hbm>>
    %dma_wait3A_21 = arith.constant 0 : i32
    %dma_wait3A_22 = tpu.memref_slice %arg7[%mul3A_2, %dma_wait3A_21] : memref<320000x256xf32, #tpu.memory_space<hbm>> -> memref<80x256xf32, #tpu.memory_space<hbm>>
    tpu.wait_dma2 semaphore(%arg17 : memref<!tpu.dma_semaphore, #tpu.memory_space<semaphore_mem>>) src(%arg13 : memref<80x256xf32, #tpu.memory_space<vmem>>) dst(%dma_wait3A_22 : memref<80x256xf32, #tpu.memory_space<hbm>>)
    %dma_wait3A_23 = arith.constant 0 : i32
    %dma_wait3A_24 = tpu.memref_slice %arg7[%mul3A_2, %dma_wait3A_23] : memref<320000x256xf32, #tpu.memory_space<hbm>> -> memref<80x256xf32, #tpu.memory_space<hbm>>
    %dma_wait3A_25 = arith.constant 0 : i32
    %dma_wait3A_26 = tpu.memref_slice %arg7[%mul3A_2, %dma_wait3A_25] : memref<320000x256xf32, #tpu.memory_space<hbm>> -> memref<80x256xf32, #tpu.memory_space<hbm>>
    tpu.wait_dma2 semaphore(%arg16 : memref<!tpu.dma_semaphore, #tpu.memory_space<semaphore_mem>>) src(%arg12 : memref<80x256xf32, #tpu.memory_space<vmem>>) dst(%dma_wait3A_26 : memref<80x256xf32, #tpu.memory_space<hbm>>)
    return
  }
}

module attributes {stable_mosaic.version = 14 : i64} {
  func.func @_lstm_body(%arg0: i32, %arg1: memref<1000x256xf32, #tpu.memory_space<vmem>>, %arg2: memref<256x1024xf32, #tpu.memory_space<vmem>>, %arg3: memref<256x1024xf32, #tpu.memory_space<vmem>>, %arg4: memref<1x1024xf32, #tpu.memory_space<vmem>>, %arg5: memref<1x256xf32, #tpu.memory_space<vmem>>, %arg6: memref<1x256xf32, #tpu.memory_space<vmem>>, %arg7: memref<1x256xf32, #tpu.memory_space<vmem>>, %arg8: memref<1000x1024xf32, #tpu.memory_space<vmem>>) attributes {dimension_semantics = [#tpu.dimension_semantics<arbitrary>], iteration_bounds = array<i64: 10>, scalar_prefetch = 0 : i64, scratch_operands = 3 : i64, tpu.core_type = #tpu.core_type<tc>, window_params = [{transform_indices = @transform_0, window_bounds = array<i64: 1000, 256>}, {pipeline_mode = #tpu.pipeline_mode<synchronous>, transform_indices = @transform_1, window_bounds = array<i64: 256, 1024>}, {pipeline_mode = #tpu.pipeline_mode<synchronous>, transform_indices = @transform_2, window_bounds = array<i64: 256, 1024>}, {pipeline_mode = #tpu.pipeline_mode<synchronous>, transform_indices = @transform_3, window_bounds = array<i64: 1, 1024>}, {pipeline_mode = #tpu.pipeline_mode<synchronous>, transform_indices = @transform_4, window_bounds = array<i64: 1, 256>}]} {
    %eq3A = arith.constant 0 : i32
    %eq3A_0 = arith.cmpi eq, %arg0, %eq3A : i32
    %convert_element_type3A = arith.extui %eq3A_0 : i1 to i32
    %cond3A = arith.constant 0 : i32
    %cond3A_1 = arith.cmpi ne, %convert_element_type3A, %cond3A : i32
    scf.if %cond3A_1 {
      %broadcast_in_dim3A = arith.constant 0.000000e+00 : f32
      %broadcast_in_dim3A_35 = vector.broadcast %broadcast_in_dim3A : f32 to vector<1x256xf32>
      %swap3A_36 = arith.constant 0 : index
      %swap3A_37 = arith.constant 0 : index
      %swap3A_38 = vector.load %arg6[%swap3A_36, %swap3A_37] : memref<1x256xf32, #tpu.memory_space<vmem>>, vector<1x256xf32>
      tpu.vector_store %arg6[%swap3A_36, %swap3A_37], %broadcast_in_dim3A_35 {strides = array<i32>} : memref<1x256xf32, #tpu.memory_space<vmem>>, vector<1x256xf32>,
      %broadcast_in_dim3A_39 = arith.constant 0.000000e+00 : f32
      %broadcast_in_dim3A_40 = vector.broadcast %broadcast_in_dim3A_39 : f32 to vector<1x256xf32>
      %swap3A_41 = arith.constant 0 : index
      %swap3A_42 = arith.constant 0 : index
      %swap3A_43 = vector.load %arg7[%swap3A_41, %swap3A_42] : memref<1x256xf32, #tpu.memory_space<vmem>>, vector<1x256xf32>
      tpu.vector_store %arg7[%swap3A_41, %swap3A_42], %broadcast_in_dim3A_40 {strides = array<i32>} : memref<1x256xf32, #tpu.memory_space<vmem>>, vector<1x256xf32>,
    } else {
    }
    %get3A = arith.constant 0 : index
    %get3A_2 = arith.constant 0 : index
    %get3A_3 = vector.load %arg1[%get3A, %get3A_2] : memref<1000x256xf32, #tpu.memory_space<vmem>>, vector<1000x256xf32>
    %get3A_4 = arith.constant 0 : index
    %get3A_5 = arith.constant 0 : index
    %get3A_6 = vector.load %arg2[%get3A_4, %get3A_5] : memref<256x1024xf32, #tpu.memory_space<vmem>>, vector<256x1024xf32>
    %dot_general3A = arith.constant dense<0.000000e+00> : vector<1000x1024xf32>
    %dot_general3A_7 = tpu.matmul %get3A_3, %get3A_6, %dot_general3A {dimension_numbers = #tpu.dot_dimension_numbers<[1], [0], [0], [1], [0, 0, 1, 1], [], []>, transpose_lhs_hint = false} : vector<1000x256xf32>, vector<256x1024xf32>, vector<1000x1024xf32> -> vector<1000x1024xf32>
    %swap3A = arith.constant 0 : index
    %swap3A_8 = arith.constant 0 : index
    %swap3A_9 = vector.load %arg8[%swap3A, %swap3A_8] : memref<1000x1024xf32, #tpu.memory_space<vmem>>, vector<1000x1024xf32>
    tpu.vector_store %arg8[%swap3A, %swap3A_8], %dot_general3A_7 {strides = array<i32>} : memref<1000x1024xf32, #tpu.memory_space<vmem>>, vector<1000x1024xf32>,
    %get3A_10 = arith.constant 0 : index
    %get3A_11 = arith.constant 0 : index
    %get3A_12 = vector.load %arg4[%get3A_10, %get3A_11] : memref<1x1024xf32, #tpu.memory_space<vmem>>, vector<1x1024xf32>
    %get3A_13 = arith.constant 0 : index
    %get3A_14 = arith.constant 0 : index
    %get3A_15 = vector.load %arg6[%get3A_13, %get3A_14] : memref<1x256xf32, #tpu.memory_space<vmem>>, vector<1x256xf32>
    %get3A_16 = arith.constant 0 : index
    %get3A_17 = arith.constant 0 : index
    %get3A_18 = vector.load %arg7[%get3A_16, %get3A_17] : memref<1x256xf32, #tpu.memory_space<vmem>>, vector<1x256xf32>
    %scan3A = arith.constant 0 : i32
    %scan3A_19 = arith.constant 1000 : i32
    %scan3A_20 = arith.addi %scan3A, %scan3A_19 : i32
    %scan3A_21 = arith.constant 25 : i32
    %scan3A_22:2 = scf.for %scan3A_35 = %scan3A to %scan3A_20 step %scan3A_21 iter_args(%scan3A_36 = %get3A_15, %scan3A_37 = %get3A_18) -> (vector<1x256xf32>, vector<1x256xf32>)  : i32 {
      %get3A_38 = arith.index_cast %scan3A_35 : i32 to index
      %get3A_39 = arith.constant 0 : index
      %get3A_40 = vector.load %arg8[%get3A_38, %get3A_39] : memref<1000x1024xf32, #tpu.memory_space<vmem>>, vector<1x1024xf32>
      %get3A_41 = arith.constant 0 : index
      %get3A_42 = arith.constant 0 : index
      %get3A_43 = vector.load %arg3[%get3A_41, %get3A_42] : memref<256x1024xf32, #tpu.memory_space<vmem>>, vector<256x1024xf32>
      %dot_general3A_44 = arith.constant dense<0.000000e+00> : vector<1x1024xf32>
      %dot_general3A_45 = tpu.matmul %scan3A_36, %get3A_43, %dot_general3A_44 {dimension_numbers = #tpu.dot_dimension_numbers<[1], [0], [0], [1], [0, 0, 1, 1], [], []>, transpose_lhs_hint = false} : vector<1x256xf32>, vector<256x1024xf32>, vector<1x1024xf32> -> vector<1x1024xf32>
      %add3A = arith.addf %get3A_40, %dot_general3A_45 : vector<1x1024xf32>
      %add3A_46 = arith.addf %add3A, %get3A_12 : vector<1x1024xf32>
      %slice3A = vector.extract_strided_slice %add3A_46 {offsets = [0, 0], sizes = [1, 256], strides = [1, 1]} : vector<1x1024xf32> to vector<1x256xf32>
      %logistic3A = arith.negf %slice3A : vector<1x256xf32>
      %logistic3A_47 = math.exp %logistic3A : vector<1x256xf32>
      %logistic3A_48 = arith.constant 1.000000e+00 : f32
      %logistic3A_49 = vector.broadcast %logistic3A_48 : f32 to vector<1x256xf32>
      %logistic3A_50 = arith.addf %logistic3A_49, %logistic3A_47 : vector<1x256xf32>
      %logistic3A_51 = arith.divf %logistic3A_49, %logistic3A_50 : vector<1x256xf32>
      %slice3A_52 = vector.extract_strided_slice %add3A_46 {offsets = [0, 256], sizes = [1, 256], strides = [1, 1]} : vector<1x1024xf32> to vector<1x256xf32>
      %logistic3A_53 = arith.negf %slice3A_52 : vector<1x256xf32>
      %logistic3A_54 = math.exp %logistic3A_53 : vector<1x256xf32>
      %logistic3A_55 = arith.constant 1.000000e+00 : f32
      %logistic3A_56 = vector.broadcast %logistic3A_55 : f32 to vector<1x256xf32>
      %logistic3A_57 = arith.addf %logistic3A_56, %logistic3A_54 : vector<1x256xf32>
      %logistic3A_58 = arith.divf %logistic3A_56, %logistic3A_57 : vector<1x256xf32>
      %slice3A_59 = vector.extract_strided_slice %add3A_46 {offsets = [0, 512], sizes = [1, 256], strides = [1, 1]} : vector<1x1024xf32> to vector<1x256xf32>
      %tanh3A = math.tanh %slice3A_59 : vector<1x256xf32>
      %slice3A_60 = vector.extract_strided_slice %add3A_46 {offsets = [0, 768], sizes = [1, 256], strides = [1, 1]} : vector<1x1024xf32> to vector<1x256xf32>
      %logistic3A_61 = arith.negf %slice3A_60 : vector<1x256xf32>
      %logistic3A_62 = math.exp %logistic3A_61 : vector<1x256xf32>
      %logistic3A_63 = arith.constant 1.000000e+00 : f32
      %logistic3A_64 = vector.broadcast %logistic3A_63 : f32 to vector<1x256xf32>
      %logistic3A_65 = arith.addf %logistic3A_64, %logistic3A_62 : vector<1x256xf32>
      %logistic3A_66 = arith.divf %logistic3A_64, %logistic3A_65 : vector<1x256xf32>
      %mul3A = arith.mulf %logistic3A_58, %scan3A_37 : vector<1x256xf32>
      %mul3A_67 = arith.mulf %logistic3A_51, %tanh3A : vector<1x256xf32>
      %add3A_68 = arith.addf %mul3A, %mul3A_67 : vector<1x256xf32>
      %tanh3A_69 = math.tanh %add3A_68 : vector<1x256xf32>
      %mul3A_70 = arith.mulf %logistic3A_66, %tanh3A_69 : vector<1x256xf32>
      %scan3A_71 = arith.constant 1 : i32
      %scan3A_72 = arith.addi %scan3A_35, %scan3A_71 : i32
      %get3A_73 = arith.index_cast %scan3A_72 : i32 to index
      %get3A_74 = arith.constant 0 : index
      %get3A_75 = vector.load %arg8[%get3A_73, %get3A_74] : memref<1000x1024xf32, #tpu.memory_space<vmem>>, vector<1x1024xf32>
      %get3A_76 = arith.constant 0 : index
      %get3A_77 = arith.constant 0 : index
      %get3A_78 = vector.load %arg3[%get3A_76, %get3A_77] : memref<256x1024xf32, #tpu.memory_space<vmem>>, vector<256x1024xf32>
      %dot_general3A_79 = arith.constant dense<0.000000e+00> : vector<1x1024xf32>
      %dot_general3A_80 = tpu.matmul %mul3A_70, %get3A_78, %dot_general3A_79 {dimension_numbers = #tpu.dot_dimension_numbers<[1], [0], [0], [1], [0, 0, 1, 1], [], []>, transpose_lhs_hint = false} : vector<1x256xf32>, vector<256x1024xf32>, vector<1x1024xf32> -> vector<1x1024xf32>
      %add3A_81 = arith.addf %get3A_75, %dot_general3A_80 : vector<1x1024xf32>
      %add3A_82 = arith.addf %add3A_81, %get3A_12 : vector<1x1024xf32>
      %slice3A_83 = vector.extract_strided_slice %add3A_82 {offsets = [0, 0], sizes = [1, 256], strides = [1, 1]} : vector<1x1024xf32> to vector<1x256xf32>
      %logistic3A_84 = arith.negf %slice3A_83 : vector<1x256xf32>
      %logistic3A_85 = math.exp %logistic3A_84 : vector<1x256xf32>
      %logistic3A_86 = arith.constant 1.000000e+00 : f32
      %logistic3A_87 = vector.broadcast %logistic3A_86 : f32 to vector<1x256xf32>
      %logistic3A_88 = arith.addf %logistic3A_87, %logistic3A_85 : vector<1x256xf32>
      %logistic3A_89 = arith.divf %logistic3A_87, %logistic3A_88 : vector<1x256xf32>
      %slice3A_90 = vector.extract_strided_slice %add3A_82 {offsets = [0, 256], sizes = [1, 256], strides = [1, 1]} : vector<1x1024xf32> to vector<1x256xf32>
      %logistic3A_91 = arith.negf %slice3A_90 : vector<1x256xf32>
      %logistic3A_92 = math.exp %logistic3A_91 : vector<1x256xf32>
      %logistic3A_93 = arith.constant 1.000000e+00 : f32
      %logistic3A_94 = vector.broadcast %logistic3A_93 : f32 to vector<1x256xf32>
      %logistic3A_95 = arith.addf %logistic3A_94, %logistic3A_92 : vector<1x256xf32>
      %logistic3A_96 = arith.divf %logistic3A_94, %logistic3A_95 : vector<1x256xf32>
      %slice3A_97 = vector.extract_strided_slice %add3A_82 {offsets = [0, 512], sizes = [1, 256], strides = [1, 1]} : vector<1x1024xf32> to vector<1x256xf32>
      %tanh3A_98 = math.tanh %slice3A_97 : vector<1x256xf32>
      %slice3A_99 = vector.extract_strided_slice %add3A_82 {offsets = [0, 768], sizes = [1, 256], strides = [1, 1]} : vector<1x1024xf32> to vector<1x256xf32>
      %logistic3A_100 = arith.negf %slice3A_99 : vector<1x256xf32>
      %logistic3A_101 = math.exp %logistic3A_100 : vector<1x256xf32>
      %logistic3A_102 = arith.constant 1.000000e+00 : f32
      %logistic3A_103 = vector.broadcast %logistic3A_102 : f32 to vector<1x256xf32>
      %logistic3A_104 = arith.addf %logistic3A_103, %logistic3A_101 : vector<1x256xf32>
      %logistic3A_105 = arith.divf %logistic3A_103, %logistic3A_104 : vector<1x256xf32>
      %mul3A_106 = arith.mulf %logistic3A_96, %add3A_68 : vector<1x256xf32>
      %mul3A_107 = arith.mulf %logistic3A_89, %tanh3A_98 : vector<1x256xf32>
      %add3A_108 = arith.addf %mul3A_106, %mul3A_107 : vector<1x256xf32>
      %tanh3A_109 = math.tanh %add3A_108 : vector<1x256xf32>
      %mul3A_110 = arith.mulf %logistic3A_105, %tanh3A_109 : vector<1x256xf32>
      %scan3A_111 = arith.constant 2 : i32
      %scan3A_112 = arith.addi %scan3A_35, %scan3A_111 : i32
      %get3A_113 = arith.index_cast %scan3A_112 : i32 to index
      %get3A_114 = arith.constant 0 : index
      %get3A_115 = vector.load %arg8[%get3A_113, %get3A_114] : memref<1000x1024xf32, #tpu.memory_space<vmem>>, vector<1x1024xf32>
      %get3A_116 = arith.constant 0 : index
      %get3A_117 = arith.constant 0 : index
      %get3A_118 = vector.load %arg3[%get3A_116, %get3A_117] : memref<256x1024xf32, #tpu.memory_space<vmem>>, vector<256x1024xf32>
      %dot_general3A_119 = arith.constant dense<0.000000e+00> : vector<1x1024xf32>
      %dot_general3A_120 = tpu.matmul %mul3A_110, %get3A_118, %dot_general3A_119 {dimension_numbers = #tpu.dot_dimension_numbers<[1], [0], [0], [1], [0, 0, 1, 1], [], []>, transpose_lhs_hint = false} : vector<1x256xf32>, vector<256x1024xf32>, vector<1x1024xf32> -> vector<1x1024xf32>
      %add3A_121 = arith.addf %get3A_115, %dot_general3A_120 : vector<1x1024xf32>
      %add3A_122 = arith.addf %add3A_121, %get3A_12 : vector<1x1024xf32>
      %slice3A_123 = vector.extract_strided_slice %add3A_122 {offsets = [0, 0], sizes = [1, 256], strides = [1, 1]} : vector<1x1024xf32> to vector<1x256xf32>
      %logistic3A_124 = arith.negf %slice3A_123 : vector<1x256xf32>
      %logistic3A_125 = math.exp %logistic3A_124 : vector<1x256xf32>
      %logistic3A_126 = arith.constant 1.000000e+00 : f32
      %logistic3A_127 = vector.broadcast %logistic3A_126 : f32 to vector<1x256xf32>
      %logistic3A_128 = arith.addf %logistic3A_127, %logistic3A_125 : vector<1x256xf32>
      %logistic3A_129 = arith.divf %logistic3A_127, %logistic3A_128 : vector<1x256xf32>
      %slice3A_130 = vector.extract_strided_slice %add3A_122 {offsets = [0, 256], sizes = [1, 256], strides = [1, 1]} : vector<1x1024xf32> to vector<1x256xf32>
      %logistic3A_131 = arith.negf %slice3A_130 : vector<1x256xf32>
      %logistic3A_132 = math.exp %logistic3A_131 : vector<1x256xf32>
      %logistic3A_133 = arith.constant 1.000000e+00 : f32
      %logistic3A_134 = vector.broadcast %logistic3A_133 : f32 to vector<1x256xf32>
      %logistic3A_135 = arith.addf %logistic3A_134, %logistic3A_132 : vector<1x256xf32>
      %logistic3A_136 = arith.divf %logistic3A_134, %logistic3A_135 : vector<1x256xf32>
      %slice3A_137 = vector.extract_strided_slice %add3A_122 {offsets = [0, 512], sizes = [1, 256], strides = [1, 1]} : vector<1x1024xf32> to vector<1x256xf32>
      %tanh3A_138 = math.tanh %slice3A_137 : vector<1x256xf32>
      %slice3A_139 = vector.extract_strided_slice %add3A_122 {offsets = [0, 768], sizes = [1, 256], strides = [1, 1]} : vector<1x1024xf32> to vector<1x256xf32>
      %logistic3A_140 = arith.negf %slice3A_139 : vector<1x256xf32>
      %logistic3A_141 = math.exp %logistic3A_140 : vector<1x256xf32>
      %logistic3A_142 = arith.constant 1.000000e+00 : f32
      %logistic3A_143 = vector.broadcast %logistic3A_142 : f32 to vector<1x256xf32>
      %logistic3A_144 = arith.addf %logistic3A_143, %logistic3A_141 : vector<1x256xf32>
      %logistic3A_145 = arith.divf %logistic3A_143, %logistic3A_144 : vector<1x256xf32>
      %mul3A_146 = arith.mulf %logistic3A_136, %add3A_108 : vector<1x256xf32>
      %mul3A_147 = arith.mulf %logistic3A_129, %tanh3A_138 : vector<1x256xf32>
      %add3A_148 = arith.addf %mul3A_146, %mul3A_147 : vector<1x256xf32>
      %tanh3A_149 = math.tanh %add3A_148 : vector<1x256xf32>
      %mul3A_150 = arith.mulf %logistic3A_145, %tanh3A_149 : vector<1x256xf32>
      %scan3A_151 = arith.constant 3 : i32
      %scan3A_152 = arith.addi %scan3A_35, %scan3A_151 : i32
      %get3A_153 = arith.index_cast %scan3A_152 : i32 to index
      %get3A_154 = arith.constant 0 : index
      %get3A_155 = vector.load %arg8[%get3A_153, %get3A_154] : memref<1000x1024xf32, #tpu.memory_space<vmem>>, vector<1x1024xf32>
      %get3A_156 = arith.constant 0 : index
      %get3A_157 = arith.constant 0 : index
      %get3A_158 = vector.load %arg3[%get3A_156, %get3A_157] : memref<256x1024xf32, #tpu.memory_space<vmem>>, vector<256x1024xf32>
      %dot_general3A_159 = arith.constant dense<0.000000e+00> : vector<1x1024xf32>
      %dot_general3A_160 = tpu.matmul %mul3A_150, %get3A_158, %dot_general3A_159 {dimension_numbers = #tpu.dot_dimension_numbers<[1], [0], [0], [1], [0, 0, 1, 1], [], []>, transpose_lhs_hint = false} : vector<1x256xf32>, vector<256x1024xf32>, vector<1x1024xf32> -> vector<1x1024xf32>
      %add3A_161 = arith.addf %get3A_155, %dot_general3A_160 : vector<1x1024xf32>
      %add3A_162 = arith.addf %add3A_161, %get3A_12 : vector<1x1024xf32>
      %slice3A_163 = vector.extract_strided_slice %add3A_162 {offsets = [0, 0], sizes = [1, 256], strides = [1, 1]} : vector<1x1024xf32> to vector<1x256xf32>
      %logistic3A_164 = arith.negf %slice3A_163 : vector<1x256xf32>
      %logistic3A_165 = math.exp %logistic3A_164 : vector<1x256xf32>
      %logistic3A_166 = arith.constant 1.000000e+00 : f32
      %logistic3A_167 = vector.broadcast %logistic3A_166 : f32 to vector<1x256xf32>
      %logistic3A_168 = arith.addf %logistic3A_167, %logistic3A_165 : vector<1x256xf32>
      %logistic3A_169 = arith.divf %logistic3A_167, %logistic3A_168 : vector<1x256xf32>
      %slice3A_170 = vector.extract_strided_slice %add3A_162 {offsets = [0, 256], sizes = [1, 256], strides = [1, 1]} : vector<1x1024xf32> to vector<1x256xf32>
      %logistic3A_171 = arith.negf %slice3A_170 : vector<1x256xf32>
      %logistic3A_172 = math.exp %logistic3A_171 : vector<1x256xf32>
      %logistic3A_173 = arith.constant 1.000000e+00 : f32
      %logistic3A_174 = vector.broadcast %logistic3A_173 : f32 to vector<1x256xf32>
      %logistic3A_175 = arith.addf %logistic3A_174, %logistic3A_172 : vector<1x256xf32>
      %logistic3A_176 = arith.divf %logistic3A_174, %logistic3A_175 : vector<1x256xf32>
      %slice3A_177 = vector.extract_strided_slice %add3A_162 {offsets = [0, 512], sizes = [1, 256], strides = [1, 1]} : vector<1x1024xf32> to vector<1x256xf32>
      %tanh3A_178 = math.tanh %slice3A_177 : vector<1x256xf32>
      %slice3A_179 = vector.extract_strided_slice %add3A_162 {offsets = [0, 768], sizes = [1, 256], strides = [1, 1]} : vector<1x1024xf32> to vector<1x256xf32>
      %logistic3A_180 = arith.negf %slice3A_179 : vector<1x256xf32>
      %logistic3A_181 = math.exp %logistic3A_180 : vector<1x256xf32>
      %logistic3A_182 = arith.constant 1.000000e+00 : f32
      %logistic3A_183 = vector.broadcast %logistic3A_182 : f32 to vector<1x256xf32>
      %logistic3A_184 = arith.addf %logistic3A_183, %logistic3A_181 : vector<1x256xf32>
      %logistic3A_185 = arith.divf %logistic3A_183, %logistic3A_184 : vector<1x256xf32>
      %mul3A_186 = arith.mulf %logistic3A_176, %add3A_148 : vector<1x256xf32>
      %mul3A_187 = arith.mulf %logistic3A_169, %tanh3A_178 : vector<1x256xf32>
      %add3A_188 = arith.addf %mul3A_186, %mul3A_187 : vector<1x256xf32>
      %tanh3A_189 = math.tanh %add3A_188 : vector<1x256xf32>
      %mul3A_190 = arith.mulf %logistic3A_185, %tanh3A_189 : vector<1x256xf32>
      %scan3A_191 = arith.constant 4 : i32
      %scan3A_192 = arith.addi %scan3A_35, %scan3A_191 : i32
      %get3A_193 = arith.index_cast %scan3A_192 : i32 to index
      %get3A_194 = arith.constant 0 : index
      %get3A_195 = vector.load %arg8[%get3A_193, %get3A_194] : memref<1000x1024xf32, #tpu.memory_space<vmem>>, vector<1x1024xf32>
      %get3A_196 = arith.constant 0 : index
      %get3A_197 = arith.constant 0 : index
      %get3A_198 = vector.load %arg3[%get3A_196, %get3A_197] : memref<256x1024xf32, #tpu.memory_space<vmem>>, vector<256x1024xf32>
      %dot_general3A_199 = arith.constant dense<0.000000e+00> : vector<1x1024xf32>
      %dot_general3A_200 = tpu.matmul %mul3A_190, %get3A_198, %dot_general3A_199 {dimension_numbers = #tpu.dot_dimension_numbers<[1], [0], [0], [1], [0, 0, 1, 1], [], []>, transpose_lhs_hint = false} : vector<1x256xf32>, vector<256x1024xf32>, vector<1x1024xf32> -> vector<1x1024xf32>
      %add3A_201 = arith.addf %get3A_195, %dot_general3A_200 : vector<1x1024xf32>
      %add3A_202 = arith.addf %add3A_201, %get3A_12 : vector<1x1024xf32>
      %slice3A_203 = vector.extract_strided_slice %add3A_202 {offsets = [0, 0], sizes = [1, 256], strides = [1, 1]} : vector<1x1024xf32> to vector<1x256xf32>
      %logistic3A_204 = arith.negf %slice3A_203 : vector<1x256xf32>
      %logistic3A_205 = math.exp %logistic3A_204 : vector<1x256xf32>
      %logistic3A_206 = arith.constant 1.000000e+00 : f32
      %logistic3A_207 = vector.broadcast %logistic3A_206 : f32 to vector<1x256xf32>
      %logistic3A_208 = arith.addf %logistic3A_207, %logistic3A_205 : vector<1x256xf32>
      %logistic3A_209 = arith.divf %logistic3A_207, %logistic3A_208 : vector<1x256xf32>
      %slice3A_210 = vector.extract_strided_slice %add3A_202 {offsets = [0, 256], sizes = [1, 256], strides = [1, 1]} : vector<1x1024xf32> to vector<1x256xf32>
      %logistic3A_211 = arith.negf %slice3A_210 : vector<1x256xf32>
      %logistic3A_212 = math.exp %logistic3A_211 : vector<1x256xf32>
      %logistic3A_213 = arith.constant 1.000000e+00 : f32
      %logistic3A_214 = vector.broadcast %logistic3A_213 : f32 to vector<1x256xf32>
      %logistic3A_215 = arith.addf %logistic3A_214, %logistic3A_212 : vector<1x256xf32>
      %logistic3A_216 = arith.divf %logistic3A_214, %logistic3A_215 : vector<1x256xf32>
      %slice3A_217 = vector.extract_strided_slice %add3A_202 {offsets = [0, 512], sizes = [1, 256], strides = [1, 1]} : vector<1x1024xf32> to vector<1x256xf32>
      %tanh3A_218 = math.tanh %slice3A_217 : vector<1x256xf32>
      %slice3A_219 = vector.extract_strided_slice %add3A_202 {offsets = [0, 768], sizes = [1, 256], strides = [1, 1]} : vector<1x1024xf32> to vector<1x256xf32>
      %logistic3A_220 = arith.negf %slice3A_219 : vector<1x256xf32>
      %logistic3A_221 = math.exp %logistic3A_220 : vector<1x256xf32>
      %logistic3A_222 = arith.constant 1.000000e+00 : f32
      %logistic3A_223 = vector.broadcast %logistic3A_222 : f32 to vector<1x256xf32>
      %logistic3A_224 = arith.addf %logistic3A_223, %logistic3A_221 : vector<1x256xf32>
      %logistic3A_225 = arith.divf %logistic3A_223, %logistic3A_224 : vector<1x256xf32>
      %mul3A_226 = arith.mulf %logistic3A_216, %add3A_188 : vector<1x256xf32>
      %mul3A_227 = arith.mulf %logistic3A_209, %tanh3A_218 : vector<1x256xf32>
      %add3A_228 = arith.addf %mul3A_226, %mul3A_227 : vector<1x256xf32>
      %tanh3A_229 = math.tanh %add3A_228 : vector<1x256xf32>
      %mul3A_230 = arith.mulf %logistic3A_225, %tanh3A_229 : vector<1x256xf32>
      %scan3A_231 = arith.constant 5 : i32
      %scan3A_232 = arith.addi %scan3A_35, %scan3A_231 : i32
      %get3A_233 = arith.index_cast %scan3A_232 : i32 to index
      %get3A_234 = arith.constant 0 : index
      %get3A_235 = vector.load %arg8[%get3A_233, %get3A_234] : memref<1000x1024xf32, #tpu.memory_space<vmem>>, vector<1x1024xf32>
      %get3A_236 = arith.constant 0 : index
      %get3A_237 = arith.constant 0 : index
      %get3A_238 = vector.load %arg3[%get3A_236, %get3A_237] : memref<256x1024xf32, #tpu.memory_space<vmem>>, vector<256x1024xf32>
      %dot_general3A_239 = arith.constant dense<0.000000e+00> : vector<1x1024xf32>
      %dot_general3A_240 = tpu.matmul %mul3A_230, %get3A_238, %dot_general3A_239 {dimension_numbers = #tpu.dot_dimension_numbers<[1], [0], [0], [1], [0, 0, 1, 1], [], []>, transpose_lhs_hint = false} : vector<1x256xf32>, vector<256x1024xf32>, vector<1x1024xf32> -> vector<1x1024xf32>
      %add3A_241 = arith.addf %get3A_235, %dot_general3A_240 : vector<1x1024xf32>
      %add3A_242 = arith.addf %add3A_241, %get3A_12 : vector<1x1024xf32>
      %slice3A_243 = vector.extract_strided_slice %add3A_242 {offsets = [0, 0], sizes = [1, 256], strides = [1, 1]} : vector<1x1024xf32> to vector<1x256xf32>
      %logistic3A_244 = arith.negf %slice3A_243 : vector<1x256xf32>
      %logistic3A_245 = math.exp %logistic3A_244 : vector<1x256xf32>
      %logistic3A_246 = arith.constant 1.000000e+00 : f32
      %logistic3A_247 = vector.broadcast %logistic3A_246 : f32 to vector<1x256xf32>
      %logistic3A_248 = arith.addf %logistic3A_247, %logistic3A_245 : vector<1x256xf32>
      %logistic3A_249 = arith.divf %logistic3A_247, %logistic3A_248 : vector<1x256xf32>
      %slice3A_250 = vector.extract_strided_slice %add3A_242 {offsets = [0, 256], sizes = [1, 256], strides = [1, 1]} : vector<1x1024xf32> to vector<1x256xf32>
      %logistic3A_251 = arith.negf %slice3A_250 : vector<1x256xf32>
      %logistic3A_252 = math.exp %logistic3A_251 : vector<1x256xf32>
      %logistic3A_253 = arith.constant 1.000000e+00 : f32
      %logistic3A_254 = vector.broadcast %logistic3A_253 : f32 to vector<1x256xf32>
      %logistic3A_255 = arith.addf %logistic3A_254, %logistic3A_252 : vector<1x256xf32>
      %logistic3A_256 = arith.divf %logistic3A_254, %logistic3A_255 : vector<1x256xf32>
      %slice3A_257 = vector.extract_strided_slice %add3A_242 {offsets = [0, 512], sizes = [1, 256], strides = [1, 1]} : vector<1x1024xf32> to vector<1x256xf32>
      %tanh3A_258 = math.tanh %slice3A_257 : vector<1x256xf32>
      %slice3A_259 = vector.extract_strided_slice %add3A_242 {offsets = [0, 768], sizes = [1, 256], strides = [1, 1]} : vector<1x1024xf32> to vector<1x256xf32>
      %logistic3A_260 = arith.negf %slice3A_259 : vector<1x256xf32>
      %logistic3A_261 = math.exp %logistic3A_260 : vector<1x256xf32>
      %logistic3A_262 = arith.constant 1.000000e+00 : f32
      %logistic3A_263 = vector.broadcast %logistic3A_262 : f32 to vector<1x256xf32>
      %logistic3A_264 = arith.addf %logistic3A_263, %logistic3A_261 : vector<1x256xf32>
      %logistic3A_265 = arith.divf %logistic3A_263, %logistic3A_264 : vector<1x256xf32>
      %mul3A_266 = arith.mulf %logistic3A_256, %add3A_228 : vector<1x256xf32>
      %mul3A_267 = arith.mulf %logistic3A_249, %tanh3A_258 : vector<1x256xf32>
      %add3A_268 = arith.addf %mul3A_266, %mul3A_267 : vector<1x256xf32>
      %tanh3A_269 = math.tanh %add3A_268 : vector<1x256xf32>
      %mul3A_270 = arith.mulf %logistic3A_265, %tanh3A_269 : vector<1x256xf32>
      %scan3A_271 = arith.constant 6 : i32
      %scan3A_272 = arith.addi %scan3A_35, %scan3A_271 : i32
      %get3A_273 = arith.index_cast %scan3A_272 : i32 to index
      %get3A_274 = arith.constant 0 : index
      %get3A_275 = vector.load %arg8[%get3A_273, %get3A_274] : memref<1000x1024xf32, #tpu.memory_space<vmem>>, vector<1x1024xf32>
      %get3A_276 = arith.constant 0 : index
      %get3A_277 = arith.constant 0 : index
      %get3A_278 = vector.load %arg3[%get3A_276, %get3A_277] : memref<256x1024xf32, #tpu.memory_space<vmem>>, vector<256x1024xf32>
      %dot_general3A_279 = arith.constant dense<0.000000e+00> : vector<1x1024xf32>
      %dot_general3A_280 = tpu.matmul %mul3A_270, %get3A_278, %dot_general3A_279 {dimension_numbers = #tpu.dot_dimension_numbers<[1], [0], [0], [1], [0, 0, 1, 1], [], []>, transpose_lhs_hint = false} : vector<1x256xf32>, vector<256x1024xf32>, vector<1x1024xf32> -> vector<1x1024xf32>
      %add3A_281 = arith.addf %get3A_275, %dot_general3A_280 : vector<1x1024xf32>
      %add3A_282 = arith.addf %add3A_281, %get3A_12 : vector<1x1024xf32>
      %slice3A_283 = vector.extract_strided_slice %add3A_282 {offsets = [0, 0], sizes = [1, 256], strides = [1, 1]} : vector<1x1024xf32> to vector<1x256xf32>
      %logistic3A_284 = arith.negf %slice3A_283 : vector<1x256xf32>
      %logistic3A_285 = math.exp %logistic3A_284 : vector<1x256xf32>
      %logistic3A_286 = arith.constant 1.000000e+00 : f32
      %logistic3A_287 = vector.broadcast %logistic3A_286 : f32 to vector<1x256xf32>
      %logistic3A_288 = arith.addf %logistic3A_287, %logistic3A_285 : vector<1x256xf32>
      %logistic3A_289 = arith.divf %logistic3A_287, %logistic3A_288 : vector<1x256xf32>
      %slice3A_290 = vector.extract_strided_slice %add3A_282 {offsets = [0, 256], sizes = [1, 256], strides = [1, 1]} : vector<1x1024xf32> to vector<1x256xf32>
      %logistic3A_291 = arith.negf %slice3A_290 : vector<1x256xf32>
      %logistic3A_292 = math.exp %logistic3A_291 : vector<1x256xf32>
      %logistic3A_293 = arith.constant 1.000000e+00 : f32
      %logistic3A_294 = vector.broadcast %logistic3A_293 : f32 to vector<1x256xf32>
      %logistic3A_295 = arith.addf %logistic3A_294, %logistic3A_292 : vector<1x256xf32>
      %logistic3A_296 = arith.divf %logistic3A_294, %logistic3A_295 : vector<1x256xf32>
      %slice3A_297 = vector.extract_strided_slice %add3A_282 {offsets = [0, 512], sizes = [1, 256], strides = [1, 1]} : vector<1x1024xf32> to vector<1x256xf32>
      %tanh3A_298 = math.tanh %slice3A_297 : vector<1x256xf32>
      %slice3A_299 = vector.extract_strided_slice %add3A_282 {offsets = [0, 768], sizes = [1, 256], strides = [1, 1]} : vector<1x1024xf32> to vector<1x256xf32>
      %logistic3A_300 = arith.negf %slice3A_299 : vector<1x256xf32>
      %logistic3A_301 = math.exp %logistic3A_300 : vector<1x256xf32>
      %logistic3A_302 = arith.constant 1.000000e+00 : f32
      %logistic3A_303 = vector.broadcast %logistic3A_302 : f32 to vector<1x256xf32>
      %logistic3A_304 = arith.addf %logistic3A_303, %logistic3A_301 : vector<1x256xf32>
      %logistic3A_305 = arith.divf %logistic3A_303, %logistic3A_304 : vector<1x256xf32>
      %mul3A_306 = arith.mulf %logistic3A_296, %add3A_268 : vector<1x256xf32>
      %mul3A_307 = arith.mulf %logistic3A_289, %tanh3A_298 : vector<1x256xf32>
      %add3A_308 = arith.addf %mul3A_306, %mul3A_307 : vector<1x256xf32>
      %tanh3A_309 = math.tanh %add3A_308 : vector<1x256xf32>
      %mul3A_310 = arith.mulf %logistic3A_305, %tanh3A_309 : vector<1x256xf32>
      %scan3A_311 = arith.constant 7 : i32
      %scan3A_312 = arith.addi %scan3A_35, %scan3A_311 : i32
      %get3A_313 = arith.index_cast %scan3A_312 : i32 to index
      %get3A_314 = arith.constant 0 : index
      %get3A_315 = vector.load %arg8[%get3A_313, %get3A_314] : memref<1000x1024xf32, #tpu.memory_space<vmem>>, vector<1x1024xf32>
      %get3A_316 = arith.constant 0 : index
      %get3A_317 = arith.constant 0 : index
      %get3A_318 = vector.load %arg3[%get3A_316, %get3A_317] : memref<256x1024xf32, #tpu.memory_space<vmem>>, vector<256x1024xf32>
      %dot_general3A_319 = arith.constant dense<0.000000e+00> : vector<1x1024xf32>
      %dot_general3A_320 = tpu.matmul %mul3A_310, %get3A_318, %dot_general3A_319 {dimension_numbers = #tpu.dot_dimension_numbers<[1], [0], [0], [1], [0, 0, 1, 1], [], []>, transpose_lhs_hint = false} : vector<1x256xf32>, vector<256x1024xf32>, vector<1x1024xf32> -> vector<1x1024xf32>
      %add3A_321 = arith.addf %get3A_315, %dot_general3A_320 : vector<1x1024xf32>
      %add3A_322 = arith.addf %add3A_321, %get3A_12 : vector<1x1024xf32>
      %slice3A_323 = vector.extract_strided_slice %add3A_322 {offsets = [0, 0], sizes = [1, 256], strides = [1, 1]} : vector<1x1024xf32> to vector<1x256xf32>
      %logistic3A_324 = arith.negf %slice3A_323 : vector<1x256xf32>
      %logistic3A_325 = math.exp %logistic3A_324 : vector<1x256xf32>
      %logistic3A_326 = arith.constant 1.000000e+00 : f32
      %logistic3A_327 = vector.broadcast %logistic3A_326 : f32 to vector<1x256xf32>
      %logistic3A_328 = arith.addf %logistic3A_327, %logistic3A_325 : vector<1x256xf32>
      %logistic3A_329 = arith.divf %logistic3A_327, %logistic3A_328 : vector<1x256xf32>
      %slice3A_330 = vector.extract_strided_slice %add3A_322 {offsets = [0, 256], sizes = [1, 256], strides = [1, 1]} : vector<1x1024xf32> to vector<1x256xf32>
      %logistic3A_331 = arith.negf %slice3A_330 : vector<1x256xf32>
      %logistic3A_332 = math.exp %logistic3A_331 : vector<1x256xf32>
      %logistic3A_333 = arith.constant 1.000000e+00 : f32
      %logistic3A_334 = vector.broadcast %logistic3A_333 : f32 to vector<1x256xf32>
      %logistic3A_335 = arith.addf %logistic3A_334, %logistic3A_332 : vector<1x256xf32>
      %logistic3A_336 = arith.divf %logistic3A_334, %logistic3A_335 : vector<1x256xf32>
      %slice3A_337 = vector.extract_strided_slice %add3A_322 {offsets = [0, 512], sizes = [1, 256], strides = [1, 1]} : vector<1x1024xf32> to vector<1x256xf32>
      %tanh3A_338 = math.tanh %slice3A_337 : vector<1x256xf32>
      %slice3A_339 = vector.extract_strided_slice %add3A_322 {offsets = [0, 768], sizes = [1, 256], strides = [1, 1]} : vector<1x1024xf32> to vector<1x256xf32>
      %logistic3A_340 = arith.negf %slice3A_339 : vector<1x256xf32>
      %logistic3A_341 = math.exp %logistic3A_340 : vector<1x256xf32>
      %logistic3A_342 = arith.constant 1.000000e+00 : f32
      %logistic3A_343 = vector.broadcast %logistic3A_342 : f32 to vector<1x256xf32>
      %logistic3A_344 = arith.addf %logistic3A_343, %logistic3A_341 : vector<1x256xf32>
      %logistic3A_345 = arith.divf %logistic3A_343, %logistic3A_344 : vector<1x256xf32>
      %mul3A_346 = arith.mulf %logistic3A_336, %add3A_308 : vector<1x256xf32>
      %mul3A_347 = arith.mulf %logistic3A_329, %tanh3A_338 : vector<1x256xf32>
      %add3A_348 = arith.addf %mul3A_346, %mul3A_347 : vector<1x256xf32>
      %tanh3A_349 = math.tanh %add3A_348 : vector<1x256xf32>
      %mul3A_350 = arith.mulf %logistic3A_345, %tanh3A_349 : vector<1x256xf32>
      %scan3A_351 = arith.constant 8 : i32
      %scan3A_352 = arith.addi %scan3A_35, %scan3A_351 : i32
      %get3A_353 = arith.index_cast %scan3A_352 : i32 to index
      %get3A_354 = arith.constant 0 : index
      %get3A_355 = vector.load %arg8[%get3A_353, %get3A_354] : memref<1000x1024xf32, #tpu.memory_space<vmem>>, vector<1x1024xf32>
      %get3A_356 = arith.constant 0 : index
      %get3A_357 = arith.constant 0 : index
      %get3A_358 = vector.load %arg3[%get3A_356, %get3A_357] : memref<256x1024xf32, #tpu.memory_space<vmem>>, vector<256x1024xf32>
      %dot_general3A_359 = arith.constant dense<0.000000e+00> : vector<1x1024xf32>
      %dot_general3A_360 = tpu.matmul %mul3A_350, %get3A_358, %dot_general3A_359 {dimension_numbers = #tpu.dot_dimension_numbers<[1], [0], [0], [1], [0, 0, 1, 1], [], []>, transpose_lhs_hint = false} : vector<1x256xf32>, vector<256x1024xf32>, vector<1x1024xf32> -> vector<1x1024xf32>
      %add3A_361 = arith.addf %get3A_355, %dot_general3A_360 : vector<1x1024xf32>
      %add3A_362 = arith.addf %add3A_361, %get3A_12 : vector<1x1024xf32>
      %slice3A_363 = vector.extract_strided_slice %add3A_362 {offsets = [0, 0], sizes = [1, 256], strides = [1, 1]} : vector<1x1024xf32> to vector<1x256xf32>
      %logistic3A_364 = arith.negf %slice3A_363 : vector<1x256xf32>
      %logistic3A_365 = math.exp %logistic3A_364 : vector<1x256xf32>
      %logistic3A_366 = arith.constant 1.000000e+00 : f32
      %logistic3A_367 = vector.broadcast %logistic3A_366 : f32 to vector<1x256xf32>
      %logistic3A_368 = arith.addf %logistic3A_367, %logistic3A_365 : vector<1x256xf32>
      %logistic3A_369 = arith.divf %logistic3A_367, %logistic3A_368 : vector<1x256xf32>
      %slice3A_370 = vector.extract_strided_slice %add3A_362 {offsets = [0, 256], sizes = [1, 256], strides = [1, 1]} : vector<1x1024xf32> to vector<1x256xf32>
      %logistic3A_371 = arith.negf %slice3A_370 : vector<1x256xf32>
      %logistic3A_372 = math.exp %logistic3A_371 : vector<1x256xf32>
      %logistic3A_373 = arith.constant 1.000000e+00 : f32
      %logistic3A_374 = vector.broadcast %logistic3A_373 : f32 to vector<1x256xf32>
      %logistic3A_375 = arith.addf %logistic3A_374, %logistic3A_372 : vector<1x256xf32>
      %logistic3A_376 = arith.divf %logistic3A_374, %logistic3A_375 : vector<1x256xf32>
      %slice3A_377 = vector.extract_strided_slice %add3A_362 {offsets = [0, 512], sizes = [1, 256], strides = [1, 1]} : vector<1x1024xf32> to vector<1x256xf32>
      %tanh3A_378 = math.tanh %slice3A_377 : vector<1x256xf32>
      %slice3A_379 = vector.extract_strided_slice %add3A_362 {offsets = [0, 768], sizes = [1, 256], strides = [1, 1]} : vector<1x1024xf32> to vector<1x256xf32>
      %logistic3A_380 = arith.negf %slice3A_379 : vector<1x256xf32>
      %logistic3A_381 = math.exp %logistic3A_380 : vector<1x256xf32>
      %logistic3A_382 = arith.constant 1.000000e+00 : f32
      %logistic3A_383 = vector.broadcast %logistic3A_382 : f32 to vector<1x256xf32>
      %logistic3A_384 = arith.addf %logistic3A_383, %logistic3A_381 : vector<1x256xf32>
      %logistic3A_385 = arith.divf %logistic3A_383, %logistic3A_384 : vector<1x256xf32>
      %mul3A_386 = arith.mulf %logistic3A_376, %add3A_348 : vector<1x256xf32>
      %mul3A_387 = arith.mulf %logistic3A_369, %tanh3A_378 : vector<1x256xf32>
      %add3A_388 = arith.addf %mul3A_386, %mul3A_387 : vector<1x256xf32>
      %tanh3A_389 = math.tanh %add3A_388 : vector<1x256xf32>
      %mul3A_390 = arith.mulf %logistic3A_385, %tanh3A_389 : vector<1x256xf32>
      %scan3A_391 = arith.constant 9 : i32
      %scan3A_392 = arith.addi %scan3A_35, %scan3A_391 : i32
      %get3A_393 = arith.index_cast %scan3A_392 : i32 to index
      %get3A_394 = arith.constant 0 : index
      %get3A_395 = vector.load %arg8[%get3A_393, %get3A_394] : memref<1000x1024xf32, #tpu.memory_space<vmem>>, vector<1x1024xf32>
      %get3A_396 = arith.constant 0 : index
      %get3A_397 = arith.constant 0 : index
      %get3A_398 = vector.load %arg3[%get3A_396, %get3A_397] : memref<256x1024xf32, #tpu.memory_space<vmem>>, vector<256x1024xf32>
      %dot_general3A_399 = arith.constant dense<0.000000e+00> : vector<1x1024xf32>
      %dot_general3A_400 = tpu.matmul %mul3A_390, %get3A_398, %dot_general3A_399 {dimension_numbers = #tpu.dot_dimension_numbers<[1], [0], [0], [1], [0, 0, 1, 1], [], []>, transpose_lhs_hint = false} : vector<1x256xf32>, vector<256x1024xf32>, vector<1x1024xf32> -> vector<1x1024xf32>
      %add3A_401 = arith.addf %get3A_395, %dot_general3A_400 : vector<1x1024xf32>
      %add3A_402 = arith.addf %add3A_401, %get3A_12 : vector<1x1024xf32>
      %slice3A_403 = vector.extract_strided_slice %add3A_402 {offsets = [0, 0], sizes = [1, 256], strides = [1, 1]} : vector<1x1024xf32> to vector<1x256xf32>
      %logistic3A_404 = arith.negf %slice3A_403 : vector<1x256xf32>
      %logistic3A_405 = math.exp %logistic3A_404 : vector<1x256xf32>
      %logistic3A_406 = arith.constant 1.000000e+00 : f32
      %logistic3A_407 = vector.broadcast %logistic3A_406 : f32 to vector<1x256xf32>
      %logistic3A_408 = arith.addf %logistic3A_407, %logistic3A_405 : vector<1x256xf32>
      %logistic3A_409 = arith.divf %logistic3A_407, %logistic3A_408 : vector<1x256xf32>
      %slice3A_410 = vector.extract_strided_slice %add3A_402 {offsets = [0, 256], sizes = [1, 256], strides = [1, 1]} : vector<1x1024xf32> to vector<1x256xf32>
      %logistic3A_411 = arith.negf %slice3A_410 : vector<1x256xf32>
      %logistic3A_412 = math.exp %logistic3A_411 : vector<1x256xf32>
      %logistic3A_413 = arith.constant 1.000000e+00 : f32
      %logistic3A_414 = vector.broadcast %logistic3A_413 : f32 to vector<1x256xf32>
      %logistic3A_415 = arith.addf %logistic3A_414, %logistic3A_412 : vector<1x256xf32>
      %logistic3A_416 = arith.divf %logistic3A_414, %logistic3A_415 : vector<1x256xf32>
      %slice3A_417 = vector.extract_strided_slice %add3A_402 {offsets = [0, 512], sizes = [1, 256], strides = [1, 1]} : vector<1x1024xf32> to vector<1x256xf32>
      %tanh3A_418 = math.tanh %slice3A_417 : vector<1x256xf32>
      %slice3A_419 = vector.extract_strided_slice %add3A_402 {offsets = [0, 768], sizes = [1, 256], strides = [1, 1]} : vector<1x1024xf32> to vector<1x256xf32>
      %logistic3A_420 = arith.negf %slice3A_419 : vector<1x256xf32>
      %logistic3A_421 = math.exp %logistic3A_420 : vector<1x256xf32>
      %logistic3A_422 = arith.constant 1.000000e+00 : f32
      %logistic3A_423 = vector.broadcast %logistic3A_422 : f32 to vector<1x256xf32>
      %logistic3A_424 = arith.addf %logistic3A_423, %logistic3A_421 : vector<1x256xf32>
      %logistic3A_425 = arith.divf %logistic3A_423, %logistic3A_424 : vector<1x256xf32>
      %mul3A_426 = arith.mulf %logistic3A_416, %add3A_388 : vector<1x256xf32>
      %mul3A_427 = arith.mulf %logistic3A_409, %tanh3A_418 : vector<1x256xf32>
      %add3A_428 = arith.addf %mul3A_426, %mul3A_427 : vector<1x256xf32>
      %tanh3A_429 = math.tanh %add3A_428 : vector<1x256xf32>
      %mul3A_430 = arith.mulf %logistic3A_425, %tanh3A_429 : vector<1x256xf32>
      %scan3A_431 = arith.constant 10 : i32
      %scan3A_432 = arith.addi %scan3A_35, %scan3A_431 : i32
      %get3A_433 = arith.index_cast %scan3A_432 : i32 to index
      %get3A_434 = arith.constant 0 : index
      %get3A_435 = vector.load %arg8[%get3A_433, %get3A_434] : memref<1000x1024xf32, #tpu.memory_space<vmem>>, vector<1x1024xf32>
      %get3A_436 = arith.constant 0 : index
      %get3A_437 = arith.constant 0 : index
      %get3A_438 = vector.load %arg3[%get3A_436, %get3A_437] : memref<256x1024xf32, #tpu.memory_space<vmem>>, vector<256x1024xf32>
      %dot_general3A_439 = arith.constant dense<0.000000e+00> : vector<1x1024xf32>
      %dot_general3A_440 = tpu.matmul %mul3A_430, %get3A_438, %dot_general3A_439 {dimension_numbers = #tpu.dot_dimension_numbers<[1], [0], [0], [1], [0, 0, 1, 1], [], []>, transpose_lhs_hint = false} : vector<1x256xf32>, vector<256x1024xf32>, vector<1x1024xf32> -> vector<1x1024xf32>
      %add3A_441 = arith.addf %get3A_435, %dot_general3A_440 : vector<1x1024xf32>
      %add3A_442 = arith.addf %add3A_441, %get3A_12 : vector<1x1024xf32>
      %slice3A_443 = vector.extract_strided_slice %add3A_442 {offsets = [0, 0], sizes = [1, 256], strides = [1, 1]} : vector<1x1024xf32> to vector<1x256xf32>
      %logistic3A_444 = arith.negf %slice3A_443 : vector<1x256xf32>
      %logistic3A_445 = math.exp %logistic3A_444 : vector<1x256xf32>
      %logistic3A_446 = arith.constant 1.000000e+00 : f32
      %logistic3A_447 = vector.broadcast %logistic3A_446 : f32 to vector<1x256xf32>
      %logistic3A_448 = arith.addf %logistic3A_447, %logistic3A_445 : vector<1x256xf32>
      %logistic3A_449 = arith.divf %logistic3A_447, %logistic3A_448 : vector<1x256xf32>
      %slice3A_450 = vector.extract_strided_slice %add3A_442 {offsets = [0, 256], sizes = [1, 256], strides = [1, 1]} : vector<1x1024xf32> to vector<1x256xf32>
      %logistic3A_451 = arith.negf %slice3A_450 : vector<1x256xf32>
      %logistic3A_452 = math.exp %logistic3A_451 : vector<1x256xf32>
      %logistic3A_453 = arith.constant 1.000000e+00 : f32
      %logistic3A_454 = vector.broadcast %logistic3A_453 : f32 to vector<1x256xf32>
      %logistic3A_455 = arith.addf %logistic3A_454, %logistic3A_452 : vector<1x256xf32>
      %logistic3A_456 = arith.divf %logistic3A_454, %logistic3A_455 : vector<1x256xf32>
      %slice3A_457 = vector.extract_strided_slice %add3A_442 {offsets = [0, 512], sizes = [1, 256], strides = [1, 1]} : vector<1x1024xf32> to vector<1x256xf32>
      %tanh3A_458 = math.tanh %slice3A_457 : vector<1x256xf32>
      %slice3A_459 = vector.extract_strided_slice %add3A_442 {offsets = [0, 768], sizes = [1, 256], strides = [1, 1]} : vector<1x1024xf32> to vector<1x256xf32>
      %logistic3A_460 = arith.negf %slice3A_459 : vector<1x256xf32>
      %logistic3A_461 = math.exp %logistic3A_460 : vector<1x256xf32>
      %logistic3A_462 = arith.constant 1.000000e+00 : f32
      %logistic3A_463 = vector.broadcast %logistic3A_462 : f32 to vector<1x256xf32>
      %logistic3A_464 = arith.addf %logistic3A_463, %logistic3A_461 : vector<1x256xf32>
      %logistic3A_465 = arith.divf %logistic3A_463, %logistic3A_464 : vector<1x256xf32>
      %mul3A_466 = arith.mulf %logistic3A_456, %add3A_428 : vector<1x256xf32>
      %mul3A_467 = arith.mulf %logistic3A_449, %tanh3A_458 : vector<1x256xf32>
      %add3A_468 = arith.addf %mul3A_466, %mul3A_467 : vector<1x256xf32>
      %tanh3A_469 = math.tanh %add3A_468 : vector<1x256xf32>
      %mul3A_470 = arith.mulf %logistic3A_465, %tanh3A_469 : vector<1x256xf32>
      %scan3A_471 = arith.constant 11 : i32
      %scan3A_472 = arith.addi %scan3A_35, %scan3A_471 : i32
      %get3A_473 = arith.index_cast %scan3A_472 : i32 to index
      %get3A_474 = arith.constant 0 : index
      %get3A_475 = vector.load %arg8[%get3A_473, %get3A_474] : memref<1000x1024xf32, #tpu.memory_space<vmem>>, vector<1x1024xf32>
      %get3A_476 = arith.constant 0 : index
      %get3A_477 = arith.constant 0 : index
      %get3A_478 = vector.load %arg3[%get3A_476, %get3A_477] : memref<256x1024xf32, #tpu.memory_space<vmem>>, vector<256x1024xf32>
      %dot_general3A_479 = arith.constant dense<0.000000e+00> : vector<1x1024xf32>
      %dot_general3A_480 = tpu.matmul %mul3A_470, %get3A_478, %dot_general3A_479 {dimension_numbers = #tpu.dot_dimension_numbers<[1], [0], [0], [1], [0, 0, 1, 1], [], []>, transpose_lhs_hint = false} : vector<1x256xf32>, vector<256x1024xf32>, vector<1x1024xf32> -> vector<1x1024xf32>
      %add3A_481 = arith.addf %get3A_475, %dot_general3A_480 : vector<1x1024xf32>
      %add3A_482 = arith.addf %add3A_481, %get3A_12 : vector<1x1024xf32>
      %slice3A_483 = vector.extract_strided_slice %add3A_482 {offsets = [0, 0], sizes = [1, 256], strides = [1, 1]} : vector<1x1024xf32> to vector<1x256xf32>
      %logistic3A_484 = arith.negf %slice3A_483 : vector<1x256xf32>
      %logistic3A_485 = math.exp %logistic3A_484 : vector<1x256xf32>
      %logistic3A_486 = arith.constant 1.000000e+00 : f32
      %logistic3A_487 = vector.broadcast %logistic3A_486 : f32 to vector<1x256xf32>
      %logistic3A_488 = arith.addf %logistic3A_487, %logistic3A_485 : vector<1x256xf32>
      %logistic3A_489 = arith.divf %logistic3A_487, %logistic3A_488 : vector<1x256xf32>
      %slice3A_490 = vector.extract_strided_slice %add3A_482 {offsets = [0, 256], sizes = [1, 256], strides = [1, 1]} : vector<1x1024xf32> to vector<1x256xf32>
      %logistic3A_491 = arith.negf %slice3A_490 : vector<1x256xf32>
      %logistic3A_492 = math.exp %logistic3A_491 : vector<1x256xf32>
      %logistic3A_493 = arith.constant 1.000000e+00 : f32
      %logistic3A_494 = vector.broadcast %logistic3A_493 : f32 to vector<1x256xf32>
      %logistic3A_495 = arith.addf %logistic3A_494, %logistic3A_492 : vector<1x256xf32>
      %logistic3A_496 = arith.divf %logistic3A_494, %logistic3A_495 : vector<1x256xf32>
      %slice3A_497 = vector.extract_strided_slice %add3A_482 {offsets = [0, 512], sizes = [1, 256], strides = [1, 1]} : vector<1x1024xf32> to vector<1x256xf32>
      %tanh3A_498 = math.tanh %slice3A_497 : vector<1x256xf32>
      %slice3A_499 = vector.extract_strided_slice %add3A_482 {offsets = [0, 768], sizes = [1, 256], strides = [1, 1]} : vector<1x1024xf32> to vector<1x256xf32>
      %logistic3A_500 = arith.negf %slice3A_499 : vector<1x256xf32>
      %logistic3A_501 = math.exp %logistic3A_500 : vector<1x256xf32>
      %logistic3A_502 = arith.constant 1.000000e+00 : f32
      %logistic3A_503 = vector.broadcast %logistic3A_502 : f32 to vector<1x256xf32>
      %logistic3A_504 = arith.addf %logistic3A_503, %logistic3A_501 : vector<1x256xf32>
      %logistic3A_505 = arith.divf %logistic3A_503, %logistic3A_504 : vector<1x256xf32>
      %mul3A_506 = arith.mulf %logistic3A_496, %add3A_468 : vector<1x256xf32>
      %mul3A_507 = arith.mulf %logistic3A_489, %tanh3A_498 : vector<1x256xf32>
      %add3A_508 = arith.addf %mul3A_506, %mul3A_507 : vector<1x256xf32>
      %tanh3A_509 = math.tanh %add3A_508 : vector<1x256xf32>
      %mul3A_510 = arith.mulf %logistic3A_505, %tanh3A_509 : vector<1x256xf32>
      %scan3A_511 = arith.constant 12 : i32
      %scan3A_512 = arith.addi %scan3A_35, %scan3A_511 : i32
      %get3A_513 = arith.index_cast %scan3A_512 : i32 to index
      %get3A_514 = arith.constant 0 : index
      %get3A_515 = vector.load %arg8[%get3A_513, %get3A_514] : memref<1000x1024xf32, #tpu.memory_space<vmem>>, vector<1x1024xf32>
      %get3A_516 = arith.constant 0 : index
      %get3A_517 = arith.constant 0 : index
      %get3A_518 = vector.load %arg3[%get3A_516, %get3A_517] : memref<256x1024xf32, #tpu.memory_space<vmem>>, vector<256x1024xf32>
      %dot_general3A_519 = arith.constant dense<0.000000e+00> : vector<1x1024xf32>
      %dot_general3A_520 = tpu.matmul %mul3A_510, %get3A_518, %dot_general3A_519 {dimension_numbers = #tpu.dot_dimension_numbers<[1], [0], [0], [1], [0, 0, 1, 1], [], []>, transpose_lhs_hint = false} : vector<1x256xf32>, vector<256x1024xf32>, vector<1x1024xf32> -> vector<1x1024xf32>
      %add3A_521 = arith.addf %get3A_515, %dot_general3A_520 : vector<1x1024xf32>
      %add3A_522 = arith.addf %add3A_521, %get3A_12 : vector<1x1024xf32>
      %slice3A_523 = vector.extract_strided_slice %add3A_522 {offsets = [0, 0], sizes = [1, 256], strides = [1, 1]} : vector<1x1024xf32> to vector<1x256xf32>
      %logistic3A_524 = arith.negf %slice3A_523 : vector<1x256xf32>
      %logistic3A_525 = math.exp %logistic3A_524 : vector<1x256xf32>
      %logistic3A_526 = arith.constant 1.000000e+00 : f32
      %logistic3A_527 = vector.broadcast %logistic3A_526 : f32 to vector<1x256xf32>
      %logistic3A_528 = arith.addf %logistic3A_527, %logistic3A_525 : vector<1x256xf32>
      %logistic3A_529 = arith.divf %logistic3A_527, %logistic3A_528 : vector<1x256xf32>
      %slice3A_530 = vector.extract_strided_slice %add3A_522 {offsets = [0, 256], sizes = [1, 256], strides = [1, 1]} : vector<1x1024xf32> to vector<1x256xf32>
      %logistic3A_531 = arith.negf %slice3A_530 : vector<1x256xf32>
      %logistic3A_532 = math.exp %logistic3A_531 : vector<1x256xf32>
      %logistic3A_533 = arith.constant 1.000000e+00 : f32
      %logistic3A_534 = vector.broadcast %logistic3A_533 : f32 to vector<1x256xf32>
      %logistic3A_535 = arith.addf %logistic3A_534, %logistic3A_532 : vector<1x256xf32>
      %logistic3A_536 = arith.divf %logistic3A_534, %logistic3A_535 : vector<1x256xf32>
      %slice3A_537 = vector.extract_strided_slice %add3A_522 {offsets = [0, 512], sizes = [1, 256], strides = [1, 1]} : vector<1x1024xf32> to vector<1x256xf32>
      %tanh3A_538 = math.tanh %slice3A_537 : vector<1x256xf32>
      %slice3A_539 = vector.extract_strided_slice %add3A_522 {offsets = [0, 768], sizes = [1, 256], strides = [1, 1]} : vector<1x1024xf32> to vector<1x256xf32>
      %logistic3A_540 = arith.negf %slice3A_539 : vector<1x256xf32>
      %logistic3A_541 = math.exp %logistic3A_540 : vector<1x256xf32>
      %logistic3A_542 = arith.constant 1.000000e+00 : f32
      %logistic3A_543 = vector.broadcast %logistic3A_542 : f32 to vector<1x256xf32>
      %logistic3A_544 = arith.addf %logistic3A_543, %logistic3A_541 : vector<1x256xf32>
      %logistic3A_545 = arith.divf %logistic3A_543, %logistic3A_544 : vector<1x256xf32>
      %mul3A_546 = arith.mulf %logistic3A_536, %add3A_508 : vector<1x256xf32>
      %mul3A_547 = arith.mulf %logistic3A_529, %tanh3A_538 : vector<1x256xf32>
      %add3A_548 = arith.addf %mul3A_546, %mul3A_547 : vector<1x256xf32>
      %tanh3A_549 = math.tanh %add3A_548 : vector<1x256xf32>
      %mul3A_550 = arith.mulf %logistic3A_545, %tanh3A_549 : vector<1x256xf32>
      %scan3A_551 = arith.constant 13 : i32
      %scan3A_552 = arith.addi %scan3A_35, %scan3A_551 : i32
      %get3A_553 = arith.index_cast %scan3A_552 : i32 to index
      %get3A_554 = arith.constant 0 : index
      %get3A_555 = vector.load %arg8[%get3A_553, %get3A_554] : memref<1000x1024xf32, #tpu.memory_space<vmem>>, vector<1x1024xf32>
      %get3A_556 = arith.constant 0 : index
      %get3A_557 = arith.constant 0 : index
      %get3A_558 = vector.load %arg3[%get3A_556, %get3A_557] : memref<256x1024xf32, #tpu.memory_space<vmem>>, vector<256x1024xf32>
      %dot_general3A_559 = arith.constant dense<0.000000e+00> : vector<1x1024xf32>
      %dot_general3A_560 = tpu.matmul %mul3A_550, %get3A_558, %dot_general3A_559 {dimension_numbers = #tpu.dot_dimension_numbers<[1], [0], [0], [1], [0, 0, 1, 1], [], []>, transpose_lhs_hint = false} : vector<1x256xf32>, vector<256x1024xf32>, vector<1x1024xf32> -> vector<1x1024xf32>
      %add3A_561 = arith.addf %get3A_555, %dot_general3A_560 : vector<1x1024xf32>
      %add3A_562 = arith.addf %add3A_561, %get3A_12 : vector<1x1024xf32>
      %slice3A_563 = vector.extract_strided_slice %add3A_562 {offsets = [0, 0], sizes = [1, 256], strides = [1, 1]} : vector<1x1024xf32> to vector<1x256xf32>
      %logistic3A_564 = arith.negf %slice3A_563 : vector<1x256xf32>
      %logistic3A_565 = math.exp %logistic3A_564 : vector<1x256xf32>
      %logistic3A_566 = arith.constant 1.000000e+00 : f32
      %logistic3A_567 = vector.broadcast %logistic3A_566 : f32 to vector<1x256xf32>
      %logistic3A_568 = arith.addf %logistic3A_567, %logistic3A_565 : vector<1x256xf32>
      %logistic3A_569 = arith.divf %logistic3A_567, %logistic3A_568 : vector<1x256xf32>
      %slice3A_570 = vector.extract_strided_slice %add3A_562 {offsets = [0, 256], sizes = [1, 256], strides = [1, 1]} : vector<1x1024xf32> to vector<1x256xf32>
      %logistic3A_571 = arith.negf %slice3A_570 : vector<1x256xf32>
      %logistic3A_572 = math.exp %logistic3A_571 : vector<1x256xf32>
      %logistic3A_573 = arith.constant 1.000000e+00 : f32
      %logistic3A_574 = vector.broadcast %logistic3A_573 : f32 to vector<1x256xf32>
      %logistic3A_575 = arith.addf %logistic3A_574, %logistic3A_572 : vector<1x256xf32>
      %logistic3A_576 = arith.divf %logistic3A_574, %logistic3A_575 : vector<1x256xf32>
      %slice3A_577 = vector.extract_strided_slice %add3A_562 {offsets = [0, 512], sizes = [1, 256], strides = [1, 1]} : vector<1x1024xf32> to vector<1x256xf32>
      %tanh3A_578 = math.tanh %slice3A_577 : vector<1x256xf32>
      %slice3A_579 = vector.extract_strided_slice %add3A_562 {offsets = [0, 768], sizes = [1, 256], strides = [1, 1]} : vector<1x1024xf32> to vector<1x256xf32>
      %logistic3A_580 = arith.negf %slice3A_579 : vector<1x256xf32>
      %logistic3A_581 = math.exp %logistic3A_580 : vector<1x256xf32>
      %logistic3A_582 = arith.constant 1.000000e+00 : f32
      %logistic3A_583 = vector.broadcast %logistic3A_582 : f32 to vector<1x256xf32>
      %logistic3A_584 = arith.addf %logistic3A_583, %logistic3A_581 : vector<1x256xf32>
      %logistic3A_585 = arith.divf %logistic3A_583, %logistic3A_584 : vector<1x256xf32>
      %mul3A_586 = arith.mulf %logistic3A_576, %add3A_548 : vector<1x256xf32>
      %mul3A_587 = arith.mulf %logistic3A_569, %tanh3A_578 : vector<1x256xf32>
      %add3A_588 = arith.addf %mul3A_586, %mul3A_587 : vector<1x256xf32>
      %tanh3A_589 = math.tanh %add3A_588 : vector<1x256xf32>
      %mul3A_590 = arith.mulf %logistic3A_585, %tanh3A_589 : vector<1x256xf32>
      %scan3A_591 = arith.constant 14 : i32
      %scan3A_592 = arith.addi %scan3A_35, %scan3A_591 : i32
      %get3A_593 = arith.index_cast %scan3A_592 : i32 to index
      %get3A_594 = arith.constant 0 : index
      %get3A_595 = vector.load %arg8[%get3A_593, %get3A_594] : memref<1000x1024xf32, #tpu.memory_space<vmem>>, vector<1x1024xf32>
      %get3A_596 = arith.constant 0 : index
      %get3A_597 = arith.constant 0 : index
      %get3A_598 = vector.load %arg3[%get3A_596, %get3A_597] : memref<256x1024xf32, #tpu.memory_space<vmem>>, vector<256x1024xf32>
      %dot_general3A_599 = arith.constant dense<0.000000e+00> : vector<1x1024xf32>
      %dot_general3A_600 = tpu.matmul %mul3A_590, %get3A_598, %dot_general3A_599 {dimension_numbers = #tpu.dot_dimension_numbers<[1], [0], [0], [1], [0, 0, 1, 1], [], []>, transpose_lhs_hint = false} : vector<1x256xf32>, vector<256x1024xf32>, vector<1x1024xf32> -> vector<1x1024xf32>
      %add3A_601 = arith.addf %get3A_595, %dot_general3A_600 : vector<1x1024xf32>
      %add3A_602 = arith.addf %add3A_601, %get3A_12 : vector<1x1024xf32>
      %slice3A_603 = vector.extract_strided_slice %add3A_602 {offsets = [0, 0], sizes = [1, 256], strides = [1, 1]} : vector<1x1024xf32> to vector<1x256xf32>
      %logistic3A_604 = arith.negf %slice3A_603 : vector<1x256xf32>
      %logistic3A_605 = math.exp %logistic3A_604 : vector<1x256xf32>
      %logistic3A_606 = arith.constant 1.000000e+00 : f32
      %logistic3A_607 = vector.broadcast %logistic3A_606 : f32 to vector<1x256xf32>
      %logistic3A_608 = arith.addf %logistic3A_607, %logistic3A_605 : vector<1x256xf32>
      %logistic3A_609 = arith.divf %logistic3A_607, %logistic3A_608 : vector<1x256xf32>
      %slice3A_610 = vector.extract_strided_slice %add3A_602 {offsets = [0, 256], sizes = [1, 256], strides = [1, 1]} : vector<1x1024xf32> to vector<1x256xf32>
      %logistic3A_611 = arith.negf %slice3A_610 : vector<1x256xf32>
      %logistic3A_612 = math.exp %logistic3A_611 : vector<1x256xf32>
      %logistic3A_613 = arith.constant 1.000000e+00 : f32
      %logistic3A_614 = vector.broadcast %logistic3A_613 : f32 to vector<1x256xf32>
      %logistic3A_615 = arith.addf %logistic3A_614, %logistic3A_612 : vector<1x256xf32>
      %logistic3A_616 = arith.divf %logistic3A_614, %logistic3A_615 : vector<1x256xf32>
      %slice3A_617 = vector.extract_strided_slice %add3A_602 {offsets = [0, 512], sizes = [1, 256], strides = [1, 1]} : vector<1x1024xf32> to vector<1x256xf32>
      %tanh3A_618 = math.tanh %slice3A_617 : vector<1x256xf32>
      %slice3A_619 = vector.extract_strided_slice %add3A_602 {offsets = [0, 768], sizes = [1, 256], strides = [1, 1]} : vector<1x1024xf32> to vector<1x256xf32>
      %logistic3A_620 = arith.negf %slice3A_619 : vector<1x256xf32>
      %logistic3A_621 = math.exp %logistic3A_620 : vector<1x256xf32>
      %logistic3A_622 = arith.constant 1.000000e+00 : f32
      %logistic3A_623 = vector.broadcast %logistic3A_622 : f32 to vector<1x256xf32>
      %logistic3A_624 = arith.addf %logistic3A_623, %logistic3A_621 : vector<1x256xf32>
      %logistic3A_625 = arith.divf %logistic3A_623, %logistic3A_624 : vector<1x256xf32>
      %mul3A_626 = arith.mulf %logistic3A_616, %add3A_588 : vector<1x256xf32>
      %mul3A_627 = arith.mulf %logistic3A_609, %tanh3A_618 : vector<1x256xf32>
      %add3A_628 = arith.addf %mul3A_626, %mul3A_627 : vector<1x256xf32>
      %tanh3A_629 = math.tanh %add3A_628 : vector<1x256xf32>
      %mul3A_630 = arith.mulf %logistic3A_625, %tanh3A_629 : vector<1x256xf32>
      %scan3A_631 = arith.constant 15 : i32
      %scan3A_632 = arith.addi %scan3A_35, %scan3A_631 : i32
      %get3A_633 = arith.index_cast %scan3A_632 : i32 to index
      %get3A_634 = arith.constant 0 : index
      %get3A_635 = vector.load %arg8[%get3A_633, %get3A_634] : memref<1000x1024xf32, #tpu.memory_space<vmem>>, vector<1x1024xf32>
      %get3A_636 = arith.constant 0 : index
      %get3A_637 = arith.constant 0 : index
      %get3A_638 = vector.load %arg3[%get3A_636, %get3A_637] : memref<256x1024xf32, #tpu.memory_space<vmem>>, vector<256x1024xf32>
      %dot_general3A_639 = arith.constant dense<0.000000e+00> : vector<1x1024xf32>
      %dot_general3A_640 = tpu.matmul %mul3A_630, %get3A_638, %dot_general3A_639 {dimension_numbers = #tpu.dot_dimension_numbers<[1], [0], [0], [1], [0, 0, 1, 1], [], []>, transpose_lhs_hint = false} : vector<1x256xf32>, vector<256x1024xf32>, vector<1x1024xf32> -> vector<1x1024xf32>
      %add3A_641 = arith.addf %get3A_635, %dot_general3A_640 : vector<1x1024xf32>
      %add3A_642 = arith.addf %add3A_641, %get3A_12 : vector<1x1024xf32>
      %slice3A_643 = vector.extract_strided_slice %add3A_642 {offsets = [0, 0], sizes = [1, 256], strides = [1, 1]} : vector<1x1024xf32> to vector<1x256xf32>
      %logistic3A_644 = arith.negf %slice3A_643 : vector<1x256xf32>
      %logistic3A_645 = math.exp %logistic3A_644 : vector<1x256xf32>
      %logistic3A_646 = arith.constant 1.000000e+00 : f32
      %logistic3A_647 = vector.broadcast %logistic3A_646 : f32 to vector<1x256xf32>
      %logistic3A_648 = arith.addf %logistic3A_647, %logistic3A_645 : vector<1x256xf32>
      %logistic3A_649 = arith.divf %logistic3A_647, %logistic3A_648 : vector<1x256xf32>
      %slice3A_650 = vector.extract_strided_slice %add3A_642 {offsets = [0, 256], sizes = [1, 256], strides = [1, 1]} : vector<1x1024xf32> to vector<1x256xf32>
      %logistic3A_651 = arith.negf %slice3A_650 : vector<1x256xf32>
      %logistic3A_652 = math.exp %logistic3A_651 : vector<1x256xf32>
      %logistic3A_653 = arith.constant 1.000000e+00 : f32
      %logistic3A_654 = vector.broadcast %logistic3A_653 : f32 to vector<1x256xf32>
      %logistic3A_655 = arith.addf %logistic3A_654, %logistic3A_652 : vector<1x256xf32>
      %logistic3A_656 = arith.divf %logistic3A_654, %logistic3A_655 : vector<1x256xf32>
      %slice3A_657 = vector.extract_strided_slice %add3A_642 {offsets = [0, 512], sizes = [1, 256], strides = [1, 1]} : vector<1x1024xf32> to vector<1x256xf32>
      %tanh3A_658 = math.tanh %slice3A_657 : vector<1x256xf32>
      %slice3A_659 = vector.extract_strided_slice %add3A_642 {offsets = [0, 768], sizes = [1, 256], strides = [1, 1]} : vector<1x1024xf32> to vector<1x256xf32>
      %logistic3A_660 = arith.negf %slice3A_659 : vector<1x256xf32>
      %logistic3A_661 = math.exp %logistic3A_660 : vector<1x256xf32>
      %logistic3A_662 = arith.constant 1.000000e+00 : f32
      %logistic3A_663 = vector.broadcast %logistic3A_662 : f32 to vector<1x256xf32>
      %logistic3A_664 = arith.addf %logistic3A_663, %logistic3A_661 : vector<1x256xf32>
      %logistic3A_665 = arith.divf %logistic3A_663, %logistic3A_664 : vector<1x256xf32>
      %mul3A_666 = arith.mulf %logistic3A_656, %add3A_628 : vector<1x256xf32>
      %mul3A_667 = arith.mulf %logistic3A_649, %tanh3A_658 : vector<1x256xf32>
      %add3A_668 = arith.addf %mul3A_666, %mul3A_667 : vector<1x256xf32>
      %tanh3A_669 = math.tanh %add3A_668 : vector<1x256xf32>
      %mul3A_670 = arith.mulf %logistic3A_665, %tanh3A_669 : vector<1x256xf32>
      %scan3A_671 = arith.constant 16 : i32
      %scan3A_672 = arith.addi %scan3A_35, %scan3A_671 : i32
      %get3A_673 = arith.index_cast %scan3A_672 : i32 to index
      %get3A_674 = arith.constant 0 : index
      %get3A_675 = vector.load %arg8[%get3A_673, %get3A_674] : memref<1000x1024xf32, #tpu.memory_space<vmem>>, vector<1x1024xf32>
      %get3A_676 = arith.constant 0 : index
      %get3A_677 = arith.constant 0 : index
      %get3A_678 = vector.load %arg3[%get3A_676, %get3A_677] : memref<256x1024xf32, #tpu.memory_space<vmem>>, vector<256x1024xf32>
      %dot_general3A_679 = arith.constant dense<0.000000e+00> : vector<1x1024xf32>
      %dot_general3A_680 = tpu.matmul %mul3A_670, %get3A_678, %dot_general3A_679 {dimension_numbers = #tpu.dot_dimension_numbers<[1], [0], [0], [1], [0, 0, 1, 1], [], []>, transpose_lhs_hint = false} : vector<1x256xf32>, vector<256x1024xf32>, vector<1x1024xf32> -> vector<1x1024xf32>
      %add3A_681 = arith.addf %get3A_675, %dot_general3A_680 : vector<1x1024xf32>
      %add3A_682 = arith.addf %add3A_681, %get3A_12 : vector<1x1024xf32>
      %slice3A_683 = vector.extract_strided_slice %add3A_682 {offsets = [0, 0], sizes = [1, 256], strides = [1, 1]} : vector<1x1024xf32> to vector<1x256xf32>
      %logistic3A_684 = arith.negf %slice3A_683 : vector<1x256xf32>
      %logistic3A_685 = math.exp %logistic3A_684 : vector<1x256xf32>
      %logistic3A_686 = arith.constant 1.000000e+00 : f32
      %logistic3A_687 = vector.broadcast %logistic3A_686 : f32 to vector<1x256xf32>
      %logistic3A_688 = arith.addf %logistic3A_687, %logistic3A_685 : vector<1x256xf32>
      %logistic3A_689 = arith.divf %logistic3A_687, %logistic3A_688 : vector<1x256xf32>
      %slice3A_690 = vector.extract_strided_slice %add3A_682 {offsets = [0, 256], sizes = [1, 256], strides = [1, 1]} : vector<1x1024xf32> to vector<1x256xf32>
      %logistic3A_691 = arith.negf %slice3A_690 : vector<1x256xf32>
      %logistic3A_692 = math.exp %logistic3A_691 : vector<1x256xf32>
      %logistic3A_693 = arith.constant 1.000000e+00 : f32
      %logistic3A_694 = vector.broadcast %logistic3A_693 : f32 to vector<1x256xf32>
      %logistic3A_695 = arith.addf %logistic3A_694, %logistic3A_692 : vector<1x256xf32>
      %logistic3A_696 = arith.divf %logistic3A_694, %logistic3A_695 : vector<1x256xf32>
      %slice3A_697 = vector.extract_strided_slice %add3A_682 {offsets = [0, 512], sizes = [1, 256], strides = [1, 1]} : vector<1x1024xf32> to vector<1x256xf32>
      %tanh3A_698 = math.tanh %slice3A_697 : vector<1x256xf32>
      %slice3A_699 = vector.extract_strided_slice %add3A_682 {offsets = [0, 768], sizes = [1, 256], strides = [1, 1]} : vector<1x1024xf32> to vector<1x256xf32>
      %logistic3A_700 = arith.negf %slice3A_699 : vector<1x256xf32>
      %logistic3A_701 = math.exp %logistic3A_700 : vector<1x256xf32>
      %logistic3A_702 = arith.constant 1.000000e+00 : f32
      %logistic3A_703 = vector.broadcast %logistic3A_702 : f32 to vector<1x256xf32>
      %logistic3A_704 = arith.addf %logistic3A_703, %logistic3A_701 : vector<1x256xf32>
      %logistic3A_705 = arith.divf %logistic3A_703, %logistic3A_704 : vector<1x256xf32>
      %mul3A_706 = arith.mulf %logistic3A_696, %add3A_668 : vector<1x256xf32>
      %mul3A_707 = arith.mulf %logistic3A_689, %tanh3A_698 : vector<1x256xf32>
      %add3A_708 = arith.addf %mul3A_706, %mul3A_707 : vector<1x256xf32>
      %tanh3A_709 = math.tanh %add3A_708 : vector<1x256xf32>
      %mul3A_710 = arith.mulf %logistic3A_705, %tanh3A_709 : vector<1x256xf32>
      %scan3A_711 = arith.constant 17 : i32
      %scan3A_712 = arith.addi %scan3A_35, %scan3A_711 : i32
      %get3A_713 = arith.index_cast %scan3A_712 : i32 to index
      %get3A_714 = arith.constant 0 : index
      %get3A_715 = vector.load %arg8[%get3A_713, %get3A_714] : memref<1000x1024xf32, #tpu.memory_space<vmem>>, vector<1x1024xf32>
      %get3A_716 = arith.constant 0 : index
      %get3A_717 = arith.constant 0 : index
      %get3A_718 = vector.load %arg3[%get3A_716, %get3A_717] : memref<256x1024xf32, #tpu.memory_space<vmem>>, vector<256x1024xf32>
      %dot_general3A_719 = arith.constant dense<0.000000e+00> : vector<1x1024xf32>
      %dot_general3A_720 = tpu.matmul %mul3A_710, %get3A_718, %dot_general3A_719 {dimension_numbers = #tpu.dot_dimension_numbers<[1], [0], [0], [1], [0, 0, 1, 1], [], []>, transpose_lhs_hint = false} : vector<1x256xf32>, vector<256x1024xf32>, vector<1x1024xf32> -> vector<1x1024xf32>
      %add3A_721 = arith.addf %get3A_715, %dot_general3A_720 : vector<1x1024xf32>
      %add3A_722 = arith.addf %add3A_721, %get3A_12 : vector<1x1024xf32>
      %slice3A_723 = vector.extract_strided_slice %add3A_722 {offsets = [0, 0], sizes = [1, 256], strides = [1, 1]} : vector<1x1024xf32> to vector<1x256xf32>
      %logistic3A_724 = arith.negf %slice3A_723 : vector<1x256xf32>
      %logistic3A_725 = math.exp %logistic3A_724 : vector<1x256xf32>
      %logistic3A_726 = arith.constant 1.000000e+00 : f32
      %logistic3A_727 = vector.broadcast %logistic3A_726 : f32 to vector<1x256xf32>
      %logistic3A_728 = arith.addf %logistic3A_727, %logistic3A_725 : vector<1x256xf32>
      %logistic3A_729 = arith.divf %logistic3A_727, %logistic3A_728 : vector<1x256xf32>
      %slice3A_730 = vector.extract_strided_slice %add3A_722 {offsets = [0, 256], sizes = [1, 256], strides = [1, 1]} : vector<1x1024xf32> to vector<1x256xf32>
      %logistic3A_731 = arith.negf %slice3A_730 : vector<1x256xf32>
      %logistic3A_732 = math.exp %logistic3A_731 : vector<1x256xf32>
      %logistic3A_733 = arith.constant 1.000000e+00 : f32
      %logistic3A_734 = vector.broadcast %logistic3A_733 : f32 to vector<1x256xf32>
      %logistic3A_735 = arith.addf %logistic3A_734, %logistic3A_732 : vector<1x256xf32>
      %logistic3A_736 = arith.divf %logistic3A_734, %logistic3A_735 : vector<1x256xf32>
      %slice3A_737 = vector.extract_strided_slice %add3A_722 {offsets = [0, 512], sizes = [1, 256], strides = [1, 1]} : vector<1x1024xf32> to vector<1x256xf32>
      %tanh3A_738 = math.tanh %slice3A_737 : vector<1x256xf32>
      %slice3A_739 = vector.extract_strided_slice %add3A_722 {offsets = [0, 768], sizes = [1, 256], strides = [1, 1]} : vector<1x1024xf32> to vector<1x256xf32>
      %logistic3A_740 = arith.negf %slice3A_739 : vector<1x256xf32>
      %logistic3A_741 = math.exp %logistic3A_740 : vector<1x256xf32>
      %logistic3A_742 = arith.constant 1.000000e+00 : f32
      %logistic3A_743 = vector.broadcast %logistic3A_742 : f32 to vector<1x256xf32>
      %logistic3A_744 = arith.addf %logistic3A_743, %logistic3A_741 : vector<1x256xf32>
      %logistic3A_745 = arith.divf %logistic3A_743, %logistic3A_744 : vector<1x256xf32>
      %mul3A_746 = arith.mulf %logistic3A_736, %add3A_708 : vector<1x256xf32>
      %mul3A_747 = arith.mulf %logistic3A_729, %tanh3A_738 : vector<1x256xf32>
      %add3A_748 = arith.addf %mul3A_746, %mul3A_747 : vector<1x256xf32>
      %tanh3A_749 = math.tanh %add3A_748 : vector<1x256xf32>
      %mul3A_750 = arith.mulf %logistic3A_745, %tanh3A_749 : vector<1x256xf32>
      %scan3A_751 = arith.constant 18 : i32
      %scan3A_752 = arith.addi %scan3A_35, %scan3A_751 : i32
      %get3A_753 = arith.index_cast %scan3A_752 : i32 to index
      %get3A_754 = arith.constant 0 : index
      %get3A_755 = vector.load %arg8[%get3A_753, %get3A_754] : memref<1000x1024xf32, #tpu.memory_space<vmem>>, vector<1x1024xf32>
      %get3A_756 = arith.constant 0 : index
      %get3A_757 = arith.constant 0 : index
      %get3A_758 = vector.load %arg3[%get3A_756, %get3A_757] : memref<256x1024xf32, #tpu.memory_space<vmem>>, vector<256x1024xf32>
      %dot_general3A_759 = arith.constant dense<0.000000e+00> : vector<1x1024xf32>
      %dot_general3A_760 = tpu.matmul %mul3A_750, %get3A_758, %dot_general3A_759 {dimension_numbers = #tpu.dot_dimension_numbers<[1], [0], [0], [1], [0, 0, 1, 1], [], []>, transpose_lhs_hint = false} : vector<1x256xf32>, vector<256x1024xf32>, vector<1x1024xf32> -> vector<1x1024xf32>
      %add3A_761 = arith.addf %get3A_755, %dot_general3A_760 : vector<1x1024xf32>
      %add3A_762 = arith.addf %add3A_761, %get3A_12 : vector<1x1024xf32>
      %slice3A_763 = vector.extract_strided_slice %add3A_762 {offsets = [0, 0], sizes = [1, 256], strides = [1, 1]} : vector<1x1024xf32> to vector<1x256xf32>
      %logistic3A_764 = arith.negf %slice3A_763 : vector<1x256xf32>
      %logistic3A_765 = math.exp %logistic3A_764 : vector<1x256xf32>
      %logistic3A_766 = arith.constant 1.000000e+00 : f32
      %logistic3A_767 = vector.broadcast %logistic3A_766 : f32 to vector<1x256xf32>
      %logistic3A_768 = arith.addf %logistic3A_767, %logistic3A_765 : vector<1x256xf32>
      %logistic3A_769 = arith.divf %logistic3A_767, %logistic3A_768 : vector<1x256xf32>
      %slice3A_770 = vector.extract_strided_slice %add3A_762 {offsets = [0, 256], sizes = [1, 256], strides = [1, 1]} : vector<1x1024xf32> to vector<1x256xf32>
      %logistic3A_771 = arith.negf %slice3A_770 : vector<1x256xf32>
      %logistic3A_772 = math.exp %logistic3A_771 : vector<1x256xf32>
      %logistic3A_773 = arith.constant 1.000000e+00 : f32
      %logistic3A_774 = vector.broadcast %logistic3A_773 : f32 to vector<1x256xf32>
      %logistic3A_775 = arith.addf %logistic3A_774, %logistic3A_772 : vector<1x256xf32>
      %logistic3A_776 = arith.divf %logistic3A_774, %logistic3A_775 : vector<1x256xf32>
      %slice3A_777 = vector.extract_strided_slice %add3A_762 {offsets = [0, 512], sizes = [1, 256], strides = [1, 1]} : vector<1x1024xf32> to vector<1x256xf32>
      %tanh3A_778 = math.tanh %slice3A_777 : vector<1x256xf32>
      %slice3A_779 = vector.extract_strided_slice %add3A_762 {offsets = [0, 768], sizes = [1, 256], strides = [1, 1]} : vector<1x1024xf32> to vector<1x256xf32>
      %logistic3A_780 = arith.negf %slice3A_779 : vector<1x256xf32>
      %logistic3A_781 = math.exp %logistic3A_780 : vector<1x256xf32>
      %logistic3A_782 = arith.constant 1.000000e+00 : f32
      %logistic3A_783 = vector.broadcast %logistic3A_782 : f32 to vector<1x256xf32>
      %logistic3A_784 = arith.addf %logistic3A_783, %logistic3A_781 : vector<1x256xf32>
      %logistic3A_785 = arith.divf %logistic3A_783, %logistic3A_784 : vector<1x256xf32>
      %mul3A_786 = arith.mulf %logistic3A_776, %add3A_748 : vector<1x256xf32>
      %mul3A_787 = arith.mulf %logistic3A_769, %tanh3A_778 : vector<1x256xf32>
      %add3A_788 = arith.addf %mul3A_786, %mul3A_787 : vector<1x256xf32>
      %tanh3A_789 = math.tanh %add3A_788 : vector<1x256xf32>
      %mul3A_790 = arith.mulf %logistic3A_785, %tanh3A_789 : vector<1x256xf32>
      %scan3A_791 = arith.constant 19 : i32
      %scan3A_792 = arith.addi %scan3A_35, %scan3A_791 : i32
      %get3A_793 = arith.index_cast %scan3A_792 : i32 to index
      %get3A_794 = arith.constant 0 : index
      %get3A_795 = vector.load %arg8[%get3A_793, %get3A_794] : memref<1000x1024xf32, #tpu.memory_space<vmem>>, vector<1x1024xf32>
      %get3A_796 = arith.constant 0 : index
      %get3A_797 = arith.constant 0 : index
      %get3A_798 = vector.load %arg3[%get3A_796, %get3A_797] : memref<256x1024xf32, #tpu.memory_space<vmem>>, vector<256x1024xf32>
      %dot_general3A_799 = arith.constant dense<0.000000e+00> : vector<1x1024xf32>
      %dot_general3A_800 = tpu.matmul %mul3A_790, %get3A_798, %dot_general3A_799 {dimension_numbers = #tpu.dot_dimension_numbers<[1], [0], [0], [1], [0, 0, 1, 1], [], []>, transpose_lhs_hint = false} : vector<1x256xf32>, vector<256x1024xf32>, vector<1x1024xf32> -> vector<1x1024xf32>
      %add3A_801 = arith.addf %get3A_795, %dot_general3A_800 : vector<1x1024xf32>
      %add3A_802 = arith.addf %add3A_801, %get3A_12 : vector<1x1024xf32>
      %slice3A_803 = vector.extract_strided_slice %add3A_802 {offsets = [0, 0], sizes = [1, 256], strides = [1, 1]} : vector<1x1024xf32> to vector<1x256xf32>
      %logistic3A_804 = arith.negf %slice3A_803 : vector<1x256xf32>
      %logistic3A_805 = math.exp %logistic3A_804 : vector<1x256xf32>
      %logistic3A_806 = arith.constant 1.000000e+00 : f32
      %logistic3A_807 = vector.broadcast %logistic3A_806 : f32 to vector<1x256xf32>
      %logistic3A_808 = arith.addf %logistic3A_807, %logistic3A_805 : vector<1x256xf32>
      %logistic3A_809 = arith.divf %logistic3A_807, %logistic3A_808 : vector<1x256xf32>
      %slice3A_810 = vector.extract_strided_slice %add3A_802 {offsets = [0, 256], sizes = [1, 256], strides = [1, 1]} : vector<1x1024xf32> to vector<1x256xf32>
      %logistic3A_811 = arith.negf %slice3A_810 : vector<1x256xf32>
      %logistic3A_812 = math.exp %logistic3A_811 : vector<1x256xf32>
      %logistic3A_813 = arith.constant 1.000000e+00 : f32
      %logistic3A_814 = vector.broadcast %logistic3A_813 : f32 to vector<1x256xf32>
      %logistic3A_815 = arith.addf %logistic3A_814, %logistic3A_812 : vector<1x256xf32>
      %logistic3A_816 = arith.divf %logistic3A_814, %logistic3A_815 : vector<1x256xf32>
      %slice3A_817 = vector.extract_strided_slice %add3A_802 {offsets = [0, 512], sizes = [1, 256], strides = [1, 1]} : vector<1x1024xf32> to vector<1x256xf32>
      %tanh3A_818 = math.tanh %slice3A_817 : vector<1x256xf32>
      %slice3A_819 = vector.extract_strided_slice %add3A_802 {offsets = [0, 768], sizes = [1, 256], strides = [1, 1]} : vector<1x1024xf32> to vector<1x256xf32>
      %logistic3A_820 = arith.negf %slice3A_819 : vector<1x256xf32>
      %logistic3A_821 = math.exp %logistic3A_820 : vector<1x256xf32>
      %logistic3A_822 = arith.constant 1.000000e+00 : f32
      %logistic3A_823 = vector.broadcast %logistic3A_822 : f32 to vector<1x256xf32>
      %logistic3A_824 = arith.addf %logistic3A_823, %logistic3A_821 : vector<1x256xf32>
      %logistic3A_825 = arith.divf %logistic3A_823, %logistic3A_824 : vector<1x256xf32>
      %mul3A_826 = arith.mulf %logistic3A_816, %add3A_788 : vector<1x256xf32>
      %mul3A_827 = arith.mulf %logistic3A_809, %tanh3A_818 : vector<1x256xf32>
      %add3A_828 = arith.addf %mul3A_826, %mul3A_827 : vector<1x256xf32>
      %tanh3A_829 = math.tanh %add3A_828 : vector<1x256xf32>
      %mul3A_830 = arith.mulf %logistic3A_825, %tanh3A_829 : vector<1x256xf32>
      %scan3A_831 = arith.constant 20 : i32
      %scan3A_832 = arith.addi %scan3A_35, %scan3A_831 : i32
      %get3A_833 = arith.index_cast %scan3A_832 : i32 to index
      %get3A_834 = arith.constant 0 : index
      %get3A_835 = vector.load %arg8[%get3A_833, %get3A_834] : memref<1000x1024xf32, #tpu.memory_space<vmem>>, vector<1x1024xf32>
      %get3A_836 = arith.constant 0 : index
      %get3A_837 = arith.constant 0 : index
      %get3A_838 = vector.load %arg3[%get3A_836, %get3A_837] : memref<256x1024xf32, #tpu.memory_space<vmem>>, vector<256x1024xf32>
      %dot_general3A_839 = arith.constant dense<0.000000e+00> : vector<1x1024xf32>
      %dot_general3A_840 = tpu.matmul %mul3A_830, %get3A_838, %dot_general3A_839 {dimension_numbers = #tpu.dot_dimension_numbers<[1], [0], [0], [1], [0, 0, 1, 1], [], []>, transpose_lhs_hint = false} : vector<1x256xf32>, vector<256x1024xf32>, vector<1x1024xf32> -> vector<1x1024xf32>
      %add3A_841 = arith.addf %get3A_835, %dot_general3A_840 : vector<1x1024xf32>
      %add3A_842 = arith.addf %add3A_841, %get3A_12 : vector<1x1024xf32>
      %slice3A_843 = vector.extract_strided_slice %add3A_842 {offsets = [0, 0], sizes = [1, 256], strides = [1, 1]} : vector<1x1024xf32> to vector<1x256xf32>
      %logistic3A_844 = arith.negf %slice3A_843 : vector<1x256xf32>
      %logistic3A_845 = math.exp %logistic3A_844 : vector<1x256xf32>
      %logistic3A_846 = arith.constant 1.000000e+00 : f32
      %logistic3A_847 = vector.broadcast %logistic3A_846 : f32 to vector<1x256xf32>
      %logistic3A_848 = arith.addf %logistic3A_847, %logistic3A_845 : vector<1x256xf32>
      %logistic3A_849 = arith.divf %logistic3A_847, %logistic3A_848 : vector<1x256xf32>
      %slice3A_850 = vector.extract_strided_slice %add3A_842 {offsets = [0, 256], sizes = [1, 256], strides = [1, 1]} : vector<1x1024xf32> to vector<1x256xf32>
      %logistic3A_851 = arith.negf %slice3A_850 : vector<1x256xf32>
      %logistic3A_852 = math.exp %logistic3A_851 : vector<1x256xf32>
      %logistic3A_853 = arith.constant 1.000000e+00 : f32
      %logistic3A_854 = vector.broadcast %logistic3A_853 : f32 to vector<1x256xf32>
      %logistic3A_855 = arith.addf %logistic3A_854, %logistic3A_852 : vector<1x256xf32>
      %logistic3A_856 = arith.divf %logistic3A_854, %logistic3A_855 : vector<1x256xf32>
      %slice3A_857 = vector.extract_strided_slice %add3A_842 {offsets = [0, 512], sizes = [1, 256], strides = [1, 1]} : vector<1x1024xf32> to vector<1x256xf32>
      %tanh3A_858 = math.tanh %slice3A_857 : vector<1x256xf32>
      %slice3A_859 = vector.extract_strided_slice %add3A_842 {offsets = [0, 768], sizes = [1, 256], strides = [1, 1]} : vector<1x1024xf32> to vector<1x256xf32>
      %logistic3A_860 = arith.negf %slice3A_859 : vector<1x256xf32>
      %logistic3A_861 = math.exp %logistic3A_860 : vector<1x256xf32>
      %logistic3A_862 = arith.constant 1.000000e+00 : f32
      %logistic3A_863 = vector.broadcast %logistic3A_862 : f32 to vector<1x256xf32>
      %logistic3A_864 = arith.addf %logistic3A_863, %logistic3A_861 : vector<1x256xf32>
      %logistic3A_865 = arith.divf %logistic3A_863, %logistic3A_864 : vector<1x256xf32>
      %mul3A_866 = arith.mulf %logistic3A_856, %add3A_828 : vector<1x256xf32>
      %mul3A_867 = arith.mulf %logistic3A_849, %tanh3A_858 : vector<1x256xf32>
      %add3A_868 = arith.addf %mul3A_866, %mul3A_867 : vector<1x256xf32>
      %tanh3A_869 = math.tanh %add3A_868 : vector<1x256xf32>
      %mul3A_870 = arith.mulf %logistic3A_865, %tanh3A_869 : vector<1x256xf32>
      %scan3A_871 = arith.constant 21 : i32
      %scan3A_872 = arith.addi %scan3A_35, %scan3A_871 : i32
      %get3A_873 = arith.index_cast %scan3A_872 : i32 to index
      %get3A_874 = arith.constant 0 : index
      %get3A_875 = vector.load %arg8[%get3A_873, %get3A_874] : memref<1000x1024xf32, #tpu.memory_space<vmem>>, vector<1x1024xf32>
      %get3A_876 = arith.constant 0 : index
      %get3A_877 = arith.constant 0 : index
      %get3A_878 = vector.load %arg3[%get3A_876, %get3A_877] : memref<256x1024xf32, #tpu.memory_space<vmem>>, vector<256x1024xf32>
      %dot_general3A_879 = arith.constant dense<0.000000e+00> : vector<1x1024xf32>
      %dot_general3A_880 = tpu.matmul %mul3A_870, %get3A_878, %dot_general3A_879 {dimension_numbers = #tpu.dot_dimension_numbers<[1], [0], [0], [1], [0, 0, 1, 1], [], []>, transpose_lhs_hint = false} : vector<1x256xf32>, vector<256x1024xf32>, vector<1x1024xf32> -> vector<1x1024xf32>
      %add3A_881 = arith.addf %get3A_875, %dot_general3A_880 : vector<1x1024xf32>
      %add3A_882 = arith.addf %add3A_881, %get3A_12 : vector<1x1024xf32>
      %slice3A_883 = vector.extract_strided_slice %add3A_882 {offsets = [0, 0], sizes = [1, 256], strides = [1, 1]} : vector<1x1024xf32> to vector<1x256xf32>
      %logistic3A_884 = arith.negf %slice3A_883 : vector<1x256xf32>
      %logistic3A_885 = math.exp %logistic3A_884 : vector<1x256xf32>
      %logistic3A_886 = arith.constant 1.000000e+00 : f32
      %logistic3A_887 = vector.broadcast %logistic3A_886 : f32 to vector<1x256xf32>
      %logistic3A_888 = arith.addf %logistic3A_887, %logistic3A_885 : vector<1x256xf32>
      %logistic3A_889 = arith.divf %logistic3A_887, %logistic3A_888 : vector<1x256xf32>
      %slice3A_890 = vector.extract_strided_slice %add3A_882 {offsets = [0, 256], sizes = [1, 256], strides = [1, 1]} : vector<1x1024xf32> to vector<1x256xf32>
      %logistic3A_891 = arith.negf %slice3A_890 : vector<1x256xf32>
      %logistic3A_892 = math.exp %logistic3A_891 : vector<1x256xf32>
      %logistic3A_893 = arith.constant 1.000000e+00 : f32
      %logistic3A_894 = vector.broadcast %logistic3A_893 : f32 to vector<1x256xf32>
      %logistic3A_895 = arith.addf %logistic3A_894, %logistic3A_892 : vector<1x256xf32>
      %logistic3A_896 = arith.divf %logistic3A_894, %logistic3A_895 : vector<1x256xf32>
      %slice3A_897 = vector.extract_strided_slice %add3A_882 {offsets = [0, 512], sizes = [1, 256], strides = [1, 1]} : vector<1x1024xf32> to vector<1x256xf32>
      %tanh3A_898 = math.tanh %slice3A_897 : vector<1x256xf32>
      %slice3A_899 = vector.extract_strided_slice %add3A_882 {offsets = [0, 768], sizes = [1, 256], strides = [1, 1]} : vector<1x1024xf32> to vector<1x256xf32>
      %logistic3A_900 = arith.negf %slice3A_899 : vector<1x256xf32>
      %logistic3A_901 = math.exp %logistic3A_900 : vector<1x256xf32>
      %logistic3A_902 = arith.constant 1.000000e+00 : f32
      %logistic3A_903 = vector.broadcast %logistic3A_902 : f32 to vector<1x256xf32>
      %logistic3A_904 = arith.addf %logistic3A_903, %logistic3A_901 : vector<1x256xf32>
      %logistic3A_905 = arith.divf %logistic3A_903, %logistic3A_904 : vector<1x256xf32>
      %mul3A_906 = arith.mulf %logistic3A_896, %add3A_868 : vector<1x256xf32>
      %mul3A_907 = arith.mulf %logistic3A_889, %tanh3A_898 : vector<1x256xf32>
      %add3A_908 = arith.addf %mul3A_906, %mul3A_907 : vector<1x256xf32>
      %tanh3A_909 = math.tanh %add3A_908 : vector<1x256xf32>
      %mul3A_910 = arith.mulf %logistic3A_905, %tanh3A_909 : vector<1x256xf32>
      %scan3A_911 = arith.constant 22 : i32
      %scan3A_912 = arith.addi %scan3A_35, %scan3A_911 : i32
      %get3A_913 = arith.index_cast %scan3A_912 : i32 to index
      %get3A_914 = arith.constant 0 : index
      %get3A_915 = vector.load %arg8[%get3A_913, %get3A_914] : memref<1000x1024xf32, #tpu.memory_space<vmem>>, vector<1x1024xf32>
      %get3A_916 = arith.constant 0 : index
      %get3A_917 = arith.constant 0 : index
      %get3A_918 = vector.load %arg3[%get3A_916, %get3A_917] : memref<256x1024xf32, #tpu.memory_space<vmem>>, vector<256x1024xf32>
      %dot_general3A_919 = arith.constant dense<0.000000e+00> : vector<1x1024xf32>
      %dot_general3A_920 = tpu.matmul %mul3A_910, %get3A_918, %dot_general3A_919 {dimension_numbers = #tpu.dot_dimension_numbers<[1], [0], [0], [1], [0, 0, 1, 1], [], []>, transpose_lhs_hint = false} : vector<1x256xf32>, vector<256x1024xf32>, vector<1x1024xf32> -> vector<1x1024xf32>
      %add3A_921 = arith.addf %get3A_915, %dot_general3A_920 : vector<1x1024xf32>
      %add3A_922 = arith.addf %add3A_921, %get3A_12 : vector<1x1024xf32>
      %slice3A_923 = vector.extract_strided_slice %add3A_922 {offsets = [0, 0], sizes = [1, 256], strides = [1, 1]} : vector<1x1024xf32> to vector<1x256xf32>
      %logistic3A_924 = arith.negf %slice3A_923 : vector<1x256xf32>
      %logistic3A_925 = math.exp %logistic3A_924 : vector<1x256xf32>
      %logistic3A_926 = arith.constant 1.000000e+00 : f32
      %logistic3A_927 = vector.broadcast %logistic3A_926 : f32 to vector<1x256xf32>
      %logistic3A_928 = arith.addf %logistic3A_927, %logistic3A_925 : vector<1x256xf32>
      %logistic3A_929 = arith.divf %logistic3A_927, %logistic3A_928 : vector<1x256xf32>
      %slice3A_930 = vector.extract_strided_slice %add3A_922 {offsets = [0, 256], sizes = [1, 256], strides = [1, 1]} : vector<1x1024xf32> to vector<1x256xf32>
      %logistic3A_931 = arith.negf %slice3A_930 : vector<1x256xf32>
      %logistic3A_932 = math.exp %logistic3A_931 : vector<1x256xf32>
      %logistic3A_933 = arith.constant 1.000000e+00 : f32
      %logistic3A_934 = vector.broadcast %logistic3A_933 : f32 to vector<1x256xf32>
      %logistic3A_935 = arith.addf %logistic3A_934, %logistic3A_932 : vector<1x256xf32>
      %logistic3A_936 = arith.divf %logistic3A_934, %logistic3A_935 : vector<1x256xf32>
      %slice3A_937 = vector.extract_strided_slice %add3A_922 {offsets = [0, 512], sizes = [1, 256], strides = [1, 1]} : vector<1x1024xf32> to vector<1x256xf32>
      %tanh3A_938 = math.tanh %slice3A_937 : vector<1x256xf32>
      %slice3A_939 = vector.extract_strided_slice %add3A_922 {offsets = [0, 768], sizes = [1, 256], strides = [1, 1]} : vector<1x1024xf32> to vector<1x256xf32>
      %logistic3A_940 = arith.negf %slice3A_939 : vector<1x256xf32>
      %logistic3A_941 = math.exp %logistic3A_940 : vector<1x256xf32>
      %logistic3A_942 = arith.constant 1.000000e+00 : f32
      %logistic3A_943 = vector.broadcast %logistic3A_942 : f32 to vector<1x256xf32>
      %logistic3A_944 = arith.addf %logistic3A_943, %logistic3A_941 : vector<1x256xf32>
      %logistic3A_945 = arith.divf %logistic3A_943, %logistic3A_944 : vector<1x256xf32>
      %mul3A_946 = arith.mulf %logistic3A_936, %add3A_908 : vector<1x256xf32>
      %mul3A_947 = arith.mulf %logistic3A_929, %tanh3A_938 : vector<1x256xf32>
      %add3A_948 = arith.addf %mul3A_946, %mul3A_947 : vector<1x256xf32>
      %tanh3A_949 = math.tanh %add3A_948 : vector<1x256xf32>
      %mul3A_950 = arith.mulf %logistic3A_945, %tanh3A_949 : vector<1x256xf32>
      %scan3A_951 = arith.constant 23 : i32
      %scan3A_952 = arith.addi %scan3A_35, %scan3A_951 : i32
      %get3A_953 = arith.index_cast %scan3A_952 : i32 to index
      %get3A_954 = arith.constant 0 : index
      %get3A_955 = vector.load %arg8[%get3A_953, %get3A_954] : memref<1000x1024xf32, #tpu.memory_space<vmem>>, vector<1x1024xf32>
      %get3A_956 = arith.constant 0 : index
      %get3A_957 = arith.constant 0 : index
      %get3A_958 = vector.load %arg3[%get3A_956, %get3A_957] : memref<256x1024xf32, #tpu.memory_space<vmem>>, vector<256x1024xf32>
      %dot_general3A_959 = arith.constant dense<0.000000e+00> : vector<1x1024xf32>
      %dot_general3A_960 = tpu.matmul %mul3A_950, %get3A_958, %dot_general3A_959 {dimension_numbers = #tpu.dot_dimension_numbers<[1], [0], [0], [1], [0, 0, 1, 1], [], []>, transpose_lhs_hint = false} : vector<1x256xf32>, vector<256x1024xf32>, vector<1x1024xf32> -> vector<1x1024xf32>
      %add3A_961 = arith.addf %get3A_955, %dot_general3A_960 : vector<1x1024xf32>
      %add3A_962 = arith.addf %add3A_961, %get3A_12 : vector<1x1024xf32>
      %slice3A_963 = vector.extract_strided_slice %add3A_962 {offsets = [0, 0], sizes = [1, 256], strides = [1, 1]} : vector<1x1024xf32> to vector<1x256xf32>
      %logistic3A_964 = arith.negf %slice3A_963 : vector<1x256xf32>
      %logistic3A_965 = math.exp %logistic3A_964 : vector<1x256xf32>
      %logistic3A_966 = arith.constant 1.000000e+00 : f32
      %logistic3A_967 = vector.broadcast %logistic3A_966 : f32 to vector<1x256xf32>
      %logistic3A_968 = arith.addf %logistic3A_967, %logistic3A_965 : vector<1x256xf32>
      %logistic3A_969 = arith.divf %logistic3A_967, %logistic3A_968 : vector<1x256xf32>
      %slice3A_970 = vector.extract_strided_slice %add3A_962 {offsets = [0, 256], sizes = [1, 256], strides = [1, 1]} : vector<1x1024xf32> to vector<1x256xf32>
      %logistic3A_971 = arith.negf %slice3A_970 : vector<1x256xf32>
      %logistic3A_972 = math.exp %logistic3A_971 : vector<1x256xf32>
      %logistic3A_973 = arith.constant 1.000000e+00 : f32
      %logistic3A_974 = vector.broadcast %logistic3A_973 : f32 to vector<1x256xf32>
      %logistic3A_975 = arith.addf %logistic3A_974, %logistic3A_972 : vector<1x256xf32>
      %logistic3A_976 = arith.divf %logistic3A_974, %logistic3A_975 : vector<1x256xf32>
      %slice3A_977 = vector.extract_strided_slice %add3A_962 {offsets = [0, 512], sizes = [1, 256], strides = [1, 1]} : vector<1x1024xf32> to vector<1x256xf32>
      %tanh3A_978 = math.tanh %slice3A_977 : vector<1x256xf32>
      %slice3A_979 = vector.extract_strided_slice %add3A_962 {offsets = [0, 768], sizes = [1, 256], strides = [1, 1]} : vector<1x1024xf32> to vector<1x256xf32>
      %logistic3A_980 = arith.negf %slice3A_979 : vector<1x256xf32>
      %logistic3A_981 = math.exp %logistic3A_980 : vector<1x256xf32>
      %logistic3A_982 = arith.constant 1.000000e+00 : f32
      %logistic3A_983 = vector.broadcast %logistic3A_982 : f32 to vector<1x256xf32>
      %logistic3A_984 = arith.addf %logistic3A_983, %logistic3A_981 : vector<1x256xf32>
      %logistic3A_985 = arith.divf %logistic3A_983, %logistic3A_984 : vector<1x256xf32>
      %mul3A_986 = arith.mulf %logistic3A_976, %add3A_948 : vector<1x256xf32>
      %mul3A_987 = arith.mulf %logistic3A_969, %tanh3A_978 : vector<1x256xf32>
      %add3A_988 = arith.addf %mul3A_986, %mul3A_987 : vector<1x256xf32>
      %tanh3A_989 = math.tanh %add3A_988 : vector<1x256xf32>
      %mul3A_990 = arith.mulf %logistic3A_985, %tanh3A_989 : vector<1x256xf32>
      %scan3A_991 = arith.constant 24 : i32
      %scan3A_992 = arith.addi %scan3A_35, %scan3A_991 : i32
      %get3A_993 = arith.index_cast %scan3A_992 : i32 to index
      %get3A_994 = arith.constant 0 : index
      %get3A_995 = vector.load %arg8[%get3A_993, %get3A_994] : memref<1000x1024xf32, #tpu.memory_space<vmem>>, vector<1x1024xf32>
      %get3A_996 = arith.constant 0 : index
      %get3A_997 = arith.constant 0 : index
      %get3A_998 = vector.load %arg3[%get3A_996, %get3A_997] : memref<256x1024xf32, #tpu.memory_space<vmem>>, vector<256x1024xf32>
      %dot_general3A_999 = arith.constant dense<0.000000e+00> : vector<1x1024xf32>
      %dot_general3A_1000 = tpu.matmul %mul3A_990, %get3A_998, %dot_general3A_999 {dimension_numbers = #tpu.dot_dimension_numbers<[1], [0], [0], [1], [0, 0, 1, 1], [], []>, transpose_lhs_hint = false} : vector<1x256xf32>, vector<256x1024xf32>, vector<1x1024xf32> -> vector<1x1024xf32>
      %add3A_1001 = arith.addf %get3A_995, %dot_general3A_1000 : vector<1x1024xf32>
      %add3A_1002 = arith.addf %add3A_1001, %get3A_12 : vector<1x1024xf32>
      %slice3A_1003 = vector.extract_strided_slice %add3A_1002 {offsets = [0, 0], sizes = [1, 256], strides = [1, 1]} : vector<1x1024xf32> to vector<1x256xf32>
      %logistic3A_1004 = arith.negf %slice3A_1003 : vector<1x256xf32>
      %logistic3A_1005 = math.exp %logistic3A_1004 : vector<1x256xf32>
      %logistic3A_1006 = arith.constant 1.000000e+00 : f32
      %logistic3A_1007 = vector.broadcast %logistic3A_1006 : f32 to vector<1x256xf32>
      %logistic3A_1008 = arith.addf %logistic3A_1007, %logistic3A_1005 : vector<1x256xf32>
      %logistic3A_1009 = arith.divf %logistic3A_1007, %logistic3A_1008 : vector<1x256xf32>
      %slice3A_1010 = vector.extract_strided_slice %add3A_1002 {offsets = [0, 256], sizes = [1, 256], strides = [1, 1]} : vector<1x1024xf32> to vector<1x256xf32>
      %logistic3A_1011 = arith.negf %slice3A_1010 : vector<1x256xf32>
      %logistic3A_1012 = math.exp %logistic3A_1011 : vector<1x256xf32>
      %logistic3A_1013 = arith.constant 1.000000e+00 : f32
      %logistic3A_1014 = vector.broadcast %logistic3A_1013 : f32 to vector<1x256xf32>
      %logistic3A_1015 = arith.addf %logistic3A_1014, %logistic3A_1012 : vector<1x256xf32>
      %logistic3A_1016 = arith.divf %logistic3A_1014, %logistic3A_1015 : vector<1x256xf32>
      %slice3A_1017 = vector.extract_strided_slice %add3A_1002 {offsets = [0, 512], sizes = [1, 256], strides = [1, 1]} : vector<1x1024xf32> to vector<1x256xf32>
      %tanh3A_1018 = math.tanh %slice3A_1017 : vector<1x256xf32>
      %slice3A_1019 = vector.extract_strided_slice %add3A_1002 {offsets = [0, 768], sizes = [1, 256], strides = [1, 1]} : vector<1x1024xf32> to vector<1x256xf32>
      %logistic3A_1020 = arith.negf %slice3A_1019 : vector<1x256xf32>
      %logistic3A_1021 = math.exp %logistic3A_1020 : vector<1x256xf32>
      %logistic3A_1022 = arith.constant 1.000000e+00 : f32
      %logistic3A_1023 = vector.broadcast %logistic3A_1022 : f32 to vector<1x256xf32>
      %logistic3A_1024 = arith.addf %logistic3A_1023, %logistic3A_1021 : vector<1x256xf32>
      %logistic3A_1025 = arith.divf %logistic3A_1023, %logistic3A_1024 : vector<1x256xf32>
      %mul3A_1026 = arith.mulf %logistic3A_1016, %add3A_988 : vector<1x256xf32>
      %mul3A_1027 = arith.mulf %logistic3A_1009, %tanh3A_1018 : vector<1x256xf32>
      %add3A_1028 = arith.addf %mul3A_1026, %mul3A_1027 : vector<1x256xf32>
      %tanh3A_1029 = math.tanh %add3A_1028 : vector<1x256xf32>
      %mul3A_1030 = arith.mulf %logistic3A_1025, %tanh3A_1029 : vector<1x256xf32>
      scf.yield %mul3A_1030, %add3A_1028 : vector<1x256xf32>, vector<1x256xf32>
    }
    %scan3A_23 = arith.constant 1000 : i32
    %swap3A_24 = arith.constant 0 : index
    %swap3A_25 = arith.constant 0 : index
    %swap3A_26 = vector.load %arg6[%swap3A_24, %swap3A_25] : memref<1x256xf32, #tpu.memory_space<vmem>>, vector<1x256xf32>
    tpu.vector_store %arg6[%swap3A_24, %swap3A_25], %scan3A_22#0 {strides = array<i32>} : memref<1x256xf32, #tpu.memory_space<vmem>>, vector<1x256xf32>,
    %swap3A_27 = arith.constant 0 : index
    %swap3A_28 = arith.constant 0 : index
    %swap3A_29 = vector.load %arg7[%swap3A_27, %swap3A_28] : memref<1x256xf32, #tpu.memory_space<vmem>>, vector<1x256xf32>
    tpu.vector_store %arg7[%swap3A_27, %swap3A_28], %scan3A_22#1 {strides = array<i32>} : memref<1x256xf32, #tpu.memory_space<vmem>>, vector<1x256xf32>,
    %eq3A_30 = arith.constant 9 : i32
    %eq3A_31 = arith.cmpi eq, %arg0, %eq3A_30 : i32
    %convert_element_type3A_32 = arith.extui %eq3A_31 : i1 to i32
    %cond3A_33 = arith.constant 0 : i32
    %cond3A_34 = arith.cmpi ne, %convert_element_type3A_32, %cond3A_33 : i32
    scf.if %cond3A_34 {
      %swap3A_35 = arith.constant 0 : index
      %swap3A_36 = arith.constant 0 : index
      %swap3A_37 = vector.load %arg5[%swap3A_35, %swap3A_36] : memref<1x256xf32, #tpu.memory_space<vmem>>, vector<1x256xf32>
      tpu.vector_store %arg5[%swap3A_35, %swap3A_36], %scan3A_22#1 {strides = array<i32>} : memref<1x256xf32, #tpu.memory_space<vmem>>, vector<1x256xf32>,
    } else {
    }
    return
  }
  func.func @transform_0(%arg0: i32) -> (i32, i32) {
    %c0_i32 = arith.constant 0 : i32
    %c0_i32_0 = arith.constant 0 : i32
    return %arg0, %c0_i32 : i32, i32
  }
  func.func @transform_1(%arg0: i32) -> (i32, i32) {
    %c0_i32 = arith.constant 0 : i32
    %c0_i32_0 = arith.constant 0 : i32
    %c0_i32_1 = arith.constant 0 : i32
    return %c0_i32, %c0_i32_0 : i32, i32
  }
  func.func @transform_2(%arg0: i32) -> (i32, i32) {
    %c0_i32 = arith.constant 0 : i32
    %c0_i32_0 = arith.constant 0 : i32
    %c0_i32_1 = arith.constant 0 : i32
    return %c0_i32, %c0_i32_0 : i32, i32
  }
  func.func @transform_3(%arg0: i32) -> (i32, i32) {
    %c0_i32 = arith.constant 0 : i32
    %c0_i32_0 = arith.constant 0 : i32
    %c0_i32_1 = arith.constant 0 : i32
    return %c0_i32, %c0_i32_0 : i32, i32
  }
  func.func @transform_4(%arg0: i32) -> (i32, i32) {
    %c0_i32 = arith.constant 0 : i32
    %c0_i32_0 = arith.constant 0 : i32
    %c0_i32_1 = arith.constant 0 : i32
    return %c0_i32, %c0_i32_0 : i32, i32
  }
}

</mosaic_0001>

<sc_bundles>
// kernel: kernel.5.cloned.1.call-start
scs
__scs_entry_jumppad:
0x0: {  	(pc) =	sbr.rel $0x88, $3  }
0x1: {  	(tag) =	ssettag $0x0;
	lr =	simm.s32 $0x1  }
0x2: {  	[smem:$0x3F92] =	sst lr;
	_ =	strace $0xD0000000  }
0x3: {  	_ = 	snop  }
0x4: {  	_ = 	snop  }
0x5: {  	_ = 	snop  }
0x6: {  	_ = 	snop  }
0x7: {  	_ = 	snop  }
__scs_overlays_trampoline_lowered:
0x8: {  	[smem:$0x3FA1] =	sst s0  }
0x9: {  	[smem:$0x3FA2] =	sst s1  }
0xa: {  	[smem:$0x3FA3] =	sst s2  }
0xb: {  	[smem:$0x3FA4] =	sst s3  }
0xc: {  	[smem:$0x3FA5] =	sst s4  }
0xd: {  	[smem:$0x3FA6] =	sst s5  }
0xe: {  	[smem:$0x3FA7] =	sst s6  }
0xf: {  	[smem:$0x3FA8] =	sst s7  }
0x10: {  	[smem:$0x3FA9] =	sst s8  }
0x11: {  	[smem:$0x3FAA] =	sst s9;
	s0 =	simm.s32 @!p0 $0x0  }
0x12: {  	s1 =	sld [smem:$0x3F90];
	s0 =	simm.s32 @p0 $0x1  }
0x13: {  	[smem:$0x3FAB] =	sst s0;
	s0 =	simm.s32 @!p1 $0x0  }
0x14: {  	s2 =	sld [smem:$0x3F8F];
	s0 =	simm.s32 @p1 $0x1  }
0x15: {  	[smem:$0x3FAC] =	sst s0;
	s0 =	simm.s32 @!p2 $0x0  }
0x16: {  	s3 =	sld [smem:$0x3FDB];
	s0 =	simm.s32 @p2 $0x1  }
0x17: {  	s4 =	simm.s32 $0x1BF5;
	[smem:$0x3FAE] =	sst s0  }
0x18: {  	s0 =	sld [smem:$0x3F91];
	_ =	swait.ge [sflag:s4], $0x0  }
0x19: {  	s7 =	sld [smem:$0x3F92]  }
0x1a: {  	s8 =	sadd.s32 $0xFFFFE003, lr  }
0x1b: {  	s9 =	sadd.s32 $0xFFFFFEF7, lr;
	s5 =	simm.s32 $0xFFFFFFFF;
	p2 =	slt.u32 s8, $0xFFFFF086  }
0x1c: {  	p1 =	slt.u32 s9, $0xF7A;
	s5 =	simm.s32 @!p2 $0x0  }
0x1d: {  	s5 =	simm.s32 @p1 $0x1;
	p0 =	seq.s32 s7, s2  }
0x1e: {  	s7 =	smul.u32 @!p0 $0xF7A, s2;
	p2 =	seq.s32 @!p0 s5, $0x0  }
0x1f: {  	s9 =	smul.u32 $0xF7A, s1;
	s8 =	simm.s32 @!p0 $0x1BF5;
	p2 =	por !p2, p0  }
0x20: {  	[sflag:s8] =	ssyncset.s32 @!p0 $0xFFFFF086;
	s6 =	sadd.s32 @!p0 s3, s7;
	s7 =	simm.s32 @!p0 $0x108  }
0x21: {  	s3 =	sadd.s32 s3, s9;
	s6 =	sadd.s32 @!p0 $0x88, s6;
	s7 =	simm.s32 @p2 $0x1082  }
0x22: {  	[simem:s7], [sflag:s8] =	dma.local @!p0 [hbm:s6], $0xF7A  }
0x23: {  	s9 =	sor.u32 $0xD0000000, s2;
	s6 =	simm.s32 $0x108;
	_ =	swait.ge @!p0 [sflag:s8], $0x0  }
0x24: {  	s3 =	sadd.s32 $0x88, s3;
	s6 =	simm.s32 @!p1 $0x1082;
	[sflag:s4] =	ssyncset.s32 $0xFFFFF086  }
0x25: {  	[simem:s6], [sflag:s4] =	dma.local [hbm:s3], $0xF7A  }
0x26: {  	[smem:$0x3F92] =	sst s1;
	(tag) =	ssettag s2;
	_ =	strace s9  }
0x27: {  	s1 =	sld [smem:$0x3FA2]  }
0x28: {  	s2 =	sld [smem:$0x3FA3]  }
0x29: {  	s4 =	sld [smem:$0x3FA5]  }
0x2a: {  	p0 =	seq.s32 s5, $0x0;
	s5 =	sld [smem:$0x3FA6]  }
0x2b: {  	s6 =	sld [smem:$0x3FA7]  }
0x2c: {  	s7 =	sld [smem:$0x3FA8]  }
0x2d: {  	s3 =	simm.s32 $0x108;
	s8 =	sld [smem:$0x3FA9]  }
0x2e: {  	s3 =	simm.s32 @!p0 $0x1082;
	s9 =	sld [smem:$0x3FAA]  }
0x2f: {  	lr =	sadd.s32 s0, s3;
	s0 =	sld [smem:$0x3FA1]  }
0x30: {  	s3 =	sld [smem:$0x3FA4]  }
0x31: {  	[smem:$0x3FAD] =	sst s10  }
0x32: {  	s10 =	sld [smem:$0x3FAB];
	_ =	sdelay $0x3  }
0x33: {  	p0 =	seq.s32 s10, $0x1;
	s10 =	sld [smem:$0x3FAD];
	_ =	sdelay $0x3  }
0x34: {  	[smem:$0x3FAD] =	sst s10  }
0x35: {  	s10 =	sld [smem:$0x3FAC];
	_ =	sdelay $0x3  }
0x36: {  	p1 =	seq.s32 s10, $0x1;
	s10 =	sld [smem:$0x3FAD];
	_ =	sdelay $0x3  }
0x37: {  	[smem:$0x3FAD] =	sst s10  }
0x38: {  	s10 =	sld [smem:$0x3FAE]  }
0x39: {  	_ = 	snop;
	(pc) =	sbr.ind lr, $3  }
0x3a: {  	_ = 	snop  }
0x3b: {  	_ = 	snop  }
0x3c: {  	p2 =	seq.s32 s10, $0x1;
	s10 =	sld [smem:$0x3FAD]  }
0x3d: {  	_ =	shalt  }
0x3e: {  	_ =	shalt  }
0x3f: {  	_ =	shalt  }
0x40: {  	_ =	shalt  }
0x41: {  	_ =	shalt  }
0x42: {  	_ =	shalt  }
0x43: {  	_ =	shalt  }
0x44: {  	_ =	shalt  }
0x45: {  	_ =	shalt  }
0x46: {  	_ =	shalt  }
0x47: {  	_ =	shalt  }
0x48: {  	_ =	shalt  }
0x49: {  	_ =	shalt  }
0x4a: {  	_ =	shalt  }
0x4b: {  	_ =	shalt  }
0x4c: {  	_ =	shalt  }
0x4d: {  	_ =	shalt  }
0x4e: {  	_ =	shalt  }
0x4f: {  	_ =	shalt  }
0x50: {  	_ =	shalt  }
0x51: {  	_ =	shalt  }
0x52: {  	_ =	shalt  }
0x53: {  	_ =	shalt  }
0x54: {  	_ =	shalt  }
0x55: {  	_ =	shalt  }
0x56: {  	_ =	shalt  }
0x57: {  	_ =	shalt  }
0x58: {  	_ =	shalt  }
0x59: {  	_ =	shalt  }
0x5a: {  	_ =	shalt  }
0x5b: {  	_ =	shalt  }
0x5c: {  	_ =	shalt  }
0x5d: {  	_ =	shalt  }
0x5e: {  	_ =	shalt  }
0x5f: {  	_ =	shalt  }
0x60: {  	_ =	shalt  }
0x61: {  	_ =	shalt  }
0x62: {  	_ =	shalt  }
0x63: {  	_ =	shalt  }
0x64: {  	_ =	shalt  }
0x65: {  	_ =	shalt  }
0x66: {  	_ =	shalt  }
0x67: {  	_ =	shalt  }
0x68: {  	_ =	shalt  }
0x69: {  	_ =	shalt  }
0x6a: {  	_ =	shalt  }
0x6b: {  	_ =	shalt  }
0x6c: {  	_ =	shalt  }
0x6d: {  	_ =	shalt  }
0x6e: {  	_ =	shalt  }
0x6f: {  	_ =	shalt  }
0x70: {  	_ =	shalt  }
0x71: {  	_ =	shalt  }
0x72: {  	_ =	shalt  }
0x73: {  	_ =	shalt  }
0x74: {  	_ =	shalt  }
0x75: {  	_ =	shalt  }
0x76: {  	_ =	shalt  }
0x77: {  	_ =	shalt  }
0x78: {  	_ =	shalt  }
0x79: {  	_ =	shalt  }
0x7a: {  	_ =	shalt  }
0x7b: {  	_ =	shalt  }
0x7c: {  	_ =	shalt  }
0x7d: {  	_ =	shalt  }
0x7e: {  	_ =	shalt  }
0x7f: {  	_ =	shalt  }
0x80: {  	_ =	shalt  }
0x81: {  	_ =	shalt  }
0x82: {  	_ =	shalt  }
0x83: {  	_ =	shalt  }
0x84: {  	_ =	shalt  }
0x85: {  	_ =	shalt  }
0x86: {  	_ =	shalt  }
0x87: {  	_ =	shalt  }
.Lfunc_end0:
.L_simem_size_0:
called_computation.2_lowered:
.L_overlay_start_0:
0x88: {  	s2 =	sld [smem:$0x3FD9]  }
0x89: {  	s3 =	sld [smem:$0x3FFE];
	_ =	sdelay $0x1  }
0x8a: {  	s1 =	srdreg.scid  }
0x8b: {  	s0 =	sand.u32 $0x1, s1  }
0x8c: {  	s16 =	sshll.u32 s0, $0xA;
	s2 =	sadd.s32 s3, s2  }
0x8d: {  	s2 =	sadd.s32 s2, s16  }
0x8e: {  	[smem:$0x3FB9] =	sst s2  }
0x8f: {  	_ = 	snop  }
0x90: {  	(tm) =	ssettm $0x1  }
0x91: {  	s17 =	sld [smem:$0x3FFB];
	_ =	sdelay $0x3  }
0x92: {  	_ =	strace s17  }
0x93: {  	s2 =	sld [smem:$0x3FFC];
	_ =	sdelay $0x3  }
0x94: {  	_ =	strace s2  }
0x95: {  	s2 =	sld [smem:$0x3FFD];
	_ =	sdelay $0x3  }
0x96: {  	_ =	strace s2  }
0x97: {  	_ =	strace $0x8FFFFFFF  }
0x98: {  	s18 =	sld [smem:$0x3FDB];
	_ =	sdelay $0x1  }
0x99: {  	s19 =	simm.s32 $_scs_section_size  }
0x9a: {  	s4 =	simm.s32 $_size__tile_overlayer_lowered;
	s5 =	simm.s32 $_tile_overlayer_lowered  }
0x9b: {  	s22 =	simm.s32 $0x1BFF;
	s21 =	sshll.u32 s5, $0x1;
	s2 =	sadd.s32 s19, s18  }
0x9c: {  	s6 =	simm.s32 $0x0;
	s20 =	sshll.u32 s4, $0x1;
	s4 =	sadd.s32 s21, s2  }
0x9d: {  	[timem:s6], [sflag:s22] =	dma.local [hbm:s4], s20  }
0x9e: {  	_ =	swait.ge [sflag:s22], s20  }
0x9f: {  	s3 =	ssub.s32 $0x0, s20;
	[sflag:s22] =	ssyncset.done $0x0  }
0xa0: {  	[sflag:s22] =	ssyncadd.s32 s3;
	_ =	sdelay $0x1  }
0xa1: {  	s23 =	simm.s32 $0x1B8B  }
0xa2: {  	_ =	swait.ge [sflag:s23], $0x1  }
0xa3: {  	[sflag:s23] =	ssyncset.done $0x0  }
0xa4: {  	s25 =	simm.s32 $0x1B8E;
	s24 =	sld [smem:$0x3FFE];
	[sflag:s23] =	ssyncadd.s32 $0xFFFFFFFF  }
0xa5: {  	s26 =	simm.s32 $execute0_lowered;
	[smem:$0x3FD2] =	sst s25  }
0xa6: {  	s4 =	sshll.u32 s26, $0x1;
	_ =	strace $0x80000046;
	[dreg:$0x1] =	wrdreg $0xFFFFFFFF  }
0xa7: {  	s28 =	simm.s32 $_size_execute0_lowered;
	s2 =	sadd.s32 s2, s4;
	[dreg:$0x0] =	wrdreg $0x0  }
0xa8: {  	s4 =	sshll.u32 s28, $0x1;
	[dreg:$0x2] =	wrdreg s2  }
0xa9: {  	[dreg:$0x3] =	wrdreg s4  }
0xaa: {  	[dreg:$0x4] =	wrdreg $0xC0  }
0xab: {  	_ =	task [dreg:s6], $0x5FFFF  }
0xac: {  	[dreg:$0x1] =	wrdreg $0xFFFFFFFF  }
0xad: {  	[dreg:$0x0] =	wrdreg $0x60  }
0xae: {  	[dreg:$0x2] =	wrdreg s24  }
0xaf: {  	[dreg:$0x3] =	wrdreg $0x9  }
0xb0: {  	_ =	task.clear_ibuf [dreg:s6], $0x4FFFF;
	_ =	strace $0x90000046  }
0xb1: {  	s29 =	simm.s32 $0x9;
	_ =	strace $0x80000048  }
0xb2: {  	_ =	swait.ge [sflag:s29], $0x1  }
0xb3: {  	[sflag:s29] =	ssyncadd.s32 $0xFFFFFFFF  }
0xb4: {  	_ =	strace $0x90000048  }
0xb5: {  	_ =	sfence  }
0xb6: {  	s30 =	sld [smem:$0x0];
	_ =	sdelay $0x2  }
0xb7: {  	s31 =	sshll.u32 s1, $0xD;
	s1 =	sshrl.u32 s1, $0x2  }
0xb8: {  	s3 =	sand.u32 $0x4000, s31;
	s1 =	sadd.s32 s1, s30  }
0xb9: {  	s0 =	sor.u32 s3, s0;
	s1 =	sshll.u32 s1, $0x11  }
0xba: {  	s0 =	sor.u32 s1, s0  }
0xbb: {  	s0 =	sadd.s32 $0x8F2B, s0  }
0xbc: {  	[sflag:s0] =	ssyncadd.remote.s32 $0x1  }
0xbd: {  	_ =	sfence.sel $0xFFFF  }
0xbe: {  	[dreg:$0x0] =	wrdreg $0xFFFFFFFF;
	(pc) =	sbr.abs _section_cstart, $3  }
0xbf: {  	[dreg:$0x1] =	wrdreg $0xFFFFFFFF  }
0xc0: {  	_ =	task.clear_ibuf [dreg:s6], $0x2FFFF;
	_ =	strace $0x9FFFFFFF  }
0xc1: {  	(tm) =	ssettm $0x7FFFFFFF  }
tec
execute0_lowered:
.L_overlay_start_1:
0x0: {  	(tag) =	ssettag $0x1  }
0x1: {  	s1 =	srdreg.scid  }
0x2: {  	s0 =	stileid.u32;
	s5 =	rddreg [dreg:$0x0];
	s2 =	simm.s32 $0x0  }
0x3: {  	s10 =	simm.s32 $0x1;
	s11 =	simm.s32 $0x2780;
	s12 =	simm.s32 $0x4F00  }
0x4: {  	s13 =	simm.s32 $0x7680;
	s14 =	simm.s32 $0x9E00;
	s15 =	simm.s32 $0xC580  }
0x5: {  	s16 =	simm.s32 $0x0;
	s4 =	sand.u32 $0x1, s1;
	s3 =	sshll.u32 s0, $0x1  }
0x6: {  	s1 =	rddreg [dreg:$0x1];
	s3 =	sor.u32 s4, s3;
	s7 =	ssub.s32 $0x2, s4  }
0x7: {  	[smem:$0x7FF] =	sst s2;
	s6 =	smul.u32 $0x4E2, s3;
	s8 =	sshrl.u32 s7, $0x1  }
0x8: {  	_ =	strace $0x80000047;
	s4 =	sadd.s32 $0x1DA00, s5;
	s9 =	ssub.s32 s7, s8  }
0x9: {  	s3 =	sadd.s32 $0x1E000, s5;
	s5 =	sadd.s32 s5, s6;
	s9 =	smax.u32 s9, $0x1  }
0xa: {  	s6 =	sadd.s32 $0x13C00, s5;
	s7 =	sadd.s32 $0x9E00, s5;
	s8 =	sadd.s32 $0x6C800, s5  }
.LBB2_1:
0xb: {  	[tilespmem:s2], [sflag:$0x1] =	stream.linear.gather [hbm4b:s3+s2], $0x2780, $0x38;
	[tilespmem:$0xED00] =	vst v63  }
0xc: {  	_ =	swait.ge [sflag:s10], $0x2780  }
0xd: {  	[sflag:s10] =	ssyncset.done $0x0  }
0xe: {  	[sflag:s10] =	ssyncadd.s32 $0xFFFFD880  }
0xf: {  	[tilespmem:s11], [sflag:$0x1] =	stream.linear.gather [hbm4b:s4+s2], $0x2780, $0x38;
	[tilespmem:$0xED00] =	vst v63  }
0x10: {  	_ =	swait.ge [sflag:s10], $0x2780  }
0x11: {  	[sflag:s10] =	ssyncset.done $0x0  }
0x12: {  	[sflag:s10] =	ssyncadd.s32 $0xFFFFD880  }
0x13: {  	[tilespmem:s12], [sflag:$0x1] =	stream.linear.gather [hbm4b:s6+s2], $0x2710, $0x38;
	[tilespmem:$0xED00] =	vst v63  }
0x14: {  	_ =	swait.ge [sflag:s10], $0x2710  }
0x15: {  	[sflag:s10] =	ssyncset.done $0x0  }
0x16: {  	[sflag:s10] =	ssyncadd.s32 $0xFFFFD8F0  }
0x17: {  	[tilespmem:s13], [sflag:$0x1] =	stream.linear.gather [hbm4b:s5+s2], $0x2710, $0x38;
	[tilespmem:$0xED00] =	vst v63  }
0x18: {  	_ =	swait.ge [sflag:s10], $0x2710  }
0x19: {  	[sflag:s10] =	ssyncset.done $0x0  }
0x1a: {  	[sflag:s10] =	ssyncadd.s32 $0xFFFFD8F0  }
0x1b: {  	[tilespmem:s14], [sflag:$0x1] =	stream.linear.gather [hbm4b:s7+s2], $0x2710, $0x38;
	[tilespmem:$0xED00] =	vst v63  }
0x1c: {  	_ =	swait.ge [sflag:s10], $0x2710  }
0x1d: {  	[sflag:s10] =	ssyncset.done $0x0  }
0x1e: {  	s17 =	simm.s32 $0x0;
	[sflag:s10] =	ssyncadd.s32 $0xFFFFD8F0  }
0x1f: {  	v0 =	vld [tilespmem:s17+$0x9E00]  }
0x20: {  	v1 =	vld [tilespmem:s17+$0x7680];
	_ =	sdelay $0x6  }
0x21: {  	v0 =	vld.idx.msk [tilespmem:v0+s11+$0x0], $0xffff  }
0x22: {  	v1 =	vld.idx.msk [tilespmem:v1+s2+$0x0], $0xffff;
	_ =	sdelay $0x1  }
0x23: {  	v2 =	vld [tilespmem:s17+$0x4F00];
	_ =	sdelay $0x2  }
0x24: {  	v0 =	vadd.f32 v0, v1;
	_ =	sdelay $0x1  }
0x25: {  	v0 =	vadd.f32 v0, v2;
	_ =	sdelay $0x1  }
0x26: {  	v1 =	vmul.f32 $2.000000030e-01, v0  }
0x27: {  	vm0 =	vge.f32 v0, $0.0e+00  }
0x28: {  	v0 =	vsel vm0, v0, v1  }
0x29: {  	v0 =	vmul.f32 $1.442695020e+00, v0;
	_ =	sdelay $0x1  }
0x2a: {  	(erf) = vpow2.f32 v0;
	_ =	sdelay $0x1  }
0x2b: {  	s19 =	simm.s32 $0x10  }
0x2c: {  	s18 =	simm.s32 $0x80;
	v0 =	vld [tilespmem:s19+$0x9E00]  }
.LBB2_2:
0x2d: {  	p0 =	sne.s32 s18, $0x9C00;
	v1 =	vld [tilespmem:s19+$0x7680];
	_ =	sdelay $0x4  }
0x2e: {  	v2 =	vpop (erf)  }
0x2f: {  	[tilespmem:s17+$0xC580] =	vst v2;
	s17 =	smov.u32 s19  }
0x30: {  	v0 =	vld.idx.msk [tilespmem:v0+s11+$0x0], $0xffff  }
0x31: {  	v1 =	vld.idx.msk [tilespmem:v1+s2+$0x0], $0xffff;
	_ =	sdelay $0x2  }
0x32: {  	v2 =	vld [tilespmem:s17+$0x4F00];
	_ =	sdelay $0x2  }
0x33: {  	v0 =	vadd.f32 v0, v1;
	_ =	sdelay $0x1  }
0x34: {  	v0 =	vadd.f32 v0, v2;
	_ =	sdelay $0x1  }
0x35: {  	v1 =	vmul.f32 $2.000000030e-01, v0  }
0x36: {  	vm0 =	vge.f32 v0, $0.0e+00  }
0x37: {  	v0 =	vsel vm0, v0, v1  }
0x38: {  	v0 =	vmul.f32 $1.442695020e+00, v0  }
.Ltmp0:
0x39: {  	(pc) =	sbr.rel @p0 .LBB2_2-.Ltmp0, $3  }
0x3a: {  	(erf) = vpow2.f32 v0;
	_ =	sdelay $0x1  }
0x3b: {  	s19 =	sshra.s32 s18, $0x2  }
0x3c: {  	s18 =	sadd.s32 $0x40, s18;
	v0 =	vld [tilespmem:s19+$0x9E00]  }
0x3d: {  	_ = 	snop  }
0x3e: {  	v1 =	vld [tilespmem:s19+$0x7680];
	_ =	sdelay $0x4  }
0x3f: {  	v2 =	vpop (erf)  }
0x40: {  	[tilespmem:s17+$0xC580] =	vst v2  }
0x41: {  	v0 =	vld.idx.msk [tilespmem:v0+s11+$0x0], $0xffff  }
0x42: {  	v1 =	vld.idx.msk [tilespmem:v1+s2+$0x0], $0xffff;
	_ =	sdelay $0x1  }
0x43: {  	v2 =	vld [tilespmem:s19+$0x4F00];
	_ =	sdelay $0x2  }
0x44: {  	v0 =	vadd.f32 v0, v1;
	_ =	sdelay $0x1  }
0x45: {  	v0 =	vadd.f32 v0, v2;
	_ =	sdelay $0x1  }
0x46: {  	v63 =	vmul.f32 $2.000000030e-01, v0  }
0x47: {  	vm0 =	vge.f32 v0, $0.0e+00  }
0x48: {  	v0 =	vsel vm0, v0, v63  }
0x49: {  	v0 =	vmul.f32 $1.442695020e+00, v0;
	_ =	sdelay $0x1  }
0x4a: {  	(erf) = vpow2.f32 v0;
	_ =	sdelay $0x7  }
0x4b: {  	s16 =	sadd.s32 $0x1, s16  }
0x4c: {  	p0 =	sne.s32 s16, s9;
	v0 =	vpop (erf)  }
.Ltmp1:
0x4d: {  	[tilespmem:s19+$0xC580] =	vst v0;
	(pc) =	sbr.rel @p0 .LBB2_1-.Ltmp1, $4  }
0x4e: {  	[hbm4b:s8+s2] =	stream.linear.scatter [tilespmem:s15], [sflag:$0x1], $0x2710, $0x38;
	[tilespmem:$0xED00] =	vst v63  }
0x4f: {  	_ =	swait.ge [sflag:s10], $0x2710  }
0x50: {  	[sflag:s10] =	ssyncset.done $0x0  }
0x51: {  	[sflag:s10] =	ssyncadd.s32 $0xFFFFD8F0  }
0x52: {  	_ =	sfence.sel $0x180000  }
0x53: {  	[bflag:$0x0] =	sbarrier.arrive $0xFFFF  }
0x54: {  	p0 =	sne.s32 s0, $0x0;
	_ =	strace $0x90000047  }
0x55: {  	s0 =	sadd.s32 @!p0 $0x100000, s1;
	[bflag:$0x2] =	sbarrier.arrive $0xFFFF  }
0x56: {  	[sflag:s0] =	ssyncadd.tile.s32 @!p0 $0x1;
	_ =	shalt  }
.Lfunc_end2:
_tile_overlayer_lowered:
.L_overlay_start_2:
0x57: {  	(tag) =	ssettag $0x2  }
0x58: {  	s0 =	rddreg [dreg:$0x0];
	s2 =	stileid.u32  }
0x59: {  	s1 =	rddreg [dreg:$0x1];
	p0 =	sne.s32 s2, $0x0  }
0x5a: {  	s3 =	rddreg [dreg:$0x2];
	[bflag:$0x3] =	sbarrier.arrive $0xFFFF;
	s2 =	simm.s32 @!p0 $0x1C01  }
0x5b: {  	[timem:s3], [sflag:s2] =	dma.local @!p0 [hbm:s0], s1  }
0x5c: {  	s0 =	simm.s32 @!p0 $0x1  }
0x5d: {  	_ =	swait.ge @!p0 [sflag:s0], s1  }
0x5e: {  	s1 =	ssub.s32 @!p0 $0x0, s1;
	[sflag:s0] =	ssyncset.done @!p0 $0x0  }
0x5f: {  	[sflag:s0] =	ssyncadd.s32 @!p0 s1  }
0x60: {  	[bflag:$0x3] =	sbarrier.arrive $0xFFFF  }
0x61: {  	_ =	shalt  }

// kernel: kernel.8.cloned.1.call-start
scs
__scs_entry_jumppad:
0x0: {  	(pc) =	sbr.rel $0x88, $3  }
0x1: {  	(tag) =	ssettag $0x0;
	lr =	simm.s32 $0x1  }
0x2: {  	[smem:$0x3F92] =	sst lr;
	_ =	strace $0xD0000000  }
0x3: {  	_ = 	snop  }
0x4: {  	_ = 	snop  }
0x5: {  	_ = 	snop  }
0x6: {  	_ = 	snop  }
0x7: {  	_ = 	snop  }
__scs_overlays_trampoline_lowered:
0x8: {  	[smem:$0x3FA1] =	sst s0  }
0x9: {  	[smem:$0x3FA2] =	sst s1  }
0xa: {  	[smem:$0x3FA3] =	sst s2  }
0xb: {  	[smem:$0x3FA4] =	sst s3  }
0xc: {  	[smem:$0x3FA5] =	sst s4  }
0xd: {  	[smem:$0x3FA6] =	sst s5  }
0xe: {  	[smem:$0x3FA7] =	sst s6  }
0xf: {  	[smem:$0x3FA8] =	sst s7  }
0x10: {  	[smem:$0x3FA9] =	sst s8  }
0x11: {  	[smem:$0x3FAA] =	sst s9;
	s0 =	simm.s32 @!p0 $0x0  }
0x12: {  	s1 =	sld [smem:$0x3F90];
	s0 =	simm.s32 @p0 $0x1  }
0x13: {  	[smem:$0x3FAB] =	sst s0;
	s0 =	simm.s32 @!p1 $0x0  }
0x14: {  	s2 =	sld [smem:$0x3F8F];
	s0 =	simm.s32 @p1 $0x1  }
0x15: {  	[smem:$0x3FAC] =	sst s0;
	s0 =	simm.s32 @!p2 $0x0  }
0x16: {  	s3 =	sld [smem:$0x3FDB];
	s0 =	simm.s32 @p2 $0x1  }
0x17: {  	s4 =	simm.s32 $0x1BF5;
	[smem:$0x3FAE] =	sst s0  }
0x18: {  	s0 =	sld [smem:$0x3F91];
	_ =	swait.ge [sflag:s4], $0x0  }
0x19: {  	s7 =	sld [smem:$0x3F92]  }
0x1a: {  	s8 =	sadd.s32 $0xFFFFE003, lr  }
0x1b: {  	s9 =	sadd.s32 $0xFFFFFEF7, lr;
	s5 =	simm.s32 $0xFFFFFFFF;
	p2 =	slt.u32 s8, $0xFFFFF086  }
0x1c: {  	p1 =	slt.u32 s9, $0xF7A;
	s5 =	simm.s32 @!p2 $0x0  }
0x1d: {  	s5 =	simm.s32 @p1 $0x1;
	p0 =	seq.s32 s7, s2  }
0x1e: {  	s7 =	smul.u32 @!p0 $0xF7A, s2;
	p2 =	seq.s32 @!p0 s5, $0x0  }
0x1f: {  	s9 =	smul.u32 $0xF7A, s1;
	s8 =	simm.s32 @!p0 $0x1BF5;
	p2 =	por !p2, p0  }
0x20: {  	[sflag:s8] =	ssyncset.s32 @!p0 $0xFFFFF086;
	s6 =	sadd.s32 @!p0 s3, s7;
	s7 =	simm.s32 @!p0 $0x108  }
0x21: {  	s3 =	sadd.s32 s3, s9;
	s6 =	sadd.s32 @!p0 $0x88, s6;
	s7 =	simm.s32 @p2 $0x1082  }
0x22: {  	[simem:s7], [sflag:s8] =	dma.local @!p0 [hbm:s6], $0xF7A  }
0x23: {  	s9 =	sor.u32 $0xD0000000, s2;
	s6 =	simm.s32 $0x108;
	_ =	swait.ge @!p0 [sflag:s8], $0x0  }
0x24: {  	s3 =	sadd.s32 $0x88, s3;
	s6 =	simm.s32 @!p1 $0x1082;
	[sflag:s4] =	ssyncset.s32 $0xFFFFF086  }
0x25: {  	[simem:s6], [sflag:s4] =	dma.local [hbm:s3], $0xF7A  }
0x26: {  	[smem:$0x3F92] =	sst s1;
	(tag) =	ssettag s2;
	_ =	strace s9  }
0x27: {  	s1 =	sld [smem:$0x3FA2]  }
0x28: {  	s2 =	sld [smem:$0x3FA3]  }
0x29: {  	s4 =	sld [smem:$0x3FA5]  }
0x2a: {  	p0 =	seq.s32 s5, $0x0;
	s5 =	sld [smem:$0x3FA6]  }
0x2b: {  	s6 =	sld [smem:$0x3FA7]  }
0x2c: {  	s7 =	sld [smem:$0x3FA8]  }
0x2d: {  	s3 =	simm.s32 $0x108;
	s8 =	sld [smem:$0x3FA9]  }
0x2e: {  	s3 =	simm.s32 @!p0 $0x1082;
	s9 =	sld [smem:$0x3FAA]  }
0x2f: {  	lr =	sadd.s32 s0, s3;
	s0 =	sld [smem:$0x3FA1]  }
0x30: {  	s3 =	sld [smem:$0x3FA4]  }
0x31: {  	[smem:$0x3FAD] =	sst s10  }
0x32: {  	s10 =	sld [smem:$0x3FAB];
	_ =	sdelay $0x3  }
0x33: {  	p0 =	seq.s32 s10, $0x1;
	s10 =	sld [smem:$0x3FAD];
	_ =	sdelay $0x3  }
0x34: {  	[smem:$0x3FAD] =	sst s10  }
0x35: {  	s10 =	sld [smem:$0x3FAC];
	_ =	sdelay $0x3  }
0x36: {  	p1 =	seq.s32 s10, $0x1;
	s10 =	sld [smem:$0x3FAD];
	_ =	sdelay $0x3  }
0x37: {  	[smem:$0x3FAD] =	sst s10  }
0x38: {  	s10 =	sld [smem:$0x3FAE]  }
0x39: {  	_ = 	snop;
	(pc) =	sbr.ind lr, $3  }
0x3a: {  	_ = 	snop  }
0x3b: {  	_ = 	snop  }
0x3c: {  	p2 =	seq.s32 s10, $0x1;
	s10 =	sld [smem:$0x3FAD]  }
0x3d: {  	_ =	shalt  }
0x3e: {  	_ =	shalt  }
0x3f: {  	_ =	shalt  }
0x40: {  	_ =	shalt  }
0x41: {  	_ =	shalt  }
0x42: {  	_ =	shalt  }
0x43: {  	_ =	shalt  }
0x44: {  	_ =	shalt  }
0x45: {  	_ =	shalt  }
0x46: {  	_ =	shalt  }
0x47: {  	_ =	shalt  }
0x48: {  	_ =	shalt  }
0x49: {  	_ =	shalt  }
0x4a: {  	_ =	shalt  }
0x4b: {  	_ =	shalt  }
0x4c: {  	_ =	shalt  }
0x4d: {  	_ =	shalt  }
0x4e: {  	_ =	shalt  }
0x4f: {  	_ =	shalt  }
0x50: {  	_ =	shalt  }
0x51: {  	_ =	shalt  }
0x52: {  	_ =	shalt  }
0x53: {  	_ =	shalt  }
0x54: {  	_ =	shalt  }
0x55: {  	_ =	shalt  }
0x56: {  	_ =	shalt  }
0x57: {  	_ =	shalt  }
0x58: {  	_ =	shalt  }
0x59: {  	_ =	shalt  }
0x5a: {  	_ =	shalt  }
0x5b: {  	_ =	shalt  }
0x5c: {  	_ =	shalt  }
0x5d: {  	_ =	shalt  }
0x5e: {  	_ =	shalt  }
0x5f: {  	_ =	shalt  }
0x60: {  	_ =	shalt  }
0x61: {  	_ =	shalt  }
0x62: {  	_ =	shalt  }
0x63: {  	_ =	shalt  }
0x64: {  	_ =	shalt  }
0x65: {  	_ =	shalt  }
0x66: {  	_ =	shalt  }
0x67: {  	_ =	shalt  }
0x68: {  	_ =	shalt  }
0x69: {  	_ =	shalt  }
0x6a: {  	_ =	shalt  }
0x6b: {  	_ =	shalt  }
0x6c: {  	_ =	shalt  }
0x6d: {  	_ =	shalt  }
0x6e: {  	_ =	shalt  }
0x6f: {  	_ =	shalt  }
0x70: {  	_ =	shalt  }
0x71: {  	_ =	shalt  }
0x72: {  	_ =	shalt  }
0x73: {  	_ =	shalt  }
0x74: {  	_ =	shalt  }
0x75: {  	_ =	shalt  }
0x76: {  	_ =	shalt  }
0x77: {  	_ =	shalt  }
0x78: {  	_ =	shalt  }
0x79: {  	_ =	shalt  }
0x7a: {  	_ =	shalt  }
0x7b: {  	_ =	shalt  }
0x7c: {  	_ =	shalt  }
0x7d: {  	_ =	shalt  }
0x7e: {  	_ =	shalt  }
0x7f: {  	_ =	shalt  }
0x80: {  	_ =	shalt  }
0x81: {  	_ =	shalt  }
0x82: {  	_ =	shalt  }
0x83: {  	_ =	shalt  }
0x84: {  	_ =	shalt  }
0x85: {  	_ =	shalt  }
0x86: {  	_ =	shalt  }
0x87: {  	_ =	shalt  }
.Lfunc_end0:
.L_simem_size_0:
called_computation.3_lowered:
.L_overlay_start_0:
0x88: {  	s2 =	sld [smem:$0x3FD9]  }
0x89: {  	s3 =	sld [smem:$0x3FFE];
	_ =	sdelay $0x1  }
0x8a: {  	s1 =	srdreg.scid  }
0x8b: {  	s0 =	sand.u32 $0x1, s1  }
0x8c: {  	s16 =	sshll.u32 s0, $0xA;
	s2 =	sadd.s32 s3, s2  }
0x8d: {  	s2 =	sadd.s32 s2, s16  }
0x8e: {  	[smem:$0x3FB9] =	sst s2  }
0x8f: {  	_ = 	snop  }
0x90: {  	(tm) =	ssettm $0x1  }
0x91: {  	s17 =	sld [smem:$0x3FFB];
	_ =	sdelay $0x3  }
0x92: {  	_ =	strace s17  }
0x93: {  	s2 =	sld [smem:$0x3FFC];
	_ =	sdelay $0x3  }
0x94: {  	_ =	strace s2  }
0x95: {  	s2 =	sld [smem:$0x3FFD];
	_ =	sdelay $0x3  }
0x96: {  	_ =	strace s2  }
0x97: {  	_ =	strace $0x8FFFFFFF  }
0x98: {  	s18 =	sld [smem:$0x3FDB];
	_ =	sdelay $0x1  }
0x99: {  	s19 =	simm.s32 $_scs_section_size  }
0x9a: {  	s4 =	simm.s32 $_size__tile_overlayer_lowered;
	s5 =	simm.s32 $_tile_overlayer_lowered  }
0x9b: {  	s22 =	simm.s32 $0x1BFF;
	s21 =	sshll.u32 s5, $0x1;
	s2 =	sadd.s32 s19, s18  }
0x9c: {  	s6 =	simm.s32 $0x0;
	s20 =	sshll.u32 s4, $0x1;
	s4 =	sadd.s32 s21, s2  }
0x9d: {  	[timem:s6], [sflag:s22] =	dma.local [hbm:s4], s20  }
0x9e: {  	_ =	swait.ge [sflag:s22], s20  }
0x9f: {  	s3 =	ssub.s32 $0x0, s20;
	[sflag:s22] =	ssyncset.done $0x0  }
0xa0: {  	[sflag:s22] =	ssyncadd.s32 s3;
	_ =	sdelay $0x1  }
0xa1: {  	s23 =	simm.s32 $0x1B8B  }
0xa2: {  	_ =	swait.ge [sflag:s23], $0x1  }
0xa3: {  	[sflag:s23] =	ssyncset.done $0x0  }
0xa4: {  	s25 =	simm.s32 $0x1B8E;
	s24 =	sld [smem:$0x3FFE];
	[sflag:s23] =	ssyncadd.s32 $0xFFFFFFFF  }
0xa5: {  	s26 =	simm.s32 $execute0_lowered;
	[smem:$0x3FD2] =	sst s25  }
0xa6: {  	s4 =	sshll.u32 s26, $0x1;
	_ =	strace $0x8000004C;
	[dreg:$0x1] =	wrdreg $0xFFFFFFFF  }
0xa7: {  	s28 =	simm.s32 $_size_execute0_lowered;
	s2 =	sadd.s32 s2, s4;
	[dreg:$0x0] =	wrdreg $0x0  }
0xa8: {  	s4 =	sshll.u32 s28, $0x1;
	[dreg:$0x2] =	wrdreg s2  }
0xa9: {  	[dreg:$0x3] =	wrdreg s4  }
0xaa: {  	[dreg:$0x4] =	wrdreg $0xC0  }
0xab: {  	_ =	task [dreg:s6], $0x5FFFF  }
0xac: {  	[dreg:$0x1] =	wrdreg $0xFFFFFFFF  }
0xad: {  	[dreg:$0x0] =	wrdreg $0x60  }
0xae: {  	[dreg:$0x2] =	wrdreg s24  }
0xaf: {  	[dreg:$0x3] =	wrdreg $0x9  }
0xb0: {  	_ =	task.clear_ibuf [dreg:s6], $0x4FFFF;
	_ =	strace $0x9000004C  }
0xb1: {  	s29 =	simm.s32 $0x9;
	_ =	strace $0x8000004E  }
0xb2: {  	_ =	swait.ge [sflag:s29], $0x1  }
0xb3: {  	[sflag:s29] =	ssyncadd.s32 $0xFFFFFFFF  }
0xb4: {  	_ =	strace $0x9000004E  }
0xb5: {  	_ =	sfence  }
0xb6: {  	s30 =	sld [smem:$0x0];
	_ =	sdelay $0x2  }
0xb7: {  	s31 =	sshll.u32 s1, $0xD;
	s1 =	sshrl.u32 s1, $0x2  }
0xb8: {  	s3 =	sand.u32 $0x4000, s31;
	s1 =	sadd.s32 s1, s30  }
0xb9: {  	s0 =	sor.u32 s3, s0;
	s1 =	sshll.u32 s1, $0x11  }
0xba: {  	s0 =	sor.u32 s1, s0  }
0xbb: {  	s0 =	sadd.s32 $0x8F2B, s0  }
0xbc: {  	[sflag:s0] =	ssyncadd.remote.s32 $0x1  }
0xbd: {  	_ =	sfence.sel $0xFFFF  }
0xbe: {  	[dreg:$0x0] =	wrdreg $0xFFFFFFFF;
	(pc) =	sbr.abs _section_cstart, $3  }
0xbf: {  	[dreg:$0x1] =	wrdreg $0xFFFFFFFF  }
0xc0: {  	_ =	task.clear_ibuf [dreg:s6], $0x2FFFF;
	_ =	strace $0x9FFFFFFF  }
0xc1: {  	(tm) =	ssettm $0x7FFFFFFF  }
tec
execute0_lowered:
.L_overlay_start_1:
0x0: {  	(tag) =	ssettag $0x1  }
0x1: {  	s0 =	srdreg.scid;
	s2 =	stileid.u32  }
0x2: {  	s1 =	rddreg [dreg:$0x0];
	s14 =	simm.s32 $0x7680;
	s15 =	simm.s32 $0x9E00  }
0x3: {  	s18 =	simm.s32 $0xB600;
	s19 =	simm.s32 $0xBE00;
	s20 =	simm.s32 $0xC600  }
0x4: {  	s21 =	simm.s32 $0xCE00;
	s22 =	simm.s32 $0xD600;
	s23 =	simm.s32 $0xDE00  }
0x5: {  	s24 =	simm.s32 $0xE600;
	s25 =	simm.s32 $0xEE00;
	s28 =	simm.s32 $0xFE00  }
0x6: {  	s29 =	simm.s32 $0x10600;
	s30 =	simm.s32 $0x10E00;
	s31 =	simm.s32 $0x11600  }
0x7: {  	s12 =	simm.s32 $0x12E00;
	s13 =	simm.s32 $0x13600;
	s8 =	simm.s32 $0x1  }
0x8: {  	s9 =	simm.s32 $0x2;
	s10 =	simm.s32 $0x0;
	s0 =	sand.u32 $0x1, s0  }
0x9: {  	s3 =	sshll.u32 s2, $0x1;
	s2 =	simm.s32 $0x0;
	s4 =	sadd.s32 $0x1E600, s1  }
0xa: {  	v0 =	vlaneseq.u32;
	s5 =	sadd.s32 $0x1DA00, s1;
	s3 =	sor.u32 s0, s3;
	s0 =	ssub.s32 $0x2, s0  }
0xb: {  	vm0 =	vmmov $0xffff;
	v1 =	vand.u32 $0x7, v0;
	[smem:$0x7FF] =	sst s2;
	s3 =	smul.u32 $0x2710, s3;
	s7 =	sshrl.u32 s0, $0x1  }
0xc: {  	v2 =	vshrl.u32 v0, $0x3;
	v3 =	vor.u32 $0x8, v0;
	v4 =	vor.u32 $0x10, v0;
	_ =	strace $0x8000004D;
	[dreg:$0x2] =	wrdreg s5;
	s0 =	ssub.s32 s0, s7  }
.Ltmp0:
0xd: {  	v5 =	vor.u32 $0x20, v0;
	v6 =	vor.u32 $0x30, v0;
	v7 =	vor.u32 $0x40, v0;
	s26 =	sshrl.u32 s3, $0x3;
	s0 =	smax.u32 s0, $0x1;
	(pc) =	sbr.rel .LBB2_1-.Ltmp0, $4  }
0xe: {  	s6 =	sadd.s32 $0x76600, s1;
	v8 =	vor.u32 $0x50, v0;
	v9 =	vor.u32 $0x60, v0;
	v10 =	vor.u32 $0x70, v0;
	s1 =	sadd.s32 s1, s26;
	[dreg:$0x6] =	wrdreg s0  }
0xf: {  	v11 =	vor.u32 $0x400, v0;
	v12 =	vor.u32 $0x410, v0;
	v13 =	vor.u32 $0x420, v0;
	s26 =	simm.s32 $0xF600;
	s5 =	sadd.s32 $0x9E00, s1;
	[dreg:$0x3] =	wrdreg s1  }
0x10: {  	v14 =	vor.u32 $0x430, v0;
	v15 =	vor.u32 $0x440, v0;
	v16 =	vor.u32 $0x450, v0;
	s0 =	simm.s32 $0x12600;
	s1 =	sadd.s32 $0x6C800, s1;
	[dreg:$0x4] =	wrdreg s5  }
0x11: {  	v17 =	vor.u32 $0x460, v0;
	v18 =	vor.u32 $0x470, v0;
	v2 =	vmul.u32 $0x8, v2;
	[dreg:$0x5] =	wrdreg s1;
	s1 =	simm.s32 $0x11E00;
	s5 =	simm.s32 $0x3  }
.LBB2_17:
0x12: {  	s7 =	simm.s32 $0x4  }
0x13: {  	_ =	swait.ge [sflag:s7], $0x5000  }
0x14: {  	[sflag:s7] =	ssyncset.done $0x0  }
0x15: {  	[sflag:s7] =	ssyncadd.s32 $0xFFFFB000  }
0x16: {  	_ =	swait.ge [sflag:s5], $0x5000  }
0x17: {  	s10 =	rddreg [dreg:$0x7]  }
0x18: {  	s17 =	rddreg [dreg:$0x6];
	s10 =	sadd.s32 $0x1, s10  }
0x19: {  	p0 =	sne.s32 s10, s17  }
.Ltmp1:
0x1a: {  	_ = 	snop;
	(pc) =	sbr.rel @!p0 .LBB2_18-.Ltmp1, $3  }
0x1b: {  	_ =	sdelay $0x1  }
0x1c: {  	[sflag:s5] =	ssyncset.done $0x0  }
0x1d: {  	[sflag:s5] =	ssyncadd.s32 $0xFFFFB000  }
.LBB2_1:
0x1e: {  	[dreg:$0x7] =	wrdreg s10  }
0x1f: {  	s7 =	rddreg [dreg:$0x2];
	s10 =	simm.s32 $0x5  }
0x20: {  	[tilespmem:s2], [sflag:$0x5] =	stream.linear.gather [hbm4b:s7+s2], $0x2780, $0x38;
	[tilespmem:$0x13E00] =	vst v63  }
0x21: {  	_ =	swait.ge [sflag:s10], $0x2780  }
0x22: {  	[sflag:s10] =	ssyncset.done $0x0  }
0x23: {  	s11 =	simm.s32 $0x2780;
	s17 =	rddreg [dreg:$0x3];
	[sflag:s10] =	ssyncadd.s32 $0xFFFFD880  }
0x24: {  	[tilespmem:s11], [sflag:$0x5] =	stream.linear.gather [hbm4b:s17+s2], $0x2710, $0x38;
	[tilespmem:$0x13E00] =	vst v63  }
0x25: {  	_ =	swait.ge [sflag:s10], $0x2710  }
0x26: {  	[sflag:s10] =	ssyncset.done $0x0  }
0x27: {  	s16 =	simm.s32 $0x4F00;
	s11 =	rddreg [dreg:$0x4];
	[sflag:s10] =	ssyncadd.s32 $0xFFFFD8F0  }
0x28: {  	[tilespmem:s16], [sflag:$0x5] =	stream.linear.gather [hbm4b:s11+s2], $0x2710, $0x38;
	[tilespmem:$0x13E00] =	vst v63  }
0x29: {  	_ =	swait.ge [sflag:s10], $0x2710  }
0x2a: {  	[sflag:s10] =	ssyncset.done $0x0  }
0x2b: {  	s17 =	rddreg [dreg:$0x5];
	[sflag:s10] =	ssyncadd.s32 $0xFFFFD8F0  }
0x2c: {  	[tilespmem:s14], [sflag:$0x5] =	stream.linear.gather [hbm4b:s17+s2], $0x2710, $0x38;
	[tilespmem:$0x13E00] =	vst v63  }
0x2d: {  	_ =	swait.ge [sflag:s10], $0x2710  }
0x2e: {  	[sflag:s10] =	ssyncset.done $0x0  }
0x2f: {  	s7 =	simm.s32 $0x0;
	[sflag:s10] =	ssyncadd.s32 $0xFFFFD8F0  }
0x30: {  	v19 =	vld [tilespmem:s7+$0x4F00];
	_ =	sdelay $0x7  }
0x31: {  	v19 =	vld.idx.msk [tilespmem:v19+s2+$0x0], $0xffff;
	_ =	sdelay $0x4  }
0x32: {  	v19 =	vadd.f32 $1.000000020e-16, v19;
	_ =	sdelay $0x1  }
0x33: {  	(erf) = vrcp.f32 v19;
	_ =	sdelay $0x2  }
0x34: {  	s11 =	simm.s32 $0x10  }
0x35: {  	s10 =	simm.s32 $0x80;
	v19 =	vld [tilespmem:s11+$0x4F00]  }
.LBB2_2:
0x36: {  	p0 =	sne.s32 s10, $0x9C00;
	v20 =	vld [tilespmem:s7+$0x7680];
	_ =	sdelay $0x3  }
0x37: {  	v21 =	vpop (erf)  }
0x38: {  	v20 =	vmul.f32 v21, v20;
	_ =	sdelay $0x1  }
0x39: {  	[tilespmem:s7+$0x7680] =	vst v20;
	s7 =	smov.u32 s11  }
0x3a: {  	v19 =	vld.idx.msk [tilespmem:v19+s2+$0x0], $0xffff;
	_ =	sdelay $0x5  }
0x3b: {  	v19 =	vadd.f32 $1.000000020e-16, v19;
	_ =	sdelay $0x1  }
.Ltmp2:
0x3c: {  	(erf) = vrcp.f32 v19;
	(pc) =	sbr.rel @p0 .LBB2_2-.Ltmp2, $3  }
0x3d: {  	_ =	sdelay $0x1  }
0x3e: {  	s11 =	sshra.s32 s10, $0x2  }
0x3f: {  	s10 =	sadd.s32 $0x40, s10;
	v19 =	vld [tilespmem:s11+$0x4F00]  }
0x40: {  	v20 =	vld [tilespmem:s7+$0x7680];
	_ =	sdelay $0x3  }
0x41: {  	v21 =	vpop (erf)  }
0x42: {  	v20 =	vmul.f32 v21, v20;
	_ =	sdelay $0x1  }
0x43: {  	[tilespmem:s7+$0x7680] =	vst v20  }
0x44: {  	v19 =	vld.idx.msk [tilespmem:v19+s2+$0x0], $0xffff;
	_ =	sdelay $0x4  }
0x45: {  	v19 =	vadd.f32 $1.000000020e-16, v19;
	_ =	sdelay $0x1  }
0x46: {  	(erf) = vrcp.f32 v19;
	_ =	sdelay $0x4  }
0x47: {  	v19 =	vld [tilespmem:s11+$0x7680];
	_ =	sdelay $0x3  }
0x48: {  	v20 =	vpop (erf)  }
0x49: {  	v19 =	vmul.f32 v20, v19;
	_ =	sdelay $0x1  }
0x4a: {  	[tilespmem:s11+$0x7680] =	vst v19  }
0x4b: {  	v19 =	vld [tilespmem:$0x2780];
	_ =	sdelay $0x4  }
0x4c: {  	v20 =	vshll.u32 v19, $0x1  }
0x4d: {  	v19 =	vand.u32 $0x7, v19;
	v20 =	vand.u32 $0xFFFFFFF0, v20  }
0x4e: {  	v19 =	vor.u32 v19, v20  }
0x4f: {  	v20 =	vperm.xlane v19, v1;
	_ =	sdelay $0x1  }
0x50: {  	v19 =	vperm.xlane v19, v3;
	v20 =	vadd.s32 v2, v20;
	_ =	sdelay $0x1  }
0x51: {  	v19 =	vadd.s32 v2, v19;
	_ =	sdelay $0x1  }
0x52: {  	s11 =	simm.s32 $0x0  }
0x53: {  	[tilespmem:s15], [sflag:$0x1] =	stream.indirect_vreg.gather [hbm4b:s4+s11], $0x80, v20, vm0, $0xb8;
	[tilespmem:$0x13E00] =	vst v63  }
0x54: {  	s16 =	simm.s32 $0xA600  }
0x55: {  	[tilespmem:s16], [sflag:$0x1] =	stream.indirect_vreg.gather [hbm4b:s4+s11], $0x80, v19, vm0, $0xb8;
	[tilespmem:$0x13E00] =	vst v63  }
0x56: {  	v19 =	vld [tilespmem:$0x2790];
	_ =	sdelay $0x4  }
0x57: {  	v20 =	vshll.u32 v19, $0x1  }
0x58: {  	v19 =	vand.u32 $0x7, v19;
	v20 =	vand.u32 $0xFFFFFFF0, v20  }
0x59: {  	v19 =	vor.u32 v19, v20  }
0x5a: {  	v20 =	vperm.xlane v19, v1;
	_ =	sdelay $0x1  }
0x5b: {  	v19 =	vperm.xlane v19, v3;
	v20 =	vadd.s32 v2, v20;
	_ =	sdelay $0x1  }
0x5c: {  	v19 =	vadd.s32 v2, v19;
	_ =	sdelay $0x1  }
0x5d: {  	s17 =	simm.s32 $0xAE00  }
0x5e: {  	[tilespmem:s17], [sflag:$0x1] =	stream.indirect_vreg.gather [hbm4b:s4+s11], $0x80, v20, vm0, $0xb8;
	[tilespmem:$0x13E00] =	vst v63  }
0x5f: {  	_ = 	snop  }
0x60: {  	[tilespmem:s18], [sflag:$0x1] =	stream.indirect_vreg.gather [hbm4b:s4+s11], $0x80, v19, vm0, $0xb8;
	[tilespmem:$0x13E00] =	vst v63  }
0x61: {  	v19 =	vld [tilespmem:$0x27A0];
	_ =	sdelay $0x4  }
0x62: {  	v20 =	vshll.u32 v19, $0x1  }
0x63: {  	v19 =	vand.u32 $0x7, v19;
	v20 =	vand.u32 $0xFFFFFFF0, v20  }
0x64: {  	v19 =	vor.u32 v19, v20  }
0x65: {  	v20 =	vperm.xlane v19, v1;
	_ =	sdelay $0x1  }
0x66: {  	v19 =	vperm.xlane v19, v3;
	v20 =	vadd.s32 v2, v20;
	_ =	sdelay $0x1  }
0x67: {  	v19 =	vadd.s32 v2, v19;
	_ =	sdelay $0x2  }
0x68: {  	[tilespmem:s19], [sflag:$0x1] =	stream.indirect_vreg.gather [hbm4b:s4+s11], $0x80, v20, vm0, $0xb8;
	[tilespmem:$0x13E00] =	vst v63  }
0x69: {  	_ = 	snop  }
0x6a: {  	[tilespmem:s20], [sflag:$0x1] =	stream.indirect_vreg.gather [hbm4b:s4+s11], $0x80, v19, vm0, $0xb8;
	[tilespmem:$0x13E00] =	vst v63  }
0x6b: {  	v19 =	vld [tilespmem:$0x27B0];
	_ =	sdelay $0x4  }
0x6c: {  	v20 =	vshll.u32 v19, $0x1  }
0x6d: {  	v19 =	vand.u32 $0x7, v19;
	v20 =	vand.u32 $0xFFFFFFF0, v20  }
0x6e: {  	v19 =	vor.u32 v19, v20  }
0x6f: {  	v20 =	vperm.xlane v19, v1;
	_ =	sdelay $0x1  }
0x70: {  	v19 =	vperm.xlane v19, v3;
	v20 =	vadd.s32 v2, v20;
	_ =	sdelay $0x1  }
0x71: {  	v19 =	vadd.s32 v2, v19;
	_ =	sdelay $0x2  }
0x72: {  	[tilespmem:s21], [sflag:$0x1] =	stream.indirect_vreg.gather [hbm4b:s4+s11], $0x80, v20, vm0, $0xb8;
	[tilespmem:$0x13E00] =	vst v63  }
0x73: {  	_ = 	snop  }
0x74: {  	[tilespmem:s22], [sflag:$0x1] =	stream.indirect_vreg.gather [hbm4b:s4+s11], $0x80, v19, vm0, $0xb8;
	[tilespmem:$0x13E00] =	vst v63  }
0x75: {  	v19 =	vld [tilespmem:$0x27C0];
	_ =	sdelay $0x4  }
0x76: {  	v20 =	vshll.u32 v19, $0x1  }
0x77: {  	v19 =	vand.u32 $0x7, v19;
	v20 =	vand.u32 $0xFFFFFFF0, v20  }
0x78: {  	v19 =	vor.u32 v19, v20  }
0x79: {  	v20 =	vperm.xlane v19, v1;
	_ =	sdelay $0x1  }
0x7a: {  	v19 =	vperm.xlane v19, v3;
	v20 =	vadd.s32 v2, v20;
	_ =	sdelay $0x1  }
0x7b: {  	v19 =	vadd.s32 v2, v19  }
.Ltmp3:
0x7c: {  	_ = 	snop;
	(pc) =	sbr.rel .LBB2_4-.Ltmp3, $4  }
0x7d: {  	_ = 	snop  }
0x7e: {  	[tilespmem:s23], [sflag:$0x1] =	stream.indirect_vreg.gather [hbm4b:s4+s11], $0x80, v20, vm0, $0xb8;
	[tilespmem:$0x13E00] =	vst v63  }
0x7f: {  	_ = 	snop  }
0x80: {  	[tilespmem:s24], [sflag:$0x1] =	stream.indirect_vreg.gather [hbm4b:s4+s11], $0x80, v19, vm0, $0xb8;
	[tilespmem:$0x13E00] =	vst v63  }
.LBB2_16:
0x81: {  	p0 =	sne.s32 s10, $0x7D  }
.Ltmp4:
0x82: {  	_ = 	snop;
	(pc) =	sbr.rel @!p0 .LBB2_17-.Ltmp4, $2  }
0x83: {  	_ =	sdelay $0x2  }
0x84: {  	s11 =	smov.u32 s10  }
.LBB2_4:
0x85: {  	s7 =	sand.u32 $0x1, s11;
	p0 =	seq.s32 s11, $0x7C  }
0x86: {  	p1 =	sne.s32 @!p0 s7, $0x0  }
0x87: {  	p0 =	por p0, p1  }
.Ltmp5:
0x88: {  	_ = 	snop;
	(pc) =	sbr.rel @p0 .LBB2_6-.Ltmp5, $2  }
0x89: {  	_ =	sdelay $0x2  }
0x8a: {  	s10 =	sadd.s32 $0x1, s11  }
0x8b: {  	p0 =	seq.s32 s11, $0x0  }
0x8c: {  	s16 =	simm.s32 @!p0 $0x4  }
0x8d: {  	s17 =	smul.u32 $0x140, s10;
	_ =	swait.ge @!p0 [sflag:s16], $0x5000  }
0x8e: {  	[sflag:s16] =	ssyncset.done @!p0 $0x0  }
0x8f: {  	s17 =	sshra.s32 s17, $0x2;
	[sflag:s16] =	ssyncadd.s32 @!p0 $0xFFFFB000  }
0x90: {  	v19 =	vld [tilespmem:s17+$0x2780];
	_ =	sdelay $0x4  }
0x91: {  	v20 =	vshll.u32 v19, $0x1  }
0x92: {  	v19 =	vand.u32 $0x7, v19;
	v20 =	vand.u32 $0xFFFFFFF0, v20  }
0x93: {  	v19 =	vor.u32 v19, v20  }
0x94: {  	v20 =	vperm.xlane v19, v1;
	_ =	sdelay $0x1  }
0x95: {  	v19 =	vperm.xlane v19, v3;
	v20 =	vadd.s32 v2, v20;
	_ =	sdelay $0x1  }
0x96: {  	v19 =	vadd.s32 v2, v19;
	_ =	sdelay $0x2  }
0x97: {  	[tilespmem:s25], [sflag:$0x2] =	stream.indirect_vreg.gather [hbm4b:s4+s2], $0x80, v20, vm0, $0xb8;
	[tilespmem:$0x13E00] =	vst v63  }
0x98: {  	_ = 	snop  }
0x99: {  	[tilespmem:s26], [sflag:$0x2] =	stream.indirect_vreg.gather [hbm4b:s4+s2], $0x80, v19, vm0, $0xb8;
	[tilespmem:$0x13E00] =	vst v63  }
0x9a: {  	v19 =	vld [tilespmem:s17+$0x2790];
	_ =	sdelay $0x4  }
0x9b: {  	v20 =	vshll.u32 v19, $0x1  }
0x9c: {  	v19 =	vand.u32 $0x7, v19;
	v20 =	vand.u32 $0xFFFFFFF0, v20  }
0x9d: {  	v19 =	vor.u32 v19, v20  }
0x9e: {  	v20 =	vperm.xlane v19, v1;
	_ =	sdelay $0x1  }
0x9f: {  	v19 =	vperm.xlane v19, v3;
	v20 =	vadd.s32 v2, v20;
	_ =	sdelay $0x1  }
0xa0: {  	v19 =	vadd.s32 v2, v19;
	_ =	sdelay $0x2  }
0xa1: {  	[tilespmem:s28], [sflag:$0x2] =	stream.indirect_vreg.gather [hbm4b:s4+s2], $0x80, v20, vm0, $0xb8;
	[tilespmem:$0x13E00] =	vst v63  }
0xa2: {  	_ = 	snop  }
0xa3: {  	[tilespmem:s29], [sflag:$0x2] =	stream.indirect_vreg.gather [hbm4b:s4+s2], $0x80, v19, vm0, $0xb8;
	[tilespmem:$0x13E00] =	vst v63  }
0xa4: {  	v19 =	vld [tilespmem:s17+$0x27A0];
	_ =	sdelay $0x4  }
0xa5: {  	v20 =	vshll.u32 v19, $0x1  }
0xa6: {  	v19 =	vand.u32 $0x7, v19;
	v20 =	vand.u32 $0xFFFFFFF0, v20  }
0xa7: {  	v19 =	vor.u32 v19, v20  }
0xa8: {  	v20 =	vperm.xlane v19, v1;
	_ =	sdelay $0x1  }
0xa9: {  	v19 =	vperm.xlane v19, v3;
	v20 =	vadd.s32 v2, v20;
	_ =	sdelay $0x1  }
0xaa: {  	v19 =	vadd.s32 v2, v19;
	_ =	sdelay $0x2  }
0xab: {  	[tilespmem:s30], [sflag:$0x2] =	stream.indirect_vreg.gather [hbm4b:s4+s2], $0x80, v20, vm0, $0xb8;
	[tilespmem:$0x13E00] =	vst v63  }
0xac: {  	_ = 	snop  }
0xad: {  	[tilespmem:s31], [sflag:$0x2] =	stream.indirect_vreg.gather [hbm4b:s4+s2], $0x80, v19, vm0, $0xb8;
	[tilespmem:$0x13E00] =	vst v63  }
0xae: {  	v19 =	vld [tilespmem:s17+$0x27B0];
	_ =	sdelay $0x4  }
0xaf: {  	v20 =	vshll.u32 v19, $0x1  }
0xb0: {  	v19 =	vand.u32 $0x7, v19;
	v20 =	vand.u32 $0xFFFFFFF0, v20  }
0xb1: {  	v19 =	vor.u32 v19, v20  }
0xb2: {  	v20 =	vperm.xlane v19, v1;
	_ =	sdelay $0x1  }
0xb3: {  	v19 =	vperm.xlane v19, v3;
	v20 =	vadd.s32 v2, v20;
	_ =	sdelay $0x1  }
0xb4: {  	v19 =	vadd.s32 v2, v19;
	_ =	sdelay $0x2  }
0xb5: {  	[tilespmem:s1], [sflag:$0x2] =	stream.indirect_vreg.gather [hbm4b:s4+s2], $0x80, v20, vm0, $0xb8;
	[tilespmem:$0x13E00] =	vst v63  }
0xb6: {  	_ = 	snop  }
0xb7: {  	[tilespmem:s0], [sflag:$0x2] =	stream.indirect_vreg.gather [hbm4b:s4+s2], $0x80, v19, vm0, $0xb8;
	[tilespmem:$0x13E00] =	vst v63  }
0xb8: {  	v19 =	vld [tilespmem:s17+$0x27C0];
	_ =	sdelay $0x4  }
0xb9: {  	v20 =	vshll.u32 v19, $0x1  }
0xba: {  	v19 =	vand.u32 $0x7, v19;
	v20 =	vand.u32 $0xFFFFFFF0, v20  }
0xbb: {  	v19 =	vor.u32 v19, v20  }
0xbc: {  	v20 =	vperm.xlane v19, v1;
	_ =	sdelay $0x1  }
0xbd: {  	v19 =	vperm.xlane v19, v3;
	v20 =	vadd.s32 v2, v20;
	_ =	sdelay $0x1  }
0xbe: {  	v19 =	vadd.s32 v2, v19;
	_ =	sdelay $0x2  }
0xbf: {  	[tilespmem:s12], [sflag:$0x2] =	stream.indirect_vreg.gather [hbm4b:s4+s2], $0x80, v20, vm0, $0xb8;
	[tilespmem:$0x13E00] =	vst v63  }
0xc0: {  	_ = 	snop  }
0xc1: {  	[tilespmem:s13], [sflag:$0x2] =	stream.indirect_vreg.gather [hbm4b:s4+s2], $0x80, v19, vm0, $0xb8;
	[tilespmem:$0x13E00] =	vst v63  }
.LBB2_6:
0xc2: {  	p0 =	seq.s32 s7, $0x0  }
.Ltmp6:
0xc3: {  	_ = 	snop;
	(pc) =	sbr.rel @p0 .LBB2_8-.Ltmp6, $1  }
0xc4: {  	_ =	sdelay $0x3  }
0xc5: {  	_ =	swait.ge [sflag:s5], $0x5000;
	s16 =	smul.u32 $0x140, s10  }
0xc6: {  	[sflag:s5] =	ssyncset.done $0x0  }
0xc7: {  	[sflag:s5] =	ssyncadd.s32 $0xFFFFB000;
	s16 =	sshra.s32 s16, $0x2  }
0xc8: {  	v19 =	vld [tilespmem:s16+$0x2780];
	_ =	sdelay $0x4  }
0xc9: {  	v20 =	vshll.u32 v19, $0x1  }
0xca: {  	v19 =	vand.u32 $0x7, v19;
	v20 =	vand.u32 $0xFFFFFFF0, v20  }
0xcb: {  	v19 =	vor.u32 v19, v20  }
0xcc: {  	v20 =	vperm.xlane v19, v1;
	_ =	sdelay $0x1  }
0xcd: {  	v19 =	vperm.xlane v19, v3;
	v20 =	vadd.s32 v2, v20;
	_ =	sdelay $0x1  }
0xce: {  	v19 =	vadd.s32 v2, v19;
	_ =	sdelay $0x2  }
0xcf: {  	[tilespmem:s15], [sflag:$0x1] =	stream.indirect_vreg.gather [hbm4b:s4+s2], $0x80, v20, vm0, $0xb8;
	[tilespmem:$0x13E00] =	vst v63  }
0xd0: {  	s17 =	simm.s32 $0xA600  }
0xd1: {  	[tilespmem:s17], [sflag:$0x1] =	stream.indirect_vreg.gather [hbm4b:s4+s2], $0x80, v19, vm0, $0xb8;
	[tilespmem:$0x13E00] =	vst v63  }
0xd2: {  	v19 =	vld [tilespmem:s16+$0x2790];
	_ =	sdelay $0x4  }
0xd3: {  	v20 =	vshll.u32 v19, $0x1  }
0xd4: {  	v19 =	vand.u32 $0x7, v19;
	v20 =	vand.u32 $0xFFFFFFF0, v20  }
0xd5: {  	v19 =	vor.u32 v19, v20  }
0xd6: {  	v20 =	vperm.xlane v19, v1;
	_ =	sdelay $0x1  }
0xd7: {  	v19 =	vperm.xlane v19, v3;
	v20 =	vadd.s32 v2, v20;
	_ =	sdelay $0x1  }
0xd8: {  	v19 =	vadd.s32 v2, v19;
	_ =	sdelay $0x1  }
0xd9: {  	s17 =	simm.s32 $0xAE00  }
0xda: {  	[tilespmem:s17], [sflag:$0x1] =	stream.indirect_vreg.gather [hbm4b:s4+s2], $0x80, v20, vm0, $0xb8;
	[tilespmem:$0x13E00] =	vst v63  }
0xdb: {  	_ = 	snop  }
0xdc: {  	[tilespmem:s18], [sflag:$0x1] =	stream.indirect_vreg.gather [hbm4b:s4+s2], $0x80, v19, vm0, $0xb8;
	[tilespmem:$0x13E00] =	vst v63  }
0xdd: {  	v19 =	vld [tilespmem:s16+$0x27A0];
	_ =	sdelay $0x4  }
0xde: {  	v20 =	vshll.u32 v19, $0x1  }
0xdf: {  	v19 =	vand.u32 $0x7, v19;
	v20 =	vand.u32 $0xFFFFFFF0, v20  }
0xe0: {  	v19 =	vor.u32 v19, v20  }
0xe1: {  	v20 =	vperm.xlane v19, v1;
	_ =	sdelay $0x1  }
0xe2: {  	v19 =	vperm.xlane v19, v3;
	v20 =	vadd.s32 v2, v20;
	_ =	sdelay $0x1  }
0xe3: {  	v19 =	vadd.s32 v2, v19;
	_ =	sdelay $0x2  }
0xe4: {  	[tilespmem:s19], [sflag:$0x1] =	stream.indirect_vreg.gather [hbm4b:s4+s2], $0x80, v20, vm0, $0xb8;
	[tilespmem:$0x13E00] =	vst v63  }
0xe5: {  	_ = 	snop  }
0xe6: {  	[tilespmem:s20], [sflag:$0x1] =	stream.indirect_vreg.gather [hbm4b:s4+s2], $0x80, v19, vm0, $0xb8;
	[tilespmem:$0x13E00] =	vst v63  }
0xe7: {  	v19 =	vld [tilespmem:s16+$0x27B0];
	_ =	sdelay $0x4  }
0xe8: {  	v20 =	vshll.u32 v19, $0x1  }
0xe9: {  	v19 =	vand.u32 $0x7, v19;
	v20 =	vand.u32 $0xFFFFFFF0, v20  }
0xea: {  	v19 =	vor.u32 v19, v20  }
0xeb: {  	v20 =	vperm.xlane v19, v1;
	_ =	sdelay $0x1  }
0xec: {  	v19 =	vperm.xlane v19, v3;
	v20 =	vadd.s32 v2, v20;
	_ =	sdelay $0x1  }
0xed: {  	v19 =	vadd.s32 v2, v19;
	_ =	sdelay $0x2  }
0xee: {  	[tilespmem:s21], [sflag:$0x1] =	stream.indirect_vreg.gather [hbm4b:s4+s2], $0x80, v20, vm0, $0xb8;
	[tilespmem:$0x13E00] =	vst v63  }
0xef: {  	_ = 	snop  }
0xf0: {  	[tilespmem:s22], [sflag:$0x1] =	stream.indirect_vreg.gather [hbm4b:s4+s2], $0x80, v19, vm0, $0xb8;
	[tilespmem:$0x13E00] =	vst v63  }
0xf1: {  	v19 =	vld [tilespmem:s16+$0x27C0];
	_ =	sdelay $0x4  }
0xf2: {  	v20 =	vshll.u32 v19, $0x1  }
0xf3: {  	v19 =	vand.u32 $0x7, v19;
	v20 =	vand.u32 $0xFFFFFFF0, v20  }
0xf4: {  	v19 =	vor.u32 v19, v20  }
0xf5: {  	v20 =	vperm.xlane v19, v1;
	_ =	sdelay $0x1  }
0xf6: {  	v19 =	vperm.xlane v19, v3;
	v20 =	vadd.s32 v2, v20;
	_ =	sdelay $0x1  }
0xf7: {  	v19 =	vadd.s32 v2, v19;
	_ =	sdelay $0x2  }
0xf8: {  	[tilespmem:s23], [sflag:$0x1] =	stream.indirect_vreg.gather [hbm4b:s4+s2], $0x80, v20, vm0, $0xb8;
	[tilespmem:$0x13E00] =	vst v63  }
0xf9: {  	_ = 	snop  }
0xfa: {  	[tilespmem:s24], [sflag:$0x1] =	stream.indirect_vreg.gather [hbm4b:s4+s2], $0x80, v19, vm0, $0xb8;
	[tilespmem:$0x13E00] =	vst v63  }
.LBB2_8:
0xfb: {  	p0 =	sne.s32 s7, $0x0  }
.Ltmp7:
0xfc: {  	_ = 	snop;
	(pc) =	sbr.rel @p0 .LBB2_12-.Ltmp7, $2  }
0xfd: {  	_ =	sdelay $0x2  }
0xfe: {  	s11 =	smul.u32 $0x50, s11  }
0xff: {  	s16 =	simm.s32 $0x0  }
0x100: {  	v19 =	vmov s16  }
0x101: {  	v20 =	vshll.u32 v19, $0x8;
	v19 =	vshll.u32 v19, $0x7  }
0x102: {  	s17 =	sadd.s32 $0x0, s11;
	v20 =	vand.u32 $0x7800, v20;
	v19 =	vand.u32 $0x380, v19  }
0x103: {  	v21 =	vmov s17;
	v19 =	vor.u32 v19, v20  }
0x104: {  	v20 =	vor.u32 v0, v19  }
0x105: {  	_ =	swait.ge [sflag:s8], $0x5000  }
0x106: {  	[sflag:s8] =	ssyncset.done $0x0  }
0x107: {  	[sflag:s8] =	ssyncadd.s32 $0xFFFFB000  }
0x108: {  	v24 =	vld.idx.msk [tilespmem:v21+s14+$0x0], $0xffff  }
0x109: {  	v21 =	vld.idx.msk [tilespmem:v20+s15+$0x0], $0xffff;
	_ =	sdelay $0x2  }
0x10a: {  	v22 =	vor.u32 v4, v19;
	_ =	sdelay $0x1  }
0x10b: {  	v21 =	vmul.f32 v21, v24;
	_ =	sdelay $0x1  }
0x10c: {  	[tilespmem:v20+s15+$0x0] =	vst.idx.msk $0xffff, v21  }
0x10d: {  	v20 =	vld.idx.msk [tilespmem:v22+s15+$0x0], $0xffff;
	_ =	sdelay $0x2  }
0x10e: {  	v21 =	vor.u32 v5, v19;
	_ =	sdelay $0x1  }
0x10f: {  	v20 =	vmul.f32 v20, v24;
	_ =	sdelay $0x1  }
0x110: {  	[tilespmem:v22+s15+$0x0] =	vst.idx.msk $0xffff, v20  }
0x111: {  	v20 =	vld.idx.msk [tilespmem:v21+s15+$0x0], $0xffff;
	_ =	sdelay $0x2  }
0x112: {  	v22 =	vor.u32 v6, v19;
	_ =	sdelay $0x1  }
0x113: {  	v20 =	vmul.f32 v20, v24;
	_ =	sdelay $0x1  }
0x114: {  	[tilespmem:v21+s15+$0x0] =	vst.idx.msk $0xffff, v20  }
0x115: {  	v20 =	vld.idx.msk [tilespmem:v22+s15+$0x0], $0xffff;
	_ =	sdelay $0x2  }
0x116: {  	v21 =	vor.u32 v7, v19;
	_ =	sdelay $0x1  }
0x117: {  	v20 =	vmul.f32 v20, v24;
	_ =	sdelay $0x1  }
0x118: {  	[tilespmem:v22+s15+$0x0] =	vst.idx.msk $0xffff, v20  }
0x119: {  	v20 =	vld.idx.msk [tilespmem:v21+s15+$0x0], $0xffff;
	_ =	sdelay $0x2  }
0x11a: {  	v22 =	vor.u32 v8, v19;
	_ =	sdelay $0x1  }
0x11b: {  	v20 =	vmul.f32 v20, v24;
	_ =	sdelay $0x1  }
0x11c: {  	[tilespmem:v21+s15+$0x0] =	vst.idx.msk $0xffff, v20  }
0x11d: {  	v20 =	vld.idx.msk [tilespmem:v22+s15+$0x0], $0xffff;
	_ =	sdelay $0x2  }
0x11e: {  	v21 =	vor.u32 v9, v19;
	_ =	sdelay $0x1  }
0x11f: {  	v20 =	vmul.f32 v20, v24;
	_ =	sdelay $0x1  }
0x120: {  	[tilespmem:v22+s15+$0x0] =	vst.idx.msk $0xffff, v20  }
0x121: {  	v20 =	vld.idx.msk [tilespmem:v21+s15+$0x0], $0xffff;
	_ =	sdelay $0x2  }
0x122: {  	v22 =	vor.u32 v10, v19;
	_ =	sdelay $0x1  }
0x123: {  	v20 =	vmul.f32 v20, v24;
	_ =	sdelay $0x1  }
0x124: {  	[tilespmem:v21+s15+$0x0] =	vst.idx.msk $0xffff, v20  }
0x125: {  	v20 =	vld.idx.msk [tilespmem:v22+s15+$0x0], $0xffff;
	_ =	sdelay $0x2  }
0x126: {  	v21 =	vor.u32 v11, v19;
	_ =	sdelay $0x1  }
0x127: {  	v20 =	vmul.f32 v20, v24;
	_ =	sdelay $0x1  }
0x128: {  	[tilespmem:v22+s15+$0x0] =	vst.idx.msk $0xffff, v20  }
0x129: {  	v20 =	vld.idx.msk [tilespmem:v21+s15+$0x0], $0xffff;
	_ =	sdelay $0x2  }
0x12a: {  	v22 =	vor.u32 v12, v19;
	_ =	sdelay $0x1  }
0x12b: {  	v20 =	vmul.f32 v20, v24;
	_ =	sdelay $0x1  }
0x12c: {  	[tilespmem:v21+s15+$0x0] =	vst.idx.msk $0xffff, v20  }
0x12d: {  	v20 =	vld.idx.msk [tilespmem:v22+s15+$0x0], $0xffff;
	_ =	sdelay $0x2  }
0x12e: {  	v21 =	vor.u32 v13, v19;
	_ =	sdelay $0x1  }
0x12f: {  	v20 =	vmul.f32 v20, v24;
	_ =	sdelay $0x1  }
0x130: {  	[tilespmem:v22+s15+$0x0] =	vst.idx.msk $0xffff, v20  }
0x131: {  	v20 =	vld.idx.msk [tilespmem:v21+s15+$0x0], $0xffff;
	_ =	sdelay $0x2  }
0x132: {  	v22 =	vor.u32 v14, v19;
	_ =	sdelay $0x1  }
0x133: {  	v20 =	vmul.f32 v20, v24;
	_ =	sdelay $0x1  }
0x134: {  	[tilespmem:v21+s15+$0x0] =	vst.idx.msk $0xffff, v20  }
0x135: {  	v20 =	vld.idx.msk [tilespmem:v22+s15+$0x0], $0xffff;
	_ =	sdelay $0x2  }
0x136: {  	v21 =	vor.u32 v15, v19;
	_ =	sdelay $0x1  }
0x137: {  	v20 =	vmul.f32 v20, v24;
	_ =	sdelay $0x1  }
0x138: {  	[tilespmem:v22+s15+$0x0] =	vst.idx.msk $0xffff, v20  }
0x139: {  	v20 =	vld.idx.msk [tilespmem:v21+s15+$0x0], $0xffff;
	_ =	sdelay $0x2  }
0x13a: {  	v22 =	vor.u32 v16, v19;
	_ =	sdelay $0x1  }
0x13b: {  	v20 =	vmul.f32 v20, v24;
	_ =	sdelay $0x1  }
0x13c: {  	[tilespmem:v21+s15+$0x0] =	vst.idx.msk $0xffff, v20  }
0x13d: {  	v20 =	vld.idx.msk [tilespmem:v22+s15+$0x0], $0xffff;
	_ =	sdelay $0x2  }
0x13e: {  	v23 =	vor.u32 v17, v19;
	_ =	sdelay $0x1  }
0x13f: {  	v20 =	vmul.f32 v20, v24;
	_ =	sdelay $0x1  }
0x140: {  	[tilespmem:v22+s15+$0x0] =	vst.idx.msk $0xffff, v20  }
0x141: {  	v20 =	vld.idx.msk [tilespmem:v23+s15+$0x0], $0xffff;
	_ =	sdelay $0x2  }
0x142: {  	v21 =	vor.u32 v18, v19;
	_ =	sdelay $0x1  }
0x143: {  	v19 =	vmul.f32 v20, v24;
	_ =	sdelay $0x1  }
0x144: {  	s17 =	simm.s32 $0x1;
	[tilespmem:v23+s15+$0x0] =	vst.idx.msk $0xffff, v19  }
0x145: {  	v19 =	vmov s17;
	v20 =	vld.idx.msk [tilespmem:v21+s15+$0x0], $0xffff  }
0x146: {  	v22 =	vshll.u32 v19, $0x8;
	v19 =	vshll.u32 v19, $0x7  }
0x147: {  	s17 =	sadd.s32 $0x1, s11;
	v22 =	vand.u32 $0x7800, v22;
	v19 =	vand.u32 $0x380, v19  }
0x148: {  	v23 =	vmov s17;
	v19 =	vor.u32 v19, v22  }
0x149: {  	v22 =	vor.u32 v0, v19  }
0x14a: {  	s16 =	simm.s32 $0x2;
	v20 =	vmul.f32 v20, v24  }
.LBB2_10:
0x14b: {  	_ = 	snop  }
0x14c: {  	p0 =	sne.s32 s16, $0x4F;
	s17 =	smov.u32 s16;
	s16 =	sadd.s32 $0x1, s16;
	[tilespmem:v21+s15+$0x0] =	vst.idx.msk $0xffff, v20  }
0x14d: {  	v20 =	vld.idx.msk [tilespmem:v23+s14+$0x0], $0xffff  }
0x14e: {  	v21 =	vld.idx.msk [tilespmem:v22+s15+$0x0], $0xffff;
	_ =	sdelay $0x3  }
0x14f: {  	v23 =	vor.u32 v4, v19;
	_ =	sdelay $0x1  }
0x150: {  	v21 =	vmul.f32 v21, v20;
	_ =	sdelay $0x1  }
0x151: {  	[tilespmem:v22+s15+$0x0] =	vst.idx.msk $0xffff, v21  }
0x152: {  	v21 =	vld.idx.msk [tilespmem:v23+s15+$0x0], $0xffff;
	_ =	sdelay $0x3  }
0x153: {  	v22 =	vor.u32 v5, v19;
	_ =	sdelay $0x1  }
0x154: {  	v21 =	vmul.f32 v21, v20;
	_ =	sdelay $0x1  }
0x155: {  	[tilespmem:v23+s15+$0x0] =	vst.idx.msk $0xffff, v21  }
0x156: {  	v21 =	vld.idx.msk [tilespmem:v22+s15+$0x0], $0xffff;
	_ =	sdelay $0x3  }
0x157: {  	v23 =	vor.u32 v6, v19;
	_ =	sdelay $0x1  }
0x158: {  	v21 =	vmul.f32 v21, v20;
	_ =	sdelay $0x1  }
0x159: {  	[tilespmem:v22+s15+$0x0] =	vst.idx.msk $0xffff, v21  }
0x15a: {  	v21 =	vld.idx.msk [tilespmem:v23+s15+$0x0], $0xffff;
	_ =	sdelay $0x3  }
0x15b: {  	v22 =	vor.u32 v7, v19;
	_ =	sdelay $0x1  }
0x15c: {  	v21 =	vmul.f32 v21, v20;
	_ =	sdelay $0x1  }
0x15d: {  	[tilespmem:v23+s15+$0x0] =	vst.idx.msk $0xffff, v21  }
0x15e: {  	v21 =	vld.idx.msk [tilespmem:v22+s15+$0x0], $0xffff;
	_ =	sdelay $0x3  }
0x15f: {  	v23 =	vor.u32 v8, v19;
	_ =	sdelay $0x1  }
0x160: {  	v21 =	vmul.f32 v21, v20;
	_ =	sdelay $0x1  }
0x161: {  	[tilespmem:v22+s15+$0x0] =	vst.idx.msk $0xffff, v21  }
0x162: {  	v21 =	vld.idx.msk [tilespmem:v23+s15+$0x0], $0xffff;
	_ =	sdelay $0x3  }
0x163: {  	v22 =	vor.u32 v9, v19;
	_ =	sdelay $0x1  }
0x164: {  	v21 =	vmul.f32 v21, v20;
	_ =	sdelay $0x1  }
0x165: {  	[tilespmem:v23+s15+$0x0] =	vst.idx.msk $0xffff, v21  }
0x166: {  	v21 =	vld.idx.msk [tilespmem:v22+s15+$0x0], $0xffff;
	_ =	sdelay $0x3  }
0x167: {  	v23 =	vor.u32 v10, v19;
	_ =	sdelay $0x1  }
0x168: {  	v21 =	vmul.f32 v21, v20;
	_ =	sdelay $0x1  }
0x169: {  	[tilespmem:v22+s15+$0x0] =	vst.idx.msk $0xffff, v21  }
0x16a: {  	v21 =	vld.idx.msk [tilespmem:v23+s15+$0x0], $0xffff;
	_ =	sdelay $0x3  }
0x16b: {  	v22 =	vor.u32 v11, v19;
	_ =	sdelay $0x1  }
0x16c: {  	v21 =	vmul.f32 v21, v20;
	_ =	sdelay $0x1  }
0x16d: {  	[tilespmem:v23+s15+$0x0] =	vst.idx.msk $0xffff, v21  }
0x16e: {  	v21 =	vld.idx.msk [tilespmem:v22+s15+$0x0], $0xffff;
	_ =	sdelay $0x3  }
0x16f: {  	v23 =	vor.u32 v12, v19;
	_ =	sdelay $0x1  }
0x170: {  	v21 =	vmul.f32 v21, v20;
	_ =	sdelay $0x1  }
0x171: {  	[tilespmem:v22+s15+$0x0] =	vst.idx.msk $0xffff, v21  }
0x172: {  	v21 =	vld.idx.msk [tilespmem:v23+s15+$0x0], $0xffff;
	_ =	sdelay $0x3  }
0x173: {  	v22 =	vor.u32 v13, v19;
	_ =	sdelay $0x1  }
0x174: {  	v21 =	vmul.f32 v21, v20;
	_ =	sdelay $0x1  }
0x175: {  	[tilespmem:v23+s15+$0x0] =	vst.idx.msk $0xffff, v21  }
0x176: {  	v21 =	vld.idx.msk [tilespmem:v22+s15+$0x0], $0xffff;
	_ =	sdelay $0x3  }
0x177: {  	v23 =	vor.u32 v14, v19;
	_ =	sdelay $0x1  }
0x178: {  	v21 =	vmul.f32 v21, v20;
	_ =	sdelay $0x1  }
0x179: {  	[tilespmem:v22+s15+$0x0] =	vst.idx.msk $0xffff, v21  }
0x17a: {  	v21 =	vld.idx.msk [tilespmem:v23+s15+$0x0], $0xffff;
	_ =	sdelay $0x3  }
0x17b: {  	v22 =	vor.u32 v15, v19;
	_ =	sdelay $0x1  }
0x17c: {  	v21 =	vmul.f32 v21, v20;
	_ =	sdelay $0x1  }
0x17d: {  	[tilespmem:v23+s15+$0x0] =	vst.idx.msk $0xffff, v21  }
0x17e: {  	v21 =	vld.idx.msk [tilespmem:v22+s15+$0x0], $0xffff;
	_ =	sdelay $0x3  }
0x17f: {  	v23 =	vor.u32 v16, v19;
	_ =	sdelay $0x1  }
0x180: {  	v21 =	vmul.f32 v21, v20;
	_ =	sdelay $0x1  }
0x181: {  	[tilespmem:v22+s15+$0x0] =	vst.idx.msk $0xffff, v21  }
0x182: {  	v21 =	vld.idx.msk [tilespmem:v23+s15+$0x0], $0xffff;
	_ =	sdelay $0x3  }
0x183: {  	v22 =	vor.u32 v17, v19;
	_ =	sdelay $0x1  }
0x184: {  	v21 =	vmul.f32 v21, v20;
	_ =	sdelay $0x1  }
0x185: {  	[tilespmem:v23+s15+$0x0] =	vst.idx.msk $0xffff, v21  }
0x186: {  	v23 =	vld.idx.msk [tilespmem:v22+s15+$0x0], $0xffff;
	_ =	sdelay $0x3  }
0x187: {  	v21 =	vor.u32 v18, v19;
	_ =	sdelay $0x1  }
0x188: {  	v19 =	vmul.f32 v23, v20;
	_ =	sdelay $0x1  }
0x189: {  	[tilespmem:v22+s15+$0x0] =	vst.idx.msk $0xffff, v19  }
0x18a: {  	v24 =	vld.idx.msk [tilespmem:v21+s15+$0x0], $0xffff  }
0x18b: {  	v19 =	vmov s17  }
.Ltmp8:
0x18c: {  	v22 =	vshll.u32 v19, $0x8;
	v19 =	vshll.u32 v19, $0x7;
	(pc) =	sbr.rel @p0 .LBB2_10-.Ltmp8, $4  }
0x18d: {  	s17 =	sadd.s32 s11, s17;
	v22 =	vand.u32 $0x7800, v22;
	v19 =	vand.u32 $0x380, v19  }
0x18e: {  	v23 =	vmov s17;
	v19 =	vor.u32 v19, v22  }
0x18f: {  	v22 =	vor.u32 v0, v19  }
0x190: {  	v20 =	vmul.f32 v24, v20  }
0x191: {  	_ =	sdelay $0x3  }
0x192: {  	[tilespmem:v21+s15+$0x0] =	vst.idx.msk $0xffff, v20  }
0x193: {  	v20 =	vld.idx.msk [tilespmem:v23+s14+$0x0], $0xffff  }
0x194: {  	v21 =	vld.idx.msk [tilespmem:v22+s15+$0x0], $0xffff;
	_ =	sdelay $0x2  }
0x195: {  	v50 =	vor.u32 v4, v19;
	_ =	sdelay $0x1  }
0x196: {  	v21 =	vmul.f32 v21, v20;
	_ =	sdelay $0x1  }
0x197: {  	[tilespmem:v22+s15+$0x0] =	vst.idx.msk $0xffff, v21  }
0x198: {  	v21 =	vld.idx.msk [tilespmem:v50+s15+$0x0], $0xffff;
	_ =	sdelay $0x2  }
0x199: {  	v51 =	vor.u32 v5, v19;
	_ =	sdelay $0x1  }
0x19a: {  	v21 =	vmul.f32 v21, v20;
	_ =	sdelay $0x1  }
0x19b: {  	[tilespmem:v50+s15+$0x0] =	vst.idx.msk $0xffff, v21  }
0x19c: {  	v21 =	vld.idx.msk [tilespmem:v51+s15+$0x0], $0xffff;
	_ =	sdelay $0x2  }
0x19d: {  	v52 =	vor.u32 v6, v19;
	_ =	sdelay $0x1  }
0x19e: {  	v21 =	vmul.f32 v21, v20;
	_ =	sdelay $0x1  }
0x19f: {  	[tilespmem:v51+s15+$0x0] =	vst.idx.msk $0xffff, v21  }
0x1a0: {  	v21 =	vld.idx.msk [tilespmem:v52+s15+$0x0], $0xffff;
	_ =	sdelay $0x2  }
0x1a1: {  	v53 =	vor.u32 v7, v19;
	_ =	sdelay $0x1  }
0x1a2: {  	v21 =	vmul.f32 v21, v20;
	_ =	sdelay $0x1  }
0x1a3: {  	[tilespmem:v52+s15+$0x0] =	vst.idx.msk $0xffff, v21  }
0x1a4: {  	v21 =	vld.idx.msk [tilespmem:v53+s15+$0x0], $0xffff;
	_ =	sdelay $0x2  }
0x1a5: {  	v54 =	vor.u32 v8, v19;
	_ =	sdelay $0x1  }
0x1a6: {  	v21 =	vmul.f32 v21, v20;
	_ =	sdelay $0x1  }
0x1a7: {  	[tilespmem:v53+s15+$0x0] =	vst.idx.msk $0xffff, v21  }
0x1a8: {  	v21 =	vld.idx.msk [tilespmem:v54+s15+$0x0], $0xffff;
	_ =	sdelay $0x2  }
0x1a9: {  	v55 =	vor.u32 v9, v19;
	_ =	sdelay $0x1  }
0x1aa: {  	v21 =	vmul.f32 v21, v20;
	_ =	sdelay $0x1  }
0x1ab: {  	[tilespmem:v54+s15+$0x0] =	vst.idx.msk $0xffff, v21  }
0x1ac: {  	v21 =	vld.idx.msk [tilespmem:v55+s15+$0x0], $0xffff;
	_ =	sdelay $0x2  }
0x1ad: {  	v56 =	vor.u32 v10, v19;
	_ =	sdelay $0x1  }
0x1ae: {  	v21 =	vmul.f32 v21, v20;
	_ =	sdelay $0x1  }
0x1af: {  	[tilespmem:v55+s15+$0x0] =	vst.idx.msk $0xffff, v21  }
0x1b0: {  	v21 =	vld.idx.msk [tilespmem:v56+s15+$0x0], $0xffff;
	_ =	sdelay $0x2  }
0x1b1: {  	v57 =	vor.u32 v11, v19;
	_ =	sdelay $0x1  }
0x1b2: {  	v21 =	vmul.f32 v21, v20;
	_ =	sdelay $0x1  }
0x1b3: {  	[tilespmem:v56+s15+$0x0] =	vst.idx.msk $0xffff, v21  }
0x1b4: {  	v21 =	vld.idx.msk [tilespmem:v57+s15+$0x0], $0xffff;
	_ =	sdelay $0x2  }
0x1b5: {  	v58 =	vor.u32 v12, v19;
	_ =	sdelay $0x1  }
0x1b6: {  	v21 =	vmul.f32 v21, v20;
	_ =	sdelay $0x1  }
0x1b7: {  	[tilespmem:v57+s15+$0x0] =	vst.idx.msk $0xffff, v21  }
0x1b8: {  	v21 =	vld.idx.msk [tilespmem:v58+s15+$0x0], $0xffff;
	_ =	sdelay $0x2  }
0x1b9: {  	v59 =	vor.u32 v13, v19;
	_ =	sdelay $0x1  }
0x1ba: {  	v21 =	vmul.f32 v21, v20;
	_ =	sdelay $0x1  }
0x1bb: {  	[tilespmem:v58+s15+$0x0] =	vst.idx.msk $0xffff, v21  }
0x1bc: {  	v21 =	vld.idx.msk [tilespmem:v59+s15+$0x0], $0xffff;
	_ =	sdelay $0x2  }
0x1bd: {  	v60 =	vor.u32 v14, v19;
	_ =	sdelay $0x1  }
0x1be: {  	v21 =	vmul.f32 v21, v20;
	_ =	sdelay $0x1  }
0x1bf: {  	[tilespmem:v59+s15+$0x0] =	vst.idx.msk $0xffff, v21  }
0x1c0: {  	v21 =	vld.idx.msk [tilespmem:v60+s15+$0x0], $0xffff;
	_ =	sdelay $0x2  }
0x1c1: {  	v61 =	vor.u32 v15, v19;
	_ =	sdelay $0x1  }
0x1c2: {  	v21 =	vmul.f32 v21, v20;
	_ =	sdelay $0x1  }
0x1c3: {  	[tilespmem:v60+s15+$0x0] =	vst.idx.msk $0xffff, v21  }
0x1c4: {  	v21 =	vld.idx.msk [tilespmem:v61+s15+$0x0], $0xffff;
	_ =	sdelay $0x2  }
0x1c5: {  	v62 =	vor.u32 v16, v19;
	_ =	sdelay $0x1  }
0x1c6: {  	v21 =	vmul.f32 v21, v20;
	_ =	sdelay $0x1  }
0x1c7: {  	[tilespmem:v61+s15+$0x0] =	vst.idx.msk $0xffff, v21  }
0x1c8: {  	v21 =	vld.idx.msk [tilespmem:v62+s15+$0x0], $0xffff;
	_ =	sdelay $0x2  }
0x1c9: {  	v63 =	vor.u32 v17, v19;
	_ =	sdelay $0x1  }
0x1ca: {  	v21 =	vmul.f32 v21, v20;
	_ =	sdelay $0x1  }
0x1cb: {  	[tilespmem:v62+s15+$0x0] =	vst.idx.msk $0xffff, v21  }
0x1cc: {  	v21 =	vld.idx.msk [tilespmem:v63+s15+$0x0], $0xffff;
	_ =	sdelay $0x2  }
0x1cd: {  	v19 =	vor.u32 v18, v19;
	_ =	sdelay $0x1  }
0x1ce: {  	v21 =	vmul.f32 v21, v20;
	_ =	sdelay $0x1  }
0x1cf: {  	[tilespmem:v63+s15+$0x0] =	vst.idx.msk $0xffff, v21  }
0x1d0: {  	v21 =	vld.idx.msk [tilespmem:v19+s15+$0x0], $0xffff;
	_ =	sdelay $0x4  }
0x1d1: {  	s16 =	sadd.s32 s3, s11;
	v20 =	vmul.f32 v21, v20  }
0x1d2: {  	s16 =	sshll.u32 s16, $0x5  }
0x1d3: {  	s16 =	sadd.s32 s6, s16;
	[tilespmem:v19+s15+$0x0] =	vst.idx.msk $0xffff, v20  }
0x1d4: {  	[hbm4b:s16+s2] =	stream.linear.scatter [tilespmem:s15], [sflag:$0x3], $0x5000, $0x38;
	[tilespmem:$0x13E00] =	vst v63  }
.LBB2_12:
0x1d5: {  	p0 =	seq.s32 s7, $0x1  }
.Ltmp9:
0x1d6: {  	_ = 	snop;
	(pc) =	sbr.rel @!p0 .LBB2_16-.Ltmp9, $1  }
0x1d7: {  	_ =	sdelay $0x3  }
0x1d8: {  	s7 =	simm.s32 $0x0  }
0x1d9: {  	v19 =	vmov s7  }
0x1da: {  	v20 =	vshll.u32 v19, $0x8;
	v19 =	vshll.u32 v19, $0x7  }
0x1db: {  	s16 =	sadd.s32 $0x0, s11;
	v20 =	vand.u32 $0x7800, v20;
	v19 =	vand.u32 $0x380, v19  }
0x1dc: {  	v21 =	vmov s16;
	v19 =	vor.u32 v19, v20  }
0x1dd: {  	v20 =	vor.u32 v0, v19  }
0x1de: {  	_ =	swait.ge [sflag:s9], $0x5000  }
0x1df: {  	[sflag:s9] =	ssyncset.done $0x0  }
0x1e0: {  	[sflag:s9] =	ssyncadd.s32 $0xFFFFB000  }
0x1e1: {  	v24 =	vld.idx.msk [tilespmem:v21+s14+$0x0], $0xffff  }
0x1e2: {  	v21 =	vld.idx.msk [tilespmem:v20+s25+$0x0], $0xffff;
	_ =	sdelay $0x2  }
0x1e3: {  	v22 =	vor.u32 v4, v19;
	_ =	sdelay $0x1  }
0x1e4: {  	v21 =	vmul.f32 v21, v24;
	_ =	sdelay $0x1  }
0x1e5: {  	[tilespmem:v20+s25+$0x0] =	vst.idx.msk $0xffff, v21  }
0x1e6: {  	v20 =	vld.idx.msk [tilespmem:v22+s25+$0x0], $0xffff;
	_ =	sdelay $0x2  }
0x1e7: {  	v21 =	vor.u32 v5, v19;
	_ =	sdelay $0x1  }
0x1e8: {  	v20 =	vmul.f32 v20, v24;
	_ =	sdelay $0x1  }
0x1e9: {  	[tilespmem:v22+s25+$0x0] =	vst.idx.msk $0xffff, v20  }
0x1ea: {  	v20 =	vld.idx.msk [tilespmem:v21+s25+$0x0], $0xffff;
	_ =	sdelay $0x2  }
0x1eb: {  	v22 =	vor.u32 v6, v19;
	_ =	sdelay $0x1  }
0x1ec: {  	v20 =	vmul.f32 v20, v24;
	_ =	sdelay $0x1  }
0x1ed: {  	[tilespmem:v21+s25+$0x0] =	vst.idx.msk $0xffff, v20  }
0x1ee: {  	v20 =	vld.idx.msk [tilespmem:v22+s25+$0x0], $0xffff;
	_ =	sdelay $0x2  }
0x1ef: {  	v21 =	vor.u32 v7, v19;
	_ =	sdelay $0x1  }
0x1f0: {  	v20 =	vmul.f32 v20, v24;
	_ =	sdelay $0x1  }
0x1f1: {  	[tilespmem:v22+s25+$0x0] =	vst.idx.msk $0xffff, v20  }
0x1f2: {  	v20 =	vld.idx.msk [tilespmem:v21+s25+$0x0], $0xffff;
	_ =	sdelay $0x2  }
0x1f3: {  	v22 =	vor.u32 v8, v19;
	_ =	sdelay $0x1  }
0x1f4: {  	v20 =	vmul.f32 v20, v24;
	_ =	sdelay $0x1  }
0x1f5: {  	[tilespmem:v21+s25+$0x0] =	vst.idx.msk $0xffff, v20  }
0x1f6: {  	v20 =	vld.idx.msk [tilespmem:v22+s25+$0x0], $0xffff;
	_ =	sdelay $0x2  }
0x1f7: {  	v21 =	vor.u32 v9, v19;
	_ =	sdelay $0x1  }
0x1f8: {  	v20 =	vmul.f32 v20, v24;
	_ =	sdelay $0x1  }
0x1f9: {  	[tilespmem:v22+s25+$0x0] =	vst.idx.msk $0xffff, v20  }
0x1fa: {  	v20 =	vld.idx.msk [tilespmem:v21+s25+$0x0], $0xffff;
	_ =	sdelay $0x2  }
0x1fb: {  	v22 =	vor.u32 v10, v19;
	_ =	sdelay $0x1  }
0x1fc: {  	v20 =	vmul.f32 v20, v24;
	_ =	sdelay $0x1  }
0x1fd: {  	[tilespmem:v21+s25+$0x0] =	vst.idx.msk $0xffff, v20  }
0x1fe: {  	v20 =	vld.idx.msk [tilespmem:v22+s25+$0x0], $0xffff;
	_ =	sdelay $0x2  }
0x1ff: {  	v21 =	vor.u32 v11, v19;
	_ =	sdelay $0x1  }
0x200: {  	v20 =	vmul.f32 v20, v24;
	_ =	sdelay $0x1  }
0x201: {  	[tilespmem:v22+s25+$0x0] =	vst.idx.msk $0xffff, v20  }
0x202: {  	v20 =	vld.idx.msk [tilespmem:v21+s25+$0x0], $0xffff;
	_ =	sdelay $0x2  }
0x203: {  	v22 =	vor.u32 v12, v19;
	_ =	sdelay $0x1  }
0x204: {  	v20 =	vmul.f32 v20, v24;
	_ =	sdelay $0x1  }
0x205: {  	[tilespmem:v21+s25+$0x0] =	vst.idx.msk $0xffff, v20  }
0x206: {  	v20 =	vld.idx.msk [tilespmem:v22+s25+$0x0], $0xffff;
	_ =	sdelay $0x2  }
0x207: {  	v21 =	vor.u32 v13, v19;
	_ =	sdelay $0x1  }
0x208: {  	v20 =	vmul.f32 v20, v24;
	_ =	sdelay $0x1  }
0x209: {  	[tilespmem:v22+s25+$0x0] =	vst.idx.msk $0xffff, v20  }
0x20a: {  	v20 =	vld.idx.msk [tilespmem:v21+s25+$0x0], $0xffff;
	_ =	sdelay $0x2  }
0x20b: {  	v22 =	vor.u32 v14, v19;
	_ =	sdelay $0x1  }
0x20c: {  	v20 =	vmul.f32 v20, v24;
	_ =	sdelay $0x1  }
0x20d: {  	[tilespmem:v21+s25+$0x0] =	vst.idx.msk $0xffff, v20  }
0x20e: {  	v20 =	vld.idx.msk [tilespmem:v22+s25+$0x0], $0xffff;
	_ =	sdelay $0x2  }
0x20f: {  	v21 =	vor.u32 v15, v19;
	_ =	sdelay $0x1  }
0x210: {  	v20 =	vmul.f32 v20, v24;
	_ =	sdelay $0x1  }
0x211: {  	[tilespmem:v22+s25+$0x0] =	vst.idx.msk $0xffff, v20  }
0x212: {  	v20 =	vld.idx.msk [tilespmem:v21+s25+$0x0], $0xffff;
	_ =	sdelay $0x2  }
0x213: {  	v22 =	vor.u32 v16, v19;
	_ =	sdelay $0x1  }
0x214: {  	v20 =	vmul.f32 v20, v24;
	_ =	sdelay $0x1  }
0x215: {  	[tilespmem:v21+s25+$0x0] =	vst.idx.msk $0xffff, v20  }
0x216: {  	v20 =	vld.idx.msk [tilespmem:v22+s25+$0x0], $0xffff;
	_ =	sdelay $0x2  }
0x217: {  	v23 =	vor.u32 v17, v19;
	_ =	sdelay $0x1  }
0x218: {  	v20 =	vmul.f32 v20, v24;
	_ =	sdelay $0x1  }
0x219: {  	[tilespmem:v22+s25+$0x0] =	vst.idx.msk $0xffff, v20  }
0x21a: {  	v20 =	vld.idx.msk [tilespmem:v23+s25+$0x0], $0xffff;
	_ =	sdelay $0x2  }
0x21b: {  	v21 =	vor.u32 v18, v19;
	_ =	sdelay $0x1  }
0x21c: {  	v19 =	vmul.f32 v20, v24;
	_ =	sdelay $0x1  }
0x21d: {  	s17 =	simm.s32 $0x1;
	[tilespmem:v23+s25+$0x0] =	vst.idx.msk $0xffff, v19  }
0x21e: {  	v19 =	vmov s17;
	v20 =	vld.idx.msk [tilespmem:v21+s25+$0x0], $0xffff  }
0x21f: {  	v22 =	vshll.u32 v19, $0x8;
	v19 =	vshll.u32 v19, $0x7  }
0x220: {  	s16 =	sadd.s32 $0x1, s11;
	v22 =	vand.u32 $0x7800, v22;
	v19 =	vand.u32 $0x380, v19  }
0x221: {  	v23 =	vmov s16;
	v19 =	vor.u32 v19, v22  }
0x222: {  	v22 =	vor.u32 v0, v19  }
0x223: {  	s7 =	simm.s32 $0x2;
	v20 =	vmul.f32 v20, v24  }
.LBB2_14:
0x224: {  	_ = 	snop  }
0x225: {  	p0 =	sne.s32 s7, $0x4F;
	s16 =	smov.u32 s7;
	s7 =	sadd.s32 $0x1, s7;
	[tilespmem:v21+s25+$0x0] =	vst.idx.msk $0xffff, v20  }
0x226: {  	v20 =	vld.idx.msk [tilespmem:v23+s14+$0x0], $0xffff  }
0x227: {  	v21 =	vld.idx.msk [tilespmem:v22+s25+$0x0], $0xffff;
	_ =	sdelay $0x3  }
0x228: {  	v23 =	vor.u32 v4, v19;
	_ =	sdelay $0x1  }
0x229: {  	v21 =	vmul.f32 v21, v20;
	_ =	sdelay $0x1  }
0x22a: {  	[tilespmem:v22+s25+$0x0] =	vst.idx.msk $0xffff, v21  }
0x22b: {  	v21 =	vld.idx.msk [tilespmem:v23+s25+$0x0], $0xffff;
	_ =	sdelay $0x3  }
0x22c: {  	v22 =	vor.u32 v5, v19;
	_ =	sdelay $0x1  }
0x22d: {  	v21 =	vmul.f32 v21, v20;
	_ =	sdelay $0x1  }
0x22e: {  	[tilespmem:v23+s25+$0x0] =	vst.idx.msk $0xffff, v21  }
0x22f: {  	v21 =	vld.idx.msk [tilespmem:v22+s25+$0x0], $0xffff;
	_ =	sdelay $0x3  }
0x230: {  	v23 =	vor.u32 v6, v19;
	_ =	sdelay $0x1  }
0x231: {  	v21 =	vmul.f32 v21, v20;
	_ =	sdelay $0x1  }
0x232: {  	[tilespmem:v22+s25+$0x0] =	vst.idx.msk $0xffff, v21  }
0x233: {  	v21 =	vld.idx.msk [tilespmem:v23+s25+$0x0], $0xffff;
	_ =	sdelay $0x3  }
0x234: {  	v22 =	vor.u32 v7, v19;
	_ =	sdelay $0x1  }
0x235: {  	v21 =	vmul.f32 v21, v20;
	_ =	sdelay $0x1  }
0x236: {  	[tilespmem:v23+s25+$0x0] =	vst.idx.msk $0xffff, v21  }
0x237: {  	v21 =	vld.idx.msk [tilespmem:v22+s25+$0x0], $0xffff;
	_ =	sdelay $0x3  }
0x238: {  	v23 =	vor.u32 v8, v19;
	_ =	sdelay $0x1  }
0x239: {  	v21 =	vmul.f32 v21, v20;
	_ =	sdelay $0x1  }
0x23a: {  	[tilespmem:v22+s25+$0x0] =	vst.idx.msk $0xffff, v21  }
0x23b: {  	v21 =	vld.idx.msk [tilespmem:v23+s25+$0x0], $0xffff;
	_ =	sdelay $0x3  }
0x23c: {  	v22 =	vor.u32 v9, v19;
	_ =	sdelay $0x1  }
0x23d: {  	v21 =	vmul.f32 v21, v20;
	_ =	sdelay $0x1  }
0x23e: {  	[tilespmem:v23+s25+$0x0] =	vst.idx.msk $0xffff, v21  }
0x23f: {  	v21 =	vld.idx.msk [tilespmem:v22+s25+$0x0], $0xffff;
	_ =	sdelay $0x3  }
0x240: {  	v23 =	vor.u32 v10, v19;
	_ =	sdelay $0x1  }
0x241: {  	v21 =	vmul.f32 v21, v20;
	_ =	sdelay $0x1  }
0x242: {  	[tilespmem:v22+s25+$0x0] =	vst.idx.msk $0xffff, v21  }
0x243: {  	v21 =	vld.idx.msk [tilespmem:v23+s25+$0x0], $0xffff;
	_ =	sdelay $0x3  }
0x244: {  	v22 =	vor.u32 v11, v19;
	_ =	sdelay $0x1  }
0x245: {  	v21 =	vmul.f32 v21, v20;
	_ =	sdelay $0x1  }
0x246: {  	[tilespmem:v23+s25+$0x0] =	vst.idx.msk $0xffff, v21  }
0x247: {  	v21 =	vld.idx.msk [tilespmem:v22+s25+$0x0], $0xffff;
	_ =	sdelay $0x3  }
0x248: {  	v23 =	vor.u32 v12, v19;
	_ =	sdelay $0x1  }
0x249: {  	v21 =	vmul.f32 v21, v20;
	_ =	sdelay $0x1  }
0x24a: {  	[tilespmem:v22+s25+$0x0] =	vst.idx.msk $0xffff, v21  }
0x24b: {  	v21 =	vld.idx.msk [tilespmem:v23+s25+$0x0], $0xffff;
	_ =	sdelay $0x3  }
0x24c: {  	v22 =	vor.u32 v13, v19;
	_ =	sdelay $0x1  }
0x24d: {  	v21 =	vmul.f32 v21, v20;
	_ =	sdelay $0x1  }
0x24e: {  	[tilespmem:v23+s25+$0x0] =	vst.idx.msk $0xffff, v21  }
0x24f: {  	v21 =	vld.idx.msk [tilespmem:v22+s25+$0x0], $0xffff;
	_ =	sdelay $0x3  }
0x250: {  	v23 =	vor.u32 v14, v19;
	_ =	sdelay $0x1  }
0x251: {  	v21 =	vmul.f32 v21, v20;
	_ =	sdelay $0x1  }
0x252: {  	[tilespmem:v22+s25+$0x0] =	vst.idx.msk $0xffff, v21  }
0x253: {  	v21 =	vld.idx.msk [tilespmem:v23+s25+$0x0], $0xffff;
	_ =	sdelay $0x3  }
0x254: {  	v22 =	vor.u32 v15, v19;
	_ =	sdelay $0x1  }
0x255: {  	v21 =	vmul.f32 v21, v20;
	_ =	sdelay $0x1  }
0x256: {  	[tilespmem:v23+s25+$0x0] =	vst.idx.msk $0xffff, v21  }
0x257: {  	v21 =	vld.idx.msk [tilespmem:v22+s25+$0x0], $0xffff;
	_ =	sdelay $0x3  }
0x258: {  	v23 =	vor.u32 v16, v19;
	_ =	sdelay $0x1  }
0x259: {  	v21 =	vmul.f32 v21, v20;
	_ =	sdelay $0x1  }
0x25a: {  	[tilespmem:v22+s25+$0x0] =	vst.idx.msk $0xffff, v21  }
0x25b: {  	v21 =	vld.idx.msk [tilespmem:v23+s25+$0x0], $0xffff;
	_ =	sdelay $0x3  }
0x25c: {  	v22 =	vor.u32 v17, v19;
	_ =	sdelay $0x1  }
0x25d: {  	v21 =	vmul.f32 v21, v20;
	_ =	sdelay $0x1  }
0x25e: {  	[tilespmem:v23+s25+$0x0] =	vst.idx.msk $0xffff, v21  }
0x25f: {  	v23 =	vld.idx.msk [tilespmem:v22+s25+$0x0], $0xffff;
	_ =	sdelay $0x3  }
0x260: {  	v21 =	vor.u32 v18, v19;
	_ =	sdelay $0x1  }
0x261: {  	v19 =	vmul.f32 v23, v20;
	_ =	sdelay $0x1  }
0x262: {  	[tilespmem:v22+s25+$0x0] =	vst.idx.msk $0xffff, v19  }
0x263: {  	v24 =	vld.idx.msk [tilespmem:v21+s25+$0x0], $0xffff  }
0x264: {  	v19 =	vmov s16  }
.Ltmp10:
0x265: {  	v22 =	vshll.u32 v19, $0x8;
	v19 =	vshll.u32 v19, $0x7;
	(pc) =	sbr.rel @p0 .LBB2_14-.Ltmp10, $4  }
0x266: {  	s16 =	sadd.s32 s11, s16;
	v22 =	vand.u32 $0x7800, v22;
	v19 =	vand.u32 $0x380, v19  }
0x267: {  	v23 =	vmov s16;
	v19 =	vor.u32 v19, v22  }
0x268: {  	v22 =	vor.u32 v0, v19  }
0x269: {  	v20 =	vmul.f32 v24, v20  }
0x26a: {  	_ =	sdelay $0x3  }
0x26b: {  	[tilespmem:v21+s25+$0x0] =	vst.idx.msk $0xffff, v20  }
0x26c: {  	v20 =	vld.idx.msk [tilespmem:v23+s14+$0x0], $0xffff  }
0x26d: {  	v21 =	vld.idx.msk [tilespmem:v22+s25+$0x0], $0xffff;
	_ =	sdelay $0x2  }
0x26e: {  	v50 =	vor.u32 v4, v19;
	_ =	sdelay $0x1  }
0x26f: {  	v21 =	vmul.f32 v21, v20;
	_ =	sdelay $0x1  }
0x270: {  	[tilespmem:v22+s25+$0x0] =	vst.idx.msk $0xffff, v21  }
0x271: {  	v21 =	vld.idx.msk [tilespmem:v50+s25+$0x0], $0xffff;
	_ =	sdelay $0x2  }
0x272: {  	v51 =	vor.u32 v5, v19;
	_ =	sdelay $0x1  }
0x273: {  	v21 =	vmul.f32 v21, v20;
	_ =	sdelay $0x1  }
0x274: {  	[tilespmem:v50+s25+$0x0] =	vst.idx.msk $0xffff, v21  }
0x275: {  	v21 =	vld.idx.msk [tilespmem:v51+s25+$0x0], $0xffff;
	_ =	sdelay $0x2  }
0x276: {  	v52 =	vor.u32 v6, v19;
	_ =	sdelay $0x1  }
0x277: {  	v21 =	vmul.f32 v21, v20;
	_ =	sdelay $0x1  }
0x278: {  	[tilespmem:v51+s25+$0x0] =	vst.idx.msk $0xffff, v21  }
0x279: {  	v21 =	vld.idx.msk [tilespmem:v52+s25+$0x0], $0xffff;
	_ =	sdelay $0x2  }
0x27a: {  	v53 =	vor.u32 v7, v19;
	_ =	sdelay $0x1  }
0x27b: {  	v21 =	vmul.f32 v21, v20;
	_ =	sdelay $0x1  }
0x27c: {  	[tilespmem:v52+s25+$0x0] =	vst.idx.msk $0xffff, v21  }
0x27d: {  	v21 =	vld.idx.msk [tilespmem:v53+s25+$0x0], $0xffff;
	_ =	sdelay $0x2  }
0x27e: {  	v54 =	vor.u32 v8, v19;
	_ =	sdelay $0x1  }
0x27f: {  	v21 =	vmul.f32 v21, v20;
	_ =	sdelay $0x1  }
0x280: {  	[tilespmem:v53+s25+$0x0] =	vst.idx.msk $0xffff, v21  }
0x281: {  	v21 =	vld.idx.msk [tilespmem:v54+s25+$0x0], $0xffff;
	_ =	sdelay $0x2  }
0x282: {  	v55 =	vor.u32 v9, v19;
	_ =	sdelay $0x1  }
0x283: {  	v21 =	vmul.f32 v21, v20;
	_ =	sdelay $0x1  }
0x284: {  	[tilespmem:v54+s25+$0x0] =	vst.idx.msk $0xffff, v21  }
0x285: {  	v21 =	vld.idx.msk [tilespmem:v55+s25+$0x0], $0xffff;
	_ =	sdelay $0x2  }
0x286: {  	v56 =	vor.u32 v10, v19;
	_ =	sdelay $0x1  }
0x287: {  	v21 =	vmul.f32 v21, v20;
	_ =	sdelay $0x1  }
0x288: {  	[tilespmem:v55+s25+$0x0] =	vst.idx.msk $0xffff, v21  }
0x289: {  	v21 =	vld.idx.msk [tilespmem:v56+s25+$0x0], $0xffff;
	_ =	sdelay $0x2  }
0x28a: {  	v57 =	vor.u32 v11, v19;
	_ =	sdelay $0x1  }
0x28b: {  	v21 =	vmul.f32 v21, v20;
	_ =	sdelay $0x1  }
0x28c: {  	[tilespmem:v56+s25+$0x0] =	vst.idx.msk $0xffff, v21  }
0x28d: {  	v21 =	vld.idx.msk [tilespmem:v57+s25+$0x0], $0xffff;
	_ =	sdelay $0x2  }
0x28e: {  	v58 =	vor.u32 v12, v19;
	_ =	sdelay $0x1  }
0x28f: {  	v21 =	vmul.f32 v21, v20;
	_ =	sdelay $0x1  }
0x290: {  	[tilespmem:v57+s25+$0x0] =	vst.idx.msk $0xffff, v21  }
0x291: {  	v21 =	vld.idx.msk [tilespmem:v58+s25+$0x0], $0xffff;
	_ =	sdelay $0x2  }
0x292: {  	v59 =	vor.u32 v13, v19;
	_ =	sdelay $0x1  }
0x293: {  	v21 =	vmul.f32 v21, v20;
	_ =	sdelay $0x1  }
0x294: {  	[tilespmem:v58+s25+$0x0] =	vst.idx.msk $0xffff, v21  }
0x295: {  	v21 =	vld.idx.msk [tilespmem:v59+s25+$0x0], $0xffff;
	_ =	sdelay $0x2  }
0x296: {  	v60 =	vor.u32 v14, v19;
	_ =	sdelay $0x1  }
0x297: {  	v21 =	vmul.f32 v21, v20;
	_ =	sdelay $0x1  }
0x298: {  	[tilespmem:v59+s25+$0x0] =	vst.idx.msk $0xffff, v21  }
0x299: {  	v21 =	vld.idx.msk [tilespmem:v60+s25+$0x0], $0xffff;
	_ =	sdelay $0x2  }
0x29a: {  	v61 =	vor.u32 v15, v19;
	_ =	sdelay $0x1  }
0x29b: {  	v21 =	vmul.f32 v21, v20;
	_ =	sdelay $0x1  }
0x29c: {  	[tilespmem:v60+s25+$0x0] =	vst.idx.msk $0xffff, v21  }
0x29d: {  	v21 =	vld.idx.msk [tilespmem:v61+s25+$0x0], $0xffff;
	_ =	sdelay $0x2  }
0x29e: {  	v62 =	vor.u32 v16, v19;
	_ =	sdelay $0x1  }
0x29f: {  	v21 =	vmul.f32 v21, v20;
	_ =	sdelay $0x1  }
0x2a0: {  	[tilespmem:v61+s25+$0x0] =	vst.idx.msk $0xffff, v21  }
0x2a1: {  	v21 =	vld.idx.msk [tilespmem:v62+s25+$0x0], $0xffff;
	_ =	sdelay $0x2  }
0x2a2: {  	v63 =	vor.u32 v17, v19;
	_ =	sdelay $0x1  }
0x2a3: {  	v21 =	vmul.f32 v21, v20;
	_ =	sdelay $0x1  }
0x2a4: {  	[tilespmem:v62+s25+$0x0] =	vst.idx.msk $0xffff, v21  }
0x2a5: {  	v21 =	vld.idx.msk [tilespmem:v63+s25+$0x0], $0xffff;
	_ =	sdelay $0x2  }
0x2a6: {  	v19 =	vor.u32 v18, v19;
	_ =	sdelay $0x1  }
0x2a7: {  	v21 =	vmul.f32 v21, v20;
	_ =	sdelay $0x1  }
0x2a8: {  	[tilespmem:v63+s25+$0x0] =	vst.idx.msk $0xffff, v21  }
0x2a9: {  	v21 =	vld.idx.msk [tilespmem:v19+s25+$0x0], $0xffff;
	_ =	sdelay $0x3  }
.Ltmp11:
0x2aa: {  	_ = 	snop;
	(pc) =	sbr.rel .LBB2_16-.Ltmp11, $4  }
0x2ab: {  	s7 =	sadd.s32 s3, s11;
	v20 =	vmul.f32 v21, v20  }
0x2ac: {  	s7 =	sshll.u32 s7, $0x5  }
0x2ad: {  	s7 =	sadd.s32 s6, s7;
	[tilespmem:v19+s25+$0x0] =	vst.idx.msk $0xffff, v20  }
0x2ae: {  	[hbm4b:s7+s2] =	stream.linear.scatter [tilespmem:s25], [sflag:$0x4], $0x5000, $0x38;
	[tilespmem:$0x13E00] =	vst v63  }
.LBB2_18:
0x2af: {  	_ =	sfence.sel $0x180000  }
0x2b0: {  	[bflag:$0x0] =	sbarrier.arrive $0xFFFF  }
0x2b1: {  	_ =	strace $0x9000004D  }
0x2b2: {  	s0 =	stileid.u32;
	[bflag:$0x2] =	sbarrier.arrive $0xFFFF  }
0x2b3: {  	p0 =	sne.s32 s0, $0x0;
	s0 =	rddreg [dreg:$0x1]  }
0x2b4: {  	s0 =	sadd.s32 @!p0 $0x100000, s0  }
0x2b5: {  	[sflag:s0] =	ssyncadd.tile.s32 @!p0 $0x1;
	_ =	shalt  }
.Lfunc_end2:
_tile_overlayer_lowered:
.L_overlay_start_2:
0x2b6: {  	(tag) =	ssettag $0x2  }
0x2b7: {  	s0 =	rddreg [dreg:$0x0];
	s2 =	stileid.u32  }
0x2b8: {  	s1 =	rddreg [dreg:$0x1];
	p0 =	sne.s32 s2, $0x0  }
0x2b9: {  	s3 =	rddreg [dreg:$0x2];
	[bflag:$0x3] =	sbarrier.arrive $0xFFFF;
	s2 =	simm.s32 @!p0 $0x1C05  }
0x2ba: {  	[timem:s3], [sflag:s2] =	dma.local @!p0 [hbm:s0], s1  }
0x2bb: {  	s0 =	simm.s32 @!p0 $0x5  }
0x2bc: {  	_ =	swait.ge @!p0 [sflag:s0], s1  }
0x2bd: {  	s1 =	ssub.s32 @!p0 $0x0, s1;
	[sflag:s0] =	ssyncset.done @!p0 $0x0  }
0x2be: {  	[sflag:s0] =	ssyncadd.s32 @!p0 s1  }
0x2bf: {  	[bflag:$0x3] =	sbarrier.arrive $0xFFFF  }
0x2c0: {  	_ =	shalt  }

// kernel: scatter_offload_async_start.1
scs
__scs_entry_jumppad:
0x0: {  	(pc) =	sbr.rel $0x88, $3  }
0x1: {  	(tag) =	ssettag $0x0;
	lr =	simm.s32 $0x1  }
0x2: {  	[smem:$0x3F92] =	sst lr;
	_ =	strace $0xD0000000  }
0x3: {  	_ = 	snop  }
0x4: {  	_ = 	snop  }
0x5: {  	_ = 	snop  }
0x6: {  	_ = 	snop  }
0x7: {  	_ = 	snop  }
__scs_overlays_trampoline_lowered:
0x8: {  	[smem:$0x3FA1] =	sst s0  }
0x9: {  	[smem:$0x3FA2] =	sst s1  }
0xa: {  	[smem:$0x3FA3] =	sst s2  }
0xb: {  	[smem:$0x3FA4] =	sst s3  }
0xc: {  	[smem:$0x3FA5] =	sst s4  }
0xd: {  	[smem:$0x3FA6] =	sst s5  }
0xe: {  	[smem:$0x3FA7] =	sst s6  }
0xf: {  	[smem:$0x3FA8] =	sst s7  }
0x10: {  	[smem:$0x3FA9] =	sst s8  }
0x11: {  	[smem:$0x3FAA] =	sst s9;
	s0 =	simm.s32 @!p0 $0x0  }
0x12: {  	s1 =	sld [smem:$0x3F90];
	s0 =	simm.s32 @p0 $0x1  }
0x13: {  	[smem:$0x3FAB] =	sst s0;
	s0 =	simm.s32 @!p1 $0x0  }
0x14: {  	s2 =	sld [smem:$0x3F8F];
	s0 =	simm.s32 @p1 $0x1  }
0x15: {  	[smem:$0x3FAC] =	sst s0;
	s0 =	simm.s32 @!p2 $0x0  }
0x16: {  	s3 =	sld [smem:$0x3FDB];
	s0 =	simm.s32 @p2 $0x1  }
0x17: {  	s4 =	simm.s32 $0x1BF5;
	[smem:$0x3FAE] =	sst s0  }
0x18: {  	s0 =	sld [smem:$0x3F91];
	_ =	swait.ge [sflag:s4], $0x0  }
0x19: {  	s7 =	sld [smem:$0x3F92]  }
0x1a: {  	s8 =	sadd.s32 $0xFFFFE003, lr  }
0x1b: {  	s9 =	sadd.s32 $0xFFFFFEF7, lr;
	s5 =	simm.s32 $0xFFFFFFFF;
	p2 =	slt.u32 s8, $0xFFFFF086  }
0x1c: {  	p1 =	slt.u32 s9, $0xF7A;
	s5 =	simm.s32 @!p2 $0x0  }
0x1d: {  	s5 =	simm.s32 @p1 $0x1;
	p0 =	seq.s32 s7, s2  }
0x1e: {  	s7 =	smul.u32 @!p0 $0xF7A, s2;
	p2 =	seq.s32 @!p0 s5, $0x0  }
0x1f: {  	s9 =	smul.u32 $0xF7A, s1;
	s8 =	simm.s32 @!p0 $0x1BF5;
	p2 =	por !p2, p0  }
0x20: {  	[sflag:s8] =	ssyncset.s32 @!p0 $0xFFFFF086;
	s6 =	sadd.s32 @!p0 s3, s7;
	s7 =	simm.s32 @!p0 $0x108  }
0x21: {  	s3 =	sadd.s32 s3, s9;
	s6 =	sadd.s32 @!p0 $0x88, s6;
	s7 =	simm.s32 @p2 $0x1082  }
0x22: {  	[simem:s7], [sflag:s8] =	dma.local @!p0 [hbm:s6], $0xF7A  }
0x23: {  	s9 =	sor.u32 $0xD0000000, s2;
	s6 =	simm.s32 $0x108;
	_ =	swait.ge @!p0 [sflag:s8], $0x0  }
0x24: {  	s3 =	sadd.s32 $0x88, s3;
	s6 =	simm.s32 @!p1 $0x1082;
	[sflag:s4] =	ssyncset.s32 $0xFFFFF086  }
0x25: {  	[simem:s6], [sflag:s4] =	dma.local [hbm:s3], $0xF7A  }
0x26: {  	[smem:$0x3F92] =	sst s1;
	(tag) =	ssettag s2;
	_ =	strace s9  }
0x27: {  	s1 =	sld [smem:$0x3FA2]  }
0x28: {  	s2 =	sld [smem:$0x3FA3]  }
0x29: {  	s4 =	sld [smem:$0x3FA5]  }
0x2a: {  	p0 =	seq.s32 s5, $0x0;
	s5 =	sld [smem:$0x3FA6]  }
0x2b: {  	s6 =	sld [smem:$0x3FA7]  }
0x2c: {  	s7 =	sld [smem:$0x3FA8]  }
0x2d: {  	s3 =	simm.s32 $0x108;
	s8 =	sld [smem:$0x3FA9]  }
0x2e: {  	s3 =	simm.s32 @!p0 $0x1082;
	s9 =	sld [smem:$0x3FAA]  }
0x2f: {  	lr =	sadd.s32 s0, s3;
	s0 =	sld [smem:$0x3FA1]  }
0x30: {  	s3 =	sld [smem:$0x3FA4]  }
0x31: {  	[smem:$0x3FAD] =	sst s10  }
0x32: {  	s10 =	sld [smem:$0x3FAB];
	_ =	sdelay $0x3  }
0x33: {  	p0 =	seq.s32 s10, $0x1;
	s10 =	sld [smem:$0x3FAD];
	_ =	sdelay $0x3  }
0x34: {  	[smem:$0x3FAD] =	sst s10  }
0x35: {  	s10 =	sld [smem:$0x3FAC];
	_ =	sdelay $0x3  }
0x36: {  	p1 =	seq.s32 s10, $0x1;
	s10 =	sld [smem:$0x3FAD];
	_ =	sdelay $0x3  }
0x37: {  	[smem:$0x3FAD] =	sst s10  }
0x38: {  	s10 =	sld [smem:$0x3FAE]  }
0x39: {  	_ = 	snop;
	(pc) =	sbr.ind lr, $3  }
0x3a: {  	_ = 	snop  }
0x3b: {  	_ = 	snop  }
0x3c: {  	p2 =	seq.s32 s10, $0x1;
	s10 =	sld [smem:$0x3FAD]  }
0x3d: {  	_ =	shalt  }
0x3e: {  	_ =	shalt  }
0x3f: {  	_ =	shalt  }
0x40: {  	_ =	shalt  }
0x41: {  	_ =	shalt  }
0x42: {  	_ =	shalt  }
0x43: {  	_ =	shalt  }
0x44: {  	_ =	shalt  }
0x45: {  	_ =	shalt  }
0x46: {  	_ =	shalt  }
0x47: {  	_ =	shalt  }
0x48: {  	_ =	shalt  }
0x49: {  	_ =	shalt  }
0x4a: {  	_ =	shalt  }
0x4b: {  	_ =	shalt  }
0x4c: {  	_ =	shalt  }
0x4d: {  	_ =	shalt  }
0x4e: {  	_ =	shalt  }
0x4f: {  	_ =	shalt  }
0x50: {  	_ =	shalt  }
0x51: {  	_ =	shalt  }
0x52: {  	_ =	shalt  }
0x53: {  	_ =	shalt  }
0x54: {  	_ =	shalt  }
0x55: {  	_ =	shalt  }
0x56: {  	_ =	shalt  }
0x57: {  	_ =	shalt  }
0x58: {  	_ =	shalt  }
0x59: {  	_ =	shalt  }
0x5a: {  	_ =	shalt  }
0x5b: {  	_ =	shalt  }
0x5c: {  	_ =	shalt  }
0x5d: {  	_ =	shalt  }
0x5e: {  	_ =	shalt  }
0x5f: {  	_ =	shalt  }
0x60: {  	_ =	shalt  }
0x61: {  	_ =	shalt  }
0x62: {  	_ =	shalt  }
0x63: {  	_ =	shalt  }
0x64: {  	_ =	shalt  }
0x65: {  	_ =	shalt  }
0x66: {  	_ =	shalt  }
0x67: {  	_ =	shalt  }
0x68: {  	_ =	shalt  }
0x69: {  	_ =	shalt  }
0x6a: {  	_ =	shalt  }
0x6b: {  	_ =	shalt  }
0x6c: {  	_ =	shalt  }
0x6d: {  	_ =	shalt  }
0x6e: {  	_ =	shalt  }
0x6f: {  	_ =	shalt  }
0x70: {  	_ =	shalt  }
0x71: {  	_ =	shalt  }
0x72: {  	_ =	shalt  }
0x73: {  	_ =	shalt  }
0x74: {  	_ =	shalt  }
0x75: {  	_ =	shalt  }
0x76: {  	_ =	shalt  }
0x77: {  	_ =	shalt  }
0x78: {  	_ =	shalt  }
0x79: {  	_ =	shalt  }
0x7a: {  	_ =	shalt  }
0x7b: {  	_ =	shalt  }
0x7c: {  	_ =	shalt  }
0x7d: {  	_ =	shalt  }
0x7e: {  	_ =	shalt  }
0x7f: {  	_ =	shalt  }
0x80: {  	_ =	shalt  }
0x81: {  	_ =	shalt  }
0x82: {  	_ =	shalt  }
0x83: {  	_ =	shalt  }
0x84: {  	_ =	shalt  }
0x85: {  	_ =	shalt  }
0x86: {  	_ =	shalt  }
0x87: {  	_ =	shalt  }
.Lfunc_end0:
.L_simem_size_0:
called_computation.1_lowered:
.L_overlay_start_0:
0x88: {  	s2 =	sld [smem:$0x3FD9]  }
0x89: {  	s3 =	sld [smem:$0x3FFE];
	_ =	sdelay $0x1  }
0x8a: {  	s1 =	srdreg.scid  }
0x8b: {  	s0 =	sand.u32 $0x1, s1  }
0x8c: {  	s15 =	sshll.u32 s0, $0xA;
	s2 =	sadd.s32 s3, s2  }
0x8d: {  	s2 =	sadd.s32 s2, s15  }
0x8e: {  	[smem:$0x3FB9] =	sst s2  }
0x8f: {  	_ = 	snop  }
0x90: {  	(tm) =	ssettm $0x1  }
0x91: {  	s16 =	sld [smem:$0x3FFB];
	_ =	sdelay $0x3  }
0x92: {  	_ =	strace s16  }
0x93: {  	s2 =	sld [smem:$0x3FFC];
	_ =	sdelay $0x3  }
0x94: {  	_ =	strace s2  }
0x95: {  	s2 =	sld [smem:$0x3FFD];
	_ =	sdelay $0x3  }
0x96: {  	_ =	strace s2  }
0x97: {  	_ =	strace $0x8FFFFFFF  }
0x98: {  	s17 =	sld [smem:$0x3FDB];
	_ =	sdelay $0x1  }
0x99: {  	s18 =	simm.s32 $_scs_section_size  }
0x9a: {  	s4 =	simm.s32 $_size__tile_overlayer_lowered;
	s5 =	simm.s32 $_tile_overlayer_lowered  }
0x9b: {  	s21 =	simm.s32 $0x1BFF;
	s20 =	sshll.u32 s5, $0x1;
	s2 =	sadd.s32 s18, s17  }
0x9c: {  	s6 =	simm.s32 $0x0;
	s19 =	sshll.u32 s4, $0x1;
	s4 =	sadd.s32 s20, s2  }
0x9d: {  	[timem:s6], [sflag:s21] =	dma.local [hbm:s4], s19  }
0x9e: {  	_ =	swait.ge [sflag:s21], s19  }
0x9f: {  	s3 =	ssub.s32 $0x0, s19;
	[sflag:s21] =	ssyncset.done $0x0  }
0xa0: {  	[sflag:s21] =	ssyncadd.s32 s3;
	_ =	sdelay $0x1  }
0xa1: {  	s22 =	simm.s32 $0x1B8B  }
0xa2: {  	_ =	swait.ge [sflag:s22], $0x1  }
0xa3: {  	[sflag:s22] =	ssyncset.done $0x0  }
0xa4: {  	s23 =	sld [smem:$0x3FFE];
	[sflag:s22] =	ssyncadd.s32 $0xFFFFFFFF  }
0xa5: {  	s25 =	simm.s32 $0x1B8E;
	s24 =	sld [smem:$0x0]  }
0xa6: {  	s26 =	simm.s32 $execute0_lowered;
	[smem:$0x3FD2] =	sst s25  }
0xa7: {  	s5 =	sshll.u32 s26, $0x1;
	_ =	strace $0x8000004F;
	[dreg:$0x1] =	wrdreg $0xFFFFFFFF  }
0xa8: {  	s28 =	simm.s32 $_size_execute0_lowered;
	s2 =	sadd.s32 s2, s5;
	[dreg:$0x0] =	wrdreg $0x0  }
0xa9: {  	s5 =	sshll.u32 s28, $0x1;
	[dreg:$0x2] =	wrdreg s2  }
0xaa: {  	[dreg:$0x3] =	wrdreg s5  }
0xab: {  	[dreg:$0x4] =	wrdreg $0xC0  }
0xac: {  	_ =	task [dreg:s6], $0x5FFFF  }
0xad: {  	[dreg:$0x1] =	wrdreg $0xFFFFFFFF  }
0xae: {  	[dreg:$0x0] =	wrdreg $0x60  }
0xaf: {  	[dreg:$0x2] =	wrdreg s23  }
0xb0: {  	[dreg:$0x3] =	wrdreg s1  }
0xb1: {  	[dreg:$0x4] =	wrdreg s24  }
0xb2: {  	[dreg:$0x5] =	wrdreg $0x9  }
0xb3: {  	_ =	task.clear_ibuf [dreg:s6], $0x6FFFF;
	_ =	strace $0x9000004F  }
0xb4: {  	s29 =	simm.s32 $0x9;
	_ =	strace $0x80000051  }
0xb5: {  	_ =	swait.ge [sflag:s29], $0x1  }
0xb6: {  	[sflag:s29] =	ssyncadd.s32 $0xFFFFFFFF  }
0xb7: {  	_ =	strace $0x90000051  }
0xb8: {  	_ =	sfence  }
0xb9: {  	s30 =	sld [smem:$0x0];
	_ =	sdelay $0x2  }
0xba: {  	s31 =	sshll.u32 s1, $0xD;
	s1 =	sshrl.u32 s1, $0x2  }
0xbb: {  	s3 =	sand.u32 $0x4000, s31;
	s1 =	sadd.s32 s1, s30  }
0xbc: {  	s0 =	sor.u32 s3, s0;
	s1 =	sshll.u32 s1, $0x11  }
0xbd: {  	s0 =	sor.u32 s1, s0  }
0xbe: {  	s0 =	sadd.s32 $0x8F2B, s0  }
0xbf: {  	[sflag:s0] =	ssyncadd.remote.s32 $0x1  }
0xc0: {  	_ =	sfence.sel $0xFFFF  }
0xc1: {  	[dreg:$0x0] =	wrdreg $0xFFFFFFFF;
	(pc) =	sbr.abs _section_cstart, $3  }
0xc2: {  	[dreg:$0x1] =	wrdreg $0xFFFFFFFF  }
0xc3: {  	_ =	task.clear_ibuf [dreg:s6], $0x2FFFF;
	_ =	strace $0x9FFFFFFF  }
0xc4: {  	(tm) =	ssettm $0x7FFFFFFF  }
0xc5: {  	_ =	shalt  }
tec
execute0_lowered:
.L_overlay_start_1:
0x0: {  	(tag) =	ssettag $0x1  }
0x1: {  	s2 =	rddreg [dreg:$0x0]  }
0x2: {  	s3 =	rddreg [dreg:$0x1];
	_ =	strace $0x80000050;
	s0 =	simm.s32 $0x1  }
0x3: {  	s5 =	simm.s32 $0x208;
	v0 =	vimm.s32 $0x0;
	[sflag:s0] =	ssyncpa.u1 $0x0  }
0x4: {  	[tilespmem:s5+$0x70] =	vst v0  }
0x5: {  	[tilespmem:s5+$0x60] =	vst v0  }
0x6: {  	[tilespmem:s5+$0x50] =	vst v0  }
0x7: {  	[tilespmem:s5+$0x40] =	vst v0  }
0x8: {  	[tilespmem:s5+$0x30] =	vst v0  }
0x9: {  	s1 =	sadd.s32 $0x1DA00, s2;
	s0 =	sadd.s32 $0x13C00, s2;
	s6 =	sadd.s32 $0x76600, s2;
	[tilespmem:s5+$0x20] =	vst v0  }
0xa: {  	s4 =	sadd.s32 $0xA3A600, s2;
	s10 =	sand.u32 $0x1, s3;
	s2 =	simm.s32 $0x40;
	[tilespmem:s5+$0x10] =	vst v0  }
.LBB2_1:
0xb: {  	s2 =	sadd.s32 $0x40, s2;
	[tilespmem:s5+$0x0] =	vst v0;
	s5 =	sadd.s32 $0x80, s5  }
0xc: {  	p0 =	slt.u32 s2, $0x3880;
	[tilespmem:s5+$0x70] =	vst v0  }
0xd: {  	[tilespmem:s5+$0x60] =	vst v0  }
.Ltmp0:
0xe: {  	[tilespmem:s5+$0x50] =	vst v0;
	(pc) =	sbr.rel @p0 .LBB2_1-.Ltmp0, $4  }
0xf: {  	[tilespmem:s5+$0x40] =	vst v0  }
0x10: {  	[tilespmem:s5+$0x30] =	vst v0  }
0x11: {  	[tilespmem:s5+$0x20] =	vst v0  }
0x12: {  	[tilespmem:s5+$0x10] =	vst v0  }
0x13: {  	s11 =	stileid.u32  }
0x14: {  	s2 =	smul.u32 $0x59, s11  }
0x15: {  	s3 =	smin.u32 s11, $0x5  }
0x16: {  	s2 =	sadd.s32 s3, s2  }
0x17: {  	p0 =	slt.u32 s11, $0x5;
	s20 =	smul.u32 $0x70, s2;
	s2 =	simm.s32 $0x2760  }
0x18: {  	s2 =	simm.s32 @!p0 $0x26F0  }
0x19: {  	s2 =	sadd.s32 s2, s20  }
0x1a: {  	s8 =	smin.u32 s2, $0x27100  }
0x1b: {  	s26 =	simm.s32 $0x2;
	s2 =	ssub.s32 s8, s20  }
0x1c: {  	s9 =	simm.s32 $0x9;
	s29 =	simm.s32 $0xA;
	p0 =	sgt.s32 s2, $0x0  }
0x1d: {  	s30 =	simm.s32 $0xB;
	s31 =	smul.u32 $0x4E20, s10;
	s2 =	simm.s32 @!p0 $0x0  }
0x1e: {  	[dreg:$0x4] =	wrdreg s10;
	s12 =	simm.s32 $0x1;
	s25 =	smulhi.u32 $0x92492493, s2  }
0x1f: {  	s24 =	simm.s32 $0x0;
	p1 =	por $0x0, $0x0;
	s18 =	simm.s32 $0x80  }
0x20: {  	s19 =	simm.s32 $0x400;
	s17 =	simm.s32 $0xC;
	s3 =	sshrl.u32 s25, $0x6  }
0x21: {  	s21 =	simm.s32 $0x0;
	s23 =	simm.s32 $0x0;
	s28 =	smul.u32 $0x70, s3  }
.Ltmp1:
0x22: {  	[tilespmem:s5+$0x0] =	vst v0;
	v0 =	vimm.s32 $0xFFFFFFFF;
	[sflag:s26] =	ssyncpa.u1 $0x0;
	s16 =	sshll.u32 s11, $0x9;
	(pc) =	sbr.rel .LBB2_3-.Ltmp1, $4  }
0x23: {  	[tilespmem:$0xE408] =	vst v0;
	[sflag:s9] =	ssyncpa.u1 $0x0;
	p0 =	sne.s32 s2, s28;
	s2 =	simm.s32 $0x1  }
0x24: {  	s14 =	sadd.s32 s31, s4;
	[sflag:s29] =	ssyncpa.u1 $0x0;
	s2 =	simm.s32 @!p0 $0x0  }
0x25: {  	s15 =	sadd.s32 s31, s0;
	[sflag:s30] =	ssyncpa.u1 $0x0;
	s13 =	sadd.s32 s2, s3  }
0x26: {  	v0 =	vlaneseq.u32;
	s22 =	smov.u32 s20;
	p0 =	por $0x1, $0x1;
	s11 =	sadd.s32 $0x1, s13  }
.LBB2_24:
0x27: {  	s2 =	sshrl.u32 s4, $0x2  }
.LBB2_26:
0x28: {  	_ =	swait.ge [sflag:s17], s2  }
0x29: {  	s31 =	ssub.s32 $0x0, s2;
	v1 =	vmov s26;
	vm0 =	veq.s32 v0, $0x0;
	[sflag:s17] =	ssyncset.done $0x0  }
0x2a: {  	vm15 =	veq.s32 v0, $0x2;
	v1 =	vsel vm0, s0, v1;
	[sflag:s17] =	ssyncadd.s32 s31  }
0x2b: {  	v1 =	vsel vm15, s24, v1;
	[sflag:s17] =	ssyncpa.u1 $0x1  }
0x2c: {  	[tilespmem:$0xE408] =	vst v1  }
.LBB2_27:
0x2d: {  	s0 =	sadd.s32 $0x70, s22  }
0x2e: {  	s2 =	smov.u32 s20;
	p2 =	slt.s32 s0, s8  }
0x2f: {  	s2 =	smov.u32 @p2 s0;
	p2 =	sne.s32 s23, s11  }
.Ltmp2:
0x30: {  	_ = 	snop;
	(pc) =	sbr.rel @!p2 .LBB2_28-.Ltmp2, $4  }
0x31: {  	_ = 	snop  }
0x32: {  	s24 =	smov.u32 s21  }
0x33: {  	s31 =	sadd.s32 $0x1, s23;
	s21 =	smov.u32 s22;
	p0 =	por !p0, !p0  }
0x34: {  	p1 =	por !p1, !p1;
	s23 =	smov.u32 s31;
	s22 =	smov.u32 s2  }
.LBB2_3:
0x35: {  	p2 =	sge.u32 s23, s13  }
0x36: {  	s0 =	smulhi.u32 @!p2 $0xAAAAAAAB, s23  }
0x37: {  	s2 =	smov.u32 s22;
	p3 =	sgt.s32 @!p2 s22, $0x27090  }
0x38: {  	s3 =	sshra.s32 @!p2 s22, $0x1F;
	p3 =	por !p3, p2;
	s0 =	sshrl.u32 @!p2 s0, $0x1  }
0x39: {  	s3 =	sand.u32 @!p2 s3, s22;
	s2 =	simm.s32 @p3 $0x27090;
	s0 =	smul.u32 @!p2 $0x3, s0  }
0x3a: {  	s2 =	ssub.s32 @!p2 s2, s3  }
0x3b: {  	s2 =	sadd.s32 @!p2 $0xFFFD8F70, s2;
	s0 =	ssub.s32 @!p2 s23, s0  }
0x3c: {  	s3 =	sshll.u32 @!p2 s2, $0x2;
	p3 =	sgt.s32 @!p2 s2, $0x6F;
	s0 =	smul.u32 @!p2 $0x1C0, s0  }
0x3d: {  	s4 =	sand.u32 @!p2 $0x7, s22;
	s2 =	ssub.s32 @!p2 $0x1C0, s3;
	p3 =	por !p3, p2  }
0x3e: {  	s3 =	sshrl.u32 @!p2 s22, $0x3;
	s2 =	sshrl.u32 @!p2 s2, $0x2;
	s0 =	sshrl.u32 @!p2 s0, $0x2  }
0x3f: {  	s3 =	sadd.s32 @!p2 s3, s14;
	s2 =	simm.s32 @!p3 $0x0;
	s0 =	sadd.s32 @!p2 $0x10448, s0  }
0x40: {  	[tilespmem:s0], [sflag:$0xA] =	stream.linear.gather @!p2 [hbm4b:s3+s4], s2, $0x38;
	[tilespmem:$0x1E678] =	vst v63  }
0x41: {  	s2 =	sadd.s32 $0xFFFFFFFF, s23  }
0x42: {  	p2 =	sge.u32 s2, s13  }
0x43: {  	p3 =	sgt.s32 @!p2 s21, $0x27090  }
0x44: {  	s0 =	smov.u32 s21;
	s3 =	sshra.s32 @!p2 s21, $0x1F;
	p3 =	por !p3, p2  }
0x45: {  	s3 =	sand.u32 @!p2 s3, s21;
	s0 =	simm.s32 @p3 $0x27090  }
0x46: {  	s0 =	ssub.s32 @!p2 s0, s3  }
0x47: {  	s0 =	sadd.s32 @!p2 $0xFFFD8F70, s0  }
0x48: {  	s3 =	sshll.u32 @!p2 s0, $0x2  }
0x49: {  	p3 =	sgt.s32 @!p2 s0, $0x6F;
	s0 =	ssub.s32 @!p2 $0x1C0, s3  }
0x4a: {  	p3 =	por !p3, p2;
	s0 =	sshrl.u32 @!p2 s0, $0x2  }
0x4b: {  	s4 =	simm.s32 @!p2 $0xA;
	s3 =	sand.u32 @!p2 $0x1, s2;
	s0 =	simm.s32 @!p3 $0x0  }
0x4c: {  	s3 =	smul.u32 @!p2 $0x1C0, s3;
	_ =	swait.ge @!p2 [sflag:s4], s0  }
0x4d: {  	s5 =	ssub.s32 @!p2 $0x0, s0;
	[sflag:s4] =	ssyncset.done @!p2 $0x0  }
0x4e: {  	s3 =	sshrl.u32 @!p2 s3, $0x2;
	[sflag:s4] =	ssyncadd.s32 @!p2 s5;
	s4 =	sshrl.u32 @!p2 s21, $0x3  }
0x4f: {  	s3 =	sadd.s32 @!p2 $0x10598, s3;
	s5 =	sand.u32 @!p2 $0x7, s21;
	s4 =	sadd.s32 @!p2 s4, s15  }
0x50: {  	[tilespmem:s3], [sflag:$0xB] =	stream.linear.gather @!p2 [hbm4b:s4+s5], s0, $0x38;
	[tilespmem:$0x1E678] =	vst v63  }
0x51: {  	s0 =	ssub.s32 @!p2 $0x27100, s21  }
0x52: {  	p3 =	slt.s32 @!p2 s0, $0x1  }
0x53: {  	p3 =	por p2, p3  }
.Ltmp3:
0x54: {  	_ = 	snop;
	(pc) =	sbr.rel @p3 .LBB2_9-.Ltmp3, $1  }
0x55: {  	_ =	sdelay $0x3  }
0x56: {  	s3 =	smulhi.u32 $0xAAAAAAAB, s2;
	_ =	sdelay $0x1  }
0x57: {  	s3 =	sshrl.u32 s3, $0x1  }
0x58: {  	s3 =	smul.u32 $0x3, s3;
	_ =	sdelay $0x1  }
0x59: {  	s30 =	ssub.s32 s2, s3  }
0x5a: {  	s4 =	simm.s32 $0x1;
	s2 =	smul.u32 $0x1C0, s30  }
.Ltmp4:
0x5b: {  	s4 =	simm.s32 @!p0 $0x0;
	(pc) =	sbr.rel .LBB2_6-.Ltmp4, $4  }
0x5c: {  	s31 =	smul.u32 $0x1C000, s4  }
0x5d: {  	p3 =	slt.s32 @!p2 s0, $0x70;
	s2 =	sshrl.u32 s2, $0x2  }
0x5e: {  	p2 =	por !p3, p2;
	s3 =	sshrl.u32 s31, $0x2;
	s5 =	sadd.s32 $0x10448, s2  }
0x5f: {  	s0 =	simm.s32 @p2 $0x70;
	s4 =	sor.u32 $0x10678, s3;
	s2 =	simm.s32 $0x0;
	v1 =	vmov s5  }
.LBB2_5:
0x60: {  	p2 =	sge.s32 s2, s0  }
.Ltmp5:
0x61: {  	_ = 	snop;
	(pc) =	sbr.rel @p2 .LBB2_9-.Ltmp5, $2  }
0x62: {  	_ =	sdelay $0x2  }
0x63: {  	s4 =	sadd.s32 $0x1000, s4  }
.LBB2_6:
0x64: {  	p2 =	sle.s32 s0, s2  }
.Ltmp6:
0x65: {  	_ = 	snop;
	(pc) =	sbr.rel @p2 .LBB2_5-.Ltmp6, $2  }
0x66: {  	_ =	sdelay $0x2  }
0x67: {  	s5 =	smov.u32 s2;
	s2 =	sadd.s32 $0x10, s2  }
0x68: {  	s3 =	ssub.s32 s0, s5  }
0x69: {  	p2 =	slt.s32 s3, $0x10  }
0x6a: {  	s3 =	simm.s32 @!p2 $0x10  }
0x6b: {  	v2 =	vmov s3  }
0x6c: {  	vm0 =	vgt.s32 v2, v0;
	_ =	sdelay $0x5  }
0x6d: {  	v2 =	vld.idx.msk [tilespmem:v1+s5+$0x0 ss:$0x1], vm0;
	_ =	sdelay $0x2  }
0x6e: {  	p2 =	slt.s32 s2, s0;
	s3 =	smov.u32 s0  }
0x6f: {  	s9 =	smov.u32 s4;
	s25 =	simm.s32 $0x0;
	s3 =	smov.u32 @p2 s2  }
.LBB2_8:
0x70: {  	(v2sf) =	vpush v2, s25;
	_ =	sdelay $0xe  }
0x71: {  	s25 =	sadd.s32 $0x1, s25;
	s10 =	spop (v2sf)  }
0x72: {  	s31 =	sadd.s32 s25, s5;
	s26 =	sshll.u32 s10, $0x8;
	s10 =	sshll.u32 s10, $0x7  }
0x73: {  	p2 =	slt.s32 s31, s3;
	s26 =	sand.u32 $0xFFFFF800, s26;
	s10 =	sand.u32 $0x380, s10  }
.Ltmp7:
0x74: {  	s10 =	sor.u32 s10, s26;
	(pc) =	sbr.rel @p2 .LBB2_8-.Ltmp7, $4  }
0x75: {  	s10 =	sshrl.u32 s10, $0x3  }
0x76: {  	s10 =	sadd.s32 s6, s10  }
0x77: {  	[tilespmem:s9], [sflag:$0x9] =	stream.strided.gather [hbm4b:s10+s18], $0x100, s19, s18, $0x38;
	[tilespmem:$0x1E678] =	vst v63  }
0x78: {  	s9 =	sadd.s32 $0x100, s9  }
.Ltmp8:
0x79: {  	_ = 	snop;
	(pc) =	sbr.rel .LBB2_5-.Ltmp8, $1  }
0x7a: {  	_ =	sdelay $0x3  }
.LBB2_9:
0x7b: {  	p2 =	slt.u32 s23, $0x2  }
.Ltmp9:
0x7c: {  	_ = 	snop;
	(pc) =	sbr.rel @p2 .LBB2_27-.Ltmp9, $1  }
0x7d: {  	_ =	sdelay $0x3  }
0x7e: {  	p2 =	sgt.s32 s24, $0x27090  }
0x7f: {  	s0 =	smov.u32 s24;
	s2 =	sshra.s32 s24, $0x1F;
	s3 =	ssub.s32 $0x27100, s24  }
0x80: {  	s0 =	simm.s32 @!p2 $0x27090;
	s2 =	sand.u32 s2, s24;
	p2 =	slt.s32 s3, $0x70  }
0x81: {  	s0 =	ssub.s32 s0, s2;
	s3 =	simm.s32 @!p2 $0x70  }
0x82: {  	s0 =	sadd.s32 $0xFFFD8F70, s0;
	s9 =	sshll.u32 s3, $0x8  }
0x83: {  	s26 =	simm.s32 $0x9;
	s10 =	sshll.u32 s0, $0x2;
	s2 =	sand.u32 $0x3FFFFF00, s9  }
0x84: {  	p2 =	sgt.s32 s0, $0x6F;
	s25 =	ssub.s32 $0x1C0, s10;
	_ =	swait.ge [sflag:s26], s2  }
0x85: {  	s2 =	ssub.s32 $0x0, s2;
	[sflag:s26] =	ssyncset.done $0x0;
	s0 =	sshrl.u32 s25, $0x2  }
0x86: {  	s29 =	simm.s32 $0xB;
	[sflag:s26] =	ssyncadd.s32 s2;
	s0 =	simm.s32 @p2 $0x0  }
0x87: {  	_ =	swait.ge [sflag:s29], s0  }
0x88: {  	s0 =	ssub.s32 $0x0, s0;
	[sflag:s29] =	ssyncset.done $0x0  }
0x89: {  	[sflag:s29] =	ssyncadd.s32 s0  }
0x8a: {  	v1 =	vld [tilespmem:$0xE408];
	_ =	sdelay $0x4  }
0x8b: {  	(v2sf) =	vpush v1, $0x0  }
0x8c: {  	(v2sf) =	vpush v1, $0x1  }
0x8d: {  	(v2sf) =	vpush v1, $0x2;
	_ =	sdelay $0x3  }
0x8e: {  	s0 =	sadd.s32 $0x70, s24  }
0x8f: {  	s2 =	ssub.s32 $0x4E200, s24;
	p2 =	slt.s32 s8, s0  }
0x90: {  	s0 =	smov.u32 @p2 s8;
	p2 =	sgt.s32 s2, $0x0  }
0x91: {  	s0 =	ssub.s32 s0, s24;
	s2 =	simm.s32 @!p2 $0x0  }
0x92: {  	p2 =	slt.s32 s2, s0  }
0x93: {  	s0 =	smov.u32 @p2 s2  }
0x94: {  	s4 =	simm.s32 $0x1;
	p2 =	slt.s32 s0, $0x1  }
.Ltmp10:
0x95: {  	s4 =	simm.s32 @!p1 $0x0;
	(pc) =	sbr.rel @p2 .LBB2_14-.Ltmp10, $4  }
0x96: {  	s30 =	smul.u32 $0x1C0, s4  }
0x97: {  	s5 =	spop (v2sf)  }
0x98: {  	s31 =	sshrl.u32 s30, $0x2;
	s28 =	spop (v2sf)  }
0x99: {  	s25 =	sadd.s32 $0x10598, s31;
	s24 =	spop (v2sf)  }
0x9a: {  	s2 =	smin.u32 s0, $0x10  }
0x9b: {  	v1 =	vmov s2  }
0x9c: {  	vm1 =	vgt.u32 v1, v0  }
0x9d: {  	p3 =	sgt.s32 s0, $0x10  }
.Ltmp11:
0x9e: {  	_ = 	snop;
	(pc) =	sbr.rel @!p3 .LBB2_13-.Ltmp11, $2  }
0x9f: {  	_ =	sdelay $0x2  }
0xa0: {  	s26 =	simm.s32 $0x10;
	s29 =	sadd.s32 $0xFFFFFFF0, s0;
	s2 =	smov.u32 s25;
	vm0 =	vmmov vm1;
	v1 =	vld.msk [tilespmem:s25+$0x0 ss:$0x1], vm1  }
.LBB2_12:
0xa1: {  	s3 =	smin.u32 s29, $0x10;
	s26 =	sadd.s32 $0x10, s26  }
0xa2: {  	v2 =	vmov s3;
	p3 =	slt.s32 s26, s0  }
0xa3: {  	vm1 =	vgt.u32 v2, v0;
	_ =	sdelay $0x1  }
0xa4: {  	v2 =	vshll.u32 v1, $0x5;
	v1 =	vshll.u32 v1, $0x4  }
.Ltmp12:
0xa5: {  	v2 =	vand.u32 $0xFFFFFF00, v2;
	v1 =	vand.u32 $0x70, v1;
	(pc) =	sbr.rel @p3 .LBB2_12-.Ltmp12, $4  }
0xa6: {  	v1 =	vor.u32 v1, v2  }
0xa7: {  	[tilespmem:s2+$0x0] =	vst.msk vm0, v1;
	s2 =	sadd.s32 $0x10, s2;
	vm0 =	vmmov vm1  }
0xa8: {  	v1 =	vld.msk [tilespmem:s2+$0x0 ss:$0x1], vm1  }
0xa9: {  	s29 =	sadd.s32 $0xFFFFFFF0, s29  }
.LBB2_13:
0xaa: {  	_ =	sdelay $0x3  }
0xab: {  	v2 =	vshll.u32 v1, $0x5;
	v1 =	vshll.u32 v1, $0x4  }
0xac: {  	v2 =	vand.u32 $0xFFFFFF00, v2;
	v1 =	vand.u32 $0x70, v1  }
0xad: {  	v1 =	vor.u32 v1, v2  }
0xae: {  	[tilespmem:s2+$0x0] =	vst.msk vm0, v1  }
.LBB2_14:
0xaf: {  	s2 =	sand.u32 $0x1, s23  }
0xb0: {  	s2 =	smul.u32 $0x70, s2  }
0xb1: {  	p3 =	sne.s32 s28, $0xFFFFFFFF  }
0xb2: {  	v1 =	vld.msk @!p3 [tilespmem:s2+$0x10598], $0x1;
	_ =	sdelay $0x4  }
0xb3: {  	(v2sf) =	vpush @!p3 v1, $0x0;
	_ =	sdelay $0xc  }
.Ltmp13:
0xb4: {  	_ = 	snop;
	(pc) =	sbr.rel @p2 .LBB2_25-.Ltmp13, $4  }
0xb5: {  	_ = 	snop  }
0xb6: {  	s31 =	spop @!p3 (v2sf)  }
0xb7: {  	s24 =	simm.s32 @!p3 $0x0;
	s26 =	smov.u32 s31  }
0xb8: {  	[sflag:s17] =	ssyncpa.u1 $0x0;
	s31 =	smov.u32 @p3 s5;
	s26 =	smov.u32 @p3 s28  }
0xb9: {  	v1 =	vld.msk [tilespmem:s25+$0x0], $0x1;
	_ =	sdelay $0x4  }
0xba: {  	(v2sf) =	vpush v1, $0x0;
	_ =	sdelay $0xe  }
0xbb: {  	s7 =	smov.u32 s11;
	s5 =	spop (v2sf)  }
0xbc: {  	s17 =	smov.u32 s15;
	s2 =	smul.u32 $0x1C000, s4;
	p2 =	seq.s32 s31, s5  }
0xbd: {  	s3 =	smov.u32 s31;
	s29 =	ssub.s32 $0x0, s0;
	p3 =	sgt.s32 @!p2 s31, $0x0  }
0xbe: {  	s30 =	simm.s32 $0x0;
	s2 =	sshrl.u32 s2, $0x2;
	p3 =	por !p3, p2  }
0xbf: {  	s0 =	sadd.s32 $0x1, s29;
	s28 =	sor.u32 $0x106F8, s2;
	s3 =	simm.s32 @p3 $0x0  }
0xc0: {  	s2 =	simm.s32 @!p2 $0x1;
	p3 =	seq.s32 s0, $0x0;
	s3 =	smin.u32 @!p2 s3, $0x4E170  }
.Ltmp14:
0xc1: {  	s4 =	simm.s32 @!p2 $0x7308;
	s9 =	sand.u32 @!p2 $0x7FFF8, s3;
	(pc) =	sbr.rel @p3 .LBB2_17-.Ltmp14, $4  }
0xc2: {  	s10 =	sadd.s32 @!p2 $0x80, s3;
	s11 =	sadd.s32 @!p2 s1, s9;
	s9 =	sand.u32 @!p2 $0x7, s3  }
0xc3: {  	[tilespmem:s4], [sflag:$0x2] =	stream.linear.gather @!p2 [hbm4b:s11+s9], $0x80, $0x38;
	[tilespmem:$0x1E678] =	vst v63  }
0xc4: {  	s15 =	smov.u32 s14;
	s2 =	smov.u32 @p2 s30;
	s4 =	sand.u32 @!p2 $0xFFFF8, s10  }
0xc5: {  	s3 =	simm.s32 @!p2 $0x7388;
	s10 =	sadd.s32 @!p2 s1, s4;
	s4 =	sadd.s32 $0x1, s25  }
.LBB2_16:
0xc6: {  	s11 =	smov.u32 s2  }
0xc7: {  	[tilespmem:s3], [sflag:$0x2] =	stream.linear.gather @!p2 [hbm4b:s10+s9], $0x80, $0x38;
	[tilespmem:$0x1E678] =	vst v63  }
0xc8: {  	s0 =	sadd.s32 $0x1, s0;
	s9 =	smov.u32 s5;
	v1 =	vld.msk [tilespmem:s4+$0x0], $0x1  }
0xc9: {  	p3 =	seq.s32 s0, $0x0;
	_ =	sdelay $0x3  }
0xca: {  	(v2sf) =	vpush v1, $0x0;
	_ =	sdelay $0xe  }
0xcb: {  	s5 =	spop (v2sf)  }
0xcc: {  	p2 =	seq.s32 s9, s5  }
0xcd: {  	p4 =	sgt.s32 @!p2 s9, $0x0;
	s3 =	sshll.u32 @!p2 s2, $0xA;
	s2 =	sadd.s32 @!p2 $0x1, s2  }
0xce: {  	p4 =	por !p4, p2;
	s3 =	sshra.s32 @!p2 s3, $0x2;
	s2 =	smov.u32 @p2 s11  }
0xcf: {  	s9 =	simm.s32 @p4 $0x0;
	s10 =	sadd.s32 @!p2 $0x7308, s3;
	s3 =	sadd.s32 @!p2 $0x7388, s3  }
.Ltmp15:
0xd0: {  	s9 =	smin.u32 @!p2 s9, $0x4E170;
	(pc) =	sbr.rel @!p3 .LBB2_16-.Ltmp15, $4  }
0xd1: {  	s11 =	sand.u32 @!p2 $0x7FFF8, s9;
	s14 =	sadd.s32 @!p2 $0x80, s9  }
0xd2: {  	s9 =	sand.u32 @!p2 $0x7, s9;
	s11 =	sadd.s32 @!p2 s1, s11;
	s14 =	sand.u32 @!p2 $0xFFFF8, s14  }
0xd3: {  	[tilespmem:s10], [sflag:$0x2] =	stream.linear.gather @!p2 [hbm4b:s11+s9], $0x80, $0x38;
	[tilespmem:$0x1E678] =	vst v63  }
0xd4: {  	s4 =	sadd.s32 $0x1, s4;
	s10 =	sadd.s32 @!p2 s1, s14  }
.LBB2_17:
0xd5: {  	[tilespmem:s3], [sflag:$0x2] =	stream.linear.gather @!p2 [hbm4b:s10+s9], $0x80, $0x38;
	[tilespmem:$0x1E678] =	vst v63  }
0xd6: {  	s0 =	sshll.u32 s2, $0x8  }
.Ltmp16:
0xd7: {  	s14 =	simm.s32 $0x2;
	s0 =	sand.u32 $0x3FFFFF00, s0;
	(pc) =	sbr.rel .LBB2_18-.Ltmp16, $4  }
0xd8: {  	_ =	swait.ge [sflag:s14], s0  }
0xd9: {  	s0 =	ssub.s32 $0x0, s0;
	[sflag:s14] =	ssyncset.done $0x0  }
0xda: {  	s4 =	simm.s32 $0x0;
	s11 =	smov.u32 s7;
	[sflag:s14] =	ssyncadd.s32 s0  }
0xdb: {  	s14 =	smov.u32 s15;
	s15 =	smov.u32 s17;
	s17 =	simm.s32 $0xC  }
.LBB2_19:
0xdc: {  	v1 =	vld [tilespmem:s28+$0xFFFFFF80];
	_ =	sdelay $0x4  }
0xdd: {  	[tilespmem:s5+$0x208] =	vst.add.f32.msk $0xffff, v1  }
0xde: {  	v1 =	vld [tilespmem:s28+$0xFFFFFF90];
	_ =	sdelay $0x4  }
0xdf: {  	[tilespmem:s5+$0x218] =	vst.add.f32.msk $0xffff, v1  }
0xe0: {  	v1 =	vld [tilespmem:s28+$0xFFFFFFA0];
	_ =	sdelay $0x4  }
0xe1: {  	[tilespmem:s5+$0x228] =	vst.add.f32.msk $0xffff, v1  }
0xe2: {  	v1 =	vld [tilespmem:s28+$0xFFFFFFB0];
	_ =	sdelay $0x4  }
0xe3: {  	[tilespmem:s5+$0x238] =	vst.add.f32.msk $0xffff, v1  }
0xe4: {  	v1 =	vld [tilespmem:s28+$0xFFFFFFC0];
	_ =	sdelay $0x4  }
0xe5: {  	[tilespmem:s5+$0x248] =	vst.add.f32.msk $0xffff, v1  }
0xe6: {  	v1 =	vld [tilespmem:s28+$0xFFFFFFD0];
	_ =	sdelay $0x4  }
0xe7: {  	[tilespmem:s5+$0x258] =	vst.add.f32.msk $0xffff, v1  }
0xe8: {  	v1 =	vld [tilespmem:s28+$0xFFFFFFE0];
	_ =	sdelay $0x4  }
0xe9: {  	[tilespmem:s5+$0x268] =	vst.add.f32.msk $0xffff, v1  }
0xea: {  	v1 =	vld [tilespmem:s28+$0xFFFFFFF0];
	_ =	sdelay $0x4  }
0xeb: {  	[tilespmem:s5+$0x278] =	vst.add.f32.msk $0xffff, v1  }
0xec: {  	v1 =	vld [tilespmem:s28+$0x0];
	_ =	sdelay $0x4  }
0xed: {  	[tilespmem:s5+$0x288] =	vst.add.f32.msk $0xffff, v1  }
0xee: {  	v1 =	vld [tilespmem:s28+$0x10];
	_ =	sdelay $0x4  }
0xef: {  	[tilespmem:s5+$0x298] =	vst.add.f32.msk $0xffff, v1  }
0xf0: {  	v1 =	vld [tilespmem:s28+$0x20];
	_ =	sdelay $0x4  }
0xf1: {  	[tilespmem:s5+$0x2A8] =	vst.add.f32.msk $0xffff, v1  }
0xf2: {  	v1 =	vld [tilespmem:s28+$0x30];
	_ =	sdelay $0x4  }
0xf3: {  	[tilespmem:s5+$0x2B8] =	vst.add.f32.msk $0xffff, v1  }
0xf4: {  	v1 =	vld [tilespmem:s28+$0x40];
	_ =	sdelay $0x4  }
0xf5: {  	[tilespmem:s5+$0x2C8] =	vst.add.f32.msk $0xffff, v1  }
0xf6: {  	v1 =	vld [tilespmem:s28+$0x50];
	_ =	sdelay $0x4  }
0xf7: {  	[tilespmem:s5+$0x2D8] =	vst.add.f32.msk $0xffff, v1  }
0xf8: {  	v1 =	vld [tilespmem:s28+$0x60];
	_ =	sdelay $0x4  }
0xf9: {  	[tilespmem:s5+$0x2E8] =	vst.add.f32.msk $0xffff, v1  }
0xfa: {  	v1 =	vld [tilespmem:s28+$0x70];
	_ =	sdelay $0x4  }
0xfb: {  	[tilespmem:s5+$0x2F8] =	vst.add.f32.msk $0xffff, v1  }
.LBB2_23:
0xfc: {  	s29 =	sadd.s32 $0x1, s29  }
0xfd: {  	p2 =	seq.s32 s29, $0x0  }
.Ltmp17:
0xfe: {  	_ = 	snop;
	(pc) =	sbr.rel @p2 .LBB2_24-.Ltmp17, $2  }
0xff: {  	_ =	sdelay $0x2  }
0x100: {  	s25 =	sadd.s32 $0x1, s25;
	s28 =	sadd.s32 $0x100, s28;
	s31 =	smov.u32 s0  }
.LBB2_18:
0x101: {  	v1 =	vld.msk [tilespmem:s25+$0x0], $0x1;
	_ =	sdelay $0x4  }
0x102: {  	(v2sf) =	vpush v1, $0x0;
	_ =	sdelay $0xe  }
0x103: {  	s0 =	spop (v2sf)  }
0x104: {  	p2 =	sne.s32 s31, s0  }
.Ltmp18:
0x105: {  	_ = 	snop;
	(pc) =	sbr.rel @!p2 .LBB2_19-.Ltmp18, $3  }
0x106: {  	_ =	sdelay $0x1  }
0x107: {  	s2 =	sshll.u32 s24, $0xA  }
0x108: {  	s5 =	sshra.s32 s2, $0x2  }
0x109: {  	p2 =	seq.s32 s31, s26  }
.Ltmp19:
0x10a: {  	_ = 	snop;
	(pc) =	sbr.rel @!p2 .LBB2_21-.Ltmp19, $1  }
0x10b: {  	_ =	sdelay $0x3  }
.Ltmp20:
0x10c: {  	s2 =	sadd.s32 $0x208, s5;
	(pc) =	sbr.rel .LBB2_22-.Ltmp20, $4  }
0x10d: {  	[spmem:s16] =	stream.linear.scatter [tilespmem:s2], [sflag:$0x1], $0x100, $0x38;
	[tilespmem:$0x1E678] =	vst v63  }
0x10e: {  	_ =	swait.ge [sflag:s12], $0x100  }
0x10f: {  	[sflag:s12] =	ssyncset.done $0x0  }
0x110: {  	[sflag:s12] =	ssyncadd.s32 $0xFFFFFF00  }
.LBB2_21:
0x111: {  	s2 =	sshll.u32 s30, $0xA  }
0x112: {  	s2 =	sshra.s32 s2, $0x2  }
0x113: {  	v1 =	vld [tilespmem:s2+$0x7308];
	_ =	sdelay $0x4  }
0x114: {  	[tilespmem:s5+$0x208] =	vst.add.f32.msk $0xffff, v1  }
0x115: {  	v1 =	vld [tilespmem:s2+$0x7318];
	_ =	sdelay $0x4  }
0x116: {  	[tilespmem:s5+$0x218] =	vst.add.f32.msk $0xffff, v1  }
0x117: {  	v1 =	vld [tilespmem:s2+$0x7328];
	_ =	sdelay $0x4  }
0x118: {  	[tilespmem:s5+$0x228] =	vst.add.f32.msk $0xffff, v1  }
0x119: {  	v1 =	vld [tilespmem:s2+$0x7338];
	_ =	sdelay $0x4  }
0x11a: {  	[tilespmem:s5+$0x238] =	vst.add.f32.msk $0xffff, v1  }
0x11b: {  	v1 =	vld [tilespmem:s2+$0x7348];
	_ =	sdelay $0x4  }
0x11c: {  	[tilespmem:s5+$0x248] =	vst.add.f32.msk $0xffff, v1  }
0x11d: {  	v1 =	vld [tilespmem:s2+$0x7358];
	_ =	sdelay $0x4  }
0x11e: {  	[tilespmem:s5+$0x258] =	vst.add.f32.msk $0xffff, v1  }
0x11f: {  	v1 =	vld [tilespmem:s2+$0x7368];
	_ =	sdelay $0x4  }
0x120: {  	[tilespmem:s5+$0x268] =	vst.add.f32.msk $0xffff, v1  }
0x121: {  	v1 =	vld [tilespmem:s2+$0x7378];
	_ =	sdelay $0x4  }
0x122: {  	[tilespmem:s5+$0x278] =	vst.add.f32.msk $0xffff, v1  }
0x123: {  	v1 =	vld [tilespmem:s2+$0x7388];
	_ =	sdelay $0x4  }
0x124: {  	[tilespmem:s5+$0x288] =	vst.add.f32.msk $0xffff, v1  }
0x125: {  	v1 =	vld [tilespmem:s2+$0x7398];
	_ =	sdelay $0x4  }
0x126: {  	[tilespmem:s5+$0x298] =	vst.add.f32.msk $0xffff, v1  }
0x127: {  	v1 =	vld [tilespmem:s2+$0x73A8];
	_ =	sdelay $0x4  }
0x128: {  	[tilespmem:s5+$0x2A8] =	vst.add.f32.msk $0xffff, v1  }
0x129: {  	v1 =	vld [tilespmem:s2+$0x73B8];
	_ =	sdelay $0x4  }
0x12a: {  	[tilespmem:s5+$0x2B8] =	vst.add.f32.msk $0xffff, v1  }
0x12b: {  	v1 =	vld [tilespmem:s2+$0x73C8];
	_ =	sdelay $0x4  }
0x12c: {  	[tilespmem:s5+$0x2C8] =	vst.add.f32.msk $0xffff, v1  }
0x12d: {  	v1 =	vld [tilespmem:s2+$0x73D8];
	_ =	sdelay $0x4  }
0x12e: {  	[tilespmem:s5+$0x2D8] =	vst.add.f32.msk $0xffff, v1  }
0x12f: {  	v1 =	vld [tilespmem:s2+$0x73E8];
	_ =	sdelay $0x4  }
0x130: {  	[tilespmem:s5+$0x2E8] =	vst.add.f32.msk $0xffff, v1  }
0x131: {  	v1 =	vld [tilespmem:s2+$0x73F8];
	_ =	sdelay $0x2  }
0x132: {  	p2 =	sgt.u32 s31, $0x4E170  }
0x133: {  	s2 =	sand.u32 @!p2 $0x7FFF8, s31  }
0x134: {  	s3 =	sadd.s32 $0x208, s5;
	s9 =	sand.u32 @!p2 $0x7, s31;
	s2 =	sadd.s32 @!p2 s1, s2;
	[tilespmem:s5+$0x2F8] =	vst.add.f32.msk $0xffff, v1  }
0x135: {  	[hbm4b:s2+s9] =	stream.linear.scatter @!p2 [tilespmem:s3], [sflag:$0xC], $0x80, $0x38;
	[tilespmem:$0x1E678] =	vst v63  }
0x136: {  	s2 =	sadd.s32 @!p2 $0x80, s31  }
0x137: {  	s2 =	sand.u32 @!p2 $0xFFFF8, s2  }
0x138: {  	s3 =	sadd.s32 $0x288, s5;
	s2 =	sadd.s32 @!p2 s1, s2  }
0x139: {  	[hbm4b:s2+s9] =	stream.linear.scatter @!p2 [tilespmem:s3], [sflag:$0xC], $0x80, $0x38;
	[tilespmem:$0x1E678] =	vst v63  }
0x13a: {  	s2 =	simm.s32 $0x0  }
0x13b: {  	s2 =	simm.s32 @!p2 $0x400  }
0x13c: {  	s4 =	sadd.s32 s2, s4  }
.LBB2_22:
0x13d: {  	s2 =	sadd.s32 $0x1, s24  }
0x13e: {  	s3 =	sshrl.u32 s2, $0x4  }
0x13f: {  	s3 =	smulhi.u32 $0x24924925, s3  }
0x140: {  	v1 =	vld [tilespmem:s28+$0xFFFFFF80]  }
0x141: {  	s3 =	smul.u32 $0x70, s3;
	_ =	sdelay $0x1  }
0x142: {  	s24 =	ssub.s32 s2, s3  }
0x143: {  	s2 =	sshll.u32 s24, $0x8  }
0x144: {  	[tilespmem:s2+$0x208] =	vst v1  }
0x145: {  	v1 =	vld [tilespmem:s28+$0xFFFFFF90];
	_ =	sdelay $0x4  }
0x146: {  	[tilespmem:s2+$0x218] =	vst v1  }
0x147: {  	v1 =	vld [tilespmem:s28+$0xFFFFFFA0];
	_ =	sdelay $0x4  }
0x148: {  	[tilespmem:s2+$0x228] =	vst v1  }
0x149: {  	v1 =	vld [tilespmem:s28+$0xFFFFFFB0];
	_ =	sdelay $0x4  }
0x14a: {  	[tilespmem:s2+$0x238] =	vst v1  }
0x14b: {  	v1 =	vld [tilespmem:s28+$0xFFFFFFC0];
	_ =	sdelay $0x4  }
0x14c: {  	[tilespmem:s2+$0x248] =	vst v1  }
0x14d: {  	v1 =	vld [tilespmem:s28+$0xFFFFFFD0];
	_ =	sdelay $0x4  }
0x14e: {  	[tilespmem:s2+$0x258] =	vst v1  }
0x14f: {  	v1 =	vld [tilespmem:s28+$0xFFFFFFE0];
	_ =	sdelay $0x4  }
0x150: {  	[tilespmem:s2+$0x268] =	vst v1  }
0x151: {  	v1 =	vld [tilespmem:s28+$0xFFFFFFF0];
	_ =	sdelay $0x4  }
0x152: {  	[tilespmem:s2+$0x278] =	vst v1  }
0x153: {  	v1 =	vld [tilespmem:s28+$0x0];
	_ =	sdelay $0x4  }
0x154: {  	[tilespmem:s2+$0x288] =	vst v1  }
0x155: {  	v1 =	vld [tilespmem:s28+$0x10];
	_ =	sdelay $0x4  }
0x156: {  	[tilespmem:s2+$0x298] =	vst v1  }
0x157: {  	v1 =	vld [tilespmem:s28+$0x20];
	_ =	sdelay $0x4  }
0x158: {  	[tilespmem:s2+$0x2A8] =	vst v1  }
0x159: {  	v1 =	vld [tilespmem:s28+$0x30];
	_ =	sdelay $0x4  }
0x15a: {  	[tilespmem:s2+$0x2B8] =	vst v1  }
0x15b: {  	v1 =	vld [tilespmem:s28+$0x40];
	_ =	sdelay $0x4  }
0x15c: {  	[tilespmem:s2+$0x2C8] =	vst v1  }
0x15d: {  	v1 =	vld [tilespmem:s28+$0x50];
	_ =	sdelay $0x4  }
0x15e: {  	[tilespmem:s2+$0x2D8] =	vst v1  }
0x15f: {  	v1 =	vld [tilespmem:s28+$0x60];
	_ =	sdelay $0x4  }
0x160: {  	[tilespmem:s2+$0x2E8] =	vst v1  }
0x161: {  	v1 =	vld [tilespmem:s28+$0x70]  }
.Ltmp21:
0x162: {  	_ = 	snop;
	(pc) =	sbr.rel .LBB2_23-.Ltmp21, $2  }
0x163: {  	_ =	sdelay $0x2  }
0x164: {  	s30 =	sadd.s32 $0x1, s30;
	[tilespmem:s2+$0x2F8] =	vst v1  }
.LBB2_25:
.Ltmp22:
0x165: {  	(pc) =	sbr.rel .LBB2_26-.Ltmp22, $4  }
0x166: {  	_ = 	snop  }
0x167: {  	s0 =	simm.s32 $0x2  }
0x168: {  	_ =	swait.ge [sflag:s0], $0x0  }
0x169: {  	s2 =	simm.s32 $0x0;
	[sflag:s0] =	ssyncset.done $0x0;
	s0 =	smov.u32 s31  }
.LBB2_28:
0x16a: {  	_ =	sfence.sel $0x180000  }
0x16b: {  	s0 =	simm.s32 $0x9;
	[bflag:$0x0] =	sbarrier.arrive $0xFFFF  }
0x16c: {  	s24 =	simm.s32 $0xA;
	[sflag:s0] =	ssyncpa.u1 $0x1  }
0x16d: {  	s25 =	simm.s32 $0xB;
	[sflag:s24] =	ssyncpa.u1 $0x1  }
0x16e: {  	s26 =	simm.s32 $0x2;
	[sflag:s25] =	ssyncpa.u1 $0x1  }
0x16f: {  	[sflag:s26] =	ssyncpa.u1 $0x1  }
0x170: {  	v0 =	vld [tilespmem:$0xE408];
	_ =	sdelay $0x4  }
0x171: {  	(v2sf) =	vpush v0, $0x0  }
0x172: {  	(v2sf) =	vpush v0, $0x1;
	_ =	sdelay $0x1  }
0x173: {  	(v2sf) =	vpush v0, $0x2;
	_ =	sdelay $0xb  }
0x174: {  	s0 =	spop (v2sf)  }
0x175: {  	s2 =	spop (v2sf)  }
0x176: {  	s3 =	smov.u32 s0;
	p0 =	sne.s32 s0, s2  }
0x177: {  	s4 =	spop (v2sf);
	s3 =	simm.s32 @!p0 $0xFFFFFFFF  }
0x178: {  	v2 =	vimm.s32 $0x1;
	v3 =	vlaneseq.u32;
	p0 =	seq.s32 s4, $0xFFFFFFFF;
	v1 =	vmov s3  }
0x179: {  	s15 =	stileid.u32;
	v0 =	vperm.xlane v0, v2;
	p1 =	sne.s32 @!p0 s0, s2;
	v1 =	vperm.xlane v1, v3  }
0x17a: {  	vm0 =	vcmask $0x3F04;
	s6 =	simm.s32 $0xE408;
	s0 =	simm.s32 @!p0 $0x1;
	p1 =	por !p1, p0  }
0x17b: {  	s3 =	sshll.u32 s15, $0x1;
	s2 =	sshll.u32 @!p0 s4, $0xA;
	s0 =	simm.s32 @p1 $0x0;
	v0 =	vsel vm0, v1, v0  }
0x17c: {  	s5 =	sor.u32 $0x2000, s3;
	s2 =	sshra.s32 @!p0 s2, $0x2;
	s0 =	sor.u32 @!p0 s0, s3;
	[tilespmem:$0xE408] =	vst v0  }
0x17d: {  	[spmem:s5] =	stream.linear.scatter [tilespmem:s6], [sflag:$0x1], $0x2, $0x38;
	[tilespmem:$0x1E678] =	vst v63  }
0x17e: {  	s2 =	sadd.s32 @!p0 $0x208, s2;
	s0 =	sshll.u32 @!p0 s0, $0x8  }
0x17f: {  	[spmem:s0] =	stream.linear.scatter @!p0 [tilespmem:s2], [sflag:$0x1], $0x100, $0x38;
	[tilespmem:$0x1E678] =	vst v63  }
0x180: {  	s0 =	simm.s32 @!p0 $0x102  }
0x181: {  	s28 =	simm.s32 $0x1;
	s0 =	simm.s32 @p0 $0x2  }
0x182: {  	_ =	swait.ge [sflag:s28], s0  }
0x183: {  	s0 =	ssub.s32 $0x0, s0;
	[sflag:s28] =	ssyncset.done $0x0  }
0x184: {  	p0 =	sne.s32 s15, $0x0;
	[sflag:s28] =	ssyncadd.s32 s0  }
.Ltmp23:
0x185: {  	_ =	sfence.stream.spmem;
	(pc) =	sbr.rel @p0 .LBB2_45-.Ltmp23, $4  }
0x186: {  	s29 =	simm.s32 $0x3;
	[bflag:$0x0] =	sbarrier.arrive $0xFFFF  }
0x187: {  	s30 =	simm.s32 $0x4;
	[sflag:s29] =	ssyncpa.u1 $0x1  }
0x188: {  	s31 =	simm.s32 $0x3C;
	[sflag:s30] =	ssyncpa.u1 $0x1  }
0x189: {  	s14 =	rddreg [dreg:$0x4];
	[sflag:s31] =	ssyncpa.u1 $0x1  }
0x18a: {  	_ =	sfence.stream.spmem;
	s0 =	simm.s32 $0x5  }
0x18b: {  	s2 =	simm.s32 $0x2000;
	s3 =	simm.s32 $0xE418;
	[sflag:s0] =	ssyncpa.u1 $0x0  }
0x18c: {  	[tilespmem:s3], [sflag:$0x5] =	stream.linear.gather [spmem:s2], $0x20, $0x38;
	[tilespmem:$0x1E678] =	vst v63  }
0x18d: {  	s26 =	simm.s32 $0x0;
	s28 =	simm.s32 $0xE438  }
0x18e: {  	[tilespmem:s28], [sflag:$0x5] =	stream.linear.gather [spmem:s26], $0x2000, $0x38;
	[tilespmem:$0x1E678] =	vst v63  }
0x18f: {  	_ =	swait.ge [sflag:s0], $0x2020  }
0x190: {  	[sflag:s0] =	ssyncset.done $0x0  }
0x191: {  	s29 =	simm.s32 $0x0;
	[sflag:s0] =	ssyncadd.s32 $0xFFFFDFE0  }
0x192: {  	v0 =	vld.msk [tilespmem:s29+$0xE418], $0x1;
	_ =	sdelay $0x1  }
0x193: {  	s30 =	simm.s32 $0x1  }
0x194: {  	v1 =	vld.msk [tilespmem:s30+$0xE418], $0x1;
	_ =	sdelay $0x1  }
0x195: {  	(v2sf) =	vpush v0, $0x0;
	_ =	sdelay $0x2  }
0x196: {  	(v2sf) =	vpush v1, $0x0;
	_ =	sdelay $0x2  }
0x197: {  	s31 =	simm.s32 $0x2  }
0x198: {  	v0 =	vld.msk [tilespmem:s31+$0xE418], $0x1;
	_ =	sdelay $0x2  }
0x199: {  	s2 =	simm.s32 $0xFFFFFFFF;
	s3 =	simm.s32 $0xFFFFFFFF;
	s0 =	simm.s32 $0xC  }
.LBB2_30:
0x19a: {  	s4 =	smov.u32 s3;
	s5 =	smov.u32 s2  }
0x19b: {  	s2 =	sshra.s32 s0, $0x2;
	p1 =	sne.s32 s0, $0x7C;
	s0 =	sadd.s32 $0x4, s0;
	(v2sf) =	vpush v0, $0x0  }
0x19c: {  	v0 =	vld.msk [tilespmem:s2+$0xE418], $0x1  }
.Ltmp24:
0x19d: {  	(pc) =	sbr.rel @p1 .LBB2_30-.Ltmp24, $4  }
0x19e: {  	s3 =	spop (v2sf)  }
0x19f: {  	p2 =	sne.s32 s5, $0xFFFFFFFF;
	s2 =	smov.u32 s3  }
0x1a0: {  	p3 =	seq.s32 s3, $0xFFFFFFFF;
	s2 =	smov.u32 @p2 s5  }
0x1a1: {  	s3 =	smov.u32 @p3 s4;
	s2 =	smov.u32 @p3 s5  }
0x1a2: {  	(v2sf) =	vpush v0, $0x0;
	_ =	sdelay $0x8  }
0x1a3: {  	s0 =	spop (v2sf)  }
0x1a4: {  	p1 =	sne.s32 s2, $0xFFFFFFFF;
	s9 =	simm.s32 $0x6;
	s4 =	smov.u32 s0  }
0x1a5: {  	s6 =	simm.s32 $0x0;
	p2 =	seq.s32 s0, $0xFFFFFFFF;
	s4 =	smov.u32 @p1 s2  }
0x1a6: {  	s10 =	simm.s32 $0xE308;
	s4 =	smov.u32 @p2 s2;
	s2 =	spop (v2sf)  }
0x1a7: {  	s0 =	smov.u32 @p2 s3;
	p1 =	sne.s32 s4, $0xFFFFFFFF;
	s5 =	smov.u32 s2  }
.Ltmp25:
0x1a8: {  	p2 =	seq.s32 s2, $0xFFFFFFFF;
	s5 =	smov.u32 @p1 s4;
	(pc) =	sbr.rel .LBB2_32-.Ltmp25, $4  }
0x1a9: {  	s11 =	simm.s32 $0xE388;
	s5 =	smov.u32 @p2 s4;
	s7 =	spop (v2sf)  }
0x1aa: {  	s12 =	simm.s32 $0x0;
	p1 =	sne.s32 s5, $0xFFFFFFFF;
	s8 =	smov.u32 s7  }
0x1ab: {  	s2 =	smov.u32 @p2 s0;
	p2 =	seq.s32 s7, $0xFFFFFFFF;
	s8 =	smov.u32 @p1 s5  }
0x1ac: {  	[sflag:s9] =	ssyncpa.u1 $0x0;
	s7 =	smov.u32 @p2 s2;
	s8 =	smov.u32 @p2 s5  }
.LBB2_38:
0x1ad: {  	p1 =	sgt.u32 s0, $0x4E170  }
0x1ae: {  	p2 =	seq.s32 @!p1 s0, s8  }
0x1af: {  	p1 =	por p1, p2  }
0x1b0: {  	p2 =	sne.s32 @!p1 s0, s7  }
0x1b1: {  	p1 =	por p1, !p2  }
0x1b2: {  	s0 =	sshll.u32 @p1 s12, $0xA  }
0x1b3: {  	s2 =	sand.u32 @!p1 $0x7FFF8, s0;
	s3 =	sand.u32 @!p1 $0x7, s0;
	s0 =	sadd.s32 @!p1 $0x80, s0  }
0x1b4: {  	s2 =	sadd.s32 @!p1 s1, s2;
	s0 =	sand.u32 @!p1 $0xFFFF8, s0  }
0x1b5: {  	[tilespmem:s10], [sflag:$0x6] =	stream.linear.gather @!p1 [hbm4b:s2+s3], $0x80, $0x38;
	[tilespmem:$0x1E678] =	vst v63  }
0x1b6: {  	s0 =	sadd.s32 @!p1 s1, s0  }
0x1b7: {  	[tilespmem:s11], [sflag:$0x6] =	stream.linear.gather @!p1 [hbm4b:s0+s3], $0x80, $0x38;
	[tilespmem:$0x1E678] =	vst v63  }
0x1b8: {  	_ =	swait.ge @!p1 [sflag:s9], $0x100  }
0x1b9: {  	[sflag:s9] =	ssyncset.done @!p1 $0x0  }
0x1ba: {  	[sflag:s9] =	ssyncadd.s32 @!p1 $0xFFFFFF00  }
0x1bb: {  	v1 =	vld @!p1 [tilespmem:$0xE308];
	_ =	sdelay $0x2  }
0x1bc: {  	s0 =	sshll.u32 @!p1 s12, $0xA  }
0x1bd: {  	s2 =	sshrl.u32 @!p1 s0, $0x2  }
0x1be: {  	[tilespmem:s2+$0xE438] =	vst.add.f32.msk @!p1 $0xffff, v1  }
0x1bf: {  	v1 =	vld @!p1 [tilespmem:$0xE318];
	_ =	sdelay $0x4  }
0x1c0: {  	[tilespmem:s2+$0xE448] =	vst.add.f32.msk @!p1 $0xffff, v1  }
0x1c1: {  	v1 =	vld @!p1 [tilespmem:$0xE328];
	_ =	sdelay $0x4  }
0x1c2: {  	[tilespmem:s2+$0xE458] =	vst.add.f32.msk @!p1 $0xffff, v1  }
0x1c3: {  	v1 =	vld @!p1 [tilespmem:$0xE338];
	_ =	sdelay $0x4  }
0x1c4: {  	[tilespmem:s2+$0xE468] =	vst.add.f32.msk @!p1 $0xffff, v1  }
0x1c5: {  	v1 =	vld @!p1 [tilespmem:$0xE348];
	_ =	sdelay $0x4  }
0x1c6: {  	[tilespmem:s2+$0xE478] =	vst.add.f32.msk @!p1 $0xffff, v1  }
0x1c7: {  	v1 =	vld @!p1 [tilespmem:$0xE358];
	_ =	sdelay $0x4  }
0x1c8: {  	[tilespmem:s2+$0xE488] =	vst.add.f32.msk @!p1 $0xffff, v1  }
0x1c9: {  	v1 =	vld @!p1 [tilespmem:$0xE368];
	_ =	sdelay $0x4  }
0x1ca: {  	[tilespmem:s2+$0xE498] =	vst.add.f32.msk @!p1 $0xffff, v1  }
0x1cb: {  	v1 =	vld @!p1 [tilespmem:$0xE378];
	_ =	sdelay $0x4  }
0x1cc: {  	[tilespmem:s2+$0xE4A8] =	vst.add.f32.msk @!p1 $0xffff, v1  }
0x1cd: {  	v1 =	vld @!p1 [tilespmem:$0xE388];
	_ =	sdelay $0x4  }
0x1ce: {  	[tilespmem:s2+$0xE4B8] =	vst.add.f32.msk @!p1 $0xffff, v1  }
0x1cf: {  	v1 =	vld @!p1 [tilespmem:$0xE398];
	_ =	sdelay $0x4  }
0x1d0: {  	[tilespmem:s2+$0xE4C8] =	vst.add.f32.msk @!p1 $0xffff, v1  }
0x1d1: {  	v1 =	vld @!p1 [tilespmem:$0xE3A8];
	_ =	sdelay $0x4  }
0x1d2: {  	[tilespmem:s2+$0xE4D8] =	vst.add.f32.msk @!p1 $0xffff, v1  }
0x1d3: {  	v1 =	vld @!p1 [tilespmem:$0xE3B8];
	_ =	sdelay $0x4  }
0x1d4: {  	[tilespmem:s2+$0xE4E8] =	vst.add.f32.msk @!p1 $0xffff, v1  }
0x1d5: {  	v1 =	vld @!p1 [tilespmem:$0xE3C8];
	_ =	sdelay $0x4  }
0x1d6: {  	[tilespmem:s2+$0xE4F8] =	vst.add.f32.msk @!p1 $0xffff, v1  }
0x1d7: {  	v1 =	vld @!p1 [tilespmem:$0xE3D8];
	_ =	sdelay $0x4  }
0x1d8: {  	[tilespmem:s2+$0xE508] =	vst.add.f32.msk @!p1 $0xffff, v1  }
0x1d9: {  	v1 =	vld @!p1 [tilespmem:$0xE3E8];
	_ =	sdelay $0x4  }
0x1da: {  	[tilespmem:s2+$0xE518] =	vst.add.f32.msk @!p1 $0xffff, v1  }
0x1db: {  	v1 =	vld @!p1 [tilespmem:$0xE3F8];
	_ =	sdelay $0x4  }
0x1dc: {  	[tilespmem:s2+$0xE528] =	vst.add.f32.msk @!p1 $0xffff, v1  }
0x1dd: {  	s0 =	sshrl.u32 s0, $0x2;
	[tilespmem:s6+$0xE418] =	vst.msk $0x1, v0  }
0x1de: {  	v0 =	vld [tilespmem:s0+$0xE438];
	_ =	sdelay $0x2  }
0x1df: {  	s31 =	sshll.u32 s6, $0xA  }
0x1e0: {  	s2 =	sshra.s32 s31, $0x2  }
0x1e1: {  	[tilespmem:s2+$0xE438] =	vst v0  }
0x1e2: {  	v0 =	vld [tilespmem:s0+$0xE448];
	_ =	sdelay $0x4  }
0x1e3: {  	[tilespmem:s2+$0xE448] =	vst v0  }
0x1e4: {  	v0 =	vld [tilespmem:s0+$0xE458];
	_ =	sdelay $0x4  }
0x1e5: {  	[tilespmem:s2+$0xE458] =	vst v0  }
0x1e6: {  	v0 =	vld [tilespmem:s0+$0xE468];
	_ =	sdelay $0x4  }
0x1e7: {  	[tilespmem:s2+$0xE468] =	vst v0  }
0x1e8: {  	v0 =	vld [tilespmem:s0+$0xE478];
	_ =	sdelay $0x4  }
0x1e9: {  	[tilespmem:s2+$0xE478] =	vst v0  }
0x1ea: {  	v0 =	vld [tilespmem:s0+$0xE488];
	_ =	sdelay $0x4  }
0x1eb: {  	[tilespmem:s2+$0xE488] =	vst v0  }
0x1ec: {  	v0 =	vld [tilespmem:s0+$0xE498];
	_ =	sdelay $0x4  }
0x1ed: {  	[tilespmem:s2+$0xE498] =	vst v0  }
0x1ee: {  	v0 =	vld [tilespmem:s0+$0xE4A8];
	_ =	sdelay $0x4  }
0x1ef: {  	[tilespmem:s2+$0xE4A8] =	vst v0  }
0x1f0: {  	v0 =	vld [tilespmem:s0+$0xE4B8];
	_ =	sdelay $0x4  }
0x1f1: {  	[tilespmem:s2+$0xE4B8] =	vst v0  }
0x1f2: {  	v0 =	vld [tilespmem:s0+$0xE4C8];
	_ =	sdelay $0x4  }
0x1f3: {  	[tilespmem:s2+$0xE4C8] =	vst v0  }
0x1f4: {  	v0 =	vld [tilespmem:s0+$0xE4D8];
	_ =	sdelay $0x4  }
0x1f5: {  	[tilespmem:s2+$0xE4D8] =	vst v0  }
0x1f6: {  	v0 =	vld [tilespmem:s0+$0xE4E8];
	_ =	sdelay $0x4  }
0x1f7: {  	[tilespmem:s2+$0xE4E8] =	vst v0  }
0x1f8: {  	v0 =	vld [tilespmem:s0+$0xE4F8];
	_ =	sdelay $0x4  }
0x1f9: {  	[tilespmem:s2+$0xE4F8] =	vst v0  }
0x1fa: {  	v0 =	vld [tilespmem:s0+$0xE508];
	_ =	sdelay $0x4  }
0x1fb: {  	[tilespmem:s2+$0xE508] =	vst v0  }
0x1fc: {  	v0 =	vld [tilespmem:s0+$0xE518];
	_ =	sdelay $0x4  }
0x1fd: {  	[tilespmem:s2+$0xE518] =	vst v0  }
0x1fe: {  	v0 =	vld [tilespmem:s0+$0xE528];
	_ =	sdelay $0x4  }
0x1ff: {  	s6 =	sadd.s32 $0x1, s6;
	[tilespmem:s2+$0xE528] =	vst v0  }
.LBB2_39:
0x200: {  	s12 =	sadd.s32 $0x1, s12  }
0x201: {  	p1 =	sne.s32 s12, $0x20  }
.Ltmp26:
0x202: {  	_ = 	snop;
	(pc) =	sbr.rel @!p1 .LBB2_40-.Ltmp26, $1  }
0x203: {  	_ =	sdelay $0x3  }
.LBB2_32:
0x204: {  	v0 =	vld.msk [tilespmem:s12+$0xE418], $0x1;
	_ =	sdelay $0x4  }
0x205: {  	(v2sf) =	vpush v0, $0x0;
	_ =	sdelay $0xe  }
0x206: {  	s0 =	spop (v2sf)  }
0x207: {  	p1 =	seq.s32 s0, $0xFFFFFFFF  }
.Ltmp27:
0x208: {  	_ = 	snop;
	(pc) =	sbr.rel @p1 .LBB2_39-.Ltmp27, $1  }
0x209: {  	_ =	sdelay $0x3  }
0x20a: {  	p1 =	slt.s32 s6, $0x1  }
.Ltmp28:
0x20b: {  	_ = 	snop;
	(pc) =	sbr.rel @p1 .LBB2_38-.Ltmp28, $1  }
0x20c: {  	_ =	sdelay $0x3  }
0x20d: {  	s4 =	simm.s32 $0xE418;
	p1 =	por $0x0, $0x0  }
0x20e: {  	v1 =	vld.msk @!p1 [tilespmem:s4+$0x0], $0x1;
	_ =	sdelay $0x4  }
0x20f: {  	(v2sf) =	vpush @!p1 v1, $0x0;
	_ =	sdelay $0xd  }
0x210: {  	p3 =	sne.s32 s6, $0x1  }
.Ltmp29:
0x211: {  	s2 =	spop @!p1 (v2sf);
	(pc) =	sbr.rel @!p3 .LBB2_36-.Ltmp29, $4  }
0x212: {  	p2 =	seq.s32 @!p1 s0, s2  }
0x213: {  	s5 =	simm.s32 $0x0;
	p2 =	por !p2, p1  }
0x214: {  	s2 =	simm.s32 $0xFFFFFFFF;
	s5 =	simm.s32 @p2 $0xFFFFFFFF  }
0x215: {  	s13 =	simm.s32 $0x1;
	s5 =	smov.u32 @p1 s2  }
.LBB2_35:
0x216: {  	s2 =	smov.u32 s5;
	p1 =	sne.s32 s5, $0xFFFFFFFF  }
0x217: {  	s4 =	sadd.s32 $0x1, s4;
	s5 =	smov.u32 s13;
	s13 =	sadd.s32 $0x1, s13  }
0x218: {  	p2 =	sne.s32 s6, s13;
	v1 =	vld.msk @!p1 [tilespmem:s4+$0x0], $0x1;
	_ =	sdelay $0x4  }
0x219: {  	(v2sf) =	vpush @!p1 v1, $0x0;
	_ =	sdelay $0xe  }
.Ltmp30:
0x21a: {  	s3 =	spop @!p1 (v2sf);
	(pc) =	sbr.rel @p2 .LBB2_35-.Ltmp30, $4  }
0x21b: {  	p3 =	seq.s32 @!p1 s0, s3  }
0x21c: {  	p3 =	por !p3, p1  }
0x21d: {  	s5 =	simm.s32 @p3 $0xFFFFFFFF  }
0x21e: {  	s5 =	smov.u32 @p1 s2  }
.LBB2_36:
0x21f: {  	p1 =	seq.s32 s5, $0xFFFFFFFF  }
.Ltmp31:
0x220: {  	_ = 	snop;
	(pc) =	sbr.rel @p1 .LBB2_38-.Ltmp31, $1  }
0x221: {  	_ =	sdelay $0x3  }
0x222: {  	s0 =	sshll.u32 s12, $0x8  }
0x223: {  	s0 =	sand.u32 $0x3FFFFF00, s0  }
0x224: {  	v0 =	vld [tilespmem:s0+$0xE438];
	_ =	sdelay $0x2  }
0x225: {  	s2 =	sshll.u32 s5, $0xA  }
0x226: {  	s2 =	sshra.s32 s2, $0x2  }
0x227: {  	[tilespmem:s2+$0xE438] =	vst.add.f32.msk $0xffff, v0  }
0x228: {  	v0 =	vld [tilespmem:s0+$0xE448];
	_ =	sdelay $0x4  }
0x229: {  	[tilespmem:s2+$0xE448] =	vst.add.f32.msk $0xffff, v0  }
0x22a: {  	v0 =	vld [tilespmem:s0+$0xE458];
	_ =	sdelay $0x4  }
0x22b: {  	[tilespmem:s2+$0xE458] =	vst.add.f32.msk $0xffff, v0  }
0x22c: {  	v0 =	vld [tilespmem:s0+$0xE468];
	_ =	sdelay $0x4  }
0x22d: {  	[tilespmem:s2+$0xE468] =	vst.add.f32.msk $0xffff, v0  }
0x22e: {  	v0 =	vld [tilespmem:s0+$0xE478];
	_ =	sdelay $0x4  }
0x22f: {  	[tilespmem:s2+$0xE478] =	vst.add.f32.msk $0xffff, v0  }
0x230: {  	v0 =	vld [tilespmem:s0+$0xE488];
	_ =	sdelay $0x4  }
0x231: {  	[tilespmem:s2+$0xE488] =	vst.add.f32.msk $0xffff, v0  }
0x232: {  	v0 =	vld [tilespmem:s0+$0xE498];
	_ =	sdelay $0x4  }
0x233: {  	[tilespmem:s2+$0xE498] =	vst.add.f32.msk $0xffff, v0  }
0x234: {  	v0 =	vld [tilespmem:s0+$0xE4A8];
	_ =	sdelay $0x4  }
0x235: {  	[tilespmem:s2+$0xE4A8] =	vst.add.f32.msk $0xffff, v0  }
0x236: {  	v0 =	vld [tilespmem:s0+$0xE4B8];
	_ =	sdelay $0x4  }
0x237: {  	[tilespmem:s2+$0xE4B8] =	vst.add.f32.msk $0xffff, v0  }
0x238: {  	v0 =	vld [tilespmem:s0+$0xE4C8];
	_ =	sdelay $0x4  }
0x239: {  	[tilespmem:s2+$0xE4C8] =	vst.add.f32.msk $0xffff, v0  }
0x23a: {  	v0 =	vld [tilespmem:s0+$0xE4D8];
	_ =	sdelay $0x4  }
0x23b: {  	[tilespmem:s2+$0xE4D8] =	vst.add.f32.msk $0xffff, v0  }
0x23c: {  	v0 =	vld [tilespmem:s0+$0xE4E8];
	_ =	sdelay $0x4  }
0x23d: {  	[tilespmem:s2+$0xE4E8] =	vst.add.f32.msk $0xffff, v0  }
0x23e: {  	v0 =	vld [tilespmem:s0+$0xE4F8];
	_ =	sdelay $0x4  }
0x23f: {  	[tilespmem:s2+$0xE4F8] =	vst.add.f32.msk $0xffff, v0  }
0x240: {  	v0 =	vld [tilespmem:s0+$0xE508];
	_ =	sdelay $0x4  }
0x241: {  	[tilespmem:s2+$0xE508] =	vst.add.f32.msk $0xffff, v0  }
0x242: {  	v0 =	vld [tilespmem:s0+$0xE518];
	_ =	sdelay $0x4  }
0x243: {  	[tilespmem:s2+$0xE518] =	vst.add.f32.msk $0xffff, v0  }
0x244: {  	v0 =	vld [tilespmem:s0+$0xE528]  }
.Ltmp32:
0x245: {  	_ = 	snop;
	(pc) =	sbr.rel .LBB2_39-.Ltmp32, $2  }
0x246: {  	_ =	sdelay $0x2  }
0x247: {  	[tilespmem:s2+$0xE528] =	vst.add.f32.msk $0xffff, v0  }
.LBB2_40:
0x248: {  	s0 =	simm.s32 $0x6;
	p1 =	seq.s32 s6, $0x0  }
0x249: {  	[sflag:s0] =	ssyncpa.u1 $0x1;
	v0 =	vimm.s32 @p1 $0xFFFFFFFF  }
0x24a: {  	s0 =	sadd.s32 $0xFFFFFFFF, s6;
	[tilespmem:$0x10438] =	vst @p1 v0  }
0x24b: {  	v0 =	vld.msk @!p1 [tilespmem:s0+$0xE418], $0x1;
	_ =	sdelay $0x1  }
0x24c: {  	v1 =	vld.msk @!p1 [tilespmem:$0xE418], $0x1;
	_ =	sdelay $0x2  }
0x24d: {  	p2 =	seq.s32 @!p1 s0, $0x0;
	v0 =	vbroadcast @!p1 v0, $0x0  }
0x24e: {  	vm0 =	vmmov @!p1 $0x1;
	p2 =	por !p2, p1  }
0x24f: {  	v1 =	vnsel @!p1 vm0, $0xFFFFFFFF, v1;
	vm0 =	vcmask @!p1 $0x308;
	v0 =	vpsel !p2, $0xFFFFFFFF, v0  }
0x250: {  	p2 =	sne.s32 @!p1 s8, s7;
	v0 =	vsel @!p1 vm0, v1, v0  }
0x251: {  	s2 =	simm.s32 @!p1 $0xE438;
	s3 =	simm.s32 @!p1 $0x0;
	p3 =	por !p2, p1;
	[tilespmem:$0x10438] =	vst @!p1 v0  }
0x252: {  	[spmem:s3] =	stream.linear.scatter @!p1 [tilespmem:s2], [sflag:$0x1], $0x100, $0x38;
	[tilespmem:$0x1E678] =	vst v63  }
0x253: {  	s2 =	sshll.u32 @!p3 s0, $0xA  }
0x254: {  	s2 =	sshra.s32 @!p3 s2, $0x2  }
0x255: {  	s3 =	simm.s32 @!p3 $0x100;
	s2 =	sadd.s32 @!p3 $0xE438, s2  }
0x256: {  	[spmem:s3] =	stream.linear.scatter @!p3 [tilespmem:s2], [sflag:$0x1], $0x100, $0x38;
	[tilespmem:$0x1E678] =	vst v63  }
0x257: {  	s2 =	simm.s32 @!p3 $0x1  }
0x258: {  	_ =	swait.ge @!p3 [sflag:s2], $0x200  }
0x259: {  	p1 =	por p2, p1;
	[sflag:s2] =	ssyncset.done @!p3 $0x0  }
0x25a: {  	[sflag:s2] =	ssyncadd.s32 @!p3 $0xFFFFFE00;
	s2 =	simm.s32 @!p1 $0x1  }
0x25b: {  	_ =	swait.ge @!p1 [sflag:s2], $0x100  }
0x25c: {  	s29 =	simm.s32 $0x10438;
	[sflag:s2] =	ssyncset.done @!p1 $0x0  }
0x25d: {  	s30 =	simm.s32 $0x2000;
	s31 =	simm.s32 $0x1;
	[sflag:s2] =	ssyncadd.s32 @!p1 $0xFFFFFF00  }
0x25e: {  	[spmem:s30] =	stream.linear.scatter [tilespmem:s29], [sflag:$0x1], $0x10, $0x38;
	[tilespmem:$0x1E678] =	vst v63  }
0x25f: {  	_ =	swait.ge [sflag:s31], $0x10  }
0x260: {  	[sflag:s31] =	ssyncset.done $0x0  }
0x261: {  	p1 =	seq.s32 s14, $0x0;
	s9 =	rddreg [dreg:$0x1];
	[sflag:s31] =	ssyncadd.s32 $0xFFFFFFF0  }
0x262: {  	s3 =	sshll.u32 @p1 s9, $0xE;
	s8 =	rddreg [dreg:$0x2]  }
0x263: {  	s2 =	sadd.s32 @p1 $0x15C3C, s3;
	s3 =	sshll.u32 @p1 s8, $0x11  }
0x264: {  	_ =	sfence.stream.spmem;
	s2 =	sor.u32 @p1 s3, s2  }
0x265: {  	[sflag:s2] =	ssyncadd.remote.s32 @p1 $0x1;
	s2 =	simm.s32 @p1 $0x4  }
0x266: {  	s4 =	simm.s32 @!p1 $0x3C;
	s3 =	sand.u32 $0xFFFFFFFE, s9;
	_ =	swait.ge @p1 [sflag:s2], $0x42  }
0x267: {  	s5 =	simm.s32 @!p1 $0x0;
	s3 =	sadd.s32 @!p1 $0x4, s3;
	[sflag:s2] =	ssyncset.done @p1 $0x0  }
0x268: {  	s7 =	simm.s32 @!p1 $0x200;
	[sflag:s2] =	ssyncadd.s32 @p1 $0xFFFFFFBE;
	s2 =	sshll.u32 @!p1 s3, $0x1A  }
0x269: {  	s3 =	sshll.u32 @!p1 s3, $0xD;
	s2 =	sor.u32 @!p1 s2, s8;
	_ =	swait.eq @!p1 [sflag:s4], $0x1  }
0x26a: {  	s3 =	sor.u32 @!p1 $0x1C04, s3;
	s4 =	simm.s32 @!p1 $0x1C03;
	s2 =	sor.u32 @!p1 $0x80004000, s2  }
0x26b: {  	[spmem:s7], [sflag:s3] =	dma.general @!p1 [spmem:s5], [sflag:s4], length:$0x40, [dreg:$0x0], stride_count:$0x0, ici_dest:s2, dma_misc:DstOpCode:WRITE  }
0x26c: {  	p2 =	slt.s32 s0, $0x2;
	s5 =	simm.s32 @!p1 $0x400;
	s7 =	simm.s32 @!p1 $0x402  }
0x26d: {  	[spmem:s7], [sflag:s3] =	dma.general @!p1 [spmem:s5], [sflag:s4], length:$0x2, [dreg:$0x0], stride_count:$0x0, ici_dest:s2, dma_misc:DstOpCode:WRITE  }
.Ltmp33:
0x26e: {  	s2 =	simm.s32 @!p1 $0x3;
	(pc) =	sbr.rel @p2 .LBB2_44-.Ltmp33, $4  }
0x26f: {  	s3 =	sshll.u32 @!p1 s9, $0xE;
	_ =	swait.ge @!p1 [sflag:s2], $0x42  }
0x270: {  	s4 =	sshll.u32 @!p1 s8, $0x11;
	s3 =	sadd.s32 @!p1 $0x11C3C, s3;
	[sflag:s2] =	ssyncset.done @!p1 $0x0  }
0x271: {  	[sflag:s2] =	ssyncadd.s32 @!p1 $0xFFFFFFBE;
	s2 =	sor.u32 @!p1 s4, s3  }
0x272: {  	s0 =	simm.s32 $0x0;
	[sflag:s2] =	ssyncadd.remote.s32 @!p1 $0xFFFFFFFF  }
0x273: {  	s0 =	simm.s32 $0xE419  }
0x274: {  	v0 =	vld.msk [tilespmem:s0+$0x0], $0x1;
	_ =	sdelay $0x4  }
0x275: {  	(v2sf) =	vpush v0, $0x0;
	_ =	sdelay $0xd  }
0x276: {  	s31 =	sadd.s32 $0xFFFFFFFE, s6  }
0x277: {  	s6 =	simm.s32 $0x0;
	s0 =	sadd.s32 $0xFFFFFFFF, s31;
	s2 =	spop (v2sf)  }
0x278: {  	s3 =	simm.s32 $0xE538;
	p1 =	sne.s32 s0, $0x0;
	p2 =	sgt.u32 s2, $0x4E170  }
.Ltmp34:
0x279: {  	s4 =	simm.s32 $0xE638;
	s5 =	sand.u32 @!p2 $0x7FFF8, s2;
	(pc) =	sbr.rel @!p1 .LBB2_43-.Ltmp34, $4  }
0x27a: {  	s7 =	sadd.s32 @!p2 $0x80, s2;
	s2 =	sand.u32 @!p2 $0x7, s2;
	s6 =	simm.s32 @!p2 $0x400  }
0x27b: {  	s5 =	sadd.s32 @!p2 s1, s5;
	s7 =	sand.u32 @!p2 $0xFFFF8, s7;
	s6 =	sadd.s32 $0x0, s6  }
0x27c: {  	[hbm4b:s5+s2] =	stream.linear.scatter @!p2 [tilespmem:s3], [sflag:$0x5], $0x80, $0x38;
	[tilespmem:$0x1E678] =	vst v63  }
0x27d: {  	s5 =	simm.s32 $0xE41A;
	s3 =	simm.s32 @!p2 $0xE5B8;
	s7 =	sadd.s32 @!p2 s1, s7  }
.LBB2_42:
0x27e: {  	[hbm4b:s7+s2] =	stream.linear.scatter @!p2 [tilespmem:s3], [sflag:$0x5], $0x80, $0x38;
	[tilespmem:$0x1E678] =	vst v63  }
0x27f: {  	s0 =	sadd.s32 $0xFFFFFFFF, s0;
	s3 =	smov.u32 s4;
	v0 =	vld.msk [tilespmem:s5+$0x0], $0x1  }
0x280: {  	p1 =	sne.s32 s0, $0x0;
	_ =	sdelay $0x3  }
0x281: {  	(v2sf) =	vpush v0, $0x0;
	_ =	sdelay $0xe  }
0x282: {  	s4 =	sadd.s32 $0x100, s4;
	s8 =	simm.s32 $0x0;
	s2 =	spop (v2sf)  }
.Ltmp35:
0x283: {  	s5 =	sadd.s32 $0x1, s5;
	p2 =	sgt.u32 s2, $0x4E170;
	(pc) =	sbr.rel @p1 .LBB2_42-.Ltmp35, $4  }
0x284: {  	s8 =	simm.s32 @!p2 $0x400;
	s7 =	sand.u32 @!p2 $0x7FFF8, s2;
	s9 =	sadd.s32 @!p2 $0x80, s2  }
0x285: {  	s2 =	sand.u32 @!p2 $0x7, s2;
	s7 =	sadd.s32 @!p2 s1, s7;
	s9 =	sand.u32 @!p2 $0xFFFF8, s9  }
0x286: {  	[hbm4b:s7+s2] =	stream.linear.scatter @!p2 [tilespmem:s3], [sflag:$0x5], $0x80, $0x38;
	[tilespmem:$0x1E678] =	vst v63  }
0x287: {  	s6 =	sadd.s32 s6, s8;
	s3 =	sadd.s32 @!p2 $0x80, s3;
	s7 =	sadd.s32 @!p2 s1, s9  }
.LBB2_43:
0x288: {  	[hbm4b:s7+s2] =	stream.linear.scatter @!p2 [tilespmem:s3], [sflag:$0x5], $0x80, $0x38;
	[tilespmem:$0x1E678] =	vst v63  }
0x289: {  	s0 =	sshrl.u32 s6, $0x2  }
.LBB2_44:
0x28a: {  	s2 =	simm.s32 $0x5  }
0x28b: {  	_ =	swait.ge [sflag:s2], s0  }
0x28c: {  	s31 =	ssub.s32 $0x0, s0;
	[sflag:s2] =	ssyncset.done $0x0  }
0x28d: {  	[sflag:s2] =	ssyncadd.s32 s31  }
0x28e: {  	[sflag:s2] =	ssyncpa.u1 $0x1  }
.LBB2_45:
0x28f: {  	s0 =	sor.u32 s14, s15  }
0x290: {  	p1 =	sne.s32 s0, $0x0  }
.Ltmp36:
0x291: {  	_ = 	snop;
	(pc) =	sbr.rel @p1 .LBB2_60-.Ltmp36, $3  }
0x292: {  	_ =	sdelay $0x1  }
0x293: {  	[bflag:$0x0] =	sbarrier.arrive $0xFFFF  }
0x294: {  	_ =	sfence  }
0x295: {  	s0 =	simm.s32 $0x7  }
0x296: {  	s2 =	simm.s32 $0x2000;
	s3 =	simm.s32 $0xE418;
	[sflag:s0] =	ssyncpa.u1 $0x0  }
0x297: {  	[tilespmem:s3], [sflag:$0x7] =	stream.linear.gather [spmem:s2], $0x20, $0x38;
	[tilespmem:$0x1E678] =	vst v63  }
0x298: {  	s30 =	simm.s32 $0xE438;
	s2 =	simm.s32 $0x0  }
0x299: {  	[tilespmem:s30], [sflag:$0x7] =	stream.linear.gather [spmem:s2], $0x2000, $0x38;
	[tilespmem:$0x1E678] =	vst v63  }
.Ltmp37:
0x29a: {  	_ = 	snop;
	(pc) =	sbr.rel .LBB2_47-.Ltmp37, $4  }
0x29b: {  	_ =	swait.ge [sflag:s0], $0x2020  }
0x29c: {  	[sflag:s0] =	ssyncset.done $0x0  }
0x29d: {  	s31 =	simm.s32 $0x8;
	[sflag:s0] =	ssyncadd.s32 $0xFFFFDFE0  }
0x29e: {  	s3 =	simm.s32 $0x0;
	[sflag:s31] =	ssyncpa.u1 $0x0  }
.LBB2_53:
0x29f: {  	p1 =	slt.u32 s0, $0x4E171  }
0x2a0: {  	s4 =	sand.u32 @p1 $0x7FFF8, s0;
	s5 =	sand.u32 @p1 $0x7, s0;
	s0 =	sadd.s32 @p1 $0x80, s0  }
0x2a1: {  	s6 =	simm.s32 @p1 $0xE308;
	s4 =	sadd.s32 @p1 s1, s4;
	s0 =	sand.u32 @p1 $0xFFFF8, s0  }
0x2a2: {  	[tilespmem:s6], [sflag:$0x8] =	stream.linear.gather @p1 [hbm4b:s4+s5], $0x80, $0x38;
	[tilespmem:$0x1E678] =	vst v63  }
0x2a3: {  	s0 =	sadd.s32 @p1 s1, s0;
	s4 =	simm.s32 @p1 $0xE388  }
0x2a4: {  	[tilespmem:s4], [sflag:$0x8] =	stream.linear.gather @p1 [hbm4b:s0+s5], $0x80, $0x38;
	[tilespmem:$0x1E678] =	vst v63  }
0x2a5: {  	s0 =	simm.s32 @p1 $0x8  }
0x2a6: {  	_ =	swait.ge @p1 [sflag:s0], $0x100  }
0x2a7: {  	[sflag:s0] =	ssyncset.done @p1 $0x0  }
0x2a8: {  	[sflag:s0] =	ssyncadd.s32 @p1 $0xFFFFFF00  }
0x2a9: {  	v1 =	vld @p1 [tilespmem:$0xE308];
	_ =	sdelay $0x2  }
0x2aa: {  	s0 =	sshll.u32 @p1 s3, $0xA  }
0x2ab: {  	s4 =	sshrl.u32 @p1 s0, $0x2  }
0x2ac: {  	[tilespmem:s4+$0xE438] =	vst.add.f32.msk @p1 $0xffff, v1  }
0x2ad: {  	v1 =	vld @p1 [tilespmem:$0xE318];
	_ =	sdelay $0x4  }
0x2ae: {  	[tilespmem:s4+$0xE448] =	vst.add.f32.msk @p1 $0xffff, v1  }
0x2af: {  	v1 =	vld @p1 [tilespmem:$0xE328];
	_ =	sdelay $0x4  }
0x2b0: {  	[tilespmem:s4+$0xE458] =	vst.add.f32.msk @p1 $0xffff, v1  }
0x2b1: {  	v1 =	vld @p1 [tilespmem:$0xE338];
	_ =	sdelay $0x4  }
0x2b2: {  	[tilespmem:s4+$0xE468] =	vst.add.f32.msk @p1 $0xffff, v1  }
0x2b3: {  	v1 =	vld @p1 [tilespmem:$0xE348];
	_ =	sdelay $0x4  }
0x2b4: {  	[tilespmem:s4+$0xE478] =	vst.add.f32.msk @p1 $0xffff, v1  }
0x2b5: {  	v1 =	vld @p1 [tilespmem:$0xE358];
	_ =	sdelay $0x4  }
0x2b6: {  	[tilespmem:s4+$0xE488] =	vst.add.f32.msk @p1 $0xffff, v1  }
0x2b7: {  	v1 =	vld @p1 [tilespmem:$0xE368];
	_ =	sdelay $0x4  }
0x2b8: {  	[tilespmem:s4+$0xE498] =	vst.add.f32.msk @p1 $0xffff, v1  }
0x2b9: {  	v1 =	vld @p1 [tilespmem:$0xE378];
	_ =	sdelay $0x4  }
0x2ba: {  	[tilespmem:s4+$0xE4A8] =	vst.add.f32.msk @p1 $0xffff, v1  }
0x2bb: {  	v1 =	vld @p1 [tilespmem:$0xE388];
	_ =	sdelay $0x4  }
0x2bc: {  	[tilespmem:s4+$0xE4B8] =	vst.add.f32.msk @p1 $0xffff, v1  }
0x2bd: {  	v1 =	vld @p1 [tilespmem:$0xE398];
	_ =	sdelay $0x4  }
0x2be: {  	[tilespmem:s4+$0xE4C8] =	vst.add.f32.msk @p1 $0xffff, v1  }
0x2bf: {  	v1 =	vld @p1 [tilespmem:$0xE3A8];
	_ =	sdelay $0x4  }
0x2c0: {  	[tilespmem:s4+$0xE4D8] =	vst.add.f32.msk @p1 $0xffff, v1  }
0x2c1: {  	v1 =	vld @p1 [tilespmem:$0xE3B8];
	_ =	sdelay $0x4  }
0x2c2: {  	[tilespmem:s4+$0xE4E8] =	vst.add.f32.msk @p1 $0xffff, v1  }
0x2c3: {  	v1 =	vld @p1 [tilespmem:$0xE3C8];
	_ =	sdelay $0x4  }
0x2c4: {  	[tilespmem:s4+$0xE4F8] =	vst.add.f32.msk @p1 $0xffff, v1  }
0x2c5: {  	v1 =	vld @p1 [tilespmem:$0xE3D8];
	_ =	sdelay $0x4  }
0x2c6: {  	[tilespmem:s4+$0xE508] =	vst.add.f32.msk @p1 $0xffff, v1  }
0x2c7: {  	v1 =	vld @p1 [tilespmem:$0xE3E8];
	_ =	sdelay $0x4  }
0x2c8: {  	[tilespmem:s4+$0xE518] =	vst.add.f32.msk @p1 $0xffff, v1  }
0x2c9: {  	v1 =	vld @p1 [tilespmem:$0xE3F8];
	_ =	sdelay $0x3  }
0x2ca: {  	s5 =	sshll.u32 @!p1 s3, $0xA  }
0x2cb: {  	s5 =	smov.u32 @p1 s0;
	[tilespmem:s4+$0xE528] =	vst.add.f32.msk @p1 $0xffff, v1  }
0x2cc: {  	s0 =	sshrl.u32 s5, $0x2;
	[tilespmem:s2+$0xE418] =	vst.msk $0x1, v0  }
0x2cd: {  	v0 =	vld [tilespmem:s0+$0xE438];
	_ =	sdelay $0x2  }
0x2ce: {  	s31 =	sshll.u32 s2, $0xA  }
0x2cf: {  	s4 =	sshra.s32 s31, $0x2  }
0x2d0: {  	[tilespmem:s4+$0xE438] =	vst v0  }
0x2d1: {  	v0 =	vld [tilespmem:s0+$0xE448];
	_ =	sdelay $0x4  }
0x2d2: {  	[tilespmem:s4+$0xE448] =	vst v0  }
0x2d3: {  	v0 =	vld [tilespmem:s0+$0xE458];
	_ =	sdelay $0x4  }
0x2d4: {  	[tilespmem:s4+$0xE458] =	vst v0  }
0x2d5: {  	v0 =	vld [tilespmem:s0+$0xE468];
	_ =	sdelay $0x4  }
0x2d6: {  	[tilespmem:s4+$0xE468] =	vst v0  }
0x2d7: {  	v0 =	vld [tilespmem:s0+$0xE478];
	_ =	sdelay $0x4  }
0x2d8: {  	[tilespmem:s4+$0xE478] =	vst v0  }
0x2d9: {  	v0 =	vld [tilespmem:s0+$0xE488];
	_ =	sdelay $0x4  }
0x2da: {  	[tilespmem:s4+$0xE488] =	vst v0  }
0x2db: {  	v0 =	vld [tilespmem:s0+$0xE498];
	_ =	sdelay $0x4  }
0x2dc: {  	[tilespmem:s4+$0xE498] =	vst v0  }
0x2dd: {  	v0 =	vld [tilespmem:s0+$0xE4A8];
	_ =	sdelay $0x4  }
0x2de: {  	[tilespmem:s4+$0xE4A8] =	vst v0  }
0x2df: {  	v0 =	vld [tilespmem:s0+$0xE4B8];
	_ =	sdelay $0x4  }
0x2e0: {  	[tilespmem:s4+$0xE4B8] =	vst v0  }
0x2e1: {  	v0 =	vld [tilespmem:s0+$0xE4C8];
	_ =	sdelay $0x4  }
0x2e2: {  	[tilespmem:s4+$0xE4C8] =	vst v0  }
0x2e3: {  	v0 =	vld [tilespmem:s0+$0xE4D8];
	_ =	sdelay $0x4  }
0x2e4: {  	[tilespmem:s4+$0xE4D8] =	vst v0  }
0x2e5: {  	v0 =	vld [tilespmem:s0+$0xE4E8];
	_ =	sdelay $0x4  }
0x2e6: {  	[tilespmem:s4+$0xE4E8] =	vst v0  }
0x2e7: {  	v0 =	vld [tilespmem:s0+$0xE4F8];
	_ =	sdelay $0x4  }
0x2e8: {  	[tilespmem:s4+$0xE4F8] =	vst v0  }
0x2e9: {  	v0 =	vld [tilespmem:s0+$0xE508];
	_ =	sdelay $0x4  }
0x2ea: {  	[tilespmem:s4+$0xE508] =	vst v0  }
0x2eb: {  	v0 =	vld [tilespmem:s0+$0xE518];
	_ =	sdelay $0x4  }
0x2ec: {  	[tilespmem:s4+$0xE518] =	vst v0  }
0x2ed: {  	v0 =	vld [tilespmem:s0+$0xE528];
	_ =	sdelay $0x4  }
0x2ee: {  	s2 =	sadd.s32 $0x1, s2;
	[tilespmem:s4+$0xE528] =	vst v0  }
.LBB2_54:
0x2ef: {  	s3 =	sadd.s32 $0x1, s3  }
0x2f0: {  	p1 =	sne.s32 s3, $0x20  }
.Ltmp38:
0x2f1: {  	_ = 	snop;
	(pc) =	sbr.rel @!p1 .LBB2_55-.Ltmp38, $1  }
0x2f2: {  	_ =	sdelay $0x3  }
.LBB2_47:
0x2f3: {  	v0 =	vld.msk [tilespmem:s3+$0xE418], $0x1;
	_ =	sdelay $0x4  }
0x2f4: {  	(v2sf) =	vpush v0, $0x0;
	_ =	sdelay $0xe  }
0x2f5: {  	s0 =	spop (v2sf)  }
0x2f6: {  	p1 =	seq.s32 s0, $0xFFFFFFFF  }
.Ltmp39:
0x2f7: {  	_ = 	snop;
	(pc) =	sbr.rel @p1 .LBB2_54-.Ltmp39, $1  }
0x2f8: {  	_ =	sdelay $0x3  }
0x2f9: {  	p1 =	slt.s32 s2, $0x1  }
.Ltmp40:
0x2fa: {  	_ = 	snop;
	(pc) =	sbr.rel @p1 .LBB2_53-.Ltmp40, $1  }
0x2fb: {  	_ =	sdelay $0x3  }
0x2fc: {  	s4 =	simm.s32 $0xE418;
	p1 =	por $0x0, $0x0  }
0x2fd: {  	v1 =	vld.msk @!p1 [tilespmem:s4+$0x0], $0x1;
	_ =	sdelay $0x4  }
0x2fe: {  	(v2sf) =	vpush @!p1 v1, $0x0;
	_ =	sdelay $0xd  }
0x2ff: {  	p3 =	sne.s32 s2, $0x1  }
.Ltmp41:
0x300: {  	s5 =	spop @!p1 (v2sf);
	(pc) =	sbr.rel @!p3 .LBB2_51-.Ltmp41, $4  }
0x301: {  	p2 =	seq.s32 @!p1 s0, s5  }
0x302: {  	s5 =	simm.s32 $0x0;
	p2 =	por !p2, p1  }
0x303: {  	s7 =	simm.s32 $0xFFFFFFFF;
	s5 =	simm.s32 @p2 $0xFFFFFFFF  }
0x304: {  	s6 =	simm.s32 $0x1;
	s5 =	smov.u32 @p1 s7  }
.LBB2_50:
0x305: {  	s7 =	smov.u32 s5;
	p1 =	sne.s32 s5, $0xFFFFFFFF  }
0x306: {  	s4 =	sadd.s32 $0x1, s4;
	s5 =	smov.u32 s6;
	s6 =	sadd.s32 $0x1, s6  }
0x307: {  	p2 =	sne.s32 s2, s6;
	v1 =	vld.msk @!p1 [tilespmem:s4+$0x0], $0x1;
	_ =	sdelay $0x4  }
0x308: {  	(v2sf) =	vpush @!p1 v1, $0x0;
	_ =	sdelay $0xe  }
.Ltmp42:
0x309: {  	s8 =	spop @!p1 (v2sf);
	(pc) =	sbr.rel @p2 .LBB2_50-.Ltmp42, $4  }
0x30a: {  	p3 =	seq.s32 @!p1 s0, s8  }
0x30b: {  	p3 =	por !p3, p1  }
0x30c: {  	s5 =	simm.s32 @p3 $0xFFFFFFFF  }
0x30d: {  	s5 =	smov.u32 @p1 s7  }
.LBB2_51:
0x30e: {  	p1 =	seq.s32 s5, $0xFFFFFFFF  }
.Ltmp43:
0x30f: {  	_ = 	snop;
	(pc) =	sbr.rel @p1 .LBB2_53-.Ltmp43, $1  }
0x310: {  	_ =	sdelay $0x3  }
0x311: {  	s0 =	sshll.u32 s3, $0x8  }
0x312: {  	s0 =	sand.u32 $0x3FFFFF00, s0  }
0x313: {  	v0 =	vld [tilespmem:s0+$0xE438];
	_ =	sdelay $0x2  }
0x314: {  	s4 =	sshll.u32 s5, $0xA  }
0x315: {  	s4 =	sshra.s32 s4, $0x2  }
0x316: {  	[tilespmem:s4+$0xE438] =	vst.add.f32.msk $0xffff, v0  }
0x317: {  	v0 =	vld [tilespmem:s0+$0xE448];
	_ =	sdelay $0x4  }
0x318: {  	[tilespmem:s4+$0xE448] =	vst.add.f32.msk $0xffff, v0  }
0x319: {  	v0 =	vld [tilespmem:s0+$0xE458];
	_ =	sdelay $0x4  }
0x31a: {  	[tilespmem:s4+$0xE458] =	vst.add.f32.msk $0xffff, v0  }
0x31b: {  	v0 =	vld [tilespmem:s0+$0xE468];
	_ =	sdelay $0x4  }
0x31c: {  	[tilespmem:s4+$0xE468] =	vst.add.f32.msk $0xffff, v0  }
0x31d: {  	v0 =	vld [tilespmem:s0+$0xE478];
	_ =	sdelay $0x4  }
0x31e: {  	[tilespmem:s4+$0xE478] =	vst.add.f32.msk $0xffff, v0  }
0x31f: {  	v0 =	vld [tilespmem:s0+$0xE488];
	_ =	sdelay $0x4  }
0x320: {  	[tilespmem:s4+$0xE488] =	vst.add.f32.msk $0xffff, v0  }
0x321: {  	v0 =	vld [tilespmem:s0+$0xE498];
	_ =	sdelay $0x4  }
0x322: {  	[tilespmem:s4+$0xE498] =	vst.add.f32.msk $0xffff, v0  }
0x323: {  	v0 =	vld [tilespmem:s0+$0xE4A8];
	_ =	sdelay $0x4  }
0x324: {  	[tilespmem:s4+$0xE4A8] =	vst.add.f32.msk $0xffff, v0  }
0x325: {  	v0 =	vld [tilespmem:s0+$0xE4B8];
	_ =	sdelay $0x4  }
0x326: {  	[tilespmem:s4+$0xE4B8] =	vst.add.f32.msk $0xffff, v0  }
0x327: {  	v0 =	vld [tilespmem:s0+$0xE4C8];
	_ =	sdelay $0x4  }
0x328: {  	[tilespmem:s4+$0xE4C8] =	vst.add.f32.msk $0xffff, v0  }
0x329: {  	v0 =	vld [tilespmem:s0+$0xE4D8];
	_ =	sdelay $0x4  }
0x32a: {  	[tilespmem:s4+$0xE4D8] =	vst.add.f32.msk $0xffff, v0  }
0x32b: {  	v0 =	vld [tilespmem:s0+$0xE4E8];
	_ =	sdelay $0x4  }
0x32c: {  	[tilespmem:s4+$0xE4E8] =	vst.add.f32.msk $0xffff, v0  }
0x32d: {  	v0 =	vld [tilespmem:s0+$0xE4F8];
	_ =	sdelay $0x4  }
0x32e: {  	[tilespmem:s4+$0xE4F8] =	vst.add.f32.msk $0xffff, v0  }
0x32f: {  	v0 =	vld [tilespmem:s0+$0xE508];
	_ =	sdelay $0x4  }
0x330: {  	[tilespmem:s4+$0xE508] =	vst.add.f32.msk $0xffff, v0  }
0x331: {  	v0 =	vld [tilespmem:s0+$0xE518];
	_ =	sdelay $0x4  }
0x332: {  	[tilespmem:s4+$0xE518] =	vst.add.f32.msk $0xffff, v0  }
0x333: {  	v0 =	vld [tilespmem:s0+$0xE528]  }
.Ltmp44:
0x334: {  	_ = 	snop;
	(pc) =	sbr.rel .LBB2_54-.Ltmp44, $2  }
0x335: {  	_ =	sdelay $0x2  }
0x336: {  	[tilespmem:s4+$0xE528] =	vst.add.f32.msk $0xffff, v0  }
.LBB2_55:
0x337: {  	p1 =	slt.s32 s2, $0x1  }
.Ltmp45:
0x338: {  	_ = 	snop;
	(pc) =	sbr.rel @p1 .LBB2_59-.Ltmp45, $3  }
0x339: {  	_ =	sdelay $0x1  }
0x33a: {  	s0 =	simm.s32 $0x8  }
0x33b: {  	s4 =	simm.s32 $0x0;
	[sflag:s0] =	ssyncpa.u1 $0x1  }
0x33c: {  	s0 =	simm.s32 $0xE418  }
0x33d: {  	v0 =	vld.msk [tilespmem:s0+$0x0], $0x1;
	_ =	sdelay $0x4  }
0x33e: {  	(v2sf) =	vpush v0, $0x0;
	_ =	sdelay $0xe  }
0x33f: {  	s0 =	sadd.s32 $0xFFFFFFFF, s2;
	s3 =	spop (v2sf)  }
0x340: {  	s6 =	simm.s32 $0xE438;
	p1 =	sne.s32 s0, $0x0;
	p2 =	sgt.u32 s3, $0x4E170  }
.Ltmp46:
0x341: {  	s2 =	simm.s32 $0xE538;
	s5 =	sand.u32 @!p2 $0x7FFF8, s3;
	(pc) =	sbr.rel @!p1 .LBB2_58-.Ltmp46, $4  }
0x342: {  	s7 =	sadd.s32 @!p2 $0x80, s3;
	s4 =	simm.s32 @!p2 $0x400;
	s8 =	sadd.s32 @!p2 s1, s5  }
0x343: {  	s5 =	sand.u32 @!p2 $0x7, s3;
	s3 =	simm.s32 $0xE419;
	s7 =	sand.u32 @!p2 $0xFFFF8, s7  }
0x344: {  	[hbm4b:s8+s5] =	stream.linear.scatter @!p2 [tilespmem:s6], [sflag:$0x7], $0x80, $0x38;
	[tilespmem:$0x1E678] =	vst v63  }
0x345: {  	s4 =	sadd.s32 $0x0, s4;
	s6 =	simm.s32 @!p2 $0xE4B8;
	s7 =	sadd.s32 @!p2 s1, s7  }
.LBB2_57:
0x346: {  	[hbm4b:s7+s5] =	stream.linear.scatter @!p2 [tilespmem:s6], [sflag:$0x7], $0x80, $0x38;
	[tilespmem:$0x1E678] =	vst v63  }
0x347: {  	s0 =	sadd.s32 $0xFFFFFFFF, s0;
	s6 =	smov.u32 s2;
	v0 =	vld.msk [tilespmem:s3+$0x0], $0x1  }
0x348: {  	p1 =	sne.s32 s0, $0x0;
	_ =	sdelay $0x3  }
0x349: {  	(v2sf) =	vpush v0, $0x0;
	_ =	sdelay $0xe  }
0x34a: {  	s2 =	sadd.s32 $0x100, s2;
	s8 =	simm.s32 $0x0;
	s5 =	spop (v2sf)  }
.Ltmp47:
0x34b: {  	s3 =	sadd.s32 $0x1, s3;
	p2 =	sgt.u32 s5, $0x4E170;
	(pc) =	sbr.rel @p1 .LBB2_57-.Ltmp47, $4  }
0x34c: {  	s8 =	simm.s32 @!p2 $0x400;
	s7 =	sand.u32 @!p2 $0x7FFF8, s5;
	s9 =	sadd.s32 @!p2 $0x80, s5  }
0x34d: {  	s5 =	sand.u32 @!p2 $0x7, s5;
	s7 =	sadd.s32 @!p2 s1, s7;
	s9 =	sand.u32 @!p2 $0xFFFF8, s9  }
0x34e: {  	[hbm4b:s7+s5] =	stream.linear.scatter @!p2 [tilespmem:s6], [sflag:$0x7], $0x80, $0x38;
	[tilespmem:$0x1E678] =	vst v63  }
0x34f: {  	s4 =	sadd.s32 s4, s8;
	s6 =	sadd.s32 @!p2 $0x80, s6;
	s7 =	sadd.s32 @!p2 s1, s9  }
.LBB2_58:
0x350: {  	[hbm4b:s7+s5] =	stream.linear.scatter @!p2 [tilespmem:s6], [sflag:$0x7], $0x80, $0x38;
	[tilespmem:$0x1E678] =	vst v63  }
0x351: {  	s4 =	sshrl.u32 s4, $0x2  }
.LBB2_59:
0x352: {  	s0 =	simm.s32 $0x7  }
0x353: {  	_ =	swait.ge [sflag:s0], s4  }
0x354: {  	s1 =	ssub.s32 $0x0, s4;
	[sflag:s0] =	ssyncset.done $0x0  }
0x355: {  	[sflag:s0] =	ssyncadd.s32 s1  }
0x356: {  	[sflag:s0] =	ssyncpa.u1 $0x1  }
.LBB2_60:
0x357: {  	_ =	sfence;
	s0 =	simm.s32 $0x1  }
0x358: {  	[sflag:s0] =	ssyncpa.u1 $0x1  }
0x359: {  	_ =	strace $0x90000050  }
0x35a: {  	[bflag:$0x2] =	sbarrier.arrive $0xFFFF  }
0x35b: {  	s0 =	rddreg [dreg:$0x3]  }
0x35c: {  	s0 =	sadd.s32 @!p0 $0x100000, s0  }
0x35d: {  	[sflag:s0] =	ssyncadd.tile.s32 @!p0 $0x1;
	_ =	shalt  }
.Lfunc_end2:
_tile_overlayer_lowered:
.L_overlay_start_2:
0x35e: {  	(tag) =	ssettag $0x2  }
0x35f: {  	s0 =	rddreg [dreg:$0x0];
	s2 =	stileid.u32  }
0x360: {  	s1 =	rddreg [dreg:$0x1];
	p0 =	sne.s32 s2, $0x0  }
0x361: {  	s3 =	rddreg [dreg:$0x2];
	[bflag:$0x3] =	sbarrier.arrive $0xFFFF;
	s2 =	simm.s32 @!p0 $0x1C01  }
0x362: {  	[timem:s3], [sflag:s2] =	dma.local @!p0 [hbm:s0], s1  }
0x363: {  	s0 =	simm.s32 @!p0 $0x1  }
0x364: {  	_ =	swait.ge @!p0 [sflag:s0], s1  }
0x365: {  	s1 =	ssub.s32 @!p0 $0x0, s1;
	[sflag:s0] =	ssyncset.done @!p0 $0x0  }
0x366: {  	[sflag:s0] =	ssyncadd.s32 @!p0 s1  }
0x367: {  	[bflag:$0x3] =	sbarrier.arrive $0xFFFF  }
0x368: {  	_ =	shalt  }

// kernel: scatter_offload_async_start
scs
__scs_entry_jumppad:
0x0: {  	(pc) =	sbr.rel $0x88, $3  }
0x1: {  	(tag) =	ssettag $0x0;
	lr =	simm.s32 $0x1  }
0x2: {  	[smem:$0x3F92] =	sst lr;
	_ =	strace $0xD0000000  }
0x3: {  	_ = 	snop  }
0x4: {  	_ = 	snop  }
0x5: {  	_ = 	snop  }
0x6: {  	_ = 	snop  }
0x7: {  	_ = 	snop  }
__scs_overlays_trampoline_lowered:
0x8: {  	[smem:$0x3FA1] =	sst s0  }
0x9: {  	[smem:$0x3FA2] =	sst s1  }
0xa: {  	[smem:$0x3FA3] =	sst s2  }
0xb: {  	[smem:$0x3FA4] =	sst s3  }
0xc: {  	[smem:$0x3FA5] =	sst s4  }
0xd: {  	[smem:$0x3FA6] =	sst s5  }
0xe: {  	[smem:$0x3FA7] =	sst s6  }
0xf: {  	[smem:$0x3FA8] =	sst s7  }
0x10: {  	[smem:$0x3FA9] =	sst s8  }
0x11: {  	[smem:$0x3FAA] =	sst s9;
	s0 =	simm.s32 @!p0 $0x0  }
0x12: {  	s1 =	sld [smem:$0x3F90];
	s0 =	simm.s32 @p0 $0x1  }
0x13: {  	[smem:$0x3FAB] =	sst s0;
	s0 =	simm.s32 @!p1 $0x0  }
0x14: {  	s2 =	sld [smem:$0x3F8F];
	s0 =	simm.s32 @p1 $0x1  }
0x15: {  	[smem:$0x3FAC] =	sst s0;
	s0 =	simm.s32 @!p2 $0x0  }
0x16: {  	s3 =	sld [smem:$0x3FDB];
	s0 =	simm.s32 @p2 $0x1  }
0x17: {  	s4 =	simm.s32 $0x1BF5;
	[smem:$0x3FAE] =	sst s0  }
0x18: {  	s0 =	sld [smem:$0x3F91];
	_ =	swait.ge [sflag:s4], $0x0  }
0x19: {  	s7 =	sld [smem:$0x3F92]  }
0x1a: {  	s8 =	sadd.s32 $0xFFFFE003, lr  }
0x1b: {  	s9 =	sadd.s32 $0xFFFFFEF7, lr;
	s5 =	simm.s32 $0xFFFFFFFF;
	p2 =	slt.u32 s8, $0xFFFFF086  }
0x1c: {  	p1 =	slt.u32 s9, $0xF7A;
	s5 =	simm.s32 @!p2 $0x0  }
0x1d: {  	s5 =	simm.s32 @p1 $0x1;
	p0 =	seq.s32 s7, s2  }
0x1e: {  	s7 =	smul.u32 @!p0 $0xF7A, s2;
	p2 =	seq.s32 @!p0 s5, $0x0  }
0x1f: {  	s9 =	smul.u32 $0xF7A, s1;
	s8 =	simm.s32 @!p0 $0x1BF5;
	p2 =	por !p2, p0  }
0x20: {  	[sflag:s8] =	ssyncset.s32 @!p0 $0xFFFFF086;
	s6 =	sadd.s32 @!p0 s3, s7;
	s7 =	simm.s32 @!p0 $0x108  }
0x21: {  	s3 =	sadd.s32 s3, s9;
	s6 =	sadd.s32 @!p0 $0x88, s6;
	s7 =	simm.s32 @p2 $0x1082  }
0x22: {  	[simem:s7], [sflag:s8] =	dma.local @!p0 [hbm:s6], $0xF7A  }
0x23: {  	s9 =	sor.u32 $0xD0000000, s2;
	s6 =	simm.s32 $0x108;
	_ =	swait.ge @!p0 [sflag:s8], $0x0  }
0x24: {  	s3 =	sadd.s32 $0x88, s3;
	s6 =	simm.s32 @!p1 $0x1082;
	[sflag:s4] =	ssyncset.s32 $0xFFFFF086  }
0x25: {  	[simem:s6], [sflag:s4] =	dma.local [hbm:s3], $0xF7A  }
0x26: {  	[smem:$0x3F92] =	sst s1;
	(tag) =	ssettag s2;
	_ =	strace s9  }
0x27: {  	s1 =	sld [smem:$0x3FA2]  }
0x28: {  	s2 =	sld [smem:$0x3FA3]  }
0x29: {  	s4 =	sld [smem:$0x3FA5]  }
0x2a: {  	p0 =	seq.s32 s5, $0x0;
	s5 =	sld [smem:$0x3FA6]  }
0x2b: {  	s6 =	sld [smem:$0x3FA7]  }
0x2c: {  	s7 =	sld [smem:$0x3FA8]  }
0x2d: {  	s3 =	simm.s32 $0x108;
	s8 =	sld [smem:$0x3FA9]  }
0x2e: {  	s3 =	simm.s32 @!p0 $0x1082;
	s9 =	sld [smem:$0x3FAA]  }
0x2f: {  	lr =	sadd.s32 s0, s3;
	s0 =	sld [smem:$0x3FA1]  }
0x30: {  	s3 =	sld [smem:$0x3FA4]  }
0x31: {  	[smem:$0x3FAD] =	sst s10  }
0x32: {  	s10 =	sld [smem:$0x3FAB];
	_ =	sdelay $0x3  }
0x33: {  	p0 =	seq.s32 s10, $0x1;
	s10 =	sld [smem:$0x3FAD];
	_ =	sdelay $0x3  }
0x34: {  	[smem:$0x3FAD] =	sst s10  }
0x35: {  	s10 =	sld [smem:$0x3FAC];
	_ =	sdelay $0x3  }
0x36: {  	p1 =	seq.s32 s10, $0x1;
	s10 =	sld [smem:$0x3FAD];
	_ =	sdelay $0x3  }
0x37: {  	[smem:$0x3FAD] =	sst s10  }
0x38: {  	s10 =	sld [smem:$0x3FAE]  }
0x39: {  	_ = 	snop;
	(pc) =	sbr.ind lr, $3  }
0x3a: {  	_ = 	snop  }
0x3b: {  	_ = 	snop  }
0x3c: {  	p2 =	seq.s32 s10, $0x1;
	s10 =	sld [smem:$0x3FAD]  }
0x3d: {  	_ =	shalt  }
0x3e: {  	_ =	shalt  }
0x3f: {  	_ =	shalt  }
0x40: {  	_ =	shalt  }
0x41: {  	_ =	shalt  }
0x42: {  	_ =	shalt  }
0x43: {  	_ =	shalt  }
0x44: {  	_ =	shalt  }
0x45: {  	_ =	shalt  }
0x46: {  	_ =	shalt  }
0x47: {  	_ =	shalt  }
0x48: {  	_ =	shalt  }
0x49: {  	_ =	shalt  }
0x4a: {  	_ =	shalt  }
0x4b: {  	_ =	shalt  }
0x4c: {  	_ =	shalt  }
0x4d: {  	_ =	shalt  }
0x4e: {  	_ =	shalt  }
0x4f: {  	_ =	shalt  }
0x50: {  	_ =	shalt  }
0x51: {  	_ =	shalt  }
0x52: {  	_ =	shalt  }
0x53: {  	_ =	shalt  }
0x54: {  	_ =	shalt  }
0x55: {  	_ =	shalt  }
0x56: {  	_ =	shalt  }
0x57: {  	_ =	shalt  }
0x58: {  	_ =	shalt  }
0x59: {  	_ =	shalt  }
0x5a: {  	_ =	shalt  }
0x5b: {  	_ =	shalt  }
0x5c: {  	_ =	shalt  }
0x5d: {  	_ =	shalt  }
0x5e: {  	_ =	shalt  }
0x5f: {  	_ =	shalt  }
0x60: {  	_ =	shalt  }
0x61: {  	_ =	shalt  }
0x62: {  	_ =	shalt  }
0x63: {  	_ =	shalt  }
0x64: {  	_ =	shalt  }
0x65: {  	_ =	shalt  }
0x66: {  	_ =	shalt  }
0x67: {  	_ =	shalt  }
0x68: {  	_ =	shalt  }
0x69: {  	_ =	shalt  }
0x6a: {  	_ =	shalt  }
0x6b: {  	_ =	shalt  }
0x6c: {  	_ =	shalt  }
0x6d: {  	_ =	shalt  }
0x6e: {  	_ =	shalt  }
0x6f: {  	_ =	shalt  }
0x70: {  	_ =	shalt  }
0x71: {  	_ =	shalt  }
0x72: {  	_ =	shalt  }
0x73: {  	_ =	shalt  }
0x74: {  	_ =	shalt  }
0x75: {  	_ =	shalt  }
0x76: {  	_ =	shalt  }
0x77: {  	_ =	shalt  }
0x78: {  	_ =	shalt  }
0x79: {  	_ =	shalt  }
0x7a: {  	_ =	shalt  }
0x7b: {  	_ =	shalt  }
0x7c: {  	_ =	shalt  }
0x7d: {  	_ =	shalt  }
0x7e: {  	_ =	shalt  }
0x7f: {  	_ =	shalt  }
0x80: {  	_ =	shalt  }
0x81: {  	_ =	shalt  }
0x82: {  	_ =	shalt  }
0x83: {  	_ =	shalt  }
0x84: {  	_ =	shalt  }
0x85: {  	_ =	shalt  }
0x86: {  	_ =	shalt  }
0x87: {  	_ =	shalt  }
.Lfunc_end0:
.L_simem_size_0:
called_computation_lowered:
.L_overlay_start_0:
0x88: {  	s0 =	sld [smem:$0x3FD9]  }
0x89: {  	s1 =	sld [smem:$0x3FFE];
	_ =	sdelay $0x3  }
0x8a: {  	s0 =	sadd.s32 s1, s0  }
0x8b: {  	[smem:$0x3FB9] =	sst s0  }
0x8c: {  	_ = 	snop  }
0x8d: {  	(tm) =	ssettm $0x1  }
0x8e: {  	s15 =	sld [smem:$0x3FFB];
	_ =	sdelay $0x3  }
0x8f: {  	_ =	strace s15  }
0x90: {  	s0 =	sld [smem:$0x3FFC];
	_ =	sdelay $0x3  }
0x91: {  	_ =	strace s0  }
0x92: {  	s0 =	sld [smem:$0x3FFD];
	_ =	sdelay $0x3  }
0x93: {  	_ =	strace s0  }
0x94: {  	_ =	strace $0x8FFFFFFF  }
0x95: {  	s16 =	sld [smem:$0x3FDB];
	_ =	sdelay $0x1  }
0x96: {  	s17 =	simm.s32 $_scs_section_size  }
0x97: {  	s2 =	simm.s32 $_size__tile_overlayer_lowered;
	s3 =	simm.s32 $_tile_overlayer_lowered  }
0x98: {  	s20 =	simm.s32 $0x1BFF;
	s19 =	sshll.u32 s3, $0x1;
	s0 =	sadd.s32 s17, s16  }
0x99: {  	s4 =	simm.s32 $0x0;
	s18 =	sshll.u32 s2, $0x1;
	s2 =	sadd.s32 s19, s0  }
0x9a: {  	[timem:s4], [sflag:s20] =	dma.local [hbm:s2], s18  }
0x9b: {  	_ =	swait.ge [sflag:s20], s18  }
0x9c: {  	s1 =	ssub.s32 $0x0, s18;
	[sflag:s20] =	ssyncset.done $0x0  }
0x9d: {  	[sflag:s20] =	ssyncadd.s32 s1;
	_ =	sdelay $0x1  }
0x9e: {  	s21 =	simm.s32 $0x1B8B  }
0x9f: {  	_ =	swait.ge [sflag:s21], $0x1  }
0xa0: {  	[sflag:s21] =	ssyncset.done $0x0  }
0xa1: {  	s23 =	simm.s32 $0x1B8E;
	s22 =	sld [smem:$0x3FFE];
	[sflag:s21] =	ssyncadd.s32 $0xFFFFFFFF  }
0xa2: {  	s24 =	simm.s32 $execute0_lowered;
	[smem:$0x3FD2] =	sst s23  }
0xa3: {  	s2 =	sshll.u32 s24, $0x1;
	_ =	strace $0x80000049;
	[dreg:$0x1] =	wrdreg $0xFFFFFFFF  }
0xa4: {  	s25 =	simm.s32 $_size_execute0_lowered;
	s0 =	sadd.s32 s0, s2;
	[dreg:$0x0] =	wrdreg $0x0  }
0xa5: {  	s2 =	sshll.u32 s25, $0x1;
	[dreg:$0x2] =	wrdreg s0  }
0xa6: {  	[dreg:$0x3] =	wrdreg s2  }
0xa7: {  	[dreg:$0x4] =	wrdreg $0xC0  }
0xa8: {  	_ =	task [dreg:s4], $0x5FFFF  }
0xa9: {  	[dreg:$0x1] =	wrdreg $0xFFFFFFFF  }
0xaa: {  	[dreg:$0x0] =	wrdreg $0x60  }
0xab: {  	[dreg:$0x2] =	wrdreg s22  }
0xac: {  	[dreg:$0x3] =	wrdreg $0x9  }
0xad: {  	_ =	task.clear_ibuf [dreg:s4], $0x4FFFF;
	_ =	strace $0x90000049  }
0xae: {  	s26 =	simm.s32 $0x9;
	_ =	strace $0x8000004B  }
0xaf: {  	_ =	swait.ge [sflag:s26], $0x1  }
0xb0: {  	[sflag:s26] =	ssyncadd.s32 $0xFFFFFFFF  }
0xb1: {  	_ =	strace $0x9000004B  }
0xb2: {  	_ =	sfence  }
0xb3: {  	s28 =	sld [smem:$0x0];
	_ =	sdelay $0x1  }
0xb4: {  	s29 =	srdreg.scid  }
0xb5: {  	s30 =	sshll.u32 s29, $0xD;
	s31 =	sshrl.u32 s29, $0x2  }
0xb6: {  	s1 =	sand.u32 $0x1, s29;
	s2 =	sand.u32 $0x4000, s30;
	s0 =	sadd.s32 s31, s28  }
0xb7: {  	s1 =	sor.u32 s2, s1;
	s0 =	sshll.u32 s0, $0x11  }
0xb8: {  	s0 =	sor.u32 s0, s1  }
0xb9: {  	s0 =	sadd.s32 $0x8F2B, s0  }
0xba: {  	[sflag:s0] =	ssyncadd.remote.s32 $0x1  }
0xbb: {  	_ =	sfence.sel $0xFFFF  }
0xbc: {  	[dreg:$0x0] =	wrdreg $0xFFFFFFFF;
	(pc) =	sbr.abs _section_cstart, $3  }
0xbd: {  	[dreg:$0x1] =	wrdreg $0xFFFFFFFF  }
0xbe: {  	_ =	task.clear_ibuf [dreg:s4], $0x2FFFF;
	_ =	strace $0x9FFFFFFF  }
0xbf: {  	(tm) =	ssettm $0x7FFFFFFF  }
tec
execute0_lowered:
.L_overlay_start_1:
0x0: {  	(tag) =	ssettag $0x1  }
0x1: {  	s0 =	rddreg [dreg:$0x0];
	_ =	strace $0x8000004A;
	s15 =	stileid.u32  }
0x2: {  	s2 =	simm.s32 $0x1;
	s1 =	smin.u32 s15, $0x8;
	s3 =	sshll.u32 s15, $0x1  }
0x3: {  	v1 =	vimm.s32 $0xFFFFFFFF;
	[sflag:s2] =	ssyncpa.u1 $0x0;
	s1 =	sadd.s32 s1, s3  }
0x4: {  	p0 =	slt.u32 s15, $0x8;
	[tilespmem:$0x10] =	vst v1;
	s4 =	smul.u32 $0x1F40, s1;
	s1 =	simm.s32 $0x5DC0  }
0x5: {  	v0 =	vimm.f32 $0.0e+00;
	[tilespmem:$0x20] =	vst v1;
	s1 =	simm.s32 @!p0 $0x3E80  }
0x6: {  	[tilespmem:$0x30] =	vst v0;
	s1 =	sadd.s32 s1, s4  }
0x7: {  	[tilespmem:$0x40] =	vst v0;
	s5 =	smin.u32 s1, $0x4E200  }
0x8: {  	s7 =	simm.s32 $0x2;
	s8 =	simm.s32 $0x8;
	[tilespmem:$0x50] =	vst v0;
	s9 =	ssub.s32 s5, s4  }
0x9: {  	s31 =	simm.s32 $0x9;
	s16 =	simm.s32 $0x0;
	[tilespmem:$0x60] =	vst v1;
	p0 =	sgt.s32 s9, $0x0  }
0xa: {  	s17 =	simm.s32 $0xF0;
	s18 =	simm.s32 $0xFFFFFFFF;
	[tilespmem:$0x70] =	vst v1;
	s9 =	simm.s32 @!p0 $0x0  }
0xb: {  	s19 =	simm.s32 $0xFFFFC280;
	s20 =	simm.s32 $0xFFFFFFFE;
	[tilespmem:$0x80] =	vst v1;
	s30 =	smulhi.u32 $0x10624DD3, s9  }
0xc: {  	s21 =	simm.s32 $0xF;
	s25 =	simm.s32 $0x0;
	s24 =	simm.s32 $0x0;
	v1 =	vimm.s32 $0x0;
	[tilespmem:$0xB0] =	vst v0  }
0xd: {  	s6 =	sadd.s32 $0x13C00, s0;
	s15 =	sshllo.u32 s15, $0x1;
	[tilespmem:$0x90] =	vst v1;
	s10 =	sshrl.u32 s30, $0x9  }
0xe: {  	[tilespmem:$0xA0] =	vst v1;
	[sflag:s7] =	ssyncpa.u1 $0x0;
	s7 =	simm.s32 $0x7;
	s11 =	smul.u32 $0x1F40, s10  }
.Ltmp0:
0xf: {  	s13 =	sor.u32 $0x80, s3;
	[sflag:s7] =	ssyncpa.u1 $0x0;
	(pc) =	sbr.rel .LBB2_1-.Ltmp0, $4  }
0x10: {  	s14 =	sor.u32 $0x81, s3;
	[sflag:s8] =	ssyncpa.u1 $0x0;
	p0 =	sne.s32 s9, s11  }
0x11: {  	s23 =	smov.u32 s4;
	s1 =	sadd.s32 $0x1DA00, s0;
	s2 =	simm.s32 @!p0 $0x0  }
0x12: {  	vm0 =	vmmov $0xffff;
	v2 =	vlaneseq.u32;
	[sflag:s31] =	ssyncpa.u1 $0x0;
	s9 =	sadd.s32 $0x76600, s0;
	s10 =	sadd.s32 s2, s10  }
0x13: {  	vm1 =	vmxor vm1, vm1;
	vm2 =	vmmov $0x1;
	vm3 =	vcmask $0x3F3C;
	p0 =	por $0x0, $0x0;
	s11 =	sadd.s32 $0x1, s10;
	s12 =	sadd.s32 $0x2, s10  }
.LBB2_9:
0x14: {  	p1 =	slt.u32 s24, $0x3  }
0x15: {  	s0 =	simm.s32 @!p1 $0x2  }
0x16: {  	_ =	swait.ge @!p1 [sflag:s0], $0x1F40  }
0x17: {  	[sflag:s0] =	ssyncset.done @!p1 $0x0  }
0x18: {  	[sflag:s0] =	ssyncadd.s32 @!p1 $0xFFFFE0C0;
	s0 =	simm.s32 @!p1 $0x9  }
0x19: {  	_ =	swait.ge @!p1 [sflag:s0], $0x10  }
0x1a: {  	[sflag:s0] =	ssyncset.done @!p1 $0x0  }
0x1b: {  	[sflag:s0] =	ssyncadd.s32 @!p1 $0xFFFFFFF0;
	p1 =	sne.s32 s24, s12  }
.Ltmp1:
0x1c: {  	s2 =	sadd.s32 $0x1F40, s23;
	(pc) =	sbr.rel @!p1 .LBB2_10-.Ltmp1, $4  }
0x1d: {  	s22 =	smov.u32 s4;
	s31 =	sadd.s32 $0x1, s24;
	s17 =	sadd.s32 $0x1F40, s17  }
0x1e: {  	s18 =	sadd.s32 $0x1, s18;
	s25 =	smov.u32 s23;
	p2 =	slt.s32 s2, s5  }
0x1f: {  	p0 =	por !p0, !p0;
	s19 =	sadd.s32 $0x1F40, s19;
	s22 =	smov.u32 @p2 s2  }
0x20: {  	s20 =	sadd.s32 $0x1, s20;
	s23 =	smov.u32 s22;
	s24 =	smov.u32 s31  }
.LBB2_1:
0x21: {  	p1 =	sge.u32 s24, s10  }
0x22: {  	s0 =	smulhi.u32 @!p1 $0xAAAAAAAB, s24;
	_ =	sdelay $0x1  }
0x23: {  	s0 =	sshrl.u32 @!p1 s0, $0x1  }
0x24: {  	s0 =	smul.u32 @!p1 $0x3, s0;
	_ =	sdelay $0x1  }
0x25: {  	s0 =	ssub.s32 @!p1 s24, s0  }
0x26: {  	s0 =	smul.u32 @!p1 $0x7D00, s0;
	_ =	sdelay $0x1  }
0x27: {  	s2 =	sshrl.u32 @!p1 s23, $0x3;
	s0 =	sshrl.u32 @!p1 s0, $0x2  }
0x28: {  	s22 =	sand.u32 @!p1 $0x7, s23;
	s2 =	sadd.s32 @!p1 s6, s2;
	s0 =	sadd.s32 @!p1 $0x100, s0  }
0x29: {  	[tilespmem:s0], [sflag:$0x7] =	stream.linear.gather @!p1 [hbm4b:s2+s22], $0x1F40, $0x38;
	[tilespmem:$0x11A60] =	vst v63  }
0x2a: {  	s0 =	sadd.s32 $0xFFFFFFFF, s24  }
0x2b: {  	p1 =	sge.u32 s0, s10  }
.Ltmp2:
0x2c: {  	_ = 	snop;
	(pc) =	sbr.rel @p1 .LBB2_5-.Ltmp2, $1  }
0x2d: {  	_ =	sdelay $0x3  }
0x2e: {  	s2 =	smulhi.u32 $0xAAAAAAAB, s0;
	_ =	sdelay $0x1  }
0x2f: {  	s2 =	sshrl.u32 s2, $0x1  }
0x30: {  	s2 =	smul.u32 $0x3, s2;
	_ =	sdelay $0x1  }
0x31: {  	s2 =	ssub.s32 s0, s2  }
0x32: {  	s2 =	smul.u32 $0x7D00, s2  }
0x33: {  	_ =	swait.ge [sflag:s7], $0x1F40  }
0x34: {  	[sflag:s7] =	ssyncset.done $0x0;
	s2 =	sshrl.u32 s2, $0x2  }
0x35: {  	[sflag:s7] =	ssyncadd.s32 $0xFFFFE0C0;
	(ifvalue) =	ssetifvalue $0xFFFFFFFF;
	v3 =	vld.msk [tilespmem:s2+$0x100 ss:$0x1], $0xffff;
	_ =	sdelay $0x2  }
0x36: {  	s30 =	smulhi.u32 $0xAAAAAAAB, s18;
	p1 =	sne.s32 s24, $0x1  }
0x37: {  	v4 =	vimm.s32 @!p1 $0x0  }
0x38: {  	s2 =	sshrl.u32 s30, $0x1;
	v4 =	vperm.xlane @!p1 v3, v4  }
0x39: {  	s22 =	sshll.u32 s24, $0x4;
	s2 =	smul.u32 $0xFFFE8900, s2;
	vm4 =	vlt.u32 v3, $0x2800  }
0x3a: {  	s22 =	sand.u32 $0x10, s22;
	v3 =	vnsel vm4, $0xFFFFFFFE, v3;
	vm4 =	vlt.u32 @!p1 v4, $0x2800  }
0x3b: {  	s2 =	sshra.s32 s2, $0x2;
	[tilespmem:s22+$0x60] =	vst v3;
	v3 =	vnsel @!p1 vm4, $0xFFFFFFFE, v4  }
0x3c: {  	s28 =	sadd.s32 s2, s17;
	[tilespmem:$0x80] =	vst @!p1 v3  }
0x3d: {  	v3 =	vld.msk [tilespmem:s28+$0x0 ss:$0x1], $0xffff;
	_ =	sdelay $0x4  }
0x3e: {  	(xrf1) =	vunique.msk.u32 $0xffff, v3;
	_ =	sdelay $0xd  }
0x3f: {  	v4 =	vimm.s32 $0xFFFFFFFF;
	v5, _, _ =	vpop (xrf1)  }
0x40: {  	vm5 =	vne.s32 v3, v4;
	vm4 =	veq.s32 v5, v2  }
0x41: {  	vm6 =	vlt.u32 v3, $0x2800;
	vm4 =	vmand vm5, vm4  }
0x42: {  	vm4 =	vmand vm6, vm4  }
0x43: {  	v4 =	vnsel vm4, $0xFFFFFFFF, v3  }
0x44: {  	s31 =	sand.u32 $0x1, s0  }
0x45: {  	s0 =	simm.s32 $0x1F40;
	p1 =	seq.s32 s31, $0x1  }
0x46: {  	s0 =	simm.s32 @!p1 $0x0  }
0x47: {  	s26 =	sadd.s32 $0x7DF0, s0;
	(ifvalue) =	ssetifvalue $0xFFFFFFFF  }
0x48: {  	v3 =	vperm.xlane v3, v1;
	[tilespmem:s26], [sflag:$0x8] =	stream.indirect_vreg.gather [hbm4b:s1+s16], $0x1, v4, vm0, $0x4038;
	v4 =	vnsel vm6, $0xFFFFFFFE, v4;
	[tilespmem:$0x11A60] =	vst v63  }
0x49: {  	s2 =	simm.s32 $0x0;
	s22 =	sadd.s32 $0xFFFFFFF0, s28;
	[tilespmem:s28+$0x0] =	vst v4  }
.LBB2_3:
0x4a: {  	v4 =	vld.msk [tilespmem:s22+$0x0 ss:$0x1], $0xffff;
	s2 =	sadd.s32 $0x10, s2;
	v5 =	vmov v3;
	s28 =	smov.u32 s22  }
0x4b: {  	p1 =	slt.u32 s2, $0x1F30;
	_ =	sdelay $0x4  }
0x4c: {  	v3 =	vperm.xlane v4, v1;
	(xrf1) =	vunique.msk.u32 $0xffff, v4;
	_ =	sdelay $0xd  }
0x4d: {  	v6, _, _ =	vpop (xrf1)  }
0x4e: {  	vm5 =	vne.s32 v4, v5;
	vm4 =	veq.s32 v6, v2  }
0x4f: {  	vm6 =	vlt.u32 v4, $0x2800;
	vm4 =	vmand vm5, vm4  }
0x50: {  	vm4 =	vmand vm6, vm4  }
0x51: {  	v4 =	vnsel vm4, $0xFFFFFFFF, v4  }
.Ltmp3:
0x52: {  	v5 =	vnsel vm6, $0xFFFFFFFE, v4;
	(pc) =	sbr.rel @p1 .LBB2_3-.Ltmp3, $3  }
0x53: {  	_ =	sdelay $0x1  }
0x54: {  	s22 =	sadd.s32 $0xFFFFFFF0, s22;
	s26 =	sadd.s32 $0xFFFFFFF0, s26;
	(ifvalue) =	ssetifvalue $0xFFFFFFFF  }
0x55: {  	[tilespmem:s26], [sflag:$0x8] =	stream.indirect_vreg.gather [hbm4b:s1+s16], $0x1, v4, vm0, $0x4038;
	[tilespmem:s28+$0x0] =	vst v5  }
0x56: {  	s2 =	sshrl.u32 s25, $0x3  }
0x57: {  	s0 =	sadd.s32 $0x9D40, s0;
	s2 =	sadd.s32 s9, s2  }
0x58: {  	[tilespmem:s0], [sflag:$0x8] =	stream.linear.gather [hbm:s2], $0x1F40, $0x38;
	[tilespmem:$0x11A60] =	vst v63  }
.LBB2_5:
0x59: {  	p1 =	slt.u32 s24, $0x2  }
0x5a: {  	p2 =	sge.u32 @!p1 s24, s12  }
0x5b: {  	p1 =	por p1, p2  }
.Ltmp4:
0x5c: {  	_ = 	snop;
	(pc) =	sbr.rel @p1 .LBB2_9-.Ltmp4, $1  }
0x5d: {  	_ =	sdelay $0x3  }
0x5e: {  	s0 =	sadd.s32 $0xFFFFFFFE, s24  }
0x5f: {  	s2 =	smulhi.u32 $0xAAAAAAAB, s0;
	_ =	sdelay $0x1  }
0x60: {  	s2 =	sshrl.u32 s2, $0x1  }
0x61: {  	s2 =	smul.u32 $0x3, s2;
	_ =	sdelay $0x1  }
0x62: {  	s0 =	ssub.s32 s0, s2  }
0x63: {  	_ =	swait.ge [sflag:s8], $0x3E80;
	s0 =	smul.u32 $0x1F40, s0  }
0x64: {  	p1 =	sne.s32 s24, s11;
	[sflag:s8] =	ssyncset.done $0x0  }
0x65: {  	[sflag:s8] =	ssyncadd.s32 $0xFFFFC180;
	s2 =	sadd.s32 @!p1 $0x203F, s0  }
0x66: {  	[spmem:s14] =	stream.linear.scatter @!p1 [tilespmem:s2], [sflag:$0x1], $0x1, $0x38;
	[tilespmem:$0x11A60] =	vst v63  }
0x67: {  	s2 =	simm.s32 @!p1 $0x1  }
0x68: {  	_ =	swait.ge @!p1 [sflag:s2], $0x1  }
0x69: {  	s22 =	sshll.u32 s24, $0x4;
	[sflag:s2] =	ssyncset.done @!p1 $0x0  }
0x6a: {  	s25 =	sand.u32 $0x10, s22;
	[sflag:s2] =	ssyncadd.s32 @!p1 $0xFFFFFFFF  }
0x6b: {  	s2 =	sxor.u32 $0x10, s25;
	v4 =	vld [tilespmem:s25+$0x10]  }
0x6c: {  	v5 =	vld [tilespmem:s2+$0x60]  }
0x6d: {  	v3 =	vld [tilespmem:$0x80];
	_ =	sdelay $0x2  }
0x6e: {  	(v2sf) =	vpush v4, $0x0  }
0x6f: {  	(v2sf) =	vpush v5, $0x0  }
0x70: {  	(v2sf) =	vpush v3, $0x0;
	_ =	sdelay $0xc  }
0x71: {  	s22 =	spop (v2sf)  }
0x72: {  	s26 =	spop (v2sf)  }
0x73: {  	s28 =	spop (v2sf)  }
0x74: {  	p2 =	seq.s32 s22, s26;
	p3 =	seq.s32 s28, s22  }
0x75: {  	p3 =	por p2, p3  }
0x76: {  	s26 =	sand.u32 $0x1, s24;
	v4 =	vpsel p3, $0xFFFFFFFF, v4  }
0x77: {  	s29 =	smul.u32 $0x1F40, s26;
	[tilespmem:s25+$0x10] =	vst.msk $0x1, v4  }
0x78: {  	v4 =	vld [tilespmem:$0x30]  }
0x79: {  	v5 =	vld [tilespmem:s29+$0x9D40]  }
0x7a: {  	v6 =	vld [tilespmem:s25+$0x40];
	_ =	sdelay $0x3  }
0x7b: {  	vm4 =	vmmov vm1;
	v5 =	vadd.f32 v5, v4  }
0x7c: {  	vm5 =	vmmov vm2;
	vm4 =	vmmov @p2 vm2;
	s22 =	sshll.u32 s26, $0x4;
	v4 =	vadd.f32 v6, v4  }
0x7d: {  	s26 =	sor.u32 $0x11A40, s22;
	vm5 =	vmmov @p3 vm1;
	[tilespmem:s29+$0x9D40] =	vst.msk vm4, v5  }
0x7e: {  	[tilespmem:s26+$0x0] =	vst.msk vm5, v4  }
0x7f: {  	v4 =	vld [tilespmem:s29+$0x7DF0];
	_ =	sdelay $0x3  }
0x80: {  	v5 =	vimm.f32 $0.0e+00  }
0x81: {  	v4 =	vshift.insert v4, v5, s21  }
0x82: {  	s22 =	sor.u32 $0x40, s2  }
0x83: {  	[tilespmem:s22+$0x0] =	vst.msk $0x1, v4  }
0x84: {  	[tilespmem:s29+$0x7DFF] =	vst.msk $0x1, v5  }
0x85: {  	v4 =	vld [tilespmem:s0+$0x2030];
	_ =	sdelay $0x1  }
0x86: {  	s22 =	smulhi.u32 $0xAAAAAAAB, s20;
	s0 =	simm.s32 $0x1  }
0x87: {  	s0 =	simm.s32 @!p0 $0x0  }
0x88: {  	s22 =	sshrl.u32 s22, $0x1;
	s0 =	smul.u32 $0x7D00, s0  }
0x89: {  	s22 =	smul.u32 $0xFFFE8900, s22;
	v4 =	vshift.insert v4, v1, s21  }
0x8a: {  	s0 =	sshrl.u32 s0, $0x2  }
0x8b: {  	s22 =	sshra.s32 s22, $0x2;
	s30 =	sadd.s32 $0x9D40, s0;
	[tilespmem:s2+$0x10] =	vst.msk $0x1, v4  }
0x8c: {  	s22 =	sadd.s32 s22, s19;
	v6 =	vld [tilespmem:s30+$0x0]  }
0x8d: {  	v7 =	vld [tilespmem:s22+$0x0];
	_ =	sdelay $0x3  }
0x8e: {  	v5 =	vadd.f32 v6, v5  }
0x8f: {  	vm4 =	vne.s32 v7, $0xFFFFFFFF  }
0x90: {  	(xrf2) =	vadd.seg.scan.f32 vm4, v5;
	_ =	sdelay $0x3  }
0x91: {  	s31 =	sadd.s32 $0x5EC0, s0;
	v5 =	vperm.xlane v4, v1  }
0x92: {  	v6 =	vld [tilespmem:s31+$0x0]  }
0x93: {  	vm5 =	veq.s32 v7, v3;
	vm6 =	veq.s32 v7, v5  }
0x94: {  	vm7 =	vgt.u32 v7, $0xFFFFFFFD;
	vm6 =	vmor vm6, vm5  }
0x95: {  	vm6 =	vmor vm6, vm7  }
0x96: {  	v9 =	vld [tilespmem:$0xA0];
	v7 =	vsel vm6, $0xFFFFFFFF, v7  }
0x97: {  	v10 =	vld [tilespmem:$0x90];
	v6 =	vsel vm5, $0x0, v6;
	v8, _, _ =	vpop (xrf2)  }
0x98: {  	v6 =	vadd.f32 v8, v6  }
0x99: {  	s0 =	sadd.s32 $0xDBC0, s0  }
0x9a: {  	vm4 =	vmand vm4, vm3;
	[tilespmem:s0+$0x0] =	vst v6;
	(ifvalue) =	ssetifvalue $0xFFFFFFFF  }
0x9b: {  	vm6 =	veq.s32 v9, $0x1;
	[hbm4b:s1+s16] =	stream.indirect_vreg.scatter [tilespmem:s0], [sflag:$0x2], $0x1, v7, vm0, $0x4038;
	v7 =	vsel vm4, $0x0, v8;
	[tilespmem:$0x11A60] =	vst v63  }
0x9c: {  	s2 =	simm.s32 $0x0;
	s22 =	sadd.s32 $0x10, s22;
	vm4 =	vmor vm6, vm5;
	v6 =	vsel vm5, v8, v10;
	v7 =	vshift.insert v7, v0, s21  }
.LBB2_7:
0x9d: {  	v8 =	vld [tilespmem:s22+$0x0];
	s30 =	sadd.s32 $0x10, s30  }
0x9e: {  	s31 =	sadd.s32 $0x10, s31;
	v9 =	vld [tilespmem:s30+$0x0]  }
0x9f: {  	s2 =	sadd.s32 $0x10, s2;
	v10 =	vld [tilespmem:s31+$0x0]  }
0xa0: {  	p2 =	slt.u32 s2, $0x1F30;
	_ =	sdelay $0x2  }
0xa1: {  	v7 =	vadd.f32 v9, v7  }
0xa2: {  	vm5 =	vne.s32 v8, $0xFFFFFFFF  }
0xa3: {  	vm6 =	vmand vm5, vm3;
	(xrf2) =	vadd.seg.scan.f32 vm5, v7;
	_ =	sdelay $0x5  }
0xa4: {  	vm7 =	veq.s32 v8, v5;
	vm5 =	veq.s32 v8, v3  }
0xa5: {  	vm8 =	vgt.u32 v8, $0xFFFFFFFD;
	vm4 =	vmor vm4, vm5;
	vm7 =	vmor vm7, vm5  }
0xa6: {  	vm7 =	vmor vm7, vm8  }
0xa7: {  	v8 =	vsel vm7, $0xFFFFFFFF, v8  }
.Ltmp5:
0xa8: {  	v7 =	vsel vm5, $0x0, v10;
	v9, _, _ =	vpop (xrf2);
	(pc) =	sbr.rel @p2 .LBB2_7-.Ltmp5, $4  }
0xa9: {  	v6 =	vsel vm5, v9, v6;
	v10 =	vadd.f32 v9, v7;
	v7 =	vsel vm6, $0x0, v9  }
0xaa: {  	s0 =	sadd.s32 $0x10, s0;
	v7 =	vshift.insert v7, v0, s21  }
0xab: {  	s22 =	sadd.s32 $0x10, s22;
	[tilespmem:s0+$0x0] =	vst v10;
	(ifvalue) =	ssetifvalue $0xFFFFFFFF  }
0xac: {  	[hbm4b:s1+s16] =	stream.indirect_vreg.scatter [tilespmem:s0], [sflag:$0x2], $0x1, v8, vm0, $0x4038;
	[tilespmem:$0x11A60] =	vst v63  }
0xad: {  	v3 =	vld [tilespmem:s29+$0xFAF0];
	_ =	sdelay $0x4  }
0xae: {  	v3 =	vshift.insert v3, v0, s21  }
0xaf: {  	s0 =	simm.s32 $0x30  }
0xb0: {  	[tilespmem:s0+$0x0] =	vst.msk $0x1, v3  }
0xb1: {  	v3 =	vsel vm4, $0x1, v1;
	[tilespmem:$0x90] =	vst v6  }
0xb2: {  	s0 =	sadd.s32 @!p1 $0xFAFF, s29;
	[tilespmem:$0xA0] =	vst v3  }
0xb3: {  	[spmem:s15] =	stream.linear.scatter @!p1 [tilespmem:s0], [sflag:$0x1], $0x1, $0x38;
	[tilespmem:$0x11A60] =	vst v63  }
0xb4: {  	s0 =	simm.s32 @!p1 $0x1  }
0xb5: {  	v3 =	vmctz.xlane @!p1 vm4;
	_ =	swait.ge @!p1 [sflag:s0], $0x1  }
0xb6: {  	(v2sf) =	vpush @!p1 v4, $0x0  }
0xb7: {  	(v2sf) =	vpush @!p1 v3, $0x0;
	_ =	sdelay $0xd  }
0xb8: {  	s2 =	spop @!p1 (v2sf)  }
0xb9: {  	s22 =	spop @!p1 (v2sf)  }
0xba: {  	p2 =	sne.s32 @!p1 s28, s2;
	p3 =	slt.s32 @!p1 s22, $0xF  }
0xbb: {  	[sflag:s0] =	ssyncset.done @!p1 $0x0;
	p2 =	por p2, p1;
	p3 =	por !p3, p1  }
0xbc: {  	[sflag:s0] =	ssyncadd.s32 @!p1 $0xFFFFFFFF;
	v3 =	vimm.s32 @!p2 $0xFFFFFFFF;
	s22 =	simm.s32 @p3 $0xF  }
0xbd: {  	[tilespmem:$0x80] =	vst @!p2 v3;
	s2 =	sadd.s32 @!p1 $0x90, s22  }
0xbe: {  	[spmem:s3] =	stream.linear.scatter @!p1 [tilespmem:s2], [sflag:$0x1], $0x1, $0x38;
	[tilespmem:$0x11A60] =	vst v63  }
0xbf: {  	_ =	swait.ge @!p1 [sflag:s0], $0x1  }
0xc0: {  	[sflag:s0] =	ssyncset.done @!p1 $0x0  }
0xc1: {  	s2 =	simm.s32 @!p1 $0x80;
	[sflag:s0] =	ssyncadd.s32 @!p1 $0xFFFFFFFF  }
0xc2: {  	[spmem:s13] =	stream.linear.scatter @!p1 [tilespmem:s2], [sflag:$0x1], $0x1, $0x38;
	[tilespmem:$0x11A60] =	vst v63  }
0xc3: {  	_ =	swait.ge @!p1 [sflag:s0], $0x1  }
0xc4: {  	[sflag:s0] =	ssyncset.done @!p1 $0x0  }
0xc5: {  	[sflag:s0] =	ssyncadd.s32 @!p1 $0xFFFFFFFF;
	(ifvalue) =	ssetifvalue $0xFFFFFFFF;
	v3 =	vld [tilespmem:s25+$0x10];
	_ =	sdelay $0x3  }
.Ltmp6:
0xc6: {  	_ = 	snop;
	(pc) =	sbr.rel .LBB2_9-.Ltmp6, $3  }
0xc7: {  	_ =	sdelay $0x1  }
0xc8: {  	(ifvalue) =	ssetifvalue $0xFFFFFFFF  }
0xc9: {  	[hbm4b:s1+s16] =	stream.indirect_vreg.scatter [tilespmem:s26], [sflag:$0x9], $0x1, v3, vm0, $0x4038;
	[tilespmem:$0x11A60] =	vst v63  }
.LBB2_10:
0xca: {  	_ =	sfence.sel $0x180000  }
0xcb: {  	s0 =	simm.s32 $0x7;
	[bflag:$0x0] =	sbarrier.arrive $0xFFFF  }
0xcc: {  	s26 =	simm.s32 $0x8;
	[sflag:s0] =	ssyncpa.u1 $0x1  }
0xcd: {  	s28 =	simm.s32 $0x9;
	[sflag:s26] =	ssyncpa.u1 $0x1  }
0xce: {  	[sflag:s28] =	ssyncpa.u1 $0x1  }
0xcf: {  	_ =	sfence.stream.spmem  }
0xd0: {  	s29 =	simm.s32 $0x3;
	[bflag:$0x0] =	sbarrier.arrive $0xFFFF  }
0xd1: {  	s30 =	simm.s32 $0x4;
	[sflag:s29] =	ssyncpa.u1 $0x1  }
0xd2: {  	s31 =	simm.s32 $0x3C;
	s2 =	stileid.u32;
	[sflag:s30] =	ssyncpa.u1 $0x1  }
0xd3: {  	p0 =	sne.s32 s2, $0x0;
	[sflag:s31] =	ssyncpa.u1 $0x1  }
0xd4: {  	s0 =	simm.s32 @p0 $0x1;
	_ =	sfence @p0  }
0xd5: {  	[sflag:s0] =	ssyncpa.u1 @p0 $0x1;
	s0 =	simm.s32 @p0 $0x2  }
0xd6: {  	[sflag:s0] =	ssyncpa.u1 @p0 $0x1  }
0xd7: {  	_ =	strace @p0 $0x9000004A  }
0xd8: {  	[bflag:$0x2] =	sbarrier.arrive @p0 $0xFFFF  }
0xd9: {  	_ =	shalt @p0  }
.LBB2_11:
0xda: {  	_ =	sfence.stream.spmem;
	s0 =	simm.s32 $0x5  }
0xdb: {  	s2 =	simm.s32 $0x80;
	s3 =	simm.s32 $0xC0;
	[sflag:s0] =	ssyncpa.u1 $0x0  }
0xdc: {  	[tilespmem:s3], [sflag:$0x5] =	stream.linear.gather [spmem:s2], $0x20, $0x38;
	[tilespmem:$0x11A60] =	vst v63  }
0xdd: {  	s2 =	simm.s32 $0x0;
	s3 =	simm.s32 $0xE0  }
0xde: {  	[tilespmem:s3], [sflag:$0x5] =	stream.linear.gather [spmem:s2], $0x20, $0x38;
	[tilespmem:$0x11A60] =	vst v63  }
.Ltmp7:
0xdf: {  	_ = 	snop;
	(pc) =	sbr.rel .LBB2_12-.Ltmp7, $4  }
0xe0: {  	_ =	swait.ge [sflag:s0], $0x40  }
0xe1: {  	[sflag:s0] =	ssyncset.done $0x0  }
0xe2: {  	s31 =	simm.s32 $0x6;
	[sflag:s0] =	ssyncadd.s32 $0xFFFFFFC0  }
0xe3: {  	s4 =	simm.s32 $0x0;
	[sflag:s31] =	ssyncpa.u1 $0x0  }
.LBB2_17:
0xe4: {  	p0 =	sgt.u32 s5, $0x27FF  }
0xe5: {  	s0 =	sshrl.u32 @!p0 s5, $0x3  }
0xe6: {  	s5 =	sand.u32 @!p0 $0x7, s5;
	s6 =	simm.s32 @!p0 $0xB0;
	s0 =	sadd.s32 @!p0 s1, s0  }
0xe7: {  	[tilespmem:s6], [sflag:$0x6] =	stream.linear.gather @!p0 [hbm4b:s0+s5], $0x1, $0x38;
	[tilespmem:$0x11A60] =	vst v63  }
0xe8: {  	s0 =	simm.s32 @!p0 $0x6  }
0xe9: {  	_ =	swait.ge @!p0 [sflag:s0], $0x1  }
0xea: {  	[sflag:s0] =	ssyncset.done @!p0 $0x0  }
0xeb: {  	[sflag:s0] =	ssyncadd.s32 @!p0 $0xFFFFFFFF  }
0xec: {  	v2 =	vmov @!p0 s4;
	v1 =	vld.msk @!p0 [tilespmem:$0xB0], $0x1;
	_ =	sdelay $0x3  }
0xed: {  	s0 =	simm.s32 @!p0 $0xE0  }
0xee: {  	[tilespmem:v2+s0+$0x0], v1 =	vst.idx.ret.add.f32.msk @!p0 $0x1, v1  }
0xef: {  	[tilespmem:s2+$0xC0] =	vst.msk $0x1, v0  }
0xf0: {  	v0 =	vld.msk [tilespmem:s4+$0xE0], $0x1;
	_ =	sdelay $0x4  }
0xf1: {  	[tilespmem:s2+$0xE0] =	vst.msk $0x1, v0;
	s2 =	sadd.s32 $0x1, s2  }
.LBB2_19:
0xf2: {  	s4 =	sadd.s32 $0x1, s4  }
0xf3: {  	p0 =	sne.s32 s4, $0x20  }
.Ltmp8:
0xf4: {  	_ = 	snop;
	(pc) =	sbr.rel @!p0 .LBB2_20-.Ltmp8, $1  }
0xf5: {  	_ =	sdelay $0x3  }
.LBB2_12:
0xf6: {  	v0 =	vld.msk [tilespmem:s4+$0xC0], $0x1;
	_ =	sdelay $0x4  }
0xf7: {  	(v2sf) =	vpush v0, $0x0;
	_ =	sdelay $0xe  }
0xf8: {  	s5 =	spop (v2sf)  }
0xf9: {  	p0 =	seq.s32 s5, $0xFFFFFFFF  }
.Ltmp9:
0xfa: {  	_ = 	snop;
	(pc) =	sbr.rel @p0 .LBB2_19-.Ltmp9, $1  }
0xfb: {  	_ =	sdelay $0x3  }
0xfc: {  	p0 =	slt.s32 s2, $0x1  }
.Ltmp10:
0xfd: {  	_ = 	snop;
	(pc) =	sbr.rel @p0 .LBB2_17-.Ltmp10, $1  }
0xfe: {  	_ =	sdelay $0x3  }
0xff: {  	s0 =	simm.s32 $0xC0;
	p0 =	por $0x0, $0x0  }
0x100: {  	v1 =	vld.msk @!p0 [tilespmem:s0+$0x0], $0x1;
	_ =	sdelay $0x4  }
0x101: {  	(v2sf) =	vpush @!p0 v1, $0x0;
	_ =	sdelay $0xd  }
0x102: {  	p2 =	sne.s32 s2, $0x1  }
.Ltmp11:
0x103: {  	s6 =	spop @!p0 (v2sf);
	(pc) =	sbr.rel @!p2 .LBB2_16-.Ltmp11, $4  }
0x104: {  	p1 =	seq.s32 @!p0 s5, s6  }
0x105: {  	s6 =	simm.s32 $0x0;
	p1 =	por !p1, p0  }
0x106: {  	s8 =	simm.s32 $0xFFFFFFFF;
	s6 =	simm.s32 @p1 $0xFFFFFFFF  }
0x107: {  	s7 =	simm.s32 $0x1;
	s6 =	smov.u32 @p0 s8  }
.LBB2_15:
0x108: {  	s8 =	smov.u32 s6;
	p0 =	sne.s32 s6, $0xFFFFFFFF  }
0x109: {  	s0 =	sadd.s32 $0x1, s0;
	s6 =	smov.u32 s7;
	s7 =	sadd.s32 $0x1, s7  }
0x10a: {  	p1 =	sne.s32 s2, s7;
	v1 =	vld.msk @!p0 [tilespmem:s0+$0x0], $0x1;
	_ =	sdelay $0x4  }
0x10b: {  	(v2sf) =	vpush @!p0 v1, $0x0;
	_ =	sdelay $0xe  }
.Ltmp12:
0x10c: {  	s9 =	spop @!p0 (v2sf);
	(pc) =	sbr.rel @p1 .LBB2_15-.Ltmp12, $4  }
0x10d: {  	p2 =	seq.s32 @!p0 s5, s9  }
0x10e: {  	p2 =	por !p2, p0  }
0x10f: {  	s6 =	simm.s32 @p2 $0xFFFFFFFF  }
0x110: {  	s6 =	smov.u32 @p0 s8  }
.LBB2_16:
0x111: {  	p0 =	sne.s32 s6, $0xFFFFFFFF  }
.Ltmp13:
0x112: {  	_ = 	snop;
	(pc) =	sbr.rel @!p0 .LBB2_17-.Ltmp13, $1  }
0x113: {  	_ =	sdelay $0x3  }
0x114: {  	v0 =	vld.msk [tilespmem:s4+$0xE0], $0x1;
	v1 =	vmov s6  }
.Ltmp14:
0x115: {  	_ = 	snop;
	(pc) =	sbr.rel .LBB2_19-.Ltmp14, $2  }
0x116: {  	_ =	sdelay $0x2  }
0x117: {  	[tilespmem:v1+s3+$0x0], v0 =	vst.idx.ret.add.f32.msk $0x1, v0  }
.LBB2_20:
0x118: {  	p0 =	slt.s32 s2, $0x1  }
.Ltmp15:
0x119: {  	_ = 	snop;
	(pc) =	sbr.rel @p0 .LBB2_24-.Ltmp15, $3  }
0x11a: {  	_ =	sdelay $0x1  }
0x11b: {  	s0 =	simm.s32 $0x6  }
0x11c: {  	s3 =	simm.s32 $0x0;
	[sflag:s0] =	ssyncpa.u1 $0x1  }
0x11d: {  	s0 =	simm.s32 $0xC0  }
0x11e: {  	v0 =	vld.msk [tilespmem:s0+$0x0], $0x1;
	_ =	sdelay $0x4  }
0x11f: {  	(v2sf) =	vpush v0, $0x0;
	_ =	sdelay $0xe  }
0x120: {  	s2 =	sadd.s32 $0xFFFFFFFF, s2;
	s4 =	spop (v2sf)  }
0x121: {  	p1 =	sne.s32 s2, $0x0;
	p0 =	sgt.u32 s4, $0x27FF  }
.Ltmp16:
0x122: {  	s5 =	sshrl.u32 @!p0 s4, $0x3;
	(pc) =	sbr.rel @!p1 .LBB2_23-.Ltmp16, $4  }
0x123: {  	s0 =	simm.s32 $0xE0;
	s4 =	sand.u32 @!p0 $0x7, s4;
	s5 =	sadd.s32 @!p0 s1, s5  }
0x124: {  	[hbm4b:s5+s4] =	stream.linear.scatter @!p0 [tilespmem:s0], [sflag:$0x5], $0x1, $0x38;
	[tilespmem:$0x11A60] =	vst v63  }
0x125: {  	s5 =	simm.s32 $0x0  }
0x126: {  	s4 =	simm.s32 $0xC1;
	s5 =	simm.s32 @!p0 $0x4  }
.LBB2_22:
0x127: {  	v0 =	vld.msk [tilespmem:s4+$0x0], $0x1;
	s2 =	sadd.s32 $0xFFFFFFFF, s2;
	s3 =	sadd.s32 s3, s5  }
0x128: {  	p0 =	sne.s32 s2, $0x0;
	_ =	sdelay $0x3  }
0x129: {  	(v2sf) =	vpush v0, $0x0;
	_ =	sdelay $0xe  }
.Ltmp17:
0x12a: {  	s6 =	spop (v2sf);
	(pc) =	sbr.rel @p0 .LBB2_22-.Ltmp17, $4  }
0x12b: {  	s5 =	simm.s32 $0x0;
	p1 =	sgt.u32 s6, $0x27FF  }
0x12c: {  	s0 =	sadd.s32 $0x1, s0;
	s5 =	simm.s32 @!p1 $0x4;
	s7 =	sshrl.u32 @!p1 s6, $0x3  }
0x12d: {  	s4 =	sadd.s32 $0x1, s4;
	s6 =	sand.u32 @!p1 $0x7, s6;
	s7 =	sadd.s32 @!p1 s1, s7  }
0x12e: {  	[hbm4b:s7+s6] =	stream.linear.scatter @!p1 [tilespmem:s0], [sflag:$0x5], $0x1, $0x38;
	[tilespmem:$0x11A60] =	vst v63  }
.LBB2_23:
0x12f: {  	s0 =	sadd.s32 s3, s5  }
0x130: {  	s3 =	sshrl.u32 s0, $0x2  }
.LBB2_24:
0x131: {  	s0 =	simm.s32 $0x5  }
0x132: {  	_ =	swait.ge [sflag:s0], s3  }
0x133: {  	s1 =	ssub.s32 $0x0, s3;
	[sflag:s0] =	ssyncset.done $0x0  }
0x134: {  	[sflag:s0] =	ssyncadd.s32 s1  }
0x135: {  	[sflag:s0] =	ssyncpa.u1 $0x1  }
0x136: {  	s29 =	simm.s32 $0x1;
	_ =	sfence  }
0x137: {  	s30 =	simm.s32 $0x2;
	[sflag:s29] =	ssyncpa.u1 $0x1  }
0x138: {  	[sflag:s30] =	ssyncpa.u1 $0x1  }
0x139: {  	_ =	strace $0x9000004A  }
0x13a: {  	[bflag:$0x2] =	sbarrier.arrive $0xFFFF  }
0x13b: {  	s31 =	rddreg [dreg:$0x1]  }
0x13c: {  	s0 =	sadd.s32 $0x100000, s31  }
0x13d: {  	[sflag:s0] =	ssyncadd.tile.s32 $0x1;
	_ =	shalt  }
.Lfunc_end2:
_tile_overlayer_lowered:
.L_overlay_start_2:
0x13e: {  	(tag) =	ssettag $0x2  }
0x13f: {  	s0 =	rddreg [dreg:$0x0];
	s2 =	stileid.u32  }
0x140: {  	s1 =	rddreg [dreg:$0x1];
	p0 =	sne.s32 s2, $0x0  }
0x141: {  	s3 =	rddreg [dreg:$0x2];
	[bflag:$0x3] =	sbarrier.arrive $0xFFFF;
	s2 =	simm.s32 @!p0 $0x1C01  }
0x142: {  	[timem:s3], [sflag:s2] =	dma.local @!p0 [hbm:s0], s1  }
0x143: {  	s0 =	simm.s32 @!p0 $0x1  }
0x144: {  	_ =	swait.ge @!p0 [sflag:s0], s1  }
0x145: {  	s1 =	ssub.s32 @!p0 $0x0, s1;
	[sflag:s0] =	ssyncset.done @!p0 $0x0  }
0x146: {  	[sflag:s0] =	ssyncadd.s32 @!p0 s1  }
0x147: {  	[bflag:$0x3] =	sbarrier.arrive $0xFFFF  }
0x148: {  	_ =	shalt  }

</sc_bundles>
